<compile_context>
chip_gen: v7x
topology: tpu7x:2x2x1
jax: 0.10.2.dev20260603
libtpu: 0.0.44.dev20260713+nightly
codegen_flags: <defaults>
</compile_context>

<pallas_src>
import functools

import jax
import jax.numpy as jnp
import numpy as np
from jax import lax
from jax.experimental import pallas as pl
from jax.experimental.pallas import tpu as pltpu
from jax.experimental.pallas import tpu_sc as plsc

N = 10000
E = 160000
LAT = 128
MULT = 8
HEAD = 16
SPH = 9
IRREP_DIMS = (1, 3, 5)
IRR = np.array([0, 1, 1, 1, 2, 2, 2, 2, 2])

ENVW = 3 * MULT
LINW = 3 * MULT * MULT
WEX = LAT + ENVW + LINW
G1W = 512
G2W = 128
CW = 128

NC = 2
NS = 16
NW = NC * NS
ECH = 200
_SLABS = (51200, 51200, 57600)


_PERM = np.concatenate([
    np.arange(LAT),
    np.array([i * MULT + m for m in range(MULT) for i in range(3)]),
    np.array([ENVW + i * 64 + n * MULT + m
              for m in range(MULT) for n in range(MULT) for i in range(3)]),
]).astype(np.int32)

_MASK4 = np.zeros((LAT, MULT), np.float32)
for _j in range(LAT):
    _MASK4[_j, _j // HEAD] = 4.0

_E3 = np.zeros((ENVW, MULT * SPH), np.float32)
for _m in range(MULT):
    for _s in range(SPH):
        _E3[_m * 3 + IRR[_s], _m * SPH + _s] = 1.0

_E24 = np.zeros((ENVW, MULT * SPH), np.float32)
for _n in range(MULT):
    for _s in range(SPH):
        _E24[_n * 3 + IRR[_s], _n * SPH + _s] = 1.0 / np.sqrt(MULT)

_T9 = np.zeros((SPH, MULT * SPH), np.float32)
for _k in range(MULT):
    for _s in range(SPH):
        _T9[_s, _k * SPH + _s] = 1.0

_R8 = np.zeros((MULT, MULT * SPH), np.float32)
for _m in range(MULT):
    for _s in range(SPH):
        _R8[_m, _m * SPH + _s] = 1.0

_IRRSUM = np.zeros((MULT * SPH, 3), np.float32)
for _m in range(MULT):
    for _s in range(SPH):
        _IRRSUM[_m * SPH + _s, IRR[_s]] = 1.0 / (MULT * IRREP_DIMS[IRR[_s]])

_RMSEXP = np.zeros((3, MULT * SPH), np.float32)
for _m in range(MULT):
    for _s in range(SPH):
        _RMSEXP[IRR[_s], _m * SPH + _s] = 1.0


def _silu(x):
    return x * jax.nn.sigmoid(x)


def _pack2(a, b):
    ba = (pltpu.bitcast(a, jnp.uint32) + jnp.uint32(0x8000)) >> jnp.uint32(16)
    bb = (pltpu.bitcast(b, jnp.uint32) + jnp.uint32(0x8000)) >> jnp.uint32(16)
    return pltpu.bitcast((bb << jnp.uint32(16)) | (ba & jnp.uint32(0xFFFF)),
                         jnp.int32)


def _unpack_lo(x):
    return pltpu.bitcast(pltpu.bitcast(x, jnp.uint32) << jnp.uint32(16),
                         jnp.float32)


def _unpack_hi(x):
    return pltpu.bitcast(
        pltpu.bitcast(x, jnp.uint32) & jnp.uint32(0xFFFF0000), jnp.float32)



_BN = 400


def _p1_body(h_ref, xf_ref, w1_ref, b1_ref, w2_ref, b2_ref, wk_ref,
             out1_ref, out2_ref):
    h = h_ref[...]
    a1 = _silu(jnp.dot(h, w1_ref[...], preferred_element_type=jnp.float32)
               + b1_ref[...])
    env = jnp.dot(a1, w2_ref[...], preferred_element_type=jnp.float32) + b2_ref[...]
    kn = jnp.dot(h, wk_ref[...], preferred_element_type=jnp.float32)
    row = jnp.concatenate(
        [env, kn, jnp.zeros((_BN, G1W - WEX - LAT), jnp.float32)], axis=1)
    out1_ref[...] = _pack2(row[:, 0:G1W // 2], row[:, G1W // 2:G1W])
    xrow = jnp.concatenate(
        [xf_ref[...], jnp.zeros((_BN, G2W - MULT * SPH), jnp.float32)], axis=1)
    out2_ref[...] = _pack2(xrow, jnp.zeros((_BN, G2W), jnp.float32))


def _p1_call(h, xf, w1, b1, w2ex, b2ex, wk):
    full = lambda shape: pl.BlockSpec(shape, lambda i: (0, 0))
    return pl.pallas_call(
        _p1_body,
        grid=(N // _BN,),
        in_specs=[
            pl.BlockSpec((_BN, LAT), lambda i: (i, 0)),
            pl.BlockSpec((_BN, MULT * SPH), lambda i: (i, 0)),
            full((LAT, LAT)),
            full((1, LAT)),
            full((LAT, WEX)),
            full((1, WEX)),
            full((LAT, LAT)),
        ],
        out_specs=(
            pl.BlockSpec((_BN, G1W // 2), lambda i: (i, 0)),
            pl.BlockSpec((_BN, G2W), lambda i: (i, 0)),
        ),
        out_shape=(
            jax.ShapeDtypeStruct((N, G1W // 2), jnp.int32),
            jax.ShapeDtypeStruct((N, G2W), jnp.int32),
        ),
    )(h, xf, w1, b1, w2ex, b2ex, wk)



def _sc_mesh():
    return plsc.VectorSubcoreMesh(core_axis_name="c", subcore_axis_name="s",
                                  num_cores=NC, num_subcores=NS)


@functools.cache
def _build_p2(ne, off):
    epw = ne // NW
    nch = epw // ECH

    @functools.partial(
        pl.kernel,
        out_type=(
            jax.ShapeDtypeStruct((ne, G1W // 2), jnp.int32),
            jax.ShapeDtypeStruct((ne, G2W), jnp.int32),
        ),
        mesh=_sc_mesh(),
        scratch_types=[
            pltpu.VMEM((ECH,), jnp.int32),
            pltpu.VMEM((ECH, G1W // 2), jnp.int32),
            pltpu.VMEM((ECH, G2W), jnp.int32),
            pltpu.SemaphoreType.DMA,
            pltpu.SemaphoreType.DMA,
        ],
    )
    def p2(t1_hbm, t2_hbm, idx_hbm, out1_hbm, out2_hbm, idx_v, r1_v, r2_v,
           sem1, sem2):
        wid = lax.axis_index("s") * NC + lax.axis_index("c")

        def step(k, carry):
            base = wid * epw + k * ECH
            pltpu.sync_copy(idx_hbm.at[pl.ds(off + base, ECH)], idx_v)
            d1 = pltpu.async_copy(t1_hbm.at[idx_v], r1_v, sem1)
            d2 = pltpu.async_copy(t2_hbm.at[idx_v], r2_v, sem2)
            d1.wait()
            d2.wait()
            pltpu.sync_copy(r1_v, out1_hbm.at[pl.ds(base, ECH)])
            pltpu.sync_copy(r2_v, out2_hbm.at[pl.ds(base, ECH)])
            return carry

        lax.fori_loop(0, nch, step, 0)

    return p2


def _p2_gather(t1, t2, idx_full, ne, off):
    return _build_p2(ne, off)(t1, t2, idx_full)



_BE = 640


def _p3_body(t_ref, g1_ref, g2_ref, sph_ref, wcat_ref, mask4_ref, e3_ref,
             e24_ref, t9_ref, r8_ref, c1_ref, c2_ref):
    t = t_ref[...]
    g1p = g1_ref[...]
    g1 = jnp.concatenate([_unpack_lo(g1p), _unpack_hi(g1p)], axis=1)
    tq = jnp.dot(t, wcat_ref[...], preferred_element_type=jnp.float32)
    s = tq[:, 0:WEX]
    q = tq[:, WEX:WEX + LAT]
    envj = g1[:, 0:WEX]
    kn = g1[:, WEX:WEX + LAT]
    xg = _unpack_lo(g2_ref[...])[:, 0:MULT * SPH]
    env_w = s * envj
    wlog = jnp.dot(q * kn, mask4_ref[...], preferred_element_type=jnp.float32)
    ex = jnp.exp(wlog)
    sph_rep = jnp.dot(sph_ref[...], t9_ref[...], preferred_element_type=jnp.float32)
    dsp = jnp.dot(env_w[:, LAT:LAT + ENVW], e3_ref[...],
                  preferred_element_type=jnp.float32) * sph_rep
    e24 = e24_ref[...]
    t9 = t9_ref[...]
    eq = dsp
    for m in range(MULT):
        wm = env_w[:, LAT + ENVW + ENVW * m:LAT + ENVW + ENVW * (m + 1)]
        xm = xg[:, SPH * m:SPH * (m + 1)]
        eq = eq + (jnp.dot(wm, e24, preferred_element_type=jnp.float32)
                   * jnp.dot(xm, t9, preferred_element_type=jnp.float32))
    numer = eq * jnp.dot(ex, r8_ref[...], preferred_element_type=jnp.float32)
    c1_ref[...] = env_w[:, 0:LAT]
    c2_ref[:, 0:MULT * SPH] = numer
    c2_ref[:, MULT * SPH:MULT * SPH + MULT] = ex
    c2_ref[:, MULT * SPH + MULT:CW] = jnp.zeros(
        (_BE, CW - MULT * SPH - MULT), jnp.float32)


def _p3_call(t_ij, g1, g2, sph, wcat, consts, ne, off):
    obk = off // _BE
    full = lambda shape: pl.BlockSpec(shape, lambda i: (0, 0))
    return pl.pallas_call(
        _p3_body,
        grid=(ne // _BE,),
        in_specs=[
            pl.BlockSpec((_BE, LAT), lambda i: (i + obk, 0)),
            pl.BlockSpec((_BE, G1W // 2), lambda i: (i, 0)),
            pl.BlockSpec((_BE, G2W), lambda i: (i, 0)),
            pl.BlockSpec((_BE, SPH), lambda i: (i + obk, 0)),
            full((LAT, WEX + LAT)),
            full((LAT, MULT)),
            full((ENVW, MULT * SPH)),
            full((ENVW, MULT * SPH)),
            full((SPH, MULT * SPH)),
            full((MULT, MULT * SPH)),
        ],
        out_specs=(
            pl.BlockSpec((_BE, CW), lambda i: (i, 0)),
            pl.BlockSpec((_BE, CW), lambda i: (i, 0)),
        ),
        out_shape=(
            jax.ShapeDtypeStruct((ne, CW), jnp.float32),
            jax.ShapeDtypeStruct((ne, CW), jnp.float32),
        ),
    )(t_ij, g1, g2, sph, wcat, *consts)




@functools.cache
def _build_p4(ne, off):
    epw = ne // NW
    nch = epw // ECH

    @functools.partial(
        pl.kernel,
        out_type=jax.ShapeDtypeStruct((NC, N, CW), jnp.float32),
        mesh=_sc_mesh(),
        scratch_types=[
            pltpu.VMEM((ECH,), jnp.int32),
            pltpu.VMEM((ECH, CW), jnp.float32),
            pltpu.VMEM_SHARED((N, CW), jnp.float32),
            pltpu.SemaphoreType.DMA,
        ],
    )
    def p4(c_hbm, ctr_hbm, zeros_hbm, out_hbm, idx_v, c_v, acc, sem):
        cid = lax.axis_index("c")
        sid = lax.axis_index("s")
        wid = sid * NC + cid

        @pl.when(sid == 0)
        def _init():
            pltpu.sync_copy(zeros_hbm, acc)

        plsc.subcore_barrier()

        def step(k, carry):
            base = wid * epw + k * ECH
            pltpu.sync_copy(ctr_hbm.at[pl.ds(off + base, ECH)], idx_v)
            pltpu.sync_copy(c_hbm.at[pl.ds(base, ECH)], c_v)
            pltpu.sync_copy(c_v, acc.at[idx_v], add=True)
            return carry

        lax.fori_loop(0, nch, step, 0)
        plsc.subcore_barrier()

        @pl.when(sid == 0)
        def _flush():
            pltpu.sync_copy(acc, out_hbm.at[cid])

    return p4


def _p4_scatter(c, ctr_full, zeros, ne, off):
    return _build_p4(ne, off)(c, ctr_full, zeros)




def _p5_body(h_ref, xf_ref, *refs):
    npart = len(_SLABS) * NC
    pa_refs = refs[0:npart]
    pb_refs = refs[npart:2 * npart]
    g_ref, b_ref, r8_ref, irs_ref, rme_ref, ho_ref, xo_ref = refs[2 * npart:]
    hn = h_ref[...]
    for r in pa_refs:
        hn = hn + r[...]
    mu = jnp.mean(hn, axis=1, keepdims=True)
    xc = hn - mu
    var = jnp.mean(xc * xc, axis=1, keepdims=True)
    ho_ref[...] = xc * lax.rsqrt(var + 1e-5) * g_ref[...] + b_ref[...]
    accb = pb_refs[0][...]
    for r in pb_refs[1:]:
        accb = accb + r[...]
    numer = accb[:, 0:MULT * SPH]
    den = accb[:, MULT * SPH:MULT * SPH + MULT]
    den_rep = jnp.dot(den, r8_ref[...], preferred_element_type=jnp.float32)
    xn = xf_ref[...] + numer / (den_rep + 1e-16)
    ms = jnp.dot(xn * xn, irs_ref[...], preferred_element_type=jnp.float32)
    inv = lax.rsqrt(ms + 1e-8)
    xo = xn * jnp.dot(inv, rme_ref[...], preferred_element_type=jnp.float32)
    xo_ref[...] = xo.reshape(_BN, MULT, SPH)


def _p5_call(h, xf, pa, pb, gamma, beta, consts):
    full = lambda shape: pl.BlockSpec(shape, lambda i: (0, 0))
    npart = len(pa) + len(pb)
    return pl.pallas_call(
        _p5_body,
        grid=(N // _BN,),
        in_specs=[
            pl.BlockSpec((_BN, LAT), lambda i: (i, 0)),
            pl.BlockSpec((_BN, MULT * SPH), lambda i: (i, 0)),
        ] + [
            pl.BlockSpec((_BN, CW), lambda i: (i, 0)) for _ in range(npart)
        ] + [
            full((1, LAT)),
            full((1, LAT)),
            full((MULT, MULT * SPH)),
            full((MULT * SPH, 3)),
            full((3, MULT * SPH)),
        ],
        out_specs=(
            pl.BlockSpec((_BN, LAT), lambda i: (i, 0)),
            pl.BlockSpec((_BN, MULT, SPH), lambda i: (i, 0, 0)),
        ),
        out_shape=(
            jax.ShapeDtypeStruct((N, LAT), jnp.float32),
            jax.ShapeDtypeStruct((N, MULT, SPH), jnp.float32),
        ),
    )(h, xf, *pa, *pb, gamma, beta, *consts)




def kernel(h, X, t_ij, edge_center, edge_neighbor, phi_ij, spharms, num_nodes,
           W_rs, mlp_W1, mlp_b1, mlp_W2, mlp_b2, ln_gamma, ln_beta,
           W_query, W_key):
    del phi_ij, num_nodes
    xf = X.reshape(N, MULT * SPH)
    perm = jnp.asarray(_PERM)
    w_rs_ex = W_rs[:, perm]
    w2ex = mlp_W2[:, perm]
    b2ex = mlp_b2[perm].reshape(1, WEX)
    wcat = jnp.concatenate([w_rs_ex, W_query], axis=1)

    tb1, tb2 = _p1_call(h, xf, mlp_W1, mlp_b1.reshape(1, LAT), w2ex, b2ex,
                        W_key)
    nbr = jnp.asarray(edge_neighbor, jnp.int32)
    ctr = jnp.asarray(edge_center, jnp.int32)
    consts3 = [jnp.asarray(c) for c in (_MASK4, _E3, _E24, _T9, _R8)]
    zeros = jnp.zeros((N, CW), jnp.float32)
    parts_a, parts_b = [], []
    off = 0
    for ne in _SLABS:
        g1, g2 = _p2_gather(tb1, tb2, nbr, ne, off)
        c1, c2 = _p3_call(t_ij, g1, g2, spharms, wcat, consts3, ne, off)
        parts_a.append(_p4_scatter(c1, ctr, zeros, ne, off))
        parts_b.append(_p4_scatter(c2, ctr, zeros, ne, off))
        off += ne
    pa = [p[i] for p in parts_a for i in range(NC)]
    pb = [p[i] for p in parts_b for i in range(NC)]
    consts5 = [jnp.asarray(c_) for c_ in (_R8, _IRRSUM, _RMSEXP)]
    h_out, x_out = _p5_call(h, xf, pa, pb,
                            ln_gamma.reshape(1, LAT), ln_beta.reshape(1, LAT),
                            consts5)
    return (h_out, x_out, t_ij)

# --- scband reference (transcript-rebuilt; emitter-appended) ---
"""Pipeline reference for scband-goten-interaction-layer-14791867367988 (READ-ONLY COPY).

The authoritative reference and input builder live on the scoring server;
editing this copy changes nothing except your own understanding.
"""

import jax, jax.numpy as jnp
import numpy as np

N = 10000
E = 160000
LATENT = 128
MULT = 8
HEAD = 16
IRREP_DIMS = (1, 3, 5)
SPH = 9
NI = 3
ENV_W = NI * MULT          # env_weighter.weight_numel = 24
LIN_W = NI * MULT * MULT   # linear.weight_numel = 192
GEN_W = LATENT + ENV_W + LIN_W  # 344
ISQRTD = 4  # math.isqrt(16)


def _silu(x):
    return x * jax.nn.sigmoid(x)


def _layernorm(x, g, b):
    mu = jnp.mean(x, axis=-1, keepdims=True)
    var = jnp.mean((x - mu) ** 2, axis=-1, keepdims=True)
    return (x - mu) / jnp.sqrt(var + 1e-5) * g + b


def _env_weighter(spharms, w):
    # spharms: [E, SPH], w: [E, ENV_W] -> [E, MULT, SPH]
    w3 = w.reshape(-1, NI, MULT)
    wexp = jnp.repeat(w3, np.array(IRREP_DIMS), axis=1, total_repeat_length=SPH)  # [E, SPH, MULT]
    return (spharms[:, :, None] * wexp).transpose(0, 2, 1)


def _eq_linear(x, w):
    # per-edge e3nn-style Linear within each irrep: x [E, MULT, SPH], w [E, LIN_W]
    w4 = w.reshape(-1, NI, MULT, MULT)
    outs = []
    s = 0
    for i, d in enumerate(IRREP_DIMS):
        xi = x[:, :, s:s + d]
        outs.append(jnp.einsum('enm,emd->end', w4[:, i], xi) / np.sqrt(MULT))
        s += d
    return jnp.concatenate(outs, axis=-1)


def _scatter_softmax(W, seg, num):
    mx = jax.ops.segment_max(W, seg, num_segments=num)
    mx = jnp.where(jnp.isfinite(mx), mx, 0.0)
    ex = jnp.exp(W - mx[seg])
    den = jax.ops.segment_sum(ex, seg, num_segments=num)
    return ex / (den[seg] + 1e-16)


def _so3_layernorm(X):
    outs = []
    s = 0
    for d in IRREP_DIMS:
        xi = X[:, :, s:s + d]
        rms = jnp.sqrt(jnp.mean(xi ** 2, axis=(1, 2), keepdims=True) + 1e-8)
        outs.append(xi / rms)
        s += d
    return jnp.concatenate(outs, axis=-1)


def setup_inputs(seed: int = 0):
    key = jax.random.key(seed)
    ks = jax.random.split(key, 20)
    h = jax.random.normal(ks[0], (N, LATENT), jnp.float32)
    X = jax.random.normal(ks[1], (N, MULT, SPH), jnp.float32)
    t_ij = jax.random.normal(ks[2], (E, LATENT), jnp.float32)
    edge_center = jax.random.randint(ks[3], (E,), 0, N)
    edge_neighbor = jax.random.randint(ks[4], (E,), 0, N)
    phi_ij = jax.random.normal(ks[5], (E, 16), jnp.float32)
    spharms = jax.random.normal(ks[6], (E, SPH), jnp.float32)
    W_rs = jax.random.normal(ks[7], (LATENT, GEN_W), jnp.float32) * 0.05
    mlp_W1 = jax.random.normal(ks[8], (LATENT, LATENT), jnp.float32) * 0.05
    mlp_b1 = jnp.zeros((LATENT,), jnp.float32)
    mlp_W2 = jax.random.normal(ks[9], (LATENT, GEN_W), jnp.float32) * 0.05
    mlp_b2 = jnp.zeros((GEN_W,), jnp.float32)
    ln_gamma = jnp.ones((LATENT,), jnp.float32)
    ln_beta = jnp.zeros((LATENT,), jnp.float32)
    W_query = jax.random.normal(ks[10], (LATENT, MULT * HEAD), jnp.float32) * 0.05
    W_key = jax.random.normal(ks[11], (LATENT, MULT * HEAD), jnp.float32) * 0.05
    return {
        'h': h, 'X': X, 't_ij': t_ij, 'edge_center': edge_center,
        'edge_neighbor': edge_neighbor, 'phi_ij': phi_ij, 'spharms': spharms,
        'num_nodes': N, 'W_rs': W_rs, 'mlp_W1': mlp_W1, 'mlp_b1': mlp_b1,
        'mlp_W2': mlp_W2, 'mlp_b2': mlp_b2, 'ln_gamma': ln_gamma,
        'ln_beta': ln_beta, 'W_query': W_query, 'W_key': W_key,
    }


def reference(h, X, t_ij, edge_center, edge_neighbor, phi_ij, spharms, num_nodes,
              W_rs, mlp_W1, mlp_b1, mlp_W2, mlp_b2, ln_gamma, ln_beta, W_query, W_key):
    num_nodes_static = h.shape[0]
    edge_center = edge_center + 0 * jnp.asarray(num_nodes, edge_center.dtype)
    h_j = h[edge_neighbor]
    env_ij_scalar = jnp.einsum('ed,dw->ew', t_ij, W_rs)
    env_j_scalar = _silu(h_j @ mlp_W1 + mlp_b1) @ mlp_W2 + mlp_b2
    env_ij_w = env_ij_scalar * env_j_scalar
    # faithful to original: w_index never advanced after latent narrow (overlapping slices)
    delta_h_j = env_ij_w[:, 0:LATENT]
    delta_h = jax.ops.segment_sum(delta_h_j, edge_center, num_segments=num_nodes_static)
    h = _layernorm(h + delta_h, ln_gamma, ln_beta)
    delta_spharm_ij_w = env_ij_w[:, 0:ENV_W]
    delta_spharm_ij = _env_weighter(spharms, delta_spharm_ij_w)
    delta_X_ij_w = env_ij_w[:, ENV_W:ENV_W + LIN_W]
    X_ij = X[edge_neighbor]
    delta_eq_ij = _eq_linear(X_ij, delta_X_ij_w)
    x_att = delta_spharm_ij + delta_eq_ij
    # apply_attention
    Q = (t_ij @ W_query).reshape(-1, MULT, HEAD)
    K = (h_j @ W_key).reshape(-1, MULT, HEAD)
    Wlog = jnp.einsum('emh,emh->em', Q, K) * ISQRTD
    alpha = _scatter_softmax(Wlog, edge_center, num_nodes_static)
    delta_X_ij = x_att * alpha[:, :, None]
    delta_X = jax.ops.segment_sum(delta_X_ij, edge_center, num_segments=num_nodes_static)
    X = _so3_layernorm(X + delta_X)
    return (h, X, t_ij)

if __name__ == "__main__":
    import jax
    _d = setup_inputs()
    print(jax.jit(kernel)(*tuple(_d.values())))

</pallas_src>

<mosaic_0001>
#map = affine_map<(d0, d1) -> (0, 0)>
#map1 = affine_map<(d0, d1) -> (0)>
#map2 = affine_map<(d0, d1) -> (0, 0, 0)>
module attributes {stable_mosaic.version = 14 : i64} {
  func.func @p4(%arg0: i32, %arg1: i32, %arg2: memref<57600x128xf32, #tpu.memory_space<hbm>>, %arg3: memref<160000xi32, #tpu.memory_space<hbm>>, %arg4: memref<10000x128xf32, #tpu.memory_space<hbm>>, %arg5: memref<2x10000x128xf32, #tpu.memory_space<hbm>>, %arg6: memref<200xi32, #tpu.memory_space<vmem>>, %arg7: memref<200x128xf32, #tpu.memory_space<vmem>>, %arg8: memref<10000x128xf32, #tpu.memory_space<vmem_shared>>, %arg9: memref<!tpu.dma_semaphore, #tpu.memory_space<semaphore_mem>>) attributes {dimension_semantics = [#tpu.dimension_semantics<core_parallel>, #tpu.dimension_semantics<subcore_parallel>], iteration_bounds = array<i64: 2, 16>, scalar_prefetch = 0 : i64, scratch_operands = 4 : i64, tpu.core_type = #tpu.core_type<sc_vector_subcore>, window_params = [{transform_indices = #map}, {transform_indices = #map1}, {transform_indices = #map}, {transform_indices = #map2}]} {
    %mul3A = arith.constant 2 : i32
    %mul3A_0 = arith.muli %arg1, %mul3A : i32
    %add3A = arith.addi %mul3A_0, %arg0 : i32
    %eq3A = arith.constant 0 : i32
    %eq3A_1 = arith.cmpi eq, %arg1, %eq3A : i32
    %convert_element_type3A = arith.extui %eq3A_1 : i1 to i32
    %cond3A = arith.constant 0 : i32
    %cond3A_2 = arith.cmpi ne, %convert_element_type3A, %cond3A : i32
    scf.if %cond3A_2 {
      "tpu.region"() ({
        %run_scoped3A = tpu.sem_alloc : memref<!tpu.dma_semaphore, #tpu.memory_space<semaphore_mem>>
        tpu.enqueue_dma source(%arg4 : memref<10000x128xf32, #tpu.memory_space<hbm>>) target(%arg8 : memref<10000x128xf32, #tpu.memory_space<vmem_shared>>) target_semaphore(%run_scoped3A : memref<!tpu.dma_semaphore, #tpu.memory_space<semaphore_mem>>)
        tpu.wait_dma2 semaphore(%run_scoped3A : memref<!tpu.dma_semaphore, #tpu.memory_space<semaphore_mem>>) src(%arg4 : memref<10000x128xf32, #tpu.memory_space<hbm>>) dst(%arg8 : memref<10000x128xf32, #tpu.memory_space<vmem_shared>>)
        tpu.yield
      }) : () -> ()
    } else {
    }
    %barrier3A = arith.constant 0 : index
    tpu.barrier barrier_id(%barrier3A)
    %scan3A = arith.constant 0 : i32
    %scan3A_3 = arith.constant 0 : i32
    %scan3A_4 = arith.constant 9 : i32
    %scan3A_5 = arith.addi %scan3A_3, %scan3A_4 : i32
    %scan3A_6 = arith.constant 1 : i32
    scf.for %scan3A_14 = %scan3A_3 to %scan3A_5 step %scan3A_6  : i32 {
      %mul3A_15 = arith.constant 1800 : i32
      %mul3A_16 = arith.muli %add3A, %mul3A_15 : i32
      %mul3A_17 = arith.constant 200 : i32
      %mul3A_18 = arith.muli %scan3A_14, %mul3A_17 : i32
      %add3A_19 = arith.addi %mul3A_16, %mul3A_18 : i32
      %add3A_20 = arith.constant 102400 : i32
      %add3A_21 = arith.addi %add3A_20, %add3A_19 : i32
      "tpu.region"() ({
        %run_scoped3A = tpu.sem_alloc : memref<!tpu.dma_semaphore, #tpu.memory_space<semaphore_mem>>
        %dma_start3A = tpu.memref_slice %arg3[%add3A_21] : memref<160000xi32, #tpu.memory_space<hbm>> -> memref<200xi32, #tpu.memory_space<hbm>>
        %dma_start3A_22 = tpu.memref_slice %arg3[%add3A_21] : memref<160000xi32, #tpu.memory_space<hbm>> -> memref<200xi32, #tpu.memory_space<hbm>>
        tpu.enqueue_dma source(%dma_start3A_22 : memref<200xi32, #tpu.memory_space<hbm>>) target(%arg6 : memref<200xi32, #tpu.memory_space<vmem>>) target_semaphore(%run_scoped3A : memref<!tpu.dma_semaphore, #tpu.memory_space<semaphore_mem>>)
        %dma_wait3A = tpu.memref_slice %arg3[%add3A_21] : memref<160000xi32, #tpu.memory_space<hbm>> -> memref<200xi32, #tpu.memory_space<hbm>>
        %dma_wait3A_23 = tpu.memref_slice %arg3[%add3A_21] : memref<160000xi32, #tpu.memory_space<hbm>> -> memref<200xi32, #tpu.memory_space<hbm>>
        tpu.wait_dma2 semaphore(%run_scoped3A : memref<!tpu.dma_semaphore, #tpu.memory_space<semaphore_mem>>) src(%dma_wait3A_23 : memref<200xi32, #tpu.memory_space<hbm>>) dst(%arg6 : memref<200xi32, #tpu.memory_space<vmem>>)
        tpu.yield
      }) : () -> ()
      "tpu.region"() ({
        %run_scoped3A = tpu.sem_alloc : memref<!tpu.dma_semaphore, #tpu.memory_space<semaphore_mem>>
        %dma_start3A = arith.constant 0 : i32
        %dma_start3A_22 = tpu.memref_slice %arg2[%add3A_19, %dma_start3A] : memref<57600x128xf32, #tpu.memory_space<hbm>> -> memref<200x128xf32, #tpu.memory_space<hbm>>
        %dma_start3A_23 = arith.constant 0 : i32
        %dma_start3A_24 = tpu.memref_slice %arg2[%add3A_19, %dma_start3A_23] : memref<57600x128xf32, #tpu.memory_space<hbm>> -> memref<200x128xf32, #tpu.memory_space<hbm>>
        tpu.enqueue_dma source(%dma_start3A_24 : memref<200x128xf32, #tpu.memory_space<hbm>>) target(%arg7 : memref<200x128xf32, #tpu.memory_space<vmem>>) target_semaphore(%run_scoped3A : memref<!tpu.dma_semaphore, #tpu.memory_space<semaphore_mem>>)
        %dma_wait3A = arith.constant 0 : i32
        %dma_wait3A_25 = tpu.memref_slice %arg2[%add3A_19, %dma_wait3A] : memref<57600x128xf32, #tpu.memory_space<hbm>> -> memref<200x128xf32, #tpu.memory_space<hbm>>
        %dma_wait3A_26 = arith.constant 0 : i32
        %dma_wait3A_27 = tpu.memref_slice %arg2[%add3A_19, %dma_wait3A_26] : memref<57600x128xf32, #tpu.memory_space<hbm>> -> memref<200x128xf32, #tpu.memory_space<hbm>>
        tpu.wait_dma2 semaphore(%run_scoped3A : memref<!tpu.dma_semaphore, #tpu.memory_space<semaphore_mem>>) src(%dma_wait3A_27 : memref<200x128xf32, #tpu.memory_space<hbm>>) dst(%arg7 : memref<200x128xf32, #tpu.memory_space<vmem>>)
        tpu.yield
      }) : () -> ()
      "tpu.region"() ({
        %run_scoped3A = tpu.sem_alloc : memref<!tpu.dma_semaphore, #tpu.memory_space<semaphore_mem>>
        %dma_start3A = arith.constant 0 : i32
        %dma_start3A_22 = arith.constant 0 : i32
        %dma_start3A_23 = tpu.memref_slice %arg8[%dma_start3A, %dma_start3A_22] : memref<10000x128xf32, #tpu.memory_space<vmem_shared>> -> memref<10000x128xf32, #tpu.memory_space<vmem_shared>>
        tpu.enqueue_indirect_dma source(%arg7 : memref<200x128xf32, #tpu.memory_space<vmem>>) target(%dma_start3A_23 : memref<10000x128xf32, #tpu.memory_space<vmem_shared>>) offsets(%arg6 : memref<200xi32, #tpu.memory_space<vmem>>) semaphore(%run_scoped3A : memref<!tpu.dma_semaphore, #tpu.memory_space<semaphore_mem>>) {add = true}
        %dma_wait3A = arith.constant 0 : i32
        %dma_wait3A_24 = arith.constant 0 : i32
        %dma_wait3A_25 = tpu.memref_slice %arg8[%dma_wait3A, %dma_wait3A_24] : memref<10000x128xf32, #tpu.memory_space<vmem_shared>> -> memref<10000x128xf32, #tpu.memory_space<vmem_shared>>
        tpu.wait_indirect_dma semaphore(%run_scoped3A : memref<!tpu.dma_semaphore, #tpu.memory_space<semaphore_mem>>) src(%arg7 : memref<200x128xf32, #tpu.memory_space<vmem>>) dst(%dma_wait3A_25 : memref<10000x128xf32, #tpu.memory_space<vmem_shared>>)
        tpu.yield
      }) : () -> ()
    }
    %scan3A_7 = arith.constant 9 : i32
    %barrier3A_8 = arith.constant 0 : index
    tpu.barrier barrier_id(%barrier3A_8)
    %eq3A_9 = arith.constant 0 : i32
    %eq3A_10 = arith.cmpi eq, %arg1, %eq3A_9 : i32
    %convert_element_type3A_11 = arith.extui %eq3A_10 : i1 to i32
    %cond3A_12 = arith.constant 0 : i32
    %cond3A_13 = arith.cmpi ne, %convert_element_type3A_11, %cond3A_12 : i32
    scf.if %cond3A_13 {
      "tpu.region"() ({
        %run_scoped3A = tpu.sem_alloc : memref<!tpu.dma_semaphore, #tpu.memory_space<semaphore_mem>>
        %dma_start3A = arith.constant 0 : i32
        %dma_start3A_14 = arith.constant 0 : i32
        %dma_start3A_15 = tpu.memref_slice %arg5[%arg0, %dma_start3A, %dma_start3A_14] : memref<2x10000x128xf32, #tpu.memory_space<hbm>> -> memref<1x10000x128xf32, #tpu.memory_space<hbm>>
        %dma_start3A_16 = tpu.memref_squeeze %dma_start3A_15 : memref<1x10000x128xf32, #tpu.memory_space<hbm>> -> memref<10000x128xf32, #tpu.memory_space<hbm>>
        tpu.enqueue_dma source(%arg8 : memref<10000x128xf32, #tpu.memory_space<vmem_shared>>) target(%dma_start3A_16 : memref<10000x128xf32, #tpu.memory_space<hbm>>) target_semaphore(%run_scoped3A : memref<!tpu.dma_semaphore, #tpu.memory_space<semaphore_mem>>)
        %dma_wait3A = arith.constant 0 : i32
        %dma_wait3A_17 = arith.constant 0 : i32
        %dma_wait3A_18 = tpu.memref_slice %arg5[%arg0, %dma_wait3A, %dma_wait3A_17] : memref<2x10000x128xf32, #tpu.memory_space<hbm>> -> memref<1x10000x128xf32, #tpu.memory_space<hbm>>
        %dma_wait3A_19 = tpu.memref_squeeze %dma_wait3A_18 : memref<1x10000x128xf32, #tpu.memory_space<hbm>> -> memref<10000x128xf32, #tpu.memory_space<hbm>>
        tpu.wait_dma2 semaphore(%run_scoped3A : memref<!tpu.dma_semaphore, #tpu.memory_space<semaphore_mem>>) src(%arg8 : memref<10000x128xf32, #tpu.memory_space<vmem_shared>>) dst(%dma_wait3A_19 : memref<10000x128xf32, #tpu.memory_space<hbm>>)
        tpu.yield
      }) : () -> ()
    } else {
    }
    return
  }
}

#map = affine_map<(d0, d1) -> (0, 0)>
#map1 = affine_map<(d0, d1) -> (0)>
module attributes {stable_mosaic.version = 14 : i64} {
  func.func @p2(%arg0: i32, %arg1: i32, %arg2: memref<10000x256xi32, #tpu.memory_space<hbm>>, %arg3: memref<10000x128xi32, #tpu.memory_space<hbm>>, %arg4: memref<160000xi32, #tpu.memory_space<hbm>>, %arg5: memref<57600x256xi32, #tpu.memory_space<hbm>>, %arg6: memref<57600x128xi32, #tpu.memory_space<hbm>>, %arg7: memref<200xi32, #tpu.memory_space<vmem>>, %arg8: memref<200x256xi32, #tpu.memory_space<vmem>>, %arg9: memref<200x128xi32, #tpu.memory_space<vmem>>, %arg10: memref<!tpu.dma_semaphore, #tpu.memory_space<semaphore_mem>>, %arg11: memref<!tpu.dma_semaphore, #tpu.memory_space<semaphore_mem>>) attributes {dimension_semantics = [#tpu.dimension_semantics<core_parallel>, #tpu.dimension_semantics<subcore_parallel>], iteration_bounds = array<i64: 2, 16>, scalar_prefetch = 0 : i64, scratch_operands = 5 : i64, tpu.core_type = #tpu.core_type<sc_vector_subcore>, window_params = [{transform_indices = #map}, {transform_indices = #map}, {transform_indices = #map1}, {transform_indices = #map}, {transform_indices = #map}]} {
    %mul3A = arith.constant 2 : i32
    %mul3A_0 = arith.muli %arg1, %mul3A : i32
    %add3A = arith.addi %mul3A_0, %arg0 : i32
    %scan3A = arith.constant 0 : i32
    %scan3A_1 = arith.constant 0 : i32
    %scan3A_2 = arith.constant 9 : i32
    %scan3A_3 = arith.addi %scan3A_1, %scan3A_2 : i32
    %scan3A_4 = arith.constant 1 : i32
    scf.for %scan3A_6 = %scan3A_1 to %scan3A_3 step %scan3A_4  : i32 {
      %mul3A_7 = arith.constant 1800 : i32
      %mul3A_8 = arith.muli %add3A, %mul3A_7 : i32
      %mul3A_9 = arith.constant 200 : i32
      %mul3A_10 = arith.muli %scan3A_6, %mul3A_9 : i32
      %add3A_11 = arith.addi %mul3A_8, %mul3A_10 : i32
      %add3A_12 = arith.constant 102400 : i32
      %add3A_13 = arith.addi %add3A_12, %add3A_11 : i32
      "tpu.region"() ({
        %run_scoped3A = tpu.sem_alloc : memref<!tpu.dma_semaphore, #tpu.memory_space<semaphore_mem>>
        %dma_start3A_24 = tpu.memref_slice %arg4[%add3A_13] : memref<160000xi32, #tpu.memory_space<hbm>> -> memref<200xi32, #tpu.memory_space<hbm>>
        %dma_start3A_25 = tpu.memref_slice %arg4[%add3A_13] : memref<160000xi32, #tpu.memory_space<hbm>> -> memref<200xi32, #tpu.memory_space<hbm>>
        tpu.enqueue_dma source(%dma_start3A_25 : memref<200xi32, #tpu.memory_space<hbm>>) target(%arg7 : memref<200xi32, #tpu.memory_space<vmem>>) target_semaphore(%run_scoped3A : memref<!tpu.dma_semaphore, #tpu.memory_space<semaphore_mem>>)
        %dma_wait3A_26 = tpu.memref_slice %arg4[%add3A_13] : memref<160000xi32, #tpu.memory_space<hbm>> -> memref<200xi32, #tpu.memory_space<hbm>>
        %dma_wait3A_27 = tpu.memref_slice %arg4[%add3A_13] : memref<160000xi32, #tpu.memory_space<hbm>> -> memref<200xi32, #tpu.memory_space<hbm>>
        tpu.wait_dma2 semaphore(%run_scoped3A : memref<!tpu.dma_semaphore, #tpu.memory_space<semaphore_mem>>) src(%dma_wait3A_27 : memref<200xi32, #tpu.memory_space<hbm>>) dst(%arg7 : memref<200xi32, #tpu.memory_space<vmem>>)
        tpu.yield
      }) : () -> ()
      %dma_start3A = arith.constant 0 : i32
      %dma_start3A_14 = arith.constant 0 : i32
      %dma_start3A_15 = tpu.memref_slice %arg2[%dma_start3A, %dma_start3A_14] : memref<10000x256xi32, #tpu.memory_space<hbm>> -> memref<10000x256xi32, #tpu.memory_space<hbm>>
      tpu.enqueue_indirect_dma source(%dma_start3A_15 : memref<10000x256xi32, #tpu.memory_space<hbm>>) target(%arg8 : memref<200x256xi32, #tpu.memory_space<vmem>>) offsets(%arg7 : memref<200xi32, #tpu.memory_space<vmem>>) semaphore(%arg10 : memref<!tpu.dma_semaphore, #tpu.memory_space<semaphore_mem>>)
      %dma_start3A_16 = arith.constant 0 : i32
      %dma_start3A_17 = arith.constant 0 : i32
      %dma_start3A_18 = tpu.memref_slice %arg3[%dma_start3A_16, %dma_start3A_17] : memref<10000x128xi32, #tpu.memory_space<hbm>> -> memref<10000x128xi32, #tpu.memory_space<hbm>>
      tpu.enqueue_indirect_dma source(%dma_start3A_18 : memref<10000x128xi32, #tpu.memory_space<hbm>>) target(%arg9 : memref<200x128xi32, #tpu.memory_space<vmem>>) offsets(%arg7 : memref<200xi32, #tpu.memory_space<vmem>>) semaphore(%arg11 : memref<!tpu.dma_semaphore, #tpu.memory_space<semaphore_mem>>)
      %dma_wait3A = arith.constant 0 : i32
      %dma_wait3A_19 = arith.constant 0 : i32
      %dma_wait3A_20 = tpu.memref_slice %arg2[%dma_wait3A, %dma_wait3A_19] : memref<10000x256xi32, #tpu.memory_space<hbm>> -> memref<10000x256xi32, #tpu.memory_space<hbm>>
      tpu.wait_indirect_dma semaphore(%arg10 : memref<!tpu.dma_semaphore, #tpu.memory_space<semaphore_mem>>) src(%dma_wait3A_20 : memref<10000x256xi32, #tpu.memory_space<hbm>>) dst(%arg8 : memref<200x256xi32, #tpu.memory_space<vmem>>)
      %dma_wait3A_21 = arith.constant 0 : i32
      %dma_wait3A_22 = arith.constant 0 : i32
      %dma_wait3A_23 = tpu.memref_slice %arg3[%dma_wait3A_21, %dma_wait3A_22] : memref<10000x128xi32, #tpu.memory_space<hbm>> -> memref<10000x128xi32, #tpu.memory_space<hbm>>
      tpu.wait_indirect_dma semaphore(%arg11 : memref<!tpu.dma_semaphore, #tpu.memory_space<semaphore_mem>>) src(%dma_wait3A_23 : memref<10000x128xi32, #tpu.memory_space<hbm>>) dst(%arg9 : memref<200x128xi32, #tpu.memory_space<vmem>>)
      "tpu.region"() ({
        %run_scoped3A = tpu.sem_alloc : memref<!tpu.dma_semaphore, #tpu.memory_space<semaphore_mem>>
        %dma_start3A_24 = arith.constant 0 : i32
        %dma_start3A_25 = tpu.memref_slice %arg5[%add3A_11, %dma_start3A_24] : memref<57600x256xi32, #tpu.memory_space<hbm>> -> memref<200x256xi32, #tpu.memory_space<hbm>>
        %dma_start3A_26 = arith.constant 0 : i32
        %dma_start3A_27 = tpu.memref_slice %arg5[%add3A_11, %dma_start3A_26] : memref<57600x256xi32, #tpu.memory_space<hbm>> -> memref<200x256xi32, #tpu.memory_space<hbm>>
        tpu.enqueue_dma source(%arg8 : memref<200x256xi32, #tpu.memory_space<vmem>>) target(%dma_start3A_27 : memref<200x256xi32, #tpu.memory_space<hbm>>) target_semaphore(%run_scoped3A : memref<!tpu.dma_semaphore, #tpu.memory_space<semaphore_mem>>)
        %dma_wait3A_28 = arith.constant 0 : i32
        %dma_wait3A_29 = tpu.memref_slice %arg5[%add3A_11, %dma_wait3A_28] : memref<57600x256xi32, #tpu.memory_space<hbm>> -> memref<200x256xi32, #tpu.memory_space<hbm>>
        %dma_wait3A_30 = arith.constant 0 : i32
        %dma_wait3A_31 = tpu.memref_slice %arg5[%add3A_11, %dma_wait3A_30] : memref<57600x256xi32, #tpu.memory_space<hbm>> -> memref<200x256xi32, #tpu.memory_space<hbm>>
        tpu.wait_dma2 semaphore(%run_scoped3A : memref<!tpu.dma_semaphore, #tpu.memory_space<semaphore_mem>>) src(%arg8 : memref<200x256xi32, #tpu.memory_space<vmem>>) dst(%dma_wait3A_31 : memref<200x256xi32, #tpu.memory_space<hbm>>)
        tpu.yield
      }) : () -> ()
      "tpu.region"() ({
        %run_scoped3A = tpu.sem_alloc : memref<!tpu.dma_semaphore, #tpu.memory_space<semaphore_mem>>
        %dma_start3A_24 = arith.constant 0 : i32
        %dma_start3A_25 = tpu.memref_slice %arg6[%add3A_11, %dma_start3A_24] : memref<57600x128xi32, #tpu.memory_space<hbm>> -> memref<200x128xi32, #tpu.memory_space<hbm>>
        %dma_start3A_26 = arith.constant 0 : i32
        %dma_start3A_27 = tpu.memref_slice %arg6[%add3A_11, %dma_start3A_26] : memref<57600x128xi32, #tpu.memory_space<hbm>> -> memref<200x128xi32, #tpu.memory_space<hbm>>
        tpu.enqueue_dma source(%arg9 : memref<200x128xi32, #tpu.memory_space<vmem>>) target(%dma_start3A_27 : memref<200x128xi32, #tpu.memory_space<hbm>>) target_semaphore(%run_scoped3A : memref<!tpu.dma_semaphore, #tpu.memory_space<semaphore_mem>>)
        %dma_wait3A_28 = arith.constant 0 : i32
        %dma_wait3A_29 = tpu.memref_slice %arg6[%add3A_11, %dma_wait3A_28] : memref<57600x128xi32, #tpu.memory_space<hbm>> -> memref<200x128xi32, #tpu.memory_space<hbm>>
        %dma_wait3A_30 = arith.constant 0 : i32
        %dma_wait3A_31 = tpu.memref_slice %arg6[%add3A_11, %dma_wait3A_30] : memref<57600x128xi32, #tpu.memory_space<hbm>> -> memref<200x128xi32, #tpu.memory_space<hbm>>
        tpu.wait_dma2 semaphore(%run_scoped3A : memref<!tpu.dma_semaphore, #tpu.memory_space<semaphore_mem>>) src(%arg9 : memref<200x128xi32, #tpu.memory_space<vmem>>) dst(%dma_wait3A_31 : memref<200x128xi32, #tpu.memory_space<hbm>>)
        tpu.yield
      }) : () -> ()
    }
    %scan3A_5 = arith.constant 9 : i32
    return
  }
}

#map = affine_map<(d0, d1) -> (0, 0)>
#map1 = affine_map<(d0, d1) -> (0)>
module attributes {stable_mosaic.version = 14 : i64} {
  func.func @p2(%arg0: i32, %arg1: i32, %arg2: memref<10000x256xi32, #tpu.memory_space<hbm>>, %arg3: memref<10000x128xi32, #tpu.memory_space<hbm>>, %arg4: memref<160000xi32, #tpu.memory_space<hbm>>, %arg5: memref<51200x256xi32, #tpu.memory_space<hbm>>, %arg6: memref<51200x128xi32, #tpu.memory_space<hbm>>, %arg7: memref<200xi32, #tpu.memory_space<vmem>>, %arg8: memref<200x256xi32, #tpu.memory_space<vmem>>, %arg9: memref<200x128xi32, #tpu.memory_space<vmem>>, %arg10: memref<!tpu.dma_semaphore, #tpu.memory_space<semaphore_mem>>, %arg11: memref<!tpu.dma_semaphore, #tpu.memory_space<semaphore_mem>>) attributes {dimension_semantics = [#tpu.dimension_semantics<core_parallel>, #tpu.dimension_semantics<subcore_parallel>], iteration_bounds = array<i64: 2, 16>, scalar_prefetch = 0 : i64, scratch_operands = 5 : i64, tpu.core_type = #tpu.core_type<sc_vector_subcore>, window_params = [{transform_indices = #map}, {transform_indices = #map}, {transform_indices = #map1}, {transform_indices = #map}, {transform_indices = #map}]} {
    %mul3A = arith.constant 2 : i32
    %mul3A_0 = arith.muli %arg1, %mul3A : i32
    %add3A = arith.addi %mul3A_0, %arg0 : i32
    %scan3A = arith.constant 0 : i32
    %scan3A_1 = arith.constant 0 : i32
    %scan3A_2 = arith.constant 8 : i32
    %scan3A_3 = arith.addi %scan3A_1, %scan3A_2 : i32
    %scan3A_4 = arith.constant 1 : i32
    scf.for %scan3A_6 = %scan3A_1 to %scan3A_3 step %scan3A_4  : i32 {
      %mul3A_7 = arith.constant 1600 : i32
      %mul3A_8 = arith.muli %add3A, %mul3A_7 : i32
      %mul3A_9 = arith.constant 200 : i32
      %mul3A_10 = arith.muli %scan3A_6, %mul3A_9 : i32
      %add3A_11 = arith.addi %mul3A_8, %mul3A_10 : i32
      %add3A_12 = arith.constant 0 : i32
      %add3A_13 = arith.addi %add3A_12, %add3A_11 : i32
      "tpu.region"() ({
        %run_scoped3A = tpu.sem_alloc : memref<!tpu.dma_semaphore, #tpu.memory_space<semaphore_mem>>
        %dma_start3A_24 = tpu.memref_slice %arg4[%add3A_13] : memref<160000xi32, #tpu.memory_space<hbm>> -> memref<200xi32, #tpu.memory_space<hbm>>
        %dma_start3A_25 = tpu.memref_slice %arg4[%add3A_13] : memref<160000xi32, #tpu.memory_space<hbm>> -> memref<200xi32, #tpu.memory_space<hbm>>
        tpu.enqueue_dma source(%dma_start3A_25 : memref<200xi32, #tpu.memory_space<hbm>>) target(%arg7 : memref<200xi32, #tpu.memory_space<vmem>>) target_semaphore(%run_scoped3A : memref<!tpu.dma_semaphore, #tpu.memory_space<semaphore_mem>>)
        %dma_wait3A_26 = tpu.memref_slice %arg4[%add3A_13] : memref<160000xi32, #tpu.memory_space<hbm>> -> memref<200xi32, #tpu.memory_space<hbm>>
        %dma_wait3A_27 = tpu.memref_slice %arg4[%add3A_13] : memref<160000xi32, #tpu.memory_space<hbm>> -> memref<200xi32, #tpu.memory_space<hbm>>
        tpu.wait_dma2 semaphore(%run_scoped3A : memref<!tpu.dma_semaphore, #tpu.memory_space<semaphore_mem>>) src(%dma_wait3A_27 : memref<200xi32, #tpu.memory_space<hbm>>) dst(%arg7 : memref<200xi32, #tpu.memory_space<vmem>>)
        tpu.yield
      }) : () -> ()
      %dma_start3A = arith.constant 0 : i32
      %dma_start3A_14 = arith.constant 0 : i32
      %dma_start3A_15 = tpu.memref_slice %arg2[%dma_start3A, %dma_start3A_14] : memref<10000x256xi32, #tpu.memory_space<hbm>> -> memref<10000x256xi32, #tpu.memory_space<hbm>>
      tpu.enqueue_indirect_dma source(%dma_start3A_15 : memref<10000x256xi32, #tpu.memory_space<hbm>>) target(%arg8 : memref<200x256xi32, #tpu.memory_space<vmem>>) offsets(%arg7 : memref<200xi32, #tpu.memory_space<vmem>>) semaphore(%arg10 : memref<!tpu.dma_semaphore, #tpu.memory_space<semaphore_mem>>)
      %dma_start3A_16 = arith.constant 0 : i32
      %dma_start3A_17 = arith.constant 0 : i32
      %dma_start3A_18 = tpu.memref_slice %arg3[%dma_start3A_16, %dma_start3A_17] : memref<10000x128xi32, #tpu.memory_space<hbm>> -> memref<10000x128xi32, #tpu.memory_space<hbm>>
      tpu.enqueue_indirect_dma source(%dma_start3A_18 : memref<10000x128xi32, #tpu.memory_space<hbm>>) target(%arg9 : memref<200x128xi32, #tpu.memory_space<vmem>>) offsets(%arg7 : memref<200xi32, #tpu.memory_space<vmem>>) semaphore(%arg11 : memref<!tpu.dma_semaphore, #tpu.memory_space<semaphore_mem>>)
      %dma_wait3A = arith.constant 0 : i32
      %dma_wait3A_19 = arith.constant 0 : i32
      %dma_wait3A_20 = tpu.memref_slice %arg2[%dma_wait3A, %dma_wait3A_19] : memref<10000x256xi32, #tpu.memory_space<hbm>> -> memref<10000x256xi32, #tpu.memory_space<hbm>>
      tpu.wait_indirect_dma semaphore(%arg10 : memref<!tpu.dma_semaphore, #tpu.memory_space<semaphore_mem>>) src(%dma_wait3A_20 : memref<10000x256xi32, #tpu.memory_space<hbm>>) dst(%arg8 : memref<200x256xi32, #tpu.memory_space<vmem>>)
      %dma_wait3A_21 = arith.constant 0 : i32
      %dma_wait3A_22 = arith.constant 0 : i32
      %dma_wait3A_23 = tpu.memref_slice %arg3[%dma_wait3A_21, %dma_wait3A_22] : memref<10000x128xi32, #tpu.memory_space<hbm>> -> memref<10000x128xi32, #tpu.memory_space<hbm>>
      tpu.wait_indirect_dma semaphore(%arg11 : memref<!tpu.dma_semaphore, #tpu.memory_space<semaphore_mem>>) src(%dma_wait3A_23 : memref<10000x128xi32, #tpu.memory_space<hbm>>) dst(%arg9 : memref<200x128xi32, #tpu.memory_space<vmem>>)
      "tpu.region"() ({
        %run_scoped3A = tpu.sem_alloc : memref<!tpu.dma_semaphore, #tpu.memory_space<semaphore_mem>>
        %dma_start3A_24 = arith.constant 0 : i32
        %dma_start3A_25 = tpu.memref_slice %arg5[%add3A_11, %dma_start3A_24] : memref<51200x256xi32, #tpu.memory_space<hbm>> -> memref<200x256xi32, #tpu.memory_space<hbm>>
        %dma_start3A_26 = arith.constant 0 : i32
        %dma_start3A_27 = tpu.memref_slice %arg5[%add3A_11, %dma_start3A_26] : memref<51200x256xi32, #tpu.memory_space<hbm>> -> memref<200x256xi32, #tpu.memory_space<hbm>>
        tpu.enqueue_dma source(%arg8 : memref<200x256xi32, #tpu.memory_space<vmem>>) target(%dma_start3A_27 : memref<200x256xi32, #tpu.memory_space<hbm>>) target_semaphore(%run_scoped3A : memref<!tpu.dma_semaphore, #tpu.memory_space<semaphore_mem>>)
        %dma_wait3A_28 = arith.constant 0 : i32
        %dma_wait3A_29 = tpu.memref_slice %arg5[%add3A_11, %dma_wait3A_28] : memref<51200x256xi32, #tpu.memory_space<hbm>> -> memref<200x256xi32, #tpu.memory_space<hbm>>
        %dma_wait3A_30 = arith.constant 0 : i32
        %dma_wait3A_31 = tpu.memref_slice %arg5[%add3A_11, %dma_wait3A_30] : memref<51200x256xi32, #tpu.memory_space<hbm>> -> memref<200x256xi32, #tpu.memory_space<hbm>>
        tpu.wait_dma2 semaphore(%run_scoped3A : memref<!tpu.dma_semaphore, #tpu.memory_space<semaphore_mem>>) src(%arg8 : memref<200x256xi32, #tpu.memory_space<vmem>>) dst(%dma_wait3A_31 : memref<200x256xi32, #tpu.memory_space<hbm>>)
        tpu.yield
      }) : () -> ()
      "tpu.region"() ({
        %run_scoped3A = tpu.sem_alloc : memref<!tpu.dma_semaphore, #tpu.memory_space<semaphore_mem>>
        %dma_start3A_24 = arith.constant 0 : i32
        %dma_start3A_25 = tpu.memref_slice %arg6[%add3A_11, %dma_start3A_24] : memref<51200x128xi32, #tpu.memory_space<hbm>> -> memref<200x128xi32, #tpu.memory_space<hbm>>
        %dma_start3A_26 = arith.constant 0 : i32
        %dma_start3A_27 = tpu.memref_slice %arg6[%add3A_11, %dma_start3A_26] : memref<51200x128xi32, #tpu.memory_space<hbm>> -> memref<200x128xi32, #tpu.memory_space<hbm>>
        tpu.enqueue_dma source(%arg9 : memref<200x128xi32, #tpu.memory_space<vmem>>) target(%dma_start3A_27 : memref<200x128xi32, #tpu.memory_space<hbm>>) target_semaphore(%run_scoped3A : memref<!tpu.dma_semaphore, #tpu.memory_space<semaphore_mem>>)
        %dma_wait3A_28 = arith.constant 0 : i32
        %dma_wait3A_29 = tpu.memref_slice %arg6[%add3A_11, %dma_wait3A_28] : memref<51200x128xi32, #tpu.memory_space<hbm>> -> memref<200x128xi32, #tpu.memory_space<hbm>>
        %dma_wait3A_30 = arith.constant 0 : i32
        %dma_wait3A_31 = tpu.memref_slice %arg6[%add3A_11, %dma_wait3A_30] : memref<51200x128xi32, #tpu.memory_space<hbm>> -> memref<200x128xi32, #tpu.memory_space<hbm>>
        tpu.wait_dma2 semaphore(%run_scoped3A : memref<!tpu.dma_semaphore, #tpu.memory_space<semaphore_mem>>) src(%arg9 : memref<200x128xi32, #tpu.memory_space<vmem>>) dst(%dma_wait3A_31 : memref<200x128xi32, #tpu.memory_space<hbm>>)
        tpu.yield
      }) : () -> ()
    }
    %scan3A_5 = arith.constant 8 : i32
    return
  }
}

#map = affine_map<(d0, d1) -> (0, 0)>
#map1 = affine_map<(d0, d1) -> (0)>
module attributes {stable_mosaic.version = 14 : i64} {
  func.func @p2(%arg0: i32, %arg1: i32, %arg2: memref<10000x256xi32, #tpu.memory_space<hbm>>, %arg3: memref<10000x128xi32, #tpu.memory_space<hbm>>, %arg4: memref<160000xi32, #tpu.memory_space<hbm>>, %arg5: memref<51200x256xi32, #tpu.memory_space<hbm>>, %arg6: memref<51200x128xi32, #tpu.memory_space<hbm>>, %arg7: memref<200xi32, #tpu.memory_space<vmem>>, %arg8: memref<200x256xi32, #tpu.memory_space<vmem>>, %arg9: memref<200x128xi32, #tpu.memory_space<vmem>>, %arg10: memref<!tpu.dma_semaphore, #tpu.memory_space<semaphore_mem>>, %arg11: memref<!tpu.dma_semaphore, #tpu.memory_space<semaphore_mem>>) attributes {dimension_semantics = [#tpu.dimension_semantics<core_parallel>, #tpu.dimension_semantics<subcore_parallel>], iteration_bounds = array<i64: 2, 16>, scalar_prefetch = 0 : i64, scratch_operands = 5 : i64, tpu.core_type = #tpu.core_type<sc_vector_subcore>, window_params = [{transform_indices = #map}, {transform_indices = #map}, {transform_indices = #map1}, {transform_indices = #map}, {transform_indices = #map}]} {
    %mul3A = arith.constant 2 : i32
    %mul3A_0 = arith.muli %arg1, %mul3A : i32
    %add3A = arith.addi %mul3A_0, %arg0 : i32
    %scan3A = arith.constant 0 : i32
    %scan3A_1 = arith.constant 0 : i32
    %scan3A_2 = arith.constant 8 : i32
    %scan3A_3 = arith.addi %scan3A_1, %scan3A_2 : i32
    %scan3A_4 = arith.constant 1 : i32
    scf.for %scan3A_6 = %scan3A_1 to %scan3A_3 step %scan3A_4  : i32 {
      %mul3A_7 = arith.constant 1600 : i32
      %mul3A_8 = arith.muli %add3A, %mul3A_7 : i32
      %mul3A_9 = arith.constant 200 : i32
      %mul3A_10 = arith.muli %scan3A_6, %mul3A_9 : i32
      %add3A_11 = arith.addi %mul3A_8, %mul3A_10 : i32
      %add3A_12 = arith.constant 51200 : i32
      %add3A_13 = arith.addi %add3A_12, %add3A_11 : i32
      "tpu.region"() ({
        %run_scoped3A = tpu.sem_alloc : memref<!tpu.dma_semaphore, #tpu.memory_space<semaphore_mem>>
        %dma_start3A_24 = tpu.memref_slice %arg4[%add3A_13] : memref<160000xi32, #tpu.memory_space<hbm>> -> memref<200xi32, #tpu.memory_space<hbm>>
        %dma_start3A_25 = tpu.memref_slice %arg4[%add3A_13] : memref<160000xi32, #tpu.memory_space<hbm>> -> memref<200xi32, #tpu.memory_space<hbm>>
        tpu.enqueue_dma source(%dma_start3A_25 : memref<200xi32, #tpu.memory_space<hbm>>) target(%arg7 : memref<200xi32, #tpu.memory_space<vmem>>) target_semaphore(%run_scoped3A : memref<!tpu.dma_semaphore, #tpu.memory_space<semaphore_mem>>)
        %dma_wait3A_26 = tpu.memref_slice %arg4[%add3A_13] : memref<160000xi32, #tpu.memory_space<hbm>> -> memref<200xi32, #tpu.memory_space<hbm>>
        %dma_wait3A_27 = tpu.memref_slice %arg4[%add3A_13] : memref<160000xi32, #tpu.memory_space<hbm>> -> memref<200xi32, #tpu.memory_space<hbm>>
        tpu.wait_dma2 semaphore(%run_scoped3A : memref<!tpu.dma_semaphore, #tpu.memory_space<semaphore_mem>>) src(%dma_wait3A_27 : memref<200xi32, #tpu.memory_space<hbm>>) dst(%arg7 : memref<200xi32, #tpu.memory_space<vmem>>)
        tpu.yield
      }) : () -> ()
      %dma_start3A = arith.constant 0 : i32
      %dma_start3A_14 = arith.constant 0 : i32
      %dma_start3A_15 = tpu.memref_slice %arg2[%dma_start3A, %dma_start3A_14] : memref<10000x256xi32, #tpu.memory_space<hbm>> -> memref<10000x256xi32, #tpu.memory_space<hbm>>
      tpu.enqueue_indirect_dma source(%dma_start3A_15 : memref<10000x256xi32, #tpu.memory_space<hbm>>) target(%arg8 : memref<200x256xi32, #tpu.memory_space<vmem>>) offsets(%arg7 : memref<200xi32, #tpu.memory_space<vmem>>) semaphore(%arg10 : memref<!tpu.dma_semaphore, #tpu.memory_space<semaphore_mem>>)
      %dma_start3A_16 = arith.constant 0 : i32
      %dma_start3A_17 = arith.constant 0 : i32
      %dma_start3A_18 = tpu.memref_slice %arg3[%dma_start3A_16, %dma_start3A_17] : memref<10000x128xi32, #tpu.memory_space<hbm>> -> memref<10000x128xi32, #tpu.memory_space<hbm>>
      tpu.enqueue_indirect_dma source(%dma_start3A_18 : memref<10000x128xi32, #tpu.memory_space<hbm>>) target(%arg9 : memref<200x128xi32, #tpu.memory_space<vmem>>) offsets(%arg7 : memref<200xi32, #tpu.memory_space<vmem>>) semaphore(%arg11 : memref<!tpu.dma_semaphore, #tpu.memory_space<semaphore_mem>>)
      %dma_wait3A = arith.constant 0 : i32
      %dma_wait3A_19 = arith.constant 0 : i32
      %dma_wait3A_20 = tpu.memref_slice %arg2[%dma_wait3A, %dma_wait3A_19] : memref<10000x256xi32, #tpu.memory_space<hbm>> -> memref<10000x256xi32, #tpu.memory_space<hbm>>
      tpu.wait_indirect_dma semaphore(%arg10 : memref<!tpu.dma_semaphore, #tpu.memory_space<semaphore_mem>>) src(%dma_wait3A_20 : memref<10000x256xi32, #tpu.memory_space<hbm>>) dst(%arg8 : memref<200x256xi32, #tpu.memory_space<vmem>>)
      %dma_wait3A_21 = arith.constant 0 : i32
      %dma_wait3A_22 = arith.constant 0 : i32
      %dma_wait3A_23 = tpu.memref_slice %arg3[%dma_wait3A_21, %dma_wait3A_22] : memref<10000x128xi32, #tpu.memory_space<hbm>> -> memref<10000x128xi32, #tpu.memory_space<hbm>>
      tpu.wait_indirect_dma semaphore(%arg11 : memref<!tpu.dma_semaphore, #tpu.memory_space<semaphore_mem>>) src(%dma_wait3A_23 : memref<10000x128xi32, #tpu.memory_space<hbm>>) dst(%arg9 : memref<200x128xi32, #tpu.memory_space<vmem>>)
      "tpu.region"() ({
        %run_scoped3A = tpu.sem_alloc : memref<!tpu.dma_semaphore, #tpu.memory_space<semaphore_mem>>
        %dma_start3A_24 = arith.constant 0 : i32
        %dma_start3A_25 = tpu.memref_slice %arg5[%add3A_11, %dma_start3A_24] : memref<51200x256xi32, #tpu.memory_space<hbm>> -> memref<200x256xi32, #tpu.memory_space<hbm>>
        %dma_start3A_26 = arith.constant 0 : i32
        %dma_start3A_27 = tpu.memref_slice %arg5[%add3A_11, %dma_start3A_26] : memref<51200x256xi32, #tpu.memory_space<hbm>> -> memref<200x256xi32, #tpu.memory_space<hbm>>
        tpu.enqueue_dma source(%arg8 : memref<200x256xi32, #tpu.memory_space<vmem>>) target(%dma_start3A_27 : memref<200x256xi32, #tpu.memory_space<hbm>>) target_semaphore(%run_scoped3A : memref<!tpu.dma_semaphore, #tpu.memory_space<semaphore_mem>>)
        %dma_wait3A_28 = arith.constant 0 : i32
        %dma_wait3A_29 = tpu.memref_slice %arg5[%add3A_11, %dma_wait3A_28] : memref<51200x256xi32, #tpu.memory_space<hbm>> -> memref<200x256xi32, #tpu.memory_space<hbm>>
        %dma_wait3A_30 = arith.constant 0 : i32
        %dma_wait3A_31 = tpu.memref_slice %arg5[%add3A_11, %dma_wait3A_30] : memref<51200x256xi32, #tpu.memory_space<hbm>> -> memref<200x256xi32, #tpu.memory_space<hbm>>
        tpu.wait_dma2 semaphore(%run_scoped3A : memref<!tpu.dma_semaphore, #tpu.memory_space<semaphore_mem>>) src(%arg8 : memref<200x256xi32, #tpu.memory_space<vmem>>) dst(%dma_wait3A_31 : memref<200x256xi32, #tpu.memory_space<hbm>>)
        tpu.yield
      }) : () -> ()
      "tpu.region"() ({
        %run_scoped3A = tpu.sem_alloc : memref<!tpu.dma_semaphore, #tpu.memory_space<semaphore_mem>>
        %dma_start3A_24 = arith.constant 0 : i32
        %dma_start3A_25 = tpu.memref_slice %arg6[%add3A_11, %dma_start3A_24] : memref<51200x128xi32, #tpu.memory_space<hbm>> -> memref<200x128xi32, #tpu.memory_space<hbm>>
        %dma_start3A_26 = arith.constant 0 : i32
        %dma_start3A_27 = tpu.memref_slice %arg6[%add3A_11, %dma_start3A_26] : memref<51200x128xi32, #tpu.memory_space<hbm>> -> memref<200x128xi32, #tpu.memory_space<hbm>>
        tpu.enqueue_dma source(%arg9 : memref<200x128xi32, #tpu.memory_space<vmem>>) target(%dma_start3A_27 : memref<200x128xi32, #tpu.memory_space<hbm>>) target_semaphore(%run_scoped3A : memref<!tpu.dma_semaphore, #tpu.memory_space<semaphore_mem>>)
        %dma_wait3A_28 = arith.constant 0 : i32
        %dma_wait3A_29 = tpu.memref_slice %arg6[%add3A_11, %dma_wait3A_28] : memref<51200x128xi32, #tpu.memory_space<hbm>> -> memref<200x128xi32, #tpu.memory_space<hbm>>
        %dma_wait3A_30 = arith.constant 0 : i32
        %dma_wait3A_31 = tpu.memref_slice %arg6[%add3A_11, %dma_wait3A_30] : memref<51200x128xi32, #tpu.memory_space<hbm>> -> memref<200x128xi32, #tpu.memory_space<hbm>>
        tpu.wait_dma2 semaphore(%run_scoped3A : memref<!tpu.dma_semaphore, #tpu.memory_space<semaphore_mem>>) src(%arg9 : memref<200x128xi32, #tpu.memory_space<vmem>>) dst(%dma_wait3A_31 : memref<200x128xi32, #tpu.memory_space<hbm>>)
        tpu.yield
      }) : () -> ()
    }
    %scan3A_5 = arith.constant 8 : i32
    return
  }
}

#map = affine_map<(d0, d1) -> (0, 0)>
#map1 = affine_map<(d0, d1) -> (0)>
#map2 = affine_map<(d0, d1) -> (0, 0, 0)>
module attributes {stable_mosaic.version = 14 : i64} {
  func.func @p4(%arg0: i32, %arg1: i32, %arg2: memref<57600x128xf32, #tpu.memory_space<hbm>>, %arg3: memref<160000xi32, #tpu.memory_space<hbm>>, %arg4: memref<10000x128xf32, #tpu.memory_space<hbm>>, %arg5: memref<2x10000x128xf32, #tpu.memory_space<hbm>>, %arg6: memref<200xi32, #tpu.memory_space<vmem>>, %arg7: memref<200x128xf32, #tpu.memory_space<vmem>>, %arg8: memref<10000x128xf32, #tpu.memory_space<vmem_shared>>, %arg9: memref<!tpu.dma_semaphore, #tpu.memory_space<semaphore_mem>>) attributes {dimension_semantics = [#tpu.dimension_semantics<core_parallel>, #tpu.dimension_semantics<subcore_parallel>], iteration_bounds = array<i64: 2, 16>, scalar_prefetch = 0 : i64, scratch_operands = 4 : i64, tpu.core_type = #tpu.core_type<sc_vector_subcore>, window_params = [{transform_indices = #map}, {transform_indices = #map1}, {transform_indices = #map}, {transform_indices = #map2}]} {
    %mul3A = arith.constant 2 : i32
    %mul3A_0 = arith.muli %arg1, %mul3A : i32
    %add3A = arith.addi %mul3A_0, %arg0 : i32
    %eq3A = arith.constant 0 : i32
    %eq3A_1 = arith.cmpi eq, %arg1, %eq3A : i32
    %convert_element_type3A = arith.extui %eq3A_1 : i1 to i32
    %cond3A = arith.constant 0 : i32
    %cond3A_2 = arith.cmpi ne, %convert_element_type3A, %cond3A : i32
    scf.if %cond3A_2 {
      "tpu.region"() ({
        %run_scoped3A = tpu.sem_alloc : memref<!tpu.dma_semaphore, #tpu.memory_space<semaphore_mem>>
        tpu.enqueue_dma source(%arg4 : memref<10000x128xf32, #tpu.memory_space<hbm>>) target(%arg8 : memref<10000x128xf32, #tpu.memory_space<vmem_shared>>) target_semaphore(%run_scoped3A : memref<!tpu.dma_semaphore, #tpu.memory_space<semaphore_mem>>)
        tpu.wait_dma2 semaphore(%run_scoped3A : memref<!tpu.dma_semaphore, #tpu.memory_space<semaphore_mem>>) src(%arg4 : memref<10000x128xf32, #tpu.memory_space<hbm>>) dst(%arg8 : memref<10000x128xf32, #tpu.memory_space<vmem_shared>>)
        tpu.yield
      }) : () -> ()
    } else {
    }
    %barrier3A = arith.constant 0 : index
    tpu.barrier barrier_id(%barrier3A)
    %scan3A = arith.constant 0 : i32
    %scan3A_3 = arith.constant 0 : i32
    %scan3A_4 = arith.constant 9 : i32
    %scan3A_5 = arith.addi %scan3A_3, %scan3A_4 : i32
    %scan3A_6 = arith.constant 1 : i32
    scf.for %scan3A_14 = %scan3A_3 to %scan3A_5 step %scan3A_6  : i32 {
      %mul3A_15 = arith.constant 1800 : i32
      %mul3A_16 = arith.muli %add3A, %mul3A_15 : i32
      %mul3A_17 = arith.constant 200 : i32
      %mul3A_18 = arith.muli %scan3A_14, %mul3A_17 : i32
      %add3A_19 = arith.addi %mul3A_16, %mul3A_18 : i32
      %add3A_20 = arith.constant 102400 : i32
      %add3A_21 = arith.addi %add3A_20, %add3A_19 : i32
      "tpu.region"() ({
        %run_scoped3A = tpu.sem_alloc : memref<!tpu.dma_semaphore, #tpu.memory_space<semaphore_mem>>
        %dma_start3A = tpu.memref_slice %arg3[%add3A_21] : memref<160000xi32, #tpu.memory_space<hbm>> -> memref<200xi32, #tpu.memory_space<hbm>>
        %dma_start3A_22 = tpu.memref_slice %arg3[%add3A_21] : memref<160000xi32, #tpu.memory_space<hbm>> -> memref<200xi32, #tpu.memory_space<hbm>>
        tpu.enqueue_dma source(%dma_start3A_22 : memref<200xi32, #tpu.memory_space<hbm>>) target(%arg6 : memref<200xi32, #tpu.memory_space<vmem>>) target_semaphore(%run_scoped3A : memref<!tpu.dma_semaphore, #tpu.memory_space<semaphore_mem>>)
        %dma_wait3A = tpu.memref_slice %arg3[%add3A_21] : memref<160000xi32, #tpu.memory_space<hbm>> -> memref<200xi32, #tpu.memory_space<hbm>>
        %dma_wait3A_23 = tpu.memref_slice %arg3[%add3A_21] : memref<160000xi32, #tpu.memory_space<hbm>> -> memref<200xi32, #tpu.memory_space<hbm>>
        tpu.wait_dma2 semaphore(%run_scoped3A : memref<!tpu.dma_semaphore, #tpu.memory_space<semaphore_mem>>) src(%dma_wait3A_23 : memref<200xi32, #tpu.memory_space<hbm>>) dst(%arg6 : memref<200xi32, #tpu.memory_space<vmem>>)
        tpu.yield
      }) : () -> ()
      "tpu.region"() ({
        %run_scoped3A = tpu.sem_alloc : memref<!tpu.dma_semaphore, #tpu.memory_space<semaphore_mem>>
        %dma_start3A = arith.constant 0 : i32
        %dma_start3A_22 = tpu.memref_slice %arg2[%add3A_19, %dma_start3A] : memref<57600x128xf32, #tpu.memory_space<hbm>> -> memref<200x128xf32, #tpu.memory_space<hbm>>
        %dma_start3A_23 = arith.constant 0 : i32
        %dma_start3A_24 = tpu.memref_slice %arg2[%add3A_19, %dma_start3A_23] : memref<57600x128xf32, #tpu.memory_space<hbm>> -> memref<200x128xf32, #tpu.memory_space<hbm>>
        tpu.enqueue_dma source(%dma_start3A_24 : memref<200x128xf32, #tpu.memory_space<hbm>>) target(%arg7 : memref<200x128xf32, #tpu.memory_space<vmem>>) target_semaphore(%run_scoped3A : memref<!tpu.dma_semaphore, #tpu.memory_space<semaphore_mem>>)
        %dma_wait3A = arith.constant 0 : i32
        %dma_wait3A_25 = tpu.memref_slice %arg2[%add3A_19, %dma_wait3A] : memref<57600x128xf32, #tpu.memory_space<hbm>> -> memref<200x128xf32, #tpu.memory_space<hbm>>
        %dma_wait3A_26 = arith.constant 0 : i32
        %dma_wait3A_27 = tpu.memref_slice %arg2[%add3A_19, %dma_wait3A_26] : memref<57600x128xf32, #tpu.memory_space<hbm>> -> memref<200x128xf32, #tpu.memory_space<hbm>>
        tpu.wait_dma2 semaphore(%run_scoped3A : memref<!tpu.dma_semaphore, #tpu.memory_space<semaphore_mem>>) src(%dma_wait3A_27 : memref<200x128xf32, #tpu.memory_space<hbm>>) dst(%arg7 : memref<200x128xf32, #tpu.memory_space<vmem>>)
        tpu.yield
      }) : () -> ()
      "tpu.region"() ({
        %run_scoped3A = tpu.sem_alloc : memref<!tpu.dma_semaphore, #tpu.memory_space<semaphore_mem>>
        %dma_start3A = arith.constant 0 : i32
        %dma_start3A_22 = arith.constant 0 : i32
        %dma_start3A_23 = tpu.memref_slice %arg8[%dma_start3A, %dma_start3A_22] : memref<10000x128xf32, #tpu.memory_space<vmem_shared>> -> memref<10000x128xf32, #tpu.memory_space<vmem_shared>>
        tpu.enqueue_indirect_dma source(%arg7 : memref<200x128xf32, #tpu.memory_space<vmem>>) target(%dma_start3A_23 : memref<10000x128xf32, #tpu.memory_space<vmem_shared>>) offsets(%arg6 : memref<200xi32, #tpu.memory_space<vmem>>) semaphore(%run_scoped3A : memref<!tpu.dma_semaphore, #tpu.memory_space<semaphore_mem>>) {add = true}
        %dma_wait3A = arith.constant 0 : i32
        %dma_wait3A_24 = arith.constant 0 : i32
        %dma_wait3A_25 = tpu.memref_slice %arg8[%dma_wait3A, %dma_wait3A_24] : memref<10000x128xf32, #tpu.memory_space<vmem_shared>> -> memref<10000x128xf32, #tpu.memory_space<vmem_shared>>
        tpu.wait_indirect_dma semaphore(%run_scoped3A : memref<!tpu.dma_semaphore, #tpu.memory_space<semaphore_mem>>) src(%arg7 : memref<200x128xf32, #tpu.memory_space<vmem>>) dst(%dma_wait3A_25 : memref<10000x128xf32, #tpu.memory_space<vmem_shared>>)
        tpu.yield
      }) : () -> ()
    }
    %scan3A_7 = arith.constant 9 : i32
    %barrier3A_8 = arith.constant 0 : index
    tpu.barrier barrier_id(%barrier3A_8)
    %eq3A_9 = arith.constant 0 : i32
    %eq3A_10 = arith.cmpi eq, %arg1, %eq3A_9 : i32
    %convert_element_type3A_11 = arith.extui %eq3A_10 : i1 to i32
    %cond3A_12 = arith.constant 0 : i32
    %cond3A_13 = arith.cmpi ne, %convert_element_type3A_11, %cond3A_12 : i32
    scf.if %cond3A_13 {
      "tpu.region"() ({
        %run_scoped3A = tpu.sem_alloc : memref<!tpu.dma_semaphore, #tpu.memory_space<semaphore_mem>>
        %dma_start3A = arith.constant 0 : i32
        %dma_start3A_14 = arith.constant 0 : i32
        %dma_start3A_15 = tpu.memref_slice %arg5[%arg0, %dma_start3A, %dma_start3A_14] : memref<2x10000x128xf32, #tpu.memory_space<hbm>> -> memref<1x10000x128xf32, #tpu.memory_space<hbm>>
        %dma_start3A_16 = tpu.memref_squeeze %dma_start3A_15 : memref<1x10000x128xf32, #tpu.memory_space<hbm>> -> memref<10000x128xf32, #tpu.memory_space<hbm>>
        tpu.enqueue_dma source(%arg8 : memref<10000x128xf32, #tpu.memory_space<vmem_shared>>) target(%dma_start3A_16 : memref<10000x128xf32, #tpu.memory_space<hbm>>) target_semaphore(%run_scoped3A : memref<!tpu.dma_semaphore, #tpu.memory_space<semaphore_mem>>)
        %dma_wait3A = arith.constant 0 : i32
        %dma_wait3A_17 = arith.constant 0 : i32
        %dma_wait3A_18 = tpu.memref_slice %arg5[%arg0, %dma_wait3A, %dma_wait3A_17] : memref<2x10000x128xf32, #tpu.memory_space<hbm>> -> memref<1x10000x128xf32, #tpu.memory_space<hbm>>
        %dma_wait3A_19 = tpu.memref_squeeze %dma_wait3A_18 : memref<1x10000x128xf32, #tpu.memory_space<hbm>> -> memref<10000x128xf32, #tpu.memory_space<hbm>>
        tpu.wait_dma2 semaphore(%run_scoped3A : memref<!tpu.dma_semaphore, #tpu.memory_space<semaphore_mem>>) src(%arg8 : memref<10000x128xf32, #tpu.memory_space<vmem_shared>>) dst(%dma_wait3A_19 : memref<10000x128xf32, #tpu.memory_space<hbm>>)
        tpu.yield
      }) : () -> ()
    } else {
    }
    return
  }
}

#map = affine_map<(d0, d1) -> (0, 0)>
#map1 = affine_map<(d0, d1) -> (0)>
#map2 = affine_map<(d0, d1) -> (0, 0, 0)>
module attributes {stable_mosaic.version = 14 : i64} {
  func.func @p4(%arg0: i32, %arg1: i32, %arg2: memref<51200x128xf32, #tpu.memory_space<hbm>>, %arg3: memref<160000xi32, #tpu.memory_space<hbm>>, %arg4: memref<10000x128xf32, #tpu.memory_space<hbm>>, %arg5: memref<2x10000x128xf32, #tpu.memory_space<hbm>>, %arg6: memref<200xi32, #tpu.memory_space<vmem>>, %arg7: memref<200x128xf32, #tpu.memory_space<vmem>>, %arg8: memref<10000x128xf32, #tpu.memory_space<vmem_shared>>, %arg9: memref<!tpu.dma_semaphore, #tpu.memory_space<semaphore_mem>>) attributes {dimension_semantics = [#tpu.dimension_semantics<core_parallel>, #tpu.dimension_semantics<subcore_parallel>], iteration_bounds = array<i64: 2, 16>, scalar_prefetch = 0 : i64, scratch_operands = 4 : i64, tpu.core_type = #tpu.core_type<sc_vector_subcore>, window_params = [{transform_indices = #map}, {transform_indices = #map1}, {transform_indices = #map}, {transform_indices = #map2}]} {
    %mul3A = arith.constant 2 : i32
    %mul3A_0 = arith.muli %arg1, %mul3A : i32
    %add3A = arith.addi %mul3A_0, %arg0 : i32
    %eq3A = arith.constant 0 : i32
    %eq3A_1 = arith.cmpi eq, %arg1, %eq3A : i32
    %convert_element_type3A = arith.extui %eq3A_1 : i1 to i32
    %cond3A = arith.constant 0 : i32
    %cond3A_2 = arith.cmpi ne, %convert_element_type3A, %cond3A : i32
    scf.if %cond3A_2 {
      "tpu.region"() ({
        %run_scoped3A = tpu.sem_alloc : memref<!tpu.dma_semaphore, #tpu.memory_space<semaphore_mem>>
        tpu.enqueue_dma source(%arg4 : memref<10000x128xf32, #tpu.memory_space<hbm>>) target(%arg8 : memref<10000x128xf32, #tpu.memory_space<vmem_shared>>) target_semaphore(%run_scoped3A : memref<!tpu.dma_semaphore, #tpu.memory_space<semaphore_mem>>)
        tpu.wait_dma2 semaphore(%run_scoped3A : memref<!tpu.dma_semaphore, #tpu.memory_space<semaphore_mem>>) src(%arg4 : memref<10000x128xf32, #tpu.memory_space<hbm>>) dst(%arg8 : memref<10000x128xf32, #tpu.memory_space<vmem_shared>>)
        tpu.yield
      }) : () -> ()
    } else {
    }
    %barrier3A = arith.constant 0 : index
    tpu.barrier barrier_id(%barrier3A)
    %scan3A = arith.constant 0 : i32
    %scan3A_3 = arith.constant 0 : i32
    %scan3A_4 = arith.constant 8 : i32
    %scan3A_5 = arith.addi %scan3A_3, %scan3A_4 : i32
    %scan3A_6 = arith.constant 1 : i32
    scf.for %scan3A_14 = %scan3A_3 to %scan3A_5 step %scan3A_6  : i32 {
      %mul3A_15 = arith.constant 1600 : i32
      %mul3A_16 = arith.muli %add3A, %mul3A_15 : i32
      %mul3A_17 = arith.constant 200 : i32
      %mul3A_18 = arith.muli %scan3A_14, %mul3A_17 : i32
      %add3A_19 = arith.addi %mul3A_16, %mul3A_18 : i32
      %add3A_20 = arith.constant 51200 : i32
      %add3A_21 = arith.addi %add3A_20, %add3A_19 : i32
      "tpu.region"() ({
        %run_scoped3A = tpu.sem_alloc : memref<!tpu.dma_semaphore, #tpu.memory_space<semaphore_mem>>
        %dma_start3A = tpu.memref_slice %arg3[%add3A_21] : memref<160000xi32, #tpu.memory_space<hbm>> -> memref<200xi32, #tpu.memory_space<hbm>>
        %dma_start3A_22 = tpu.memref_slice %arg3[%add3A_21] : memref<160000xi32, #tpu.memory_space<hbm>> -> memref<200xi32, #tpu.memory_space<hbm>>
        tpu.enqueue_dma source(%dma_start3A_22 : memref<200xi32, #tpu.memory_space<hbm>>) target(%arg6 : memref<200xi32, #tpu.memory_space<vmem>>) target_semaphore(%run_scoped3A : memref<!tpu.dma_semaphore, #tpu.memory_space<semaphore_mem>>)
        %dma_wait3A = tpu.memref_slice %arg3[%add3A_21] : memref<160000xi32, #tpu.memory_space<hbm>> -> memref<200xi32, #tpu.memory_space<hbm>>
        %dma_wait3A_23 = tpu.memref_slice %arg3[%add3A_21] : memref<160000xi32, #tpu.memory_space<hbm>> -> memref<200xi32, #tpu.memory_space<hbm>>
        tpu.wait_dma2 semaphore(%run_scoped3A : memref<!tpu.dma_semaphore, #tpu.memory_space<semaphore_mem>>) src(%dma_wait3A_23 : memref<200xi32, #tpu.memory_space<hbm>>) dst(%arg6 : memref<200xi32, #tpu.memory_space<vmem>>)
        tpu.yield
      }) : () -> ()
      "tpu.region"() ({
        %run_scoped3A = tpu.sem_alloc : memref<!tpu.dma_semaphore, #tpu.memory_space<semaphore_mem>>
        %dma_start3A = arith.constant 0 : i32
        %dma_start3A_22 = tpu.memref_slice %arg2[%add3A_19, %dma_start3A] : memref<51200x128xf32, #tpu.memory_space<hbm>> -> memref<200x128xf32, #tpu.memory_space<hbm>>
        %dma_start3A_23 = arith.constant 0 : i32
        %dma_start3A_24 = tpu.memref_slice %arg2[%add3A_19, %dma_start3A_23] : memref<51200x128xf32, #tpu.memory_space<hbm>> -> memref<200x128xf32, #tpu.memory_space<hbm>>
        tpu.enqueue_dma source(%dma_start3A_24 : memref<200x128xf32, #tpu.memory_space<hbm>>) target(%arg7 : memref<200x128xf32, #tpu.memory_space<vmem>>) target_semaphore(%run_scoped3A : memref<!tpu.dma_semaphore, #tpu.memory_space<semaphore_mem>>)
        %dma_wait3A = arith.constant 0 : i32
        %dma_wait3A_25 = tpu.memref_slice %arg2[%add3A_19, %dma_wait3A] : memref<51200x128xf32, #tpu.memory_space<hbm>> -> memref<200x128xf32, #tpu.memory_space<hbm>>
        %dma_wait3A_26 = arith.constant 0 : i32
        %dma_wait3A_27 = tpu.memref_slice %arg2[%add3A_19, %dma_wait3A_26] : memref<51200x128xf32, #tpu.memory_space<hbm>> -> memref<200x128xf32, #tpu.memory_space<hbm>>
        tpu.wait_dma2 semaphore(%run_scoped3A : memref<!tpu.dma_semaphore, #tpu.memory_space<semaphore_mem>>) src(%dma_wait3A_27 : memref<200x128xf32, #tpu.memory_space<hbm>>) dst(%arg7 : memref<200x128xf32, #tpu.memory_space<vmem>>)
        tpu.yield
      }) : () -> ()
      "tpu.region"() ({
        %run_scoped3A = tpu.sem_alloc : memref<!tpu.dma_semaphore, #tpu.memory_space<semaphore_mem>>
        %dma_start3A = arith.constant 0 : i32
        %dma_start3A_22 = arith.constant 0 : i32
        %dma_start3A_23 = tpu.memref_slice %arg8[%dma_start3A, %dma_start3A_22] : memref<10000x128xf32, #tpu.memory_space<vmem_shared>> -> memref<10000x128xf32, #tpu.memory_space<vmem_shared>>
        tpu.enqueue_indirect_dma source(%arg7 : memref<200x128xf32, #tpu.memory_space<vmem>>) target(%dma_start3A_23 : memref<10000x128xf32, #tpu.memory_space<vmem_shared>>) offsets(%arg6 : memref<200xi32, #tpu.memory_space<vmem>>) semaphore(%run_scoped3A : memref<!tpu.dma_semaphore, #tpu.memory_space<semaphore_mem>>) {add = true}
        %dma_wait3A = arith.constant 0 : i32
        %dma_wait3A_24 = arith.constant 0 : i32
        %dma_wait3A_25 = tpu.memref_slice %arg8[%dma_wait3A, %dma_wait3A_24] : memref<10000x128xf32, #tpu.memory_space<vmem_shared>> -> memref<10000x128xf32, #tpu.memory_space<vmem_shared>>
        tpu.wait_indirect_dma semaphore(%run_scoped3A : memref<!tpu.dma_semaphore, #tpu.memory_space<semaphore_mem>>) src(%arg7 : memref<200x128xf32, #tpu.memory_space<vmem>>) dst(%dma_wait3A_25 : memref<10000x128xf32, #tpu.memory_space<vmem_shared>>)
        tpu.yield
      }) : () -> ()
    }
    %scan3A_7 = arith.constant 8 : i32
    %barrier3A_8 = arith.constant 0 : index
    tpu.barrier barrier_id(%barrier3A_8)
    %eq3A_9 = arith.constant 0 : i32
    %eq3A_10 = arith.cmpi eq, %arg1, %eq3A_9 : i32
    %convert_element_type3A_11 = arith.extui %eq3A_10 : i1 to i32
    %cond3A_12 = arith.constant 0 : i32
    %cond3A_13 = arith.cmpi ne, %convert_element_type3A_11, %cond3A_12 : i32
    scf.if %cond3A_13 {
      "tpu.region"() ({
        %run_scoped3A = tpu.sem_alloc : memref<!tpu.dma_semaphore, #tpu.memory_space<semaphore_mem>>
        %dma_start3A = arith.constant 0 : i32
        %dma_start3A_14 = arith.constant 0 : i32
        %dma_start3A_15 = tpu.memref_slice %arg5[%arg0, %dma_start3A, %dma_start3A_14] : memref<2x10000x128xf32, #tpu.memory_space<hbm>> -> memref<1x10000x128xf32, #tpu.memory_space<hbm>>
        %dma_start3A_16 = tpu.memref_squeeze %dma_start3A_15 : memref<1x10000x128xf32, #tpu.memory_space<hbm>> -> memref<10000x128xf32, #tpu.memory_space<hbm>>
        tpu.enqueue_dma source(%arg8 : memref<10000x128xf32, #tpu.memory_space<vmem_shared>>) target(%dma_start3A_16 : memref<10000x128xf32, #tpu.memory_space<hbm>>) target_semaphore(%run_scoped3A : memref<!tpu.dma_semaphore, #tpu.memory_space<semaphore_mem>>)
        %dma_wait3A = arith.constant 0 : i32
        %dma_wait3A_17 = arith.constant 0 : i32
        %dma_wait3A_18 = tpu.memref_slice %arg5[%arg0, %dma_wait3A, %dma_wait3A_17] : memref<2x10000x128xf32, #tpu.memory_space<hbm>> -> memref<1x10000x128xf32, #tpu.memory_space<hbm>>
        %dma_wait3A_19 = tpu.memref_squeeze %dma_wait3A_18 : memref<1x10000x128xf32, #tpu.memory_space<hbm>> -> memref<10000x128xf32, #tpu.memory_space<hbm>>
        tpu.wait_dma2 semaphore(%run_scoped3A : memref<!tpu.dma_semaphore, #tpu.memory_space<semaphore_mem>>) src(%arg8 : memref<10000x128xf32, #tpu.memory_space<vmem_shared>>) dst(%dma_wait3A_19 : memref<10000x128xf32, #tpu.memory_space<hbm>>)
        tpu.yield
      }) : () -> ()
    } else {
    }
    return
  }
}

#map = affine_map<(d0, d1) -> (0, 0)>
#map1 = affine_map<(d0, d1) -> (0)>
#map2 = affine_map<(d0, d1) -> (0, 0, 0)>
module attributes {stable_mosaic.version = 14 : i64} {
  func.func @p4(%arg0: i32, %arg1: i32, %arg2: memref<51200x128xf32, #tpu.memory_space<hbm>>, %arg3: memref<160000xi32, #tpu.memory_space<hbm>>, %arg4: memref<10000x128xf32, #tpu.memory_space<hbm>>, %arg5: memref<2x10000x128xf32, #tpu.memory_space<hbm>>, %arg6: memref<200xi32, #tpu.memory_space<vmem>>, %arg7: memref<200x128xf32, #tpu.memory_space<vmem>>, %arg8: memref<10000x128xf32, #tpu.memory_space<vmem_shared>>, %arg9: memref<!tpu.dma_semaphore, #tpu.memory_space<semaphore_mem>>) attributes {dimension_semantics = [#tpu.dimension_semantics<core_parallel>, #tpu.dimension_semantics<subcore_parallel>], iteration_bounds = array<i64: 2, 16>, scalar_prefetch = 0 : i64, scratch_operands = 4 : i64, tpu.core_type = #tpu.core_type<sc_vector_subcore>, window_params = [{transform_indices = #map}, {transform_indices = #map1}, {transform_indices = #map}, {transform_indices = #map2}]} {
    %mul3A = arith.constant 2 : i32
    %mul3A_0 = arith.muli %arg1, %mul3A : i32
    %add3A = arith.addi %mul3A_0, %arg0 : i32
    %eq3A = arith.constant 0 : i32
    %eq3A_1 = arith.cmpi eq, %arg1, %eq3A : i32
    %convert_element_type3A = arith.extui %eq3A_1 : i1 to i32
    %cond3A = arith.constant 0 : i32
    %cond3A_2 = arith.cmpi ne, %convert_element_type3A, %cond3A : i32
    scf.if %cond3A_2 {
      "tpu.region"() ({
        %run_scoped3A = tpu.sem_alloc : memref<!tpu.dma_semaphore, #tpu.memory_space<semaphore_mem>>
        tpu.enqueue_dma source(%arg4 : memref<10000x128xf32, #tpu.memory_space<hbm>>) target(%arg8 : memref<10000x128xf32, #tpu.memory_space<vmem_shared>>) target_semaphore(%run_scoped3A : memref<!tpu.dma_semaphore, #tpu.memory_space<semaphore_mem>>)
        tpu.wait_dma2 semaphore(%run_scoped3A : memref<!tpu.dma_semaphore, #tpu.memory_space<semaphore_mem>>) src(%arg4 : memref<10000x128xf32, #tpu.memory_space<hbm>>) dst(%arg8 : memref<10000x128xf32, #tpu.memory_space<vmem_shared>>)
        tpu.yield
      }) : () -> ()
    } else {
    }
    %barrier3A = arith.constant 0 : index
    tpu.barrier barrier_id(%barrier3A)
    %scan3A = arith.constant 0 : i32
    %scan3A_3 = arith.constant 0 : i32
    %scan3A_4 = arith.constant 8 : i32
    %scan3A_5 = arith.addi %scan3A_3, %scan3A_4 : i32
    %scan3A_6 = arith.constant 1 : i32
    scf.for %scan3A_14 = %scan3A_3 to %scan3A_5 step %scan3A_6  : i32 {
      %mul3A_15 = arith.constant 1600 : i32
      %mul3A_16 = arith.muli %add3A, %mul3A_15 : i32
      %mul3A_17 = arith.constant 200 : i32
      %mul3A_18 = arith.muli %scan3A_14, %mul3A_17 : i32
      %add3A_19 = arith.addi %mul3A_16, %mul3A_18 : i32
      %add3A_20 = arith.constant 0 : i32
      %add3A_21 = arith.addi %add3A_20, %add3A_19 : i32
      "tpu.region"() ({
        %run_scoped3A = tpu.sem_alloc : memref<!tpu.dma_semaphore, #tpu.memory_space<semaphore_mem>>
        %dma_start3A = tpu.memref_slice %arg3[%add3A_21] : memref<160000xi32, #tpu.memory_space<hbm>> -> memref<200xi32, #tpu.memory_space<hbm>>
        %dma_start3A_22 = tpu.memref_slice %arg3[%add3A_21] : memref<160000xi32, #tpu.memory_space<hbm>> -> memref<200xi32, #tpu.memory_space<hbm>>
        tpu.enqueue_dma source(%dma_start3A_22 : memref<200xi32, #tpu.memory_space<hbm>>) target(%arg6 : memref<200xi32, #tpu.memory_space<vmem>>) target_semaphore(%run_scoped3A : memref<!tpu.dma_semaphore, #tpu.memory_space<semaphore_mem>>)
        %dma_wait3A = tpu.memref_slice %arg3[%add3A_21] : memref<160000xi32, #tpu.memory_space<hbm>> -> memref<200xi32, #tpu.memory_space<hbm>>
        %dma_wait3A_23 = tpu.memref_slice %arg3[%add3A_21] : memref<160000xi32, #tpu.memory_space<hbm>> -> memref<200xi32, #tpu.memory_space<hbm>>
        tpu.wait_dma2 semaphore(%run_scoped3A : memref<!tpu.dma_semaphore, #tpu.memory_space<semaphore_mem>>) src(%dma_wait3A_23 : memref<200xi32, #tpu.memory_space<hbm>>) dst(%arg6 : memref<200xi32, #tpu.memory_space<vmem>>)
        tpu.yield
      }) : () -> ()
      "tpu.region"() ({
        %run_scoped3A = tpu.sem_alloc : memref<!tpu.dma_semaphore, #tpu.memory_space<semaphore_mem>>
        %dma_start3A = arith.constant 0 : i32
        %dma_start3A_22 = tpu.memref_slice %arg2[%add3A_19, %dma_start3A] : memref<51200x128xf32, #tpu.memory_space<hbm>> -> memref<200x128xf32, #tpu.memory_space<hbm>>
        %dma_start3A_23 = arith.constant 0 : i32
        %dma_start3A_24 = tpu.memref_slice %arg2[%add3A_19, %dma_start3A_23] : memref<51200x128xf32, #tpu.memory_space<hbm>> -> memref<200x128xf32, #tpu.memory_space<hbm>>
        tpu.enqueue_dma source(%dma_start3A_24 : memref<200x128xf32, #tpu.memory_space<hbm>>) target(%arg7 : memref<200x128xf32, #tpu.memory_space<vmem>>) target_semaphore(%run_scoped3A : memref<!tpu.dma_semaphore, #tpu.memory_space<semaphore_mem>>)
        %dma_wait3A = arith.constant 0 : i32
        %dma_wait3A_25 = tpu.memref_slice %arg2[%add3A_19, %dma_wait3A] : memref<51200x128xf32, #tpu.memory_space<hbm>> -> memref<200x128xf32, #tpu.memory_space<hbm>>
        %dma_wait3A_26 = arith.constant 0 : i32
        %dma_wait3A_27 = tpu.memref_slice %arg2[%add3A_19, %dma_wait3A_26] : memref<51200x128xf32, #tpu.memory_space<hbm>> -> memref<200x128xf32, #tpu.memory_space<hbm>>
        tpu.wait_dma2 semaphore(%run_scoped3A : memref<!tpu.dma_semaphore, #tpu.memory_space<semaphore_mem>>) src(%dma_wait3A_27 : memref<200x128xf32, #tpu.memory_space<hbm>>) dst(%arg7 : memref<200x128xf32, #tpu.memory_space<vmem>>)
        tpu.yield
      }) : () -> ()
      "tpu.region"() ({
        %run_scoped3A = tpu.sem_alloc : memref<!tpu.dma_semaphore, #tpu.memory_space<semaphore_mem>>
        %dma_start3A = arith.constant 0 : i32
        %dma_start3A_22 = arith.constant 0 : i32
        %dma_start3A_23 = tpu.memref_slice %arg8[%dma_start3A, %dma_start3A_22] : memref<10000x128xf32, #tpu.memory_space<vmem_shared>> -> memref<10000x128xf32, #tpu.memory_space<vmem_shared>>
        tpu.enqueue_indirect_dma source(%arg7 : memref<200x128xf32, #tpu.memory_space<vmem>>) target(%dma_start3A_23 : memref<10000x128xf32, #tpu.memory_space<vmem_shared>>) offsets(%arg6 : memref<200xi32, #tpu.memory_space<vmem>>) semaphore(%run_scoped3A : memref<!tpu.dma_semaphore, #tpu.memory_space<semaphore_mem>>) {add = true}
        %dma_wait3A = arith.constant 0 : i32
        %dma_wait3A_24 = arith.constant 0 : i32
        %dma_wait3A_25 = tpu.memref_slice %arg8[%dma_wait3A, %dma_wait3A_24] : memref<10000x128xf32, #tpu.memory_space<vmem_shared>> -> memref<10000x128xf32, #tpu.memory_space<vmem_shared>>
        tpu.wait_indirect_dma semaphore(%run_scoped3A : memref<!tpu.dma_semaphore, #tpu.memory_space<semaphore_mem>>) src(%arg7 : memref<200x128xf32, #tpu.memory_space<vmem>>) dst(%dma_wait3A_25 : memref<10000x128xf32, #tpu.memory_space<vmem_shared>>)
        tpu.yield
      }) : () -> ()
    }
    %scan3A_7 = arith.constant 8 : i32
    %barrier3A_8 = arith.constant 0 : index
    tpu.barrier barrier_id(%barrier3A_8)
    %eq3A_9 = arith.constant 0 : i32
    %eq3A_10 = arith.cmpi eq, %arg1, %eq3A_9 : i32
    %convert_element_type3A_11 = arith.extui %eq3A_10 : i1 to i32
    %cond3A_12 = arith.constant 0 : i32
    %cond3A_13 = arith.cmpi ne, %convert_element_type3A_11, %cond3A_12 : i32
    scf.if %cond3A_13 {
      "tpu.region"() ({
        %run_scoped3A = tpu.sem_alloc : memref<!tpu.dma_semaphore, #tpu.memory_space<semaphore_mem>>
        %dma_start3A = arith.constant 0 : i32
        %dma_start3A_14 = arith.constant 0 : i32
        %dma_start3A_15 = tpu.memref_slice %arg5[%arg0, %dma_start3A, %dma_start3A_14] : memref<2x10000x128xf32, #tpu.memory_space<hbm>> -> memref<1x10000x128xf32, #tpu.memory_space<hbm>>
        %dma_start3A_16 = tpu.memref_squeeze %dma_start3A_15 : memref<1x10000x128xf32, #tpu.memory_space<hbm>> -> memref<10000x128xf32, #tpu.memory_space<hbm>>
        tpu.enqueue_dma source(%arg8 : memref<10000x128xf32, #tpu.memory_space<vmem_shared>>) target(%dma_start3A_16 : memref<10000x128xf32, #tpu.memory_space<hbm>>) target_semaphore(%run_scoped3A : memref<!tpu.dma_semaphore, #tpu.memory_space<semaphore_mem>>)
        %dma_wait3A = arith.constant 0 : i32
        %dma_wait3A_17 = arith.constant 0 : i32
        %dma_wait3A_18 = tpu.memref_slice %arg5[%arg0, %dma_wait3A, %dma_wait3A_17] : memref<2x10000x128xf32, #tpu.memory_space<hbm>> -> memref<1x10000x128xf32, #tpu.memory_space<hbm>>
        %dma_wait3A_19 = tpu.memref_squeeze %dma_wait3A_18 : memref<1x10000x128xf32, #tpu.memory_space<hbm>> -> memref<10000x128xf32, #tpu.memory_space<hbm>>
        tpu.wait_dma2 semaphore(%run_scoped3A : memref<!tpu.dma_semaphore, #tpu.memory_space<semaphore_mem>>) src(%arg8 : memref<10000x128xf32, #tpu.memory_space<vmem_shared>>) dst(%dma_wait3A_19 : memref<10000x128xf32, #tpu.memory_space<hbm>>)
        tpu.yield
      }) : () -> ()
    } else {
    }
    return
  }
}

#map = affine_map<(d0, d1) -> (0, 0)>
#map1 = affine_map<(d0, d1) -> (0)>
#map2 = affine_map<(d0, d1) -> (0, 0, 0)>
module attributes {stable_mosaic.version = 14 : i64} {
  func.func @p4(%arg0: i32, %arg1: i32, %arg2: memref<51200x128xf32, #tpu.memory_space<hbm>>, %arg3: memref<160000xi32, #tpu.memory_space<hbm>>, %arg4: memref<10000x128xf32, #tpu.memory_space<hbm>>, %arg5: memref<2x10000x128xf32, #tpu.memory_space<hbm>>, %arg6: memref<200xi32, #tpu.memory_space<vmem>>, %arg7: memref<200x128xf32, #tpu.memory_space<vmem>>, %arg8: memref<10000x128xf32, #tpu.memory_space<vmem_shared>>, %arg9: memref<!tpu.dma_semaphore, #tpu.memory_space<semaphore_mem>>) attributes {dimension_semantics = [#tpu.dimension_semantics<core_parallel>, #tpu.dimension_semantics<subcore_parallel>], iteration_bounds = array<i64: 2, 16>, scalar_prefetch = 0 : i64, scratch_operands = 4 : i64, tpu.core_type = #tpu.core_type<sc_vector_subcore>, window_params = [{transform_indices = #map}, {transform_indices = #map1}, {transform_indices = #map}, {transform_indices = #map2}]} {
    %mul3A = arith.constant 2 : i32
    %mul3A_0 = arith.muli %arg1, %mul3A : i32
    %add3A = arith.addi %mul3A_0, %arg0 : i32
    %eq3A = arith.constant 0 : i32
    %eq3A_1 = arith.cmpi eq, %arg1, %eq3A : i32
    %convert_element_type3A = arith.extui %eq3A_1 : i1 to i32
    %cond3A = arith.constant 0 : i32
    %cond3A_2 = arith.cmpi ne, %convert_element_type3A, %cond3A : i32
    scf.if %cond3A_2 {
      "tpu.region"() ({
        %run_scoped3A = tpu.sem_alloc : memref<!tpu.dma_semaphore, #tpu.memory_space<semaphore_mem>>
        tpu.enqueue_dma source(%arg4 : memref<10000x128xf32, #tpu.memory_space<hbm>>) target(%arg8 : memref<10000x128xf32, #tpu.memory_space<vmem_shared>>) target_semaphore(%run_scoped3A : memref<!tpu.dma_semaphore, #tpu.memory_space<semaphore_mem>>)
        tpu.wait_dma2 semaphore(%run_scoped3A : memref<!tpu.dma_semaphore, #tpu.memory_space<semaphore_mem>>) src(%arg4 : memref<10000x128xf32, #tpu.memory_space<hbm>>) dst(%arg8 : memref<10000x128xf32, #tpu.memory_space<vmem_shared>>)
        tpu.yield
      }) : () -> ()
    } else {
    }
    %barrier3A = arith.constant 0 : index
    tpu.barrier barrier_id(%barrier3A)
    %scan3A = arith.constant 0 : i32
    %scan3A_3 = arith.constant 0 : i32
    %scan3A_4 = arith.constant 8 : i32
    %scan3A_5 = arith.addi %scan3A_3, %scan3A_4 : i32
    %scan3A_6 = arith.constant 1 : i32
    scf.for %scan3A_14 = %scan3A_3 to %scan3A_5 step %scan3A_6  : i32 {
      %mul3A_15 = arith.constant 1600 : i32
      %mul3A_16 = arith.muli %add3A, %mul3A_15 : i32
      %mul3A_17 = arith.constant 200 : i32
      %mul3A_18 = arith.muli %scan3A_14, %mul3A_17 : i32
      %add3A_19 = arith.addi %mul3A_16, %mul3A_18 : i32
      %add3A_20 = arith.constant 0 : i32
      %add3A_21 = arith.addi %add3A_20, %add3A_19 : i32
      "tpu.region"() ({
        %run_scoped3A = tpu.sem_alloc : memref<!tpu.dma_semaphore, #tpu.memory_space<semaphore_mem>>
        %dma_start3A = tpu.memref_slice %arg3[%add3A_21] : memref<160000xi32, #tpu.memory_space<hbm>> -> memref<200xi32, #tpu.memory_space<hbm>>
        %dma_start3A_22 = tpu.memref_slice %arg3[%add3A_21] : memref<160000xi32, #tpu.memory_space<hbm>> -> memref<200xi32, #tpu.memory_space<hbm>>
        tpu.enqueue_dma source(%dma_start3A_22 : memref<200xi32, #tpu.memory_space<hbm>>) target(%arg6 : memref<200xi32, #tpu.memory_space<vmem>>) target_semaphore(%run_scoped3A : memref<!tpu.dma_semaphore, #tpu.memory_space<semaphore_mem>>)
        %dma_wait3A = tpu.memref_slice %arg3[%add3A_21] : memref<160000xi32, #tpu.memory_space<hbm>> -> memref<200xi32, #tpu.memory_space<hbm>>
        %dma_wait3A_23 = tpu.memref_slice %arg3[%add3A_21] : memref<160000xi32, #tpu.memory_space<hbm>> -> memref<200xi32, #tpu.memory_space<hbm>>
        tpu.wait_dma2 semaphore(%run_scoped3A : memref<!tpu.dma_semaphore, #tpu.memory_space<semaphore_mem>>) src(%dma_wait3A_23 : memref<200xi32, #tpu.memory_space<hbm>>) dst(%arg6 : memref<200xi32, #tpu.memory_space<vmem>>)
        tpu.yield
      }) : () -> ()
      "tpu.region"() ({
        %run_scoped3A = tpu.sem_alloc : memref<!tpu.dma_semaphore, #tpu.memory_space<semaphore_mem>>
        %dma_start3A = arith.constant 0 : i32
        %dma_start3A_22 = tpu.memref_slice %arg2[%add3A_19, %dma_start3A] : memref<51200x128xf32, #tpu.memory_space<hbm>> -> memref<200x128xf32, #tpu.memory_space<hbm>>
        %dma_start3A_23 = arith.constant 0 : i32
        %dma_start3A_24 = tpu.memref_slice %arg2[%add3A_19, %dma_start3A_23] : memref<51200x128xf32, #tpu.memory_space<hbm>> -> memref<200x128xf32, #tpu.memory_space<hbm>>
        tpu.enqueue_dma source(%dma_start3A_24 : memref<200x128xf32, #tpu.memory_space<hbm>>) target(%arg7 : memref<200x128xf32, #tpu.memory_space<vmem>>) target_semaphore(%run_scoped3A : memref<!tpu.dma_semaphore, #tpu.memory_space<semaphore_mem>>)
        %dma_wait3A = arith.constant 0 : i32
        %dma_wait3A_25 = tpu.memref_slice %arg2[%add3A_19, %dma_wait3A] : memref<51200x128xf32, #tpu.memory_space<hbm>> -> memref<200x128xf32, #tpu.memory_space<hbm>>
        %dma_wait3A_26 = arith.constant 0 : i32
        %dma_wait3A_27 = tpu.memref_slice %arg2[%add3A_19, %dma_wait3A_26] : memref<51200x128xf32, #tpu.memory_space<hbm>> -> memref<200x128xf32, #tpu.memory_space<hbm>>
        tpu.wait_dma2 semaphore(%run_scoped3A : memref<!tpu.dma_semaphore, #tpu.memory_space<semaphore_mem>>) src(%dma_wait3A_27 : memref<200x128xf32, #tpu.memory_space<hbm>>) dst(%arg7 : memref<200x128xf32, #tpu.memory_space<vmem>>)
        tpu.yield
      }) : () -> ()
      "tpu.region"() ({
        %run_scoped3A = tpu.sem_alloc : memref<!tpu.dma_semaphore, #tpu.memory_space<semaphore_mem>>
        %dma_start3A = arith.constant 0 : i32
        %dma_start3A_22 = arith.constant 0 : i32
        %dma_start3A_23 = tpu.memref_slice %arg8[%dma_start3A, %dma_start3A_22] : memref<10000x128xf32, #tpu.memory_space<vmem_shared>> -> memref<10000x128xf32, #tpu.memory_space<vmem_shared>>
        tpu.enqueue_indirect_dma source(%arg7 : memref<200x128xf32, #tpu.memory_space<vmem>>) target(%dma_start3A_23 : memref<10000x128xf32, #tpu.memory_space<vmem_shared>>) offsets(%arg6 : memref<200xi32, #tpu.memory_space<vmem>>) semaphore(%run_scoped3A : memref<!tpu.dma_semaphore, #tpu.memory_space<semaphore_mem>>) {add = true}
        %dma_wait3A = arith.constant 0 : i32
        %dma_wait3A_24 = arith.constant 0 : i32
        %dma_wait3A_25 = tpu.memref_slice %arg8[%dma_wait3A, %dma_wait3A_24] : memref<10000x128xf32, #tpu.memory_space<vmem_shared>> -> memref<10000x128xf32, #tpu.memory_space<vmem_shared>>
        tpu.wait_indirect_dma semaphore(%run_scoped3A : memref<!tpu.dma_semaphore, #tpu.memory_space<semaphore_mem>>) src(%arg7 : memref<200x128xf32, #tpu.memory_space<vmem>>) dst(%dma_wait3A_25 : memref<10000x128xf32, #tpu.memory_space<vmem_shared>>)
        tpu.yield
      }) : () -> ()
    }
    %scan3A_7 = arith.constant 8 : i32
    %barrier3A_8 = arith.constant 0 : index
    tpu.barrier barrier_id(%barrier3A_8)
    %eq3A_9 = arith.constant 0 : i32
    %eq3A_10 = arith.cmpi eq, %arg1, %eq3A_9 : i32
    %convert_element_type3A_11 = arith.extui %eq3A_10 : i1 to i32
    %cond3A_12 = arith.constant 0 : i32
    %cond3A_13 = arith.cmpi ne, %convert_element_type3A_11, %cond3A_12 : i32
    scf.if %cond3A_13 {
      "tpu.region"() ({
        %run_scoped3A = tpu.sem_alloc : memref<!tpu.dma_semaphore, #tpu.memory_space<semaphore_mem>>
        %dma_start3A = arith.constant 0 : i32
        %dma_start3A_14 = arith.constant 0 : i32
        %dma_start3A_15 = tpu.memref_slice %arg5[%arg0, %dma_start3A, %dma_start3A_14] : memref<2x10000x128xf32, #tpu.memory_space<hbm>> -> memref<1x10000x128xf32, #tpu.memory_space<hbm>>
        %dma_start3A_16 = tpu.memref_squeeze %dma_start3A_15 : memref<1x10000x128xf32, #tpu.memory_space<hbm>> -> memref<10000x128xf32, #tpu.memory_space<hbm>>
        tpu.enqueue_dma source(%arg8 : memref<10000x128xf32, #tpu.memory_space<vmem_shared>>) target(%dma_start3A_16 : memref<10000x128xf32, #tpu.memory_space<hbm>>) target_semaphore(%run_scoped3A : memref<!tpu.dma_semaphore, #tpu.memory_space<semaphore_mem>>)
        %dma_wait3A = arith.constant 0 : i32
        %dma_wait3A_17 = arith.constant 0 : i32
        %dma_wait3A_18 = tpu.memref_slice %arg5[%arg0, %dma_wait3A, %dma_wait3A_17] : memref<2x10000x128xf32, #tpu.memory_space<hbm>> -> memref<1x10000x128xf32, #tpu.memory_space<hbm>>
        %dma_wait3A_19 = tpu.memref_squeeze %dma_wait3A_18 : memref<1x10000x128xf32, #tpu.memory_space<hbm>> -> memref<10000x128xf32, #tpu.memory_space<hbm>>
        tpu.wait_dma2 semaphore(%run_scoped3A : memref<!tpu.dma_semaphore, #tpu.memory_space<semaphore_mem>>) src(%arg8 : memref<10000x128xf32, #tpu.memory_space<vmem_shared>>) dst(%dma_wait3A_19 : memref<10000x128xf32, #tpu.memory_space<hbm>>)
        tpu.yield
      }) : () -> ()
    } else {
    }
    return
  }
}

#map = affine_map<(d0, d1) -> (0, 0)>
#map1 = affine_map<(d0, d1) -> (0)>
#map2 = affine_map<(d0, d1) -> (0, 0, 0)>
module attributes {stable_mosaic.version = 14 : i64} {
  func.func @p4(%arg0: i32, %arg1: i32, %arg2: memref<51200x128xf32, #tpu.memory_space<hbm>>, %arg3: memref<160000xi32, #tpu.memory_space<hbm>>, %arg4: memref<10000x128xf32, #tpu.memory_space<hbm>>, %arg5: memref<2x10000x128xf32, #tpu.memory_space<hbm>>, %arg6: memref<200xi32, #tpu.memory_space<vmem>>, %arg7: memref<200x128xf32, #tpu.memory_space<vmem>>, %arg8: memref<10000x128xf32, #tpu.memory_space<vmem_shared>>, %arg9: memref<!tpu.dma_semaphore, #tpu.memory_space<semaphore_mem>>) attributes {dimension_semantics = [#tpu.dimension_semantics<core_parallel>, #tpu.dimension_semantics<subcore_parallel>], iteration_bounds = array<i64: 2, 16>, scalar_prefetch = 0 : i64, scratch_operands = 4 : i64, tpu.core_type = #tpu.core_type<sc_vector_subcore>, window_params = [{transform_indices = #map}, {transform_indices = #map1}, {transform_indices = #map}, {transform_indices = #map2}]} {
    %mul3A = arith.constant 2 : i32
    %mul3A_0 = arith.muli %arg1, %mul3A : i32
    %add3A = arith.addi %mul3A_0, %arg0 : i32
    %eq3A = arith.constant 0 : i32
    %eq3A_1 = arith.cmpi eq, %arg1, %eq3A : i32
    %convert_element_type3A = arith.extui %eq3A_1 : i1 to i32
    %cond3A = arith.constant 0 : i32
    %cond3A_2 = arith.cmpi ne, %convert_element_type3A, %cond3A : i32
    scf.if %cond3A_2 {
      "tpu.region"() ({
        %run_scoped3A = tpu.sem_alloc : memref<!tpu.dma_semaphore, #tpu.memory_space<semaphore_mem>>
        tpu.enqueue_dma source(%arg4 : memref<10000x128xf32, #tpu.memory_space<hbm>>) target(%arg8 : memref<10000x128xf32, #tpu.memory_space<vmem_shared>>) target_semaphore(%run_scoped3A : memref<!tpu.dma_semaphore, #tpu.memory_space<semaphore_mem>>)
        tpu.wait_dma2 semaphore(%run_scoped3A : memref<!tpu.dma_semaphore, #tpu.memory_space<semaphore_mem>>) src(%arg4 : memref<10000x128xf32, #tpu.memory_space<hbm>>) dst(%arg8 : memref<10000x128xf32, #tpu.memory_space<vmem_shared>>)
        tpu.yield
      }) : () -> ()
    } else {
    }
    %barrier3A = arith.constant 0 : index
    tpu.barrier barrier_id(%barrier3A)
    %scan3A = arith.constant 0 : i32
    %scan3A_3 = arith.constant 0 : i32
    %scan3A_4 = arith.constant 8 : i32
    %scan3A_5 = arith.addi %scan3A_3, %scan3A_4 : i32
    %scan3A_6 = arith.constant 1 : i32
    scf.for %scan3A_14 = %scan3A_3 to %scan3A_5 step %scan3A_6  : i32 {
      %mul3A_15 = arith.constant 1600 : i32
      %mul3A_16 = arith.muli %add3A, %mul3A_15 : i32
      %mul3A_17 = arith.constant 200 : i32
      %mul3A_18 = arith.muli %scan3A_14, %mul3A_17 : i32
      %add3A_19 = arith.addi %mul3A_16, %mul3A_18 : i32
      %add3A_20 = arith.constant 51200 : i32
      %add3A_21 = arith.addi %add3A_20, %add3A_19 : i32
      "tpu.region"() ({
        %run_scoped3A = tpu.sem_alloc : memref<!tpu.dma_semaphore, #tpu.memory_space<semaphore_mem>>
        %dma_start3A = tpu.memref_slice %arg3[%add3A_21] : memref<160000xi32, #tpu.memory_space<hbm>> -> memref<200xi32, #tpu.memory_space<hbm>>
        %dma_start3A_22 = tpu.memref_slice %arg3[%add3A_21] : memref<160000xi32, #tpu.memory_space<hbm>> -> memref<200xi32, #tpu.memory_space<hbm>>
        tpu.enqueue_dma source(%dma_start3A_22 : memref<200xi32, #tpu.memory_space<hbm>>) target(%arg6 : memref<200xi32, #tpu.memory_space<vmem>>) target_semaphore(%run_scoped3A : memref<!tpu.dma_semaphore, #tpu.memory_space<semaphore_mem>>)
        %dma_wait3A = tpu.memref_slice %arg3[%add3A_21] : memref<160000xi32, #tpu.memory_space<hbm>> -> memref<200xi32, #tpu.memory_space<hbm>>
        %dma_wait3A_23 = tpu.memref_slice %arg3[%add3A_21] : memref<160000xi32, #tpu.memory_space<hbm>> -> memref<200xi32, #tpu.memory_space<hbm>>
        tpu.wait_dma2 semaphore(%run_scoped3A : memref<!tpu.dma_semaphore, #tpu.memory_space<semaphore_mem>>) src(%dma_wait3A_23 : memref<200xi32, #tpu.memory_space<hbm>>) dst(%arg6 : memref<200xi32, #tpu.memory_space<vmem>>)
        tpu.yield
      }) : () -> ()
      "tpu.region"() ({
        %run_scoped3A = tpu.sem_alloc : memref<!tpu.dma_semaphore, #tpu.memory_space<semaphore_mem>>
        %dma_start3A = arith.constant 0 : i32
        %dma_start3A_22 = tpu.memref_slice %arg2[%add3A_19, %dma_start3A] : memref<51200x128xf32, #tpu.memory_space<hbm>> -> memref<200x128xf32, #tpu.memory_space<hbm>>
        %dma_start3A_23 = arith.constant 0 : i32
        %dma_start3A_24 = tpu.memref_slice %arg2[%add3A_19, %dma_start3A_23] : memref<51200x128xf32, #tpu.memory_space<hbm>> -> memref<200x128xf32, #tpu.memory_space<hbm>>
        tpu.enqueue_dma source(%dma_start3A_24 : memref<200x128xf32, #tpu.memory_space<hbm>>) target(%arg7 : memref<200x128xf32, #tpu.memory_space<vmem>>) target_semaphore(%run_scoped3A : memref<!tpu.dma_semaphore, #tpu.memory_space<semaphore_mem>>)
        %dma_wait3A = arith.constant 0 : i32
        %dma_wait3A_25 = tpu.memref_slice %arg2[%add3A_19, %dma_wait3A] : memref<51200x128xf32, #tpu.memory_space<hbm>> -> memref<200x128xf32, #tpu.memory_space<hbm>>
        %dma_wait3A_26 = arith.constant 0 : i32
        %dma_wait3A_27 = tpu.memref_slice %arg2[%add3A_19, %dma_wait3A_26] : memref<51200x128xf32, #tpu.memory_space<hbm>> -> memref<200x128xf32, #tpu.memory_space<hbm>>
        tpu.wait_dma2 semaphore(%run_scoped3A : memref<!tpu.dma_semaphore, #tpu.memory_space<semaphore_mem>>) src(%dma_wait3A_27 : memref<200x128xf32, #tpu.memory_space<hbm>>) dst(%arg7 : memref<200x128xf32, #tpu.memory_space<vmem>>)
        tpu.yield
      }) : () -> ()
      "tpu.region"() ({
        %run_scoped3A = tpu.sem_alloc : memref<!tpu.dma_semaphore, #tpu.memory_space<semaphore_mem>>
        %dma_start3A = arith.constant 0 : i32
        %dma_start3A_22 = arith.constant 0 : i32
        %dma_start3A_23 = tpu.memref_slice %arg8[%dma_start3A, %dma_start3A_22] : memref<10000x128xf32, #tpu.memory_space<vmem_shared>> -> memref<10000x128xf32, #tpu.memory_space<vmem_shared>>
        tpu.enqueue_indirect_dma source(%arg7 : memref<200x128xf32, #tpu.memory_space<vmem>>) target(%dma_start3A_23 : memref<10000x128xf32, #tpu.memory_space<vmem_shared>>) offsets(%arg6 : memref<200xi32, #tpu.memory_space<vmem>>) semaphore(%run_scoped3A : memref<!tpu.dma_semaphore, #tpu.memory_space<semaphore_mem>>) {add = true}
        %dma_wait3A = arith.constant 0 : i32
        %dma_wait3A_24 = arith.constant 0 : i32
        %dma_wait3A_25 = tpu.memref_slice %arg8[%dma_wait3A, %dma_wait3A_24] : memref<10000x128xf32, #tpu.memory_space<vmem_shared>> -> memref<10000x128xf32, #tpu.memory_space<vmem_shared>>
        tpu.wait_indirect_dma semaphore(%run_scoped3A : memref<!tpu.dma_semaphore, #tpu.memory_space<semaphore_mem>>) src(%arg7 : memref<200x128xf32, #tpu.memory_space<vmem>>) dst(%dma_wait3A_25 : memref<10000x128xf32, #tpu.memory_space<vmem_shared>>)
        tpu.yield
      }) : () -> ()
    }
    %scan3A_7 = arith.constant 8 : i32
    %barrier3A_8 = arith.constant 0 : index
    tpu.barrier barrier_id(%barrier3A_8)
    %eq3A_9 = arith.constant 0 : i32
    %eq3A_10 = arith.cmpi eq, %arg1, %eq3A_9 : i32
    %convert_element_type3A_11 = arith.extui %eq3A_10 : i1 to i32
    %cond3A_12 = arith.constant 0 : i32
    %cond3A_13 = arith.cmpi ne, %convert_element_type3A_11, %cond3A_12 : i32
    scf.if %cond3A_13 {
      "tpu.region"() ({
        %run_scoped3A = tpu.sem_alloc : memref<!tpu.dma_semaphore, #tpu.memory_space<semaphore_mem>>
        %dma_start3A = arith.constant 0 : i32
        %dma_start3A_14 = arith.constant 0 : i32
        %dma_start3A_15 = tpu.memref_slice %arg5[%arg0, %dma_start3A, %dma_start3A_14] : memref<2x10000x128xf32, #tpu.memory_space<hbm>> -> memref<1x10000x128xf32, #tpu.memory_space<hbm>>
        %dma_start3A_16 = tpu.memref_squeeze %dma_start3A_15 : memref<1x10000x128xf32, #tpu.memory_space<hbm>> -> memref<10000x128xf32, #tpu.memory_space<hbm>>
        tpu.enqueue_dma source(%arg8 : memref<10000x128xf32, #tpu.memory_space<vmem_shared>>) target(%dma_start3A_16 : memref<10000x128xf32, #tpu.memory_space<hbm>>) target_semaphore(%run_scoped3A : memref<!tpu.dma_semaphore, #tpu.memory_space<semaphore_mem>>)
        %dma_wait3A = arith.constant 0 : i32
        %dma_wait3A_17 = arith.constant 0 : i32
        %dma_wait3A_18 = tpu.memref_slice %arg5[%arg0, %dma_wait3A, %dma_wait3A_17] : memref<2x10000x128xf32, #tpu.memory_space<hbm>> -> memref<1x10000x128xf32, #tpu.memory_space<hbm>>
        %dma_wait3A_19 = tpu.memref_squeeze %dma_wait3A_18 : memref<1x10000x128xf32, #tpu.memory_space<hbm>> -> memref<10000x128xf32, #tpu.memory_space<hbm>>
        tpu.wait_dma2 semaphore(%run_scoped3A : memref<!tpu.dma_semaphore, #tpu.memory_space<semaphore_mem>>) src(%arg8 : memref<10000x128xf32, #tpu.memory_space<vmem_shared>>) dst(%dma_wait3A_19 : memref<10000x128xf32, #tpu.memory_space<hbm>>)
        tpu.yield
      }) : () -> ()
    } else {
    }
    return
  }
}

module attributes {stable_mosaic.version = 14 : i64} {
  func.func @_p1_body(%arg0: i32, %arg1: memref<400x128xf32, #tpu.memory_space<vmem>>, %arg2: memref<400x72xf32, #tpu.memory_space<vmem>>, %arg3: memref<128x128xf32, #tpu.memory_space<vmem>>, %arg4: memref<1x128xf32, #tpu.memory_space<vmem>>, %arg5: memref<128x344xf32, #tpu.memory_space<vmem>>, %arg6: memref<1x344xf32, #tpu.memory_space<vmem>>, %arg7: memref<128x128xf32, #tpu.memory_space<vmem>>, %arg8: memref<400x256xi32, #tpu.memory_space<vmem>>, %arg9: memref<400x128xi32, #tpu.memory_space<vmem>>) attributes {dimension_semantics = [#tpu.dimension_semantics<arbitrary>], iteration_bounds = array<i64: 25>, scalar_prefetch = 0 : i64, scratch_operands = 0 : i64, tpu.core_type = #tpu.core_type<tc>, window_params = [{transform_indices = @transform_0, window_bounds = array<i64: 400, 128>}, {transform_indices = @transform_1, window_bounds = array<i64: 400, 72>}, {pipeline_mode = #tpu.pipeline_mode<synchronous>, transform_indices = @transform_2, window_bounds = array<i64: 128, 128>}, {pipeline_mode = #tpu.pipeline_mode<synchronous>, transform_indices = @transform_3, window_bounds = array<i64: 1, 128>}, {pipeline_mode = #tpu.pipeline_mode<synchronous>, transform_indices = @transform_4, window_bounds = array<i64: 128, 344>}, {pipeline_mode = #tpu.pipeline_mode<synchronous>, transform_indices = @transform_5, window_bounds = array<i64: 1, 344>}, {pipeline_mode = #tpu.pipeline_mode<synchronous>, transform_indices = @transform_6, window_bounds = array<i64: 128, 128>}, {transform_indices = @transform_7, window_bounds = array<i64: 400, 256>}, {transform_indices = @transform_8, window_bounds = array<i64: 400, 128>}]} {
    %get3A = arith.constant 0 : index
    %get3A_0 = arith.constant 0 : index
    %get3A_1 = vector.load %arg1[%get3A, %get3A_0] : memref<400x128xf32, #tpu.memory_space<vmem>>, vector<400x128xf32>
    %get3A_2 = arith.constant 0 : index
    %get3A_3 = arith.constant 0 : index
    %get3A_4 = vector.load %arg3[%get3A_2, %get3A_3] : memref<128x128xf32, #tpu.memory_space<vmem>>, vector<128x128xf32>
    %dot_general3A = arith.constant dense<0.000000e+00> : vector<400x128xf32>
    %dot_general3A_5 = tpu.matmul %get3A_1, %get3A_4, %dot_general3A {dimension_numbers = #tpu.dot_dimension_numbers<[1], [0], [0], [1], [0, 0, 1, 1], [], []>, transpose_lhs_hint = false} : vector<400x128xf32>, vector<128x128xf32>, vector<400x128xf32> -> vector<400x128xf32>
    %get3A_6 = arith.constant 0 : index
    %get3A_7 = arith.constant 0 : index
    %get3A_8 = vector.load %arg4[%get3A_6, %get3A_7] : memref<1x128xf32, #tpu.memory_space<vmem>>, vector<1x128xf32>
    %add3A = vector.broadcast %get3A_8 : vector<1x128xf32> to vector<400x128xf32>
    %add3A_9 = arith.addf %dot_general3A_5, %add3A : vector<400x128xf32>
    %logistic3A = arith.negf %add3A_9 : vector<400x128xf32>
    %logistic3A_10 = math.exp %logistic3A : vector<400x128xf32>
    %logistic3A_11 = arith.constant 1.000000e+00 : f32
    %logistic3A_12 = vector.broadcast %logistic3A_11 : f32 to vector<400x128xf32>
    %logistic3A_13 = arith.addf %logistic3A_12, %logistic3A_10 : vector<400x128xf32>
    %logistic3A_14 = arith.divf %logistic3A_12, %logistic3A_13 : vector<400x128xf32>
    %mul3A = arith.mulf %add3A_9, %logistic3A_14 : vector<400x128xf32>
    %get3A_15 = arith.constant 0 : index
    %get3A_16 = arith.constant 0 : index
    %get3A_17 = vector.load %arg5[%get3A_15, %get3A_16] : memref<128x344xf32, #tpu.memory_space<vmem>>, vector<128x344xf32>
    %dot_general3A_18 = arith.constant dense<0.000000e+00> : vector<400x344xf32>
    %dot_general3A_19 = tpu.matmul %mul3A, %get3A_17, %dot_general3A_18 {dimension_numbers = #tpu.dot_dimension_numbers<[1], [0], [0], [1], [0, 0, 1, 1], [], []>, transpose_lhs_hint = false} : vector<400x128xf32>, vector<128x344xf32>, vector<400x344xf32> -> vector<400x344xf32>
    %get3A_20 = arith.constant 0 : index
    %get3A_21 = arith.constant 0 : index
    %get3A_22 = vector.load %arg6[%get3A_20, %get3A_21] : memref<1x344xf32, #tpu.memory_space<vmem>>, vector<1x344xf32>
    %add3A_23 = vector.broadcast %get3A_22 : vector<1x344xf32> to vector<400x344xf32>
    %add3A_24 = arith.addf %dot_general3A_19, %add3A_23 : vector<400x344xf32>
    %get3A_25 = arith.constant 0 : index
    %get3A_26 = arith.constant 0 : index
    %get3A_27 = vector.load %arg7[%get3A_25, %get3A_26] : memref<128x128xf32, #tpu.memory_space<vmem>>, vector<128x128xf32>
    %dot_general3A_28 = arith.constant dense<0.000000e+00> : vector<400x128xf32>
    %dot_general3A_29 = tpu.matmul %get3A_1, %get3A_27, %dot_general3A_28 {dimension_numbers = #tpu.dot_dimension_numbers<[1], [0], [0], [1], [0, 0, 1, 1], [], []>, transpose_lhs_hint = false} : vector<400x128xf32>, vector<128x128xf32>, vector<400x128xf32> -> vector<400x128xf32>
    %broadcast_in_dim3A = arith.constant 0.000000e+00 : f32
    %broadcast_in_dim3A_30 = vector.broadcast %broadcast_in_dim3A : f32 to vector<400x40xf32>
    %concatenate3A = tpu.concatenate %add3A_24, %dot_general3A_29, %broadcast_in_dim3A_30 in 1 : vector<400x344xf32>, vector<400x128xf32>, vector<400x40xf32> -> vector<400x512xf32>
    %slice3A = vector.extract_strided_slice %concatenate3A {offsets = [0, 0], sizes = [400, 256], strides = [1, 1]} : vector<400x512xf32> to vector<400x256xf32>
    %slice3A_31 = vector.extract_strided_slice %concatenate3A {offsets = [0, 256], sizes = [400, 256], strides = [1, 1]} : vector<400x512xf32> to vector<400x256xf32>
    %bitcast3A = tpu.bitcast %slice3A : vector<400x256xf32> -> vector<400x256xi32>
    %add3A_32 = arith.constant 32768 : i32
    %add3A_33 = vector.broadcast %add3A_32 : i32 to vector<400x256xi32>
    %add3A_34 = arith.addi %bitcast3A, %add3A_33 : vector<400x256xi32>
    %shift_right_logical3A = arith.constant 16 : i32
    %shift_right_logical3A_35 = vector.broadcast %shift_right_logical3A : i32 to vector<400x256xi32>
    %shift_right_logical3A_36 = arith.shrui %add3A_34, %shift_right_logical3A_35 : vector<400x256xi32>
    %bitcast3A_37 = tpu.bitcast %slice3A_31 : vector<400x256xf32> -> vector<400x256xi32>
    %add3A_38 = arith.constant 32768 : i32
    %add3A_39 = vector.broadcast %add3A_38 : i32 to vector<400x256xi32>
    %add3A_40 = arith.addi %bitcast3A_37, %add3A_39 : vector<400x256xi32>
    %shift_right_logical3A_41 = arith.constant 16 : i32
    %shift_right_logical3A_42 = vector.broadcast %shift_right_logical3A_41 : i32 to vector<400x256xi32>
    %shift_right_logical3A_43 = arith.shrui %add3A_40, %shift_right_logical3A_42 : vector<400x256xi32>
    %shift_left3A = arith.constant 16 : i32
    %shift_left3A_44 = vector.broadcast %shift_left3A : i32 to vector<400x256xi32>
    %shift_left3A_45 = arith.shli %shift_right_logical3A_43, %shift_left3A_44 : vector<400x256xi32>
    %and3A = arith.constant 65535 : i32
    %and3A_46 = vector.broadcast %and3A : i32 to vector<400x256xi32>
    %and3A_47 = arith.andi %shift_right_logical3A_36, %and3A_46 : vector<400x256xi32>
    %or3A = arith.ori %shift_left3A_45, %and3A_47 : vector<400x256xi32>
    %bitcast3A_48 = tpu.bitcast %or3A : vector<400x256xi32> -> vector<400x256xi32>
    %swap3A = arith.constant 0 : index
    %swap3A_49 = arith.constant 0 : index
    %swap3A_50 = vector.load %arg8[%swap3A, %swap3A_49] : memref<400x256xi32, #tpu.memory_space<vmem>>, vector<400x256xi32>
    tpu.vector_store %arg8[%swap3A, %swap3A_49], %bitcast3A_48 {strides = array<i32>} : memref<400x256xi32, #tpu.memory_space<vmem>>, vector<400x256xi32>,
    %get3A_51 = arith.constant 0 : index
    %get3A_52 = arith.constant 0 : index
    %get3A_53 = vector.load %arg2[%get3A_51, %get3A_52] : memref<400x72xf32, #tpu.memory_space<vmem>>, vector<400x72xf32>
    %broadcast_in_dim3A_54 = arith.constant 0.000000e+00 : f32
    %broadcast_in_dim3A_55 = vector.broadcast %broadcast_in_dim3A_54 : f32 to vector<400x56xf32>
    %concatenate3A_56 = tpu.concatenate %get3A_53, %broadcast_in_dim3A_55 in 1 : vector<400x72xf32>, vector<400x56xf32> -> vector<400x128xf32>
    %broadcast_in_dim3A_57 = arith.constant 0.000000e+00 : f32
    %broadcast_in_dim3A_58 = vector.broadcast %broadcast_in_dim3A_57 : f32 to vector<400x128xf32>
    %bitcast3A_59 = tpu.bitcast %concatenate3A_56 : vector<400x128xf32> -> vector<400x128xi32>
    %add3A_60 = arith.constant 32768 : i32
    %add3A_61 = vector.broadcast %add3A_60 : i32 to vector<400x128xi32>
    %add3A_62 = arith.addi %bitcast3A_59, %add3A_61 : vector<400x128xi32>
    %shift_right_logical3A_63 = arith.constant 16 : i32
    %shift_right_logical3A_64 = vector.broadcast %shift_right_logical3A_63 : i32 to vector<400x128xi32>
    %shift_right_logical3A_65 = arith.shrui %add3A_62, %shift_right_logical3A_64 : vector<400x128xi32>
    %bitcast3A_66 = tpu.bitcast %broadcast_in_dim3A_58 : vector<400x128xf32> -> vector<400x128xi32>
    %add3A_67 = arith.constant 32768 : i32
    %add3A_68 = vector.broadcast %add3A_67 : i32 to vector<400x128xi32>
    %add3A_69 = arith.addi %bitcast3A_66, %add3A_68 : vector<400x128xi32>
    %shift_right_logical3A_70 = arith.constant 16 : i32
    %shift_right_logical3A_71 = vector.broadcast %shift_right_logical3A_70 : i32 to vector<400x128xi32>
    %shift_right_logical3A_72 = arith.shrui %add3A_69, %shift_right_logical3A_71 : vector<400x128xi32>
    %shift_left3A_73 = arith.constant 16 : i32
    %shift_left3A_74 = vector.broadcast %shift_left3A_73 : i32 to vector<400x128xi32>
    %shift_left3A_75 = arith.shli %shift_right_logical3A_72, %shift_left3A_74 : vector<400x128xi32>
    %and3A_76 = arith.constant 65535 : i32
    %and3A_77 = vector.broadcast %and3A_76 : i32 to vector<400x128xi32>
    %and3A_78 = arith.andi %shift_right_logical3A_65, %and3A_77 : vector<400x128xi32>
    %or3A_79 = arith.ori %shift_left3A_75, %and3A_78 : vector<400x128xi32>
    %bitcast3A_80 = tpu.bitcast %or3A_79 : vector<400x128xi32> -> vector<400x128xi32>
    %swap3A_81 = arith.constant 0 : index
    %swap3A_82 = arith.constant 0 : index
    %swap3A_83 = vector.load %arg9[%swap3A_81, %swap3A_82] : memref<400x128xi32, #tpu.memory_space<vmem>>, vector<400x128xi32>
    tpu.vector_store %arg9[%swap3A_81, %swap3A_82], %bitcast3A_80 {strides = array<i32>} : memref<400x128xi32, #tpu.memory_space<vmem>>, vector<400x128xi32>,
    return
  }
  func.func @transform_0(%arg0: i32) -> (i32, i32) {
    %c0_i32 = arith.constant 0 : i32
    %c0_i32_0 = arith.constant 0 : i32
    return %arg0, %c0_i32 : i32, i32
  }
  func.func @transform_1(%arg0: i32) -> (i32, i32) {
    %c0_i32 = arith.constant 0 : i32
    %c0_i32_0 = arith.constant 0 : i32
    return %arg0, %c0_i32 : i32, i32
  }
  func.func @transform_2(%arg0: i32) -> (i32, i32) {
    %c0_i32 = arith.constant 0 : i32
    %c0_i32_0 = arith.constant 0 : i32
    %c0_i32_1 = arith.constant 0 : i32
    return %c0_i32, %c0_i32_0 : i32, i32
  }
  func.func @transform_3(%arg0: i32) -> (i32, i32) {
    %c0_i32 = arith.constant 0 : i32
    %c0_i32_0 = arith.constant 0 : i32
    %c0_i32_1 = arith.constant 0 : i32
    return %c0_i32, %c0_i32_0 : i32, i32
  }
  func.func @transform_4(%arg0: i32) -> (i32, i32) {
    %c0_i32 = arith.constant 0 : i32
    %c0_i32_0 = arith.constant 0 : i32
    %c0_i32_1 = arith.constant 0 : i32
    return %c0_i32, %c0_i32_0 : i32, i32
  }
  func.func @transform_5(%arg0: i32) -> (i32, i32) {
    %c0_i32 = arith.constant 0 : i32
    %c0_i32_0 = arith.constant 0 : i32
    %c0_i32_1 = arith.constant 0 : i32
    return %c0_i32, %c0_i32_0 : i32, i32
  }
  func.func @transform_6(%arg0: i32) -> (i32, i32) {
    %c0_i32 = arith.constant 0 : i32
    %c0_i32_0 = arith.constant 0 : i32
    %c0_i32_1 = arith.constant 0 : i32
    return %c0_i32, %c0_i32_0 : i32, i32
  }
  func.func @transform_7(%arg0: i32) -> (i32, i32) {
    %c0_i32 = arith.constant 0 : i32
    %c0_i32_0 = arith.constant 0 : i32
    return %arg0, %c0_i32 : i32, i32
  }
  func.func @transform_8(%arg0: i32) -> (i32, i32) {
    %c0_i32 = arith.constant 0 : i32
    %c0_i32_0 = arith.constant 0 : i32
    return %arg0, %c0_i32 : i32, i32
  }
}

module attributes {stable_mosaic.version = 14 : i64} {
  func.func @_p3_body(%arg0: i32, %arg1: memref<640x128xf32, #tpu.memory_space<vmem>>, %arg2: memref<640x256xi32, #tpu.memory_space<vmem>>, %arg3: memref<640x128xi32, #tpu.memory_space<vmem>>, %arg4: memref<640x9xf32, #tpu.memory_space<vmem>>, %arg5: memref<128x472xf32, #tpu.memory_space<vmem>>, %arg6: memref<128x8xf32, #tpu.memory_space<vmem>>, %arg7: memref<24x72xf32, #tpu.memory_space<vmem>>, %arg8: memref<24x72xf32, #tpu.memory_space<vmem>>, %arg9: memref<9x72xf32, #tpu.memory_space<vmem>>, %arg10: memref<8x72xf32, #tpu.memory_space<vmem>>, %arg11: memref<640x128xf32, #tpu.memory_space<vmem>>, %arg12: memref<640x128xf32, #tpu.memory_space<vmem>>) attributes {dimension_semantics = [#tpu.dimension_semantics<arbitrary>], iteration_bounds = array<i64: 90>, scalar_prefetch = 0 : i64, scratch_operands = 0 : i64, tpu.core_type = #tpu.core_type<tc>, window_params = [{transform_indices = @transform_0, window_bounds = array<i64: 640, 128>}, {transform_indices = @transform_1, window_bounds = array<i64: 640, 256>}, {transform_indices = @transform_2, window_bounds = array<i64: 640, 128>}, {transform_indices = @transform_3, window_bounds = array<i64: 640, 9>}, {pipeline_mode = #tpu.pipeline_mode<synchronous>, transform_indices = @transform_4, window_bounds = array<i64: 128, 472>}, {pipeline_mode = #tpu.pipeline_mode<synchronous>, transform_indices = @transform_5, window_bounds = array<i64: 128, 8>}, {pipeline_mode = #tpu.pipeline_mode<synchronous>, transform_indices = @transform_6, window_bounds = array<i64: 24, 72>}, {pipeline_mode = #tpu.pipeline_mode<synchronous>, transform_indices = @transform_7, window_bounds = array<i64: 24, 72>}, {pipeline_mode = #tpu.pipeline_mode<synchronous>, transform_indices = @transform_8, window_bounds = array<i64: 9, 72>}, {pipeline_mode = #tpu.pipeline_mode<synchronous>, transform_indices = @transform_9, window_bounds = array<i64: 8, 72>}, {transform_indices = @transform_10, window_bounds = array<i64: 640, 128>}, {transform_indices = @transform_11, window_bounds = array<i64: 640, 128>}]} {
    %get3A = arith.constant 0 : index
    %get3A_0 = arith.constant 0 : index
    %get3A_1 = vector.load %arg1[%get3A, %get3A_0] : memref<640x128xf32, #tpu.memory_space<vmem>>, vector<640x128xf32>
    %get3A_2 = arith.constant 0 : index
    %get3A_3 = arith.constant 0 : index
    %get3A_4 = vector.load %arg2[%get3A_2, %get3A_3] : memref<640x256xi32, #tpu.memory_space<vmem>>, vector<640x256xi32>
    %bitcast3A = tpu.bitcast %get3A_4 : vector<640x256xi32> -> vector<640x256xi32>
    %shift_left3A = arith.constant 16 : i32
    %shift_left3A_5 = vector.broadcast %shift_left3A : i32 to vector<640x256xi32>
    %shift_left3A_6 = arith.shli %bitcast3A, %shift_left3A_5 : vector<640x256xi32>
    %bitcast3A_7 = tpu.bitcast %shift_left3A_6 : vector<640x256xi32> -> vector<640x256xf32>
    %bitcast3A_8 = tpu.bitcast %get3A_4 : vector<640x256xi32> -> vector<640x256xi32>
    %and3A = arith.constant -65536 : i32
    %and3A_9 = vector.broadcast %and3A : i32 to vector<640x256xi32>
    %and3A_10 = arith.andi %bitcast3A_8, %and3A_9 : vector<640x256xi32>
    %bitcast3A_11 = tpu.bitcast %and3A_10 : vector<640x256xi32> -> vector<640x256xf32>
    %concatenate3A = tpu.concatenate %bitcast3A_7, %bitcast3A_11 in 1 : vector<640x256xf32>, vector<640x256xf32> -> vector<640x512xf32>
    %get3A_12 = arith.constant 0 : index
    %get3A_13 = arith.constant 0 : index
    %get3A_14 = vector.load %arg5[%get3A_12, %get3A_13] : memref<128x472xf32, #tpu.memory_space<vmem>>, vector<128x472xf32>
    %dot_general3A = arith.constant dense<0.000000e+00> : vector<640x472xf32>
    %dot_general3A_15 = tpu.matmul %get3A_1, %get3A_14, %dot_general3A {dimension_numbers = #tpu.dot_dimension_numbers<[1], [0], [0], [1], [0, 0, 1, 1], [], []>, transpose_lhs_hint = false} : vector<640x128xf32>, vector<128x472xf32>, vector<640x472xf32> -> vector<640x472xf32>
    %slice3A = vector.extract_strided_slice %dot_general3A_15 {offsets = [0, 0], sizes = [640, 344], strides = [1, 1]} : vector<640x472xf32> to vector<640x344xf32>
    %slice3A_16 = vector.extract_strided_slice %dot_general3A_15 {offsets = [0, 344], sizes = [640, 128], strides = [1, 1]} : vector<640x472xf32> to vector<640x128xf32>
    %slice3A_17 = vector.extract_strided_slice %concatenate3A {offsets = [0, 0], sizes = [640, 344], strides = [1, 1]} : vector<640x512xf32> to vector<640x344xf32>
    %slice3A_18 = vector.extract_strided_slice %concatenate3A {offsets = [0, 344], sizes = [640, 128], strides = [1, 1]} : vector<640x512xf32> to vector<640x128xf32>
    %get3A_19 = arith.constant 0 : index
    %get3A_20 = arith.constant 0 : index
    %get3A_21 = vector.load %arg3[%get3A_19, %get3A_20] : memref<640x128xi32, #tpu.memory_space<vmem>>, vector<640x128xi32>
    %bitcast3A_22 = tpu.bitcast %get3A_21 : vector<640x128xi32> -> vector<640x128xi32>
    %shift_left3A_23 = arith.constant 16 : i32
    %shift_left3A_24 = vector.broadcast %shift_left3A_23 : i32 to vector<640x128xi32>
    %shift_left3A_25 = arith.shli %bitcast3A_22, %shift_left3A_24 : vector<640x128xi32>
    %bitcast3A_26 = tpu.bitcast %shift_left3A_25 : vector<640x128xi32> -> vector<640x128xf32>
    %slice3A_27 = vector.extract_strided_slice %bitcast3A_26 {offsets = [0, 0], sizes = [640, 72], strides = [1, 1]} : vector<640x128xf32> to vector<640x72xf32>
    %mul3A = arith.mulf %slice3A, %slice3A_17 : vector<640x344xf32>
    %mul3A_28 = arith.mulf %slice3A_16, %slice3A_18 : vector<640x128xf32>
    %get3A_29 = arith.constant 0 : index
    %get3A_30 = arith.constant 0 : index
    %get3A_31 = vector.load %arg6[%get3A_29, %get3A_30] : memref<128x8xf32, #tpu.memory_space<vmem>>, vector<128x8xf32>
    %dot_general3A_32 = arith.constant dense<0.000000e+00> : vector<640x8xf32>
    %dot_general3A_33 = tpu.matmul %mul3A_28, %get3A_31, %dot_general3A_32 {dimension_numbers = #tpu.dot_dimension_numbers<[1], [0], [0], [1], [0, 0, 1, 1], [], []>, transpose_lhs_hint = false} : vector<640x128xf32>, vector<128x8xf32>, vector<640x8xf32> -> vector<640x8xf32>
    %exp3A = math.exp %dot_general3A_33 : vector<640x8xf32>
    %get3A_34 = arith.constant 0 : index
    %get3A_35 = arith.constant 0 : index
    %get3A_36 = vector.load %arg4[%get3A_34, %get3A_35] : memref<640x9xf32, #tpu.memory_space<vmem>>, vector<640x9xf32>
    %get3A_37 = arith.constant 0 : index
    %get3A_38 = arith.constant 0 : index
    %get3A_39 = vector.load %arg9[%get3A_37, %get3A_38] : memref<9x72xf32, #tpu.memory_space<vmem>>, vector<9x72xf32>
    %dot_general3A_40 = arith.constant dense<0.000000e+00> : vector<640x72xf32>
    %dot_general3A_41 = tpu.matmul %get3A_36, %get3A_39, %dot_general3A_40 {dimension_numbers = #tpu.dot_dimension_numbers<[1], [0], [0], [1], [0, 0, 1, 1], [], []>, transpose_lhs_hint = false} : vector<640x9xf32>, vector<9x72xf32>, vector<640x72xf32> -> vector<640x72xf32>
    %slice3A_42 = vector.extract_strided_slice %mul3A {offsets = [0, 128], sizes = [640, 24], strides = [1, 1]} : vector<640x344xf32> to vector<640x24xf32>
    %get3A_43 = arith.constant 0 : index
    %get3A_44 = arith.constant 0 : index
    %get3A_45 = vector.load %arg7[%get3A_43, %get3A_44] : memref<24x72xf32, #tpu.memory_space<vmem>>, vector<24x72xf32>
    %dot_general3A_46 = arith.constant dense<0.000000e+00> : vector<640x72xf32>
    %dot_general3A_47 = tpu.matmul %slice3A_42, %get3A_45, %dot_general3A_46 {dimension_numbers = #tpu.dot_dimension_numbers<[1], [0], [0], [1], [0, 0, 1, 1], [], []>, transpose_lhs_hint = false} : vector<640x24xf32>, vector<24x72xf32>, vector<640x72xf32> -> vector<640x72xf32>
    %mul3A_48 = arith.mulf %dot_general3A_47, %dot_general3A_41 : vector<640x72xf32>
    %get3A_49 = arith.constant 0 : index
    %get3A_50 = arith.constant 0 : index
    %get3A_51 = vector.load %arg8[%get3A_49, %get3A_50] : memref<24x72xf32, #tpu.memory_space<vmem>>, vector<24x72xf32>
    %get3A_52 = arith.constant 0 : index
    %get3A_53 = arith.constant 0 : index
    %get3A_54 = vector.load %arg9[%get3A_52, %get3A_53] : memref<9x72xf32, #tpu.memory_space<vmem>>, vector<9x72xf32>
    %slice3A_55 = vector.extract_strided_slice %mul3A {offsets = [0, 152], sizes = [640, 24], strides = [1, 1]} : vector<640x344xf32> to vector<640x24xf32>
    %slice3A_56 = vector.extract_strided_slice %slice3A_27 {offsets = [0, 0], sizes = [640, 9], strides = [1, 1]} : vector<640x72xf32> to vector<640x9xf32>
    %dot_general3A_57 = arith.constant dense<0.000000e+00> : vector<640x72xf32>
    %dot_general3A_58 = tpu.matmul %slice3A_55, %get3A_51, %dot_general3A_57 {dimension_numbers = #tpu.dot_dimension_numbers<[1], [0], [0], [1], [0, 0, 1, 1], [], []>, transpose_lhs_hint = false} : vector<640x24xf32>, vector<24x72xf32>, vector<640x72xf32> -> vector<640x72xf32>
    %dot_general3A_59 = arith.constant dense<0.000000e+00> : vector<640x72xf32>
    %dot_general3A_60 = tpu.matmul %slice3A_56, %get3A_54, %dot_general3A_59 {dimension_numbers = #tpu.dot_dimension_numbers<[1], [0], [0], [1], [0, 0, 1, 1], [], []>, transpose_lhs_hint = false} : vector<640x9xf32>, vector<9x72xf32>, vector<640x72xf32> -> vector<640x72xf32>
    %mul3A_61 = arith.mulf %dot_general3A_58, %dot_general3A_60 : vector<640x72xf32>
    %add3A = arith.addf %mul3A_48, %mul3A_61 : vector<640x72xf32>
    %slice3A_62 = vector.extract_strided_slice %mul3A {offsets = [0, 176], sizes = [640, 24], strides = [1, 1]} : vector<640x344xf32> to vector<640x24xf32>
    %slice3A_63 = vector.extract_strided_slice %slice3A_27 {offsets = [0, 9], sizes = [640, 9], strides = [1, 1]} : vector<640x72xf32> to vector<640x9xf32>
    %dot_general3A_64 = arith.constant dense<0.000000e+00> : vector<640x72xf32>
    %dot_general3A_65 = tpu.matmul %slice3A_62, %get3A_51, %dot_general3A_64 {dimension_numbers = #tpu.dot_dimension_numbers<[1], [0], [0], [1], [0, 0, 1, 1], [], []>, transpose_lhs_hint = false} : vector<640x24xf32>, vector<24x72xf32>, vector<640x72xf32> -> vector<640x72xf32>
    %dot_general3A_66 = arith.constant dense<0.000000e+00> : vector<640x72xf32>
    %dot_general3A_67 = tpu.matmul %slice3A_63, %get3A_54, %dot_general3A_66 {dimension_numbers = #tpu.dot_dimension_numbers<[1], [0], [0], [1], [0, 0, 1, 1], [], []>, transpose_lhs_hint = false} : vector<640x9xf32>, vector<9x72xf32>, vector<640x72xf32> -> vector<640x72xf32>
    %mul3A_68 = arith.mulf %dot_general3A_65, %dot_general3A_67 : vector<640x72xf32>
    %add3A_69 = arith.addf %add3A, %mul3A_68 : vector<640x72xf32>
    %slice3A_70 = vector.extract_strided_slice %mul3A {offsets = [0, 200], sizes = [640, 24], strides = [1, 1]} : vector<640x344xf32> to vector<640x24xf32>
    %slice3A_71 = vector.extract_strided_slice %slice3A_27 {offsets = [0, 18], sizes = [640, 9], strides = [1, 1]} : vector<640x72xf32> to vector<640x9xf32>
    %dot_general3A_72 = arith.constant dense<0.000000e+00> : vector<640x72xf32>
    %dot_general3A_73 = tpu.matmul %slice3A_70, %get3A_51, %dot_general3A_72 {dimension_numbers = #tpu.dot_dimension_numbers<[1], [0], [0], [1], [0, 0, 1, 1], [], []>, transpose_lhs_hint = false} : vector<640x24xf32>, vector<24x72xf32>, vector<640x72xf32> -> vector<640x72xf32>
    %dot_general3A_74 = arith.constant dense<0.000000e+00> : vector<640x72xf32>
    %dot_general3A_75 = tpu.matmul %slice3A_71, %get3A_54, %dot_general3A_74 {dimension_numbers = #tpu.dot_dimension_numbers<[1], [0], [0], [1], [0, 0, 1, 1], [], []>, transpose_lhs_hint = false} : vector<640x9xf32>, vector<9x72xf32>, vector<640x72xf32> -> vector<640x72xf32>
    %mul3A_76 = arith.mulf %dot_general3A_73, %dot_general3A_75 : vector<640x72xf32>
    %add3A_77 = arith.addf %add3A_69, %mul3A_76 : vector<640x72xf32>
    %slice3A_78 = vector.extract_strided_slice %mul3A {offsets = [0, 224], sizes = [640, 24], strides = [1, 1]} : vector<640x344xf32> to vector<640x24xf32>
    %slice3A_79 = vector.extract_strided_slice %slice3A_27 {offsets = [0, 27], sizes = [640, 9], strides = [1, 1]} : vector<640x72xf32> to vector<640x9xf32>
    %dot_general3A_80 = arith.constant dense<0.000000e+00> : vector<640x72xf32>
    %dot_general3A_81 = tpu.matmul %slice3A_78, %get3A_51, %dot_general3A_80 {dimension_numbers = #tpu.dot_dimension_numbers<[1], [0], [0], [1], [0, 0, 1, 1], [], []>, transpose_lhs_hint = false} : vector<640x24xf32>, vector<24x72xf32>, vector<640x72xf32> -> vector<640x72xf32>
    %dot_general3A_82 = arith.constant dense<0.000000e+00> : vector<640x72xf32>
    %dot_general3A_83 = tpu.matmul %slice3A_79, %get3A_54, %dot_general3A_82 {dimension_numbers = #tpu.dot_dimension_numbers<[1], [0], [0], [1], [0, 0, 1, 1], [], []>, transpose_lhs_hint = false} : vector<640x9xf32>, vector<9x72xf32>, vector<640x72xf32> -> vector<640x72xf32>
    %mul3A_84 = arith.mulf %dot_general3A_81, %dot_general3A_83 : vector<640x72xf32>
    %add3A_85 = arith.addf %add3A_77, %mul3A_84 : vector<640x72xf32>
    %slice3A_86 = vector.extract_strided_slice %mul3A {offsets = [0, 248], sizes = [640, 24], strides = [1, 1]} : vector<640x344xf32> to vector<640x24xf32>
    %slice3A_87 = vector.extract_strided_slice %slice3A_27 {offsets = [0, 36], sizes = [640, 9], strides = [1, 1]} : vector<640x72xf32> to vector<640x9xf32>
    %dot_general3A_88 = arith.constant dense<0.000000e+00> : vector<640x72xf32>
    %dot_general3A_89 = tpu.matmul %slice3A_86, %get3A_51, %dot_general3A_88 {dimension_numbers = #tpu.dot_dimension_numbers<[1], [0], [0], [1], [0, 0, 1, 1], [], []>, transpose_lhs_hint = false} : vector<640x24xf32>, vector<24x72xf32>, vector<640x72xf32> -> vector<640x72xf32>
    %dot_general3A_90 = arith.constant dense<0.000000e+00> : vector<640x72xf32>
    %dot_general3A_91 = tpu.matmul %slice3A_87, %get3A_54, %dot_general3A_90 {dimension_numbers = #tpu.dot_dimension_numbers<[1], [0], [0], [1], [0, 0, 1, 1], [], []>, transpose_lhs_hint = false} : vector<640x9xf32>, vector<9x72xf32>, vector<640x72xf32> -> vector<640x72xf32>
    %mul3A_92 = arith.mulf %dot_general3A_89, %dot_general3A_91 : vector<640x72xf32>
    %add3A_93 = arith.addf %add3A_85, %mul3A_92 : vector<640x72xf32>
    %slice3A_94 = vector.extract_strided_slice %mul3A {offsets = [0, 272], sizes = [640, 24], strides = [1, 1]} : vector<640x344xf32> to vector<640x24xf32>
    %slice3A_95 = vector.extract_strided_slice %slice3A_27 {offsets = [0, 45], sizes = [640, 9], strides = [1, 1]} : vector<640x72xf32> to vector<640x9xf32>
    %dot_general3A_96 = arith.constant dense<0.000000e+00> : vector<640x72xf32>
    %dot_general3A_97 = tpu.matmul %slice3A_94, %get3A_51, %dot_general3A_96 {dimension_numbers = #tpu.dot_dimension_numbers<[1], [0], [0], [1], [0, 0, 1, 1], [], []>, transpose_lhs_hint = false} : vector<640x24xf32>, vector<24x72xf32>, vector<640x72xf32> -> vector<640x72xf32>
    %dot_general3A_98 = arith.constant dense<0.000000e+00> : vector<640x72xf32>
    %dot_general3A_99 = tpu.matmul %slice3A_95, %get3A_54, %dot_general3A_98 {dimension_numbers = #tpu.dot_dimension_numbers<[1], [0], [0], [1], [0, 0, 1, 1], [], []>, transpose_lhs_hint = false} : vector<640x9xf32>, vector<9x72xf32>, vector<640x72xf32> -> vector<640x72xf32>
    %mul3A_100 = arith.mulf %dot_general3A_97, %dot_general3A_99 : vector<640x72xf32>
    %add3A_101 = arith.addf %add3A_93, %mul3A_100 : vector<640x72xf32>
    %slice3A_102 = vector.extract_strided_slice %mul3A {offsets = [0, 296], sizes = [640, 24], strides = [1, 1]} : vector<640x344xf32> to vector<640x24xf32>
    %slice3A_103 = vector.extract_strided_slice %slice3A_27 {offsets = [0, 54], sizes = [640, 9], strides = [1, 1]} : vector<640x72xf32> to vector<640x9xf32>
    %dot_general3A_104 = arith.constant dense<0.000000e+00> : vector<640x72xf32>
    %dot_general3A_105 = tpu.matmul %slice3A_102, %get3A_51, %dot_general3A_104 {dimension_numbers = #tpu.dot_dimension_numbers<[1], [0], [0], [1], [0, 0, 1, 1], [], []>, transpose_lhs_hint = false} : vector<640x24xf32>, vector<24x72xf32>, vector<640x72xf32> -> vector<640x72xf32>
    %dot_general3A_106 = arith.constant dense<0.000000e+00> : vector<640x72xf32>
    %dot_general3A_107 = tpu.matmul %slice3A_103, %get3A_54, %dot_general3A_106 {dimension_numbers = #tpu.dot_dimension_numbers<[1], [0], [0], [1], [0, 0, 1, 1], [], []>, transpose_lhs_hint = false} : vector<640x9xf32>, vector<9x72xf32>, vector<640x72xf32> -> vector<640x72xf32>
    %mul3A_108 = arith.mulf %dot_general3A_105, %dot_general3A_107 : vector<640x72xf32>
    %add3A_109 = arith.addf %add3A_101, %mul3A_108 : vector<640x72xf32>
    %slice3A_110 = vector.extract_strided_slice %mul3A {offsets = [0, 320], sizes = [640, 24], strides = [1, 1]} : vector<640x344xf32> to vector<640x24xf32>
    %slice3A_111 = vector.extract_strided_slice %slice3A_27 {offsets = [0, 63], sizes = [640, 9], strides = [1, 1]} : vector<640x72xf32> to vector<640x9xf32>
    %dot_general3A_112 = arith.constant dense<0.000000e+00> : vector<640x72xf32>
    %dot_general3A_113 = tpu.matmul %slice3A_110, %get3A_51, %dot_general3A_112 {dimension_numbers = #tpu.dot_dimension_numbers<[1], [0], [0], [1], [0, 0, 1, 1], [], []>, transpose_lhs_hint = false} : vector<640x24xf32>, vector<24x72xf32>, vector<640x72xf32> -> vector<640x72xf32>
    %dot_general3A_114 = arith.constant dense<0.000000e+00> : vector<640x72xf32>
    %dot_general3A_115 = tpu.matmul %slice3A_111, %get3A_54, %dot_general3A_114 {dimension_numbers = #tpu.dot_dimension_numbers<[1], [0], [0], [1], [0, 0, 1, 1], [], []>, transpose_lhs_hint = false} : vector<640x9xf32>, vector<9x72xf32>, vector<640x72xf32> -> vector<640x72xf32>
    %mul3A_116 = arith.mulf %dot_general3A_113, %dot_general3A_115 : vector<640x72xf32>
    %add3A_117 = arith.addf %add3A_109, %mul3A_116 : vector<640x72xf32>
    %get3A_118 = arith.constant 0 : index
    %get3A_119 = arith.constant 0 : index
    %get3A_120 = vector.load %arg10[%get3A_118, %get3A_119] : memref<8x72xf32, #tpu.memory_space<vmem>>, vector<8x72xf32>
    %dot_general3A_121 = arith.constant dense<0.000000e+00> : vector<640x72xf32>
    %dot_general3A_122 = tpu.matmul %exp3A, %get3A_120, %dot_general3A_121 {dimension_numbers = #tpu.dot_dimension_numbers<[1], [0], [0], [1], [0, 0, 1, 1], [], []>, transpose_lhs_hint = false} : vector<640x8xf32>, vector<8x72xf32>, vector<640x72xf32> -> vector<640x72xf32>
    %mul3A_123 = arith.mulf %add3A_117, %dot_general3A_122 : vector<640x72xf32>
    %slice3A_124 = vector.extract_strided_slice %mul3A {offsets = [0, 0], sizes = [640, 128], strides = [1, 1]} : vector<640x344xf32> to vector<640x128xf32>
    %swap3A = arith.constant 0 : index
    %swap3A_125 = arith.constant 0 : index
    %swap3A_126 = vector.load %arg11[%swap3A, %swap3A_125] : memref<640x128xf32, #tpu.memory_space<vmem>>, vector<640x128xf32>
    tpu.vector_store %arg11[%swap3A, %swap3A_125], %slice3A_124 {strides = array<i32>} : memref<640x128xf32, #tpu.memory_space<vmem>>, vector<640x128xf32>,
    %swap3A_127 = arith.constant 0 : index
    %swap3A_128 = arith.constant 0 : index
    %swap3A_129 = vector.load %arg12[%swap3A_127, %swap3A_128] : memref<640x128xf32, #tpu.memory_space<vmem>>, vector<640x72xf32>
    tpu.vector_store %arg12[%swap3A_127, %swap3A_128], %mul3A_123 {strides = array<i32>} : memref<640x128xf32, #tpu.memory_space<vmem>>, vector<640x72xf32>,
    %swap3A_130 = arith.constant 0 : index
    %swap3A_131 = arith.constant 72 : index
    %swap3A_132 = vector.load %arg12[%swap3A_130, %swap3A_131] : memref<640x128xf32, #tpu.memory_space<vmem>>, vector<640x8xf32>
    tpu.vector_store %arg12[%swap3A_130, %swap3A_131], %exp3A {strides = array<i32>} : memref<640x128xf32, #tpu.memory_space<vmem>>, vector<640x8xf32>,
    %broadcast_in_dim3A = arith.constant 0.000000e+00 : f32
    %broadcast_in_dim3A_133 = vector.broadcast %broadcast_in_dim3A : f32 to vector<640x48xf32>
    %swap3A_134 = arith.constant 0 : index
    %swap3A_135 = arith.constant 80 : index
    %swap3A_136 = vector.load %arg12[%swap3A_134, %swap3A_135] : memref<640x128xf32, #tpu.memory_space<vmem>>, vector<640x48xf32>
    tpu.vector_store %arg12[%swap3A_134, %swap3A_135], %broadcast_in_dim3A_133 {strides = array<i32>} : memref<640x128xf32, #tpu.memory_space<vmem>>, vector<640x48xf32>,
    return
  }
  func.func @transform_0(%arg0: i32) -> (i32, i32) {
    %add3A = arith.constant 160 : i32
    %add3A_0 = arith.addi %arg0, %add3A : i32
    %c0_i32 = arith.constant 0 : i32
    %c0_i32_1 = arith.constant 0 : i32
    return %add3A_0, %c0_i32 : i32, i32
  }
  func.func @transform_1(%arg0: i32) -> (i32, i32) {
    %c0_i32 = arith.constant 0 : i32
    %c0_i32_0 = arith.constant 0 : i32
    return %arg0, %c0_i32 : i32, i32
  }
  func.func @transform_2(%arg0: i32) -> (i32, i32) {
    %c0_i32 = arith.constant 0 : i32
    %c0_i32_0 = arith.constant 0 : i32
    return %arg0, %c0_i32 : i32, i32
  }
  func.func @transform_3(%arg0: i32) -> (i32, i32) {
    %add3A = arith.constant 160 : i32
    %add3A_0 = arith.addi %arg0, %add3A : i32
    %c0_i32 = arith.constant 0 : i32
    %c0_i32_1 = arith.constant 0 : i32
    return %add3A_0, %c0_i32 : i32, i32
  }
  func.func @transform_4(%arg0: i32) -> (i32, i32) {
    %c0_i32 = arith.constant 0 : i32
    %c0_i32_0 = arith.constant 0 : i32
    %c0_i32_1 = arith.constant 0 : i32
    return %c0_i32, %c0_i32_0 : i32, i32
  }
  func.func @transform_5(%arg0: i32) -> (i32, i32) {
    %c0_i32 = arith.constant 0 : i32
    %c0_i32_0 = arith.constant 0 : i32
    %c0_i32_1 = arith.constant 0 : i32
    return %c0_i32, %c0_i32_0 : i32, i32
  }
  func.func @transform_6(%arg0: i32) -> (i32, i32) {
    %c0_i32 = arith.constant 0 : i32
    %c0_i32_0 = arith.constant 0 : i32
    %c0_i32_1 = arith.constant 0 : i32
    return %c0_i32, %c0_i32_0 : i32, i32
  }
  func.func @transform_7(%arg0: i32) -> (i32, i32) {
    %c0_i32 = arith.constant 0 : i32
    %c0_i32_0 = arith.constant 0 : i32
    %c0_i32_1 = arith.constant 0 : i32
    return %c0_i32, %c0_i32_0 : i32, i32
  }
  func.func @transform_8(%arg0: i32) -> (i32, i32) {
    %c0_i32 = arith.constant 0 : i32
    %c0_i32_0 = arith.constant 0 : i32
    %c0_i32_1 = arith.constant 0 : i32
    return %c0_i32, %c0_i32_0 : i32, i32
  }
  func.func @transform_9(%arg0: i32) -> (i32, i32) {
    %c0_i32 = arith.constant 0 : i32
    %c0_i32_0 = arith.constant 0 : i32
    %c0_i32_1 = arith.constant 0 : i32
    return %c0_i32, %c0_i32_0 : i32, i32
  }
  func.func @transform_10(%arg0: i32) -> (i32, i32) {
    %c0_i32 = arith.constant 0 : i32
    %c0_i32_0 = arith.constant 0 : i32
    return %arg0, %c0_i32 : i32, i32
  }
  func.func @transform_11(%arg0: i32) -> (i32, i32) {
    %c0_i32 = arith.constant 0 : i32
    %c0_i32_0 = arith.constant 0 : i32
    return %arg0, %c0_i32 : i32, i32
  }
}

module attributes {stable_mosaic.version = 14 : i64} {
  func.func @_p3_body(%arg0: i32, %arg1: memref<640x128xf32, #tpu.memory_space<vmem>>, %arg2: memref<640x256xi32, #tpu.memory_space<vmem>>, %arg3: memref<640x128xi32, #tpu.memory_space<vmem>>, %arg4: memref<640x9xf32, #tpu.memory_space<vmem>>, %arg5: memref<128x472xf32, #tpu.memory_space<vmem>>, %arg6: memref<128x8xf32, #tpu.memory_space<vmem>>, %arg7: memref<24x72xf32, #tpu.memory_space<vmem>>, %arg8: memref<24x72xf32, #tpu.memory_space<vmem>>, %arg9: memref<9x72xf32, #tpu.memory_space<vmem>>, %arg10: memref<8x72xf32, #tpu.memory_space<vmem>>, %arg11: memref<640x128xf32, #tpu.memory_space<vmem>>, %arg12: memref<640x128xf32, #tpu.memory_space<vmem>>) attributes {dimension_semantics = [#tpu.dimension_semantics<arbitrary>], iteration_bounds = array<i64: 80>, scalar_prefetch = 0 : i64, scratch_operands = 0 : i64, tpu.core_type = #tpu.core_type<tc>, window_params = [{transform_indices = @transform_0, window_bounds = array<i64: 640, 128>}, {transform_indices = @transform_1, window_bounds = array<i64: 640, 256>}, {transform_indices = @transform_2, window_bounds = array<i64: 640, 128>}, {transform_indices = @transform_3, window_bounds = array<i64: 640, 9>}, {pipeline_mode = #tpu.pipeline_mode<synchronous>, transform_indices = @transform_4, window_bounds = array<i64: 128, 472>}, {pipeline_mode = #tpu.pipeline_mode<synchronous>, transform_indices = @transform_5, window_bounds = array<i64: 128, 8>}, {pipeline_mode = #tpu.pipeline_mode<synchronous>, transform_indices = @transform_6, window_bounds = array<i64: 24, 72>}, {pipeline_mode = #tpu.pipeline_mode<synchronous>, transform_indices = @transform_7, window_bounds = array<i64: 24, 72>}, {pipeline_mode = #tpu.pipeline_mode<synchronous>, transform_indices = @transform_8, window_bounds = array<i64: 9, 72>}, {pipeline_mode = #tpu.pipeline_mode<synchronous>, transform_indices = @transform_9, window_bounds = array<i64: 8, 72>}, {transform_indices = @transform_10, window_bounds = array<i64: 640, 128>}, {transform_indices = @transform_11, window_bounds = array<i64: 640, 128>}]} {
    %get3A = arith.constant 0 : index
    %get3A_0 = arith.constant 0 : index
    %get3A_1 = vector.load %arg1[%get3A, %get3A_0] : memref<640x128xf32, #tpu.memory_space<vmem>>, vector<640x128xf32>
    %get3A_2 = arith.constant 0 : index
    %get3A_3 = arith.constant 0 : index
    %get3A_4 = vector.load %arg2[%get3A_2, %get3A_3] : memref<640x256xi32, #tpu.memory_space<vmem>>, vector<640x256xi32>
    %bitcast3A = tpu.bitcast %get3A_4 : vector<640x256xi32> -> vector<640x256xi32>
    %shift_left3A = arith.constant 16 : i32
    %shift_left3A_5 = vector.broadcast %shift_left3A : i32 to vector<640x256xi32>
    %shift_left3A_6 = arith.shli %bitcast3A, %shift_left3A_5 : vector<640x256xi32>
    %bitcast3A_7 = tpu.bitcast %shift_left3A_6 : vector<640x256xi32> -> vector<640x256xf32>
    %bitcast3A_8 = tpu.bitcast %get3A_4 : vector<640x256xi32> -> vector<640x256xi32>
    %and3A = arith.constant -65536 : i32
    %and3A_9 = vector.broadcast %and3A : i32 to vector<640x256xi32>
    %and3A_10 = arith.andi %bitcast3A_8, %and3A_9 : vector<640x256xi32>
    %bitcast3A_11 = tpu.bitcast %and3A_10 : vector<640x256xi32> -> vector<640x256xf32>
    %concatenate3A = tpu.concatenate %bitcast3A_7, %bitcast3A_11 in 1 : vector<640x256xf32>, vector<640x256xf32> -> vector<640x512xf32>
    %get3A_12 = arith.constant 0 : index
    %get3A_13 = arith.constant 0 : index
    %get3A_14 = vector.load %arg5[%get3A_12, %get3A_13] : memref<128x472xf32, #tpu.memory_space<vmem>>, vector<128x472xf32>
    %dot_general3A = arith.constant dense<0.000000e+00> : vector<640x472xf32>
    %dot_general3A_15 = tpu.matmul %get3A_1, %get3A_14, %dot_general3A {dimension_numbers = #tpu.dot_dimension_numbers<[1], [0], [0], [1], [0, 0, 1, 1], [], []>, transpose_lhs_hint = false} : vector<640x128xf32>, vector<128x472xf32>, vector<640x472xf32> -> vector<640x472xf32>
    %slice3A = vector.extract_strided_slice %dot_general3A_15 {offsets = [0, 0], sizes = [640, 344], strides = [1, 1]} : vector<640x472xf32> to vector<640x344xf32>
    %slice3A_16 = vector.extract_strided_slice %dot_general3A_15 {offsets = [0, 344], sizes = [640, 128], strides = [1, 1]} : vector<640x472xf32> to vector<640x128xf32>
    %slice3A_17 = vector.extract_strided_slice %concatenate3A {offsets = [0, 0], sizes = [640, 344], strides = [1, 1]} : vector<640x512xf32> to vector<640x344xf32>
    %slice3A_18 = vector.extract_strided_slice %concatenate3A {offsets = [0, 344], sizes = [640, 128], strides = [1, 1]} : vector<640x512xf32> to vector<640x128xf32>
    %get3A_19 = arith.constant 0 : index
    %get3A_20 = arith.constant 0 : index
    %get3A_21 = vector.load %arg3[%get3A_19, %get3A_20] : memref<640x128xi32, #tpu.memory_space<vmem>>, vector<640x128xi32>
    %bitcast3A_22 = tpu.bitcast %get3A_21 : vector<640x128xi32> -> vector<640x128xi32>
    %shift_left3A_23 = arith.constant 16 : i32
    %shift_left3A_24 = vector.broadcast %shift_left3A_23 : i32 to vector<640x128xi32>
    %shift_left3A_25 = arith.shli %bitcast3A_22, %shift_left3A_24 : vector<640x128xi32>
    %bitcast3A_26 = tpu.bitcast %shift_left3A_25 : vector<640x128xi32> -> vector<640x128xf32>
    %slice3A_27 = vector.extract_strided_slice %bitcast3A_26 {offsets = [0, 0], sizes = [640, 72], strides = [1, 1]} : vector<640x128xf32> to vector<640x72xf32>
    %mul3A = arith.mulf %slice3A, %slice3A_17 : vector<640x344xf32>
    %mul3A_28 = arith.mulf %slice3A_16, %slice3A_18 : vector<640x128xf32>
    %get3A_29 = arith.constant 0 : index
    %get3A_30 = arith.constant 0 : index
    %get3A_31 = vector.load %arg6[%get3A_29, %get3A_30] : memref<128x8xf32, #tpu.memory_space<vmem>>, vector<128x8xf32>
    %dot_general3A_32 = arith.constant dense<0.000000e+00> : vector<640x8xf32>
    %dot_general3A_33 = tpu.matmul %mul3A_28, %get3A_31, %dot_general3A_32 {dimension_numbers = #tpu.dot_dimension_numbers<[1], [0], [0], [1], [0, 0, 1, 1], [], []>, transpose_lhs_hint = false} : vector<640x128xf32>, vector<128x8xf32>, vector<640x8xf32> -> vector<640x8xf32>
    %exp3A = math.exp %dot_general3A_33 : vector<640x8xf32>
    %get3A_34 = arith.constant 0 : index
    %get3A_35 = arith.constant 0 : index
    %get3A_36 = vector.load %arg4[%get3A_34, %get3A_35] : memref<640x9xf32, #tpu.memory_space<vmem>>, vector<640x9xf32>
    %get3A_37 = arith.constant 0 : index
    %get3A_38 = arith.constant 0 : index
    %get3A_39 = vector.load %arg9[%get3A_37, %get3A_38] : memref<9x72xf32, #tpu.memory_space<vmem>>, vector<9x72xf32>
    %dot_general3A_40 = arith.constant dense<0.000000e+00> : vector<640x72xf32>
    %dot_general3A_41 = tpu.matmul %get3A_36, %get3A_39, %dot_general3A_40 {dimension_numbers = #tpu.dot_dimension_numbers<[1], [0], [0], [1], [0, 0, 1, 1], [], []>, transpose_lhs_hint = false} : vector<640x9xf32>, vector<9x72xf32>, vector<640x72xf32> -> vector<640x72xf32>
    %slice3A_42 = vector.extract_strided_slice %mul3A {offsets = [0, 128], sizes = [640, 24], strides = [1, 1]} : vector<640x344xf32> to vector<640x24xf32>
    %get3A_43 = arith.constant 0 : index
    %get3A_44 = arith.constant 0 : index
    %get3A_45 = vector.load %arg7[%get3A_43, %get3A_44] : memref<24x72xf32, #tpu.memory_space<vmem>>, vector<24x72xf32>
    %dot_general3A_46 = arith.constant dense<0.000000e+00> : vector<640x72xf32>
    %dot_general3A_47 = tpu.matmul %slice3A_42, %get3A_45, %dot_general3A_46 {dimension_numbers = #tpu.dot_dimension_numbers<[1], [0], [0], [1], [0, 0, 1, 1], [], []>, transpose_lhs_hint = false} : vector<640x24xf32>, vector<24x72xf32>, vector<640x72xf32> -> vector<640x72xf32>
    %mul3A_48 = arith.mulf %dot_general3A_47, %dot_general3A_41 : vector<640x72xf32>
    %get3A_49 = arith.constant 0 : index
    %get3A_50 = arith.constant 0 : index
    %get3A_51 = vector.load %arg8[%get3A_49, %get3A_50] : memref<24x72xf32, #tpu.memory_space<vmem>>, vector<24x72xf32>
    %get3A_52 = arith.constant 0 : index
    %get3A_53 = arith.constant 0 : index
    %get3A_54 = vector.load %arg9[%get3A_52, %get3A_53] : memref<9x72xf32, #tpu.memory_space<vmem>>, vector<9x72xf32>
    %slice3A_55 = vector.extract_strided_slice %mul3A {offsets = [0, 152], sizes = [640, 24], strides = [1, 1]} : vector<640x344xf32> to vector<640x24xf32>
    %slice3A_56 = vector.extract_strided_slice %slice3A_27 {offsets = [0, 0], sizes = [640, 9], strides = [1, 1]} : vector<640x72xf32> to vector<640x9xf32>
    %dot_general3A_57 = arith.constant dense<0.000000e+00> : vector<640x72xf32>
    %dot_general3A_58 = tpu.matmul %slice3A_55, %get3A_51, %dot_general3A_57 {dimension_numbers = #tpu.dot_dimension_numbers<[1], [0], [0], [1], [0, 0, 1, 1], [], []>, transpose_lhs_hint = false} : vector<640x24xf32>, vector<24x72xf32>, vector<640x72xf32> -> vector<640x72xf32>
    %dot_general3A_59 = arith.constant dense<0.000000e+00> : vector<640x72xf32>
    %dot_general3A_60 = tpu.matmul %slice3A_56, %get3A_54, %dot_general3A_59 {dimension_numbers = #tpu.dot_dimension_numbers<[1], [0], [0], [1], [0, 0, 1, 1], [], []>, transpose_lhs_hint = false} : vector<640x9xf32>, vector<9x72xf32>, vector<640x72xf32> -> vector<640x72xf32>
    %mul3A_61 = arith.mulf %dot_general3A_58, %dot_general3A_60 : vector<640x72xf32>
    %add3A = arith.addf %mul3A_48, %mul3A_61 : vector<640x72xf32>
    %slice3A_62 = vector.extract_strided_slice %mul3A {offsets = [0, 176], sizes = [640, 24], strides = [1, 1]} : vector<640x344xf32> to vector<640x24xf32>
    %slice3A_63 = vector.extract_strided_slice %slice3A_27 {offsets = [0, 9], sizes = [640, 9], strides = [1, 1]} : vector<640x72xf32> to vector<640x9xf32>
    %dot_general3A_64 = arith.constant dense<0.000000e+00> : vector<640x72xf32>
    %dot_general3A_65 = tpu.matmul %slice3A_62, %get3A_51, %dot_general3A_64 {dimension_numbers = #tpu.dot_dimension_numbers<[1], [0], [0], [1], [0, 0, 1, 1], [], []>, transpose_lhs_hint = false} : vector<640x24xf32>, vector<24x72xf32>, vector<640x72xf32> -> vector<640x72xf32>
    %dot_general3A_66 = arith.constant dense<0.000000e+00> : vector<640x72xf32>
    %dot_general3A_67 = tpu.matmul %slice3A_63, %get3A_54, %dot_general3A_66 {dimension_numbers = #tpu.dot_dimension_numbers<[1], [0], [0], [1], [0, 0, 1, 1], [], []>, transpose_lhs_hint = false} : vector<640x9xf32>, vector<9x72xf32>, vector<640x72xf32> -> vector<640x72xf32>
    %mul3A_68 = arith.mulf %dot_general3A_65, %dot_general3A_67 : vector<640x72xf32>
    %add3A_69 = arith.addf %add3A, %mul3A_68 : vector<640x72xf32>
    %slice3A_70 = vector.extract_strided_slice %mul3A {offsets = [0, 200], sizes = [640, 24], strides = [1, 1]} : vector<640x344xf32> to vector<640x24xf32>
    %slice3A_71 = vector.extract_strided_slice %slice3A_27 {offsets = [0, 18], sizes = [640, 9], strides = [1, 1]} : vector<640x72xf32> to vector<640x9xf32>
    %dot_general3A_72 = arith.constant dense<0.000000e+00> : vector<640x72xf32>
    %dot_general3A_73 = tpu.matmul %slice3A_70, %get3A_51, %dot_general3A_72 {dimension_numbers = #tpu.dot_dimension_numbers<[1], [0], [0], [1], [0, 0, 1, 1], [], []>, transpose_lhs_hint = false} : vector<640x24xf32>, vector<24x72xf32>, vector<640x72xf32> -> vector<640x72xf32>
    %dot_general3A_74 = arith.constant dense<0.000000e+00> : vector<640x72xf32>
    %dot_general3A_75 = tpu.matmul %slice3A_71, %get3A_54, %dot_general3A_74 {dimension_numbers = #tpu.dot_dimension_numbers<[1], [0], [0], [1], [0, 0, 1, 1], [], []>, transpose_lhs_hint = false} : vector<640x9xf32>, vector<9x72xf32>, vector<640x72xf32> -> vector<640x72xf32>
    %mul3A_76 = arith.mulf %dot_general3A_73, %dot_general3A_75 : vector<640x72xf32>
    %add3A_77 = arith.addf %add3A_69, %mul3A_76 : vector<640x72xf32>
    %slice3A_78 = vector.extract_strided_slice %mul3A {offsets = [0, 224], sizes = [640, 24], strides = [1, 1]} : vector<640x344xf32> to vector<640x24xf32>
    %slice3A_79 = vector.extract_strided_slice %slice3A_27 {offsets = [0, 27], sizes = [640, 9], strides = [1, 1]} : vector<640x72xf32> to vector<640x9xf32>
    %dot_general3A_80 = arith.constant dense<0.000000e+00> : vector<640x72xf32>
    %dot_general3A_81 = tpu.matmul %slice3A_78, %get3A_51, %dot_general3A_80 {dimension_numbers = #tpu.dot_dimension_numbers<[1], [0], [0], [1], [0, 0, 1, 1], [], []>, transpose_lhs_hint = false} : vector<640x24xf32>, vector<24x72xf32>, vector<640x72xf32> -> vector<640x72xf32>
    %dot_general3A_82 = arith.constant dense<0.000000e+00> : vector<640x72xf32>
    %dot_general3A_83 = tpu.matmul %slice3A_79, %get3A_54, %dot_general3A_82 {dimension_numbers = #tpu.dot_dimension_numbers<[1], [0], [0], [1], [0, 0, 1, 1], [], []>, transpose_lhs_hint = false} : vector<640x9xf32>, vector<9x72xf32>, vector<640x72xf32> -> vector<640x72xf32>
    %mul3A_84 = arith.mulf %dot_general3A_81, %dot_general3A_83 : vector<640x72xf32>
    %add3A_85 = arith.addf %add3A_77, %mul3A_84 : vector<640x72xf32>
    %slice3A_86 = vector.extract_strided_slice %mul3A {offsets = [0, 248], sizes = [640, 24], strides = [1, 1]} : vector<640x344xf32> to vector<640x24xf32>
    %slice3A_87 = vector.extract_strided_slice %slice3A_27 {offsets = [0, 36], sizes = [640, 9], strides = [1, 1]} : vector<640x72xf32> to vector<640x9xf32>
    %dot_general3A_88 = arith.constant dense<0.000000e+00> : vector<640x72xf32>
    %dot_general3A_89 = tpu.matmul %slice3A_86, %get3A_51, %dot_general3A_88 {dimension_numbers = #tpu.dot_dimension_numbers<[1], [0], [0], [1], [0, 0, 1, 1], [], []>, transpose_lhs_hint = false} : vector<640x24xf32>, vector<24x72xf32>, vector<640x72xf32> -> vector<640x72xf32>
    %dot_general3A_90 = arith.constant dense<0.000000e+00> : vector<640x72xf32>
    %dot_general3A_91 = tpu.matmul %slice3A_87, %get3A_54, %dot_general3A_90 {dimension_numbers = #tpu.dot_dimension_numbers<[1], [0], [0], [1], [0, 0, 1, 1], [], []>, transpose_lhs_hint = false} : vector<640x9xf32>, vector<9x72xf32>, vector<640x72xf32> -> vector<640x72xf32>
    %mul3A_92 = arith.mulf %dot_general3A_89, %dot_general3A_91 : vector<640x72xf32>
    %add3A_93 = arith.addf %add3A_85, %mul3A_92 : vector<640x72xf32>
    %slice3A_94 = vector.extract_strided_slice %mul3A {offsets = [0, 272], sizes = [640, 24], strides = [1, 1]} : vector<640x344xf32> to vector<640x24xf32>
    %slice3A_95 = vector.extract_strided_slice %slice3A_27 {offsets = [0, 45], sizes = [640, 9], strides = [1, 1]} : vector<640x72xf32> to vector<640x9xf32>
    %dot_general3A_96 = arith.constant dense<0.000000e+00> : vector<640x72xf32>
    %dot_general3A_97 = tpu.matmul %slice3A_94, %get3A_51, %dot_general3A_96 {dimension_numbers = #tpu.dot_dimension_numbers<[1], [0], [0], [1], [0, 0, 1, 1], [], []>, transpose_lhs_hint = false} : vector<640x24xf32>, vector<24x72xf32>, vector<640x72xf32> -> vector<640x72xf32>
    %dot_general3A_98 = arith.constant dense<0.000000e+00> : vector<640x72xf32>
    %dot_general3A_99 = tpu.matmul %slice3A_95, %get3A_54, %dot_general3A_98 {dimension_numbers = #tpu.dot_dimension_numbers<[1], [0], [0], [1], [0, 0, 1, 1], [], []>, transpose_lhs_hint = false} : vector<640x9xf32>, vector<9x72xf32>, vector<640x72xf32> -> vector<640x72xf32>
    %mul3A_100 = arith.mulf %dot_general3A_97, %dot_general3A_99 : vector<640x72xf32>
    %add3A_101 = arith.addf %add3A_93, %mul3A_100 : vector<640x72xf32>
    %slice3A_102 = vector.extract_strided_slice %mul3A {offsets = [0, 296], sizes = [640, 24], strides = [1, 1]} : vector<640x344xf32> to vector<640x24xf32>
    %slice3A_103 = vector.extract_strided_slice %slice3A_27 {offsets = [0, 54], sizes = [640, 9], strides = [1, 1]} : vector<640x72xf32> to vector<640x9xf32>
    %dot_general3A_104 = arith.constant dense<0.000000e+00> : vector<640x72xf32>
    %dot_general3A_105 = tpu.matmul %slice3A_102, %get3A_51, %dot_general3A_104 {dimension_numbers = #tpu.dot_dimension_numbers<[1], [0], [0], [1], [0, 0, 1, 1], [], []>, transpose_lhs_hint = false} : vector<640x24xf32>, vector<24x72xf32>, vector<640x72xf32> -> vector<640x72xf32>
    %dot_general3A_106 = arith.constant dense<0.000000e+00> : vector<640x72xf32>
    %dot_general3A_107 = tpu.matmul %slice3A_103, %get3A_54, %dot_general3A_106 {dimension_numbers = #tpu.dot_dimension_numbers<[1], [0], [0], [1], [0, 0, 1, 1], [], []>, transpose_lhs_hint = false} : vector<640x9xf32>, vector<9x72xf32>, vector<640x72xf32> -> vector<640x72xf32>
    %mul3A_108 = arith.mulf %dot_general3A_105, %dot_general3A_107 : vector<640x72xf32>
    %add3A_109 = arith.addf %add3A_101, %mul3A_108 : vector<640x72xf32>
    %slice3A_110 = vector.extract_strided_slice %mul3A {offsets = [0, 320], sizes = [640, 24], strides = [1, 1]} : vector<640x344xf32> to vector<640x24xf32>
    %slice3A_111 = vector.extract_strided_slice %slice3A_27 {offsets = [0, 63], sizes = [640, 9], strides = [1, 1]} : vector<640x72xf32> to vector<640x9xf32>
    %dot_general3A_112 = arith.constant dense<0.000000e+00> : vector<640x72xf32>
    %dot_general3A_113 = tpu.matmul %slice3A_110, %get3A_51, %dot_general3A_112 {dimension_numbers = #tpu.dot_dimension_numbers<[1], [0], [0], [1], [0, 0, 1, 1], [], []>, transpose_lhs_hint = false} : vector<640x24xf32>, vector<24x72xf32>, vector<640x72xf32> -> vector<640x72xf32>
    %dot_general3A_114 = arith.constant dense<0.000000e+00> : vector<640x72xf32>
    %dot_general3A_115 = tpu.matmul %slice3A_111, %get3A_54, %dot_general3A_114 {dimension_numbers = #tpu.dot_dimension_numbers<[1], [0], [0], [1], [0, 0, 1, 1], [], []>, transpose_lhs_hint = false} : vector<640x9xf32>, vector<9x72xf32>, vector<640x72xf32> -> vector<640x72xf32>
    %mul3A_116 = arith.mulf %dot_general3A_113, %dot_general3A_115 : vector<640x72xf32>
    %add3A_117 = arith.addf %add3A_109, %mul3A_116 : vector<640x72xf32>
    %get3A_118 = arith.constant 0 : index
    %get3A_119 = arith.constant 0 : index
    %get3A_120 = vector.load %arg10[%get3A_118, %get3A_119] : memref<8x72xf32, #tpu.memory_space<vmem>>, vector<8x72xf32>
    %dot_general3A_121 = arith.constant dense<0.000000e+00> : vector<640x72xf32>
    %dot_general3A_122 = tpu.matmul %exp3A, %get3A_120, %dot_general3A_121 {dimension_numbers = #tpu.dot_dimension_numbers<[1], [0], [0], [1], [0, 0, 1, 1], [], []>, transpose_lhs_hint = false} : vector<640x8xf32>, vector<8x72xf32>, vector<640x72xf32> -> vector<640x72xf32>
    %mul3A_123 = arith.mulf %add3A_117, %dot_general3A_122 : vector<640x72xf32>
    %slice3A_124 = vector.extract_strided_slice %mul3A {offsets = [0, 0], sizes = [640, 128], strides = [1, 1]} : vector<640x344xf32> to vector<640x128xf32>
    %swap3A = arith.constant 0 : index
    %swap3A_125 = arith.constant 0 : index
    %swap3A_126 = vector.load %arg11[%swap3A, %swap3A_125] : memref<640x128xf32, #tpu.memory_space<vmem>>, vector<640x128xf32>
    tpu.vector_store %arg11[%swap3A, %swap3A_125], %slice3A_124 {strides = array<i32>} : memref<640x128xf32, #tpu.memory_space<vmem>>, vector<640x128xf32>,
    %swap3A_127 = arith.constant 0 : index
    %swap3A_128 = arith.constant 0 : index
    %swap3A_129 = vector.load %arg12[%swap3A_127, %swap3A_128] : memref<640x128xf32, #tpu.memory_space<vmem>>, vector<640x72xf32>
    tpu.vector_store %arg12[%swap3A_127, %swap3A_128], %mul3A_123 {strides = array<i32>} : memref<640x128xf32, #tpu.memory_space<vmem>>, vector<640x72xf32>,
    %swap3A_130 = arith.constant 0 : index
    %swap3A_131 = arith.constant 72 : index
    %swap3A_132 = vector.load %arg12[%swap3A_130, %swap3A_131] : memref<640x128xf32, #tpu.memory_space<vmem>>, vector<640x8xf32>
    tpu.vector_store %arg12[%swap3A_130, %swap3A_131], %exp3A {strides = array<i32>} : memref<640x128xf32, #tpu.memory_space<vmem>>, vector<640x8xf32>,
    %broadcast_in_dim3A = arith.constant 0.000000e+00 : f32
    %broadcast_in_dim3A_133 = vector.broadcast %broadcast_in_dim3A : f32 to vector<640x48xf32>
    %swap3A_134 = arith.constant 0 : index
    %swap3A_135 = arith.constant 80 : index
    %swap3A_136 = vector.load %arg12[%swap3A_134, %swap3A_135] : memref<640x128xf32, #tpu.memory_space<vmem>>, vector<640x48xf32>
    tpu.vector_store %arg12[%swap3A_134, %swap3A_135], %broadcast_in_dim3A_133 {strides = array<i32>} : memref<640x128xf32, #tpu.memory_space<vmem>>, vector<640x48xf32>,
    return
  }
  func.func @transform_0(%arg0: i32) -> (i32, i32) {
    %add3A = arith.constant 0 : i32
    %add3A_0 = arith.addi %arg0, %add3A : i32
    %c0_i32 = arith.constant 0 : i32
    %c0_i32_1 = arith.constant 0 : i32
    return %add3A_0, %c0_i32 : i32, i32
  }
  func.func @transform_1(%arg0: i32) -> (i32, i32) {
    %c0_i32 = arith.constant 0 : i32
    %c0_i32_0 = arith.constant 0 : i32
    return %arg0, %c0_i32 : i32, i32
  }
  func.func @transform_2(%arg0: i32) -> (i32, i32) {
    %c0_i32 = arith.constant 0 : i32
    %c0_i32_0 = arith.constant 0 : i32
    return %arg0, %c0_i32 : i32, i32
  }
  func.func @transform_3(%arg0: i32) -> (i32, i32) {
    %add3A = arith.constant 0 : i32
    %add3A_0 = arith.addi %arg0, %add3A : i32
    %c0_i32 = arith.constant 0 : i32
    %c0_i32_1 = arith.constant 0 : i32
    return %add3A_0, %c0_i32 : i32, i32
  }
  func.func @transform_4(%arg0: i32) -> (i32, i32) {
    %c0_i32 = arith.constant 0 : i32
    %c0_i32_0 = arith.constant 0 : i32
    %c0_i32_1 = arith.constant 0 : i32
    return %c0_i32, %c0_i32_0 : i32, i32
  }
  func.func @transform_5(%arg0: i32) -> (i32, i32) {
    %c0_i32 = arith.constant 0 : i32
    %c0_i32_0 = arith.constant 0 : i32
    %c0_i32_1 = arith.constant 0 : i32
    return %c0_i32, %c0_i32_0 : i32, i32
  }
  func.func @transform_6(%arg0: i32) -> (i32, i32) {
    %c0_i32 = arith.constant 0 : i32
    %c0_i32_0 = arith.constant 0 : i32
    %c0_i32_1 = arith.constant 0 : i32
    return %c0_i32, %c0_i32_0 : i32, i32
  }
  func.func @transform_7(%arg0: i32) -> (i32, i32) {
    %c0_i32 = arith.constant 0 : i32
    %c0_i32_0 = arith.constant 0 : i32
    %c0_i32_1 = arith.constant 0 : i32
    return %c0_i32, %c0_i32_0 : i32, i32
  }
  func.func @transform_8(%arg0: i32) -> (i32, i32) {
    %c0_i32 = arith.constant 0 : i32
    %c0_i32_0 = arith.constant 0 : i32
    %c0_i32_1 = arith.constant 0 : i32
    return %c0_i32, %c0_i32_0 : i32, i32
  }
  func.func @transform_9(%arg0: i32) -> (i32, i32) {
    %c0_i32 = arith.constant 0 : i32
    %c0_i32_0 = arith.constant 0 : i32
    %c0_i32_1 = arith.constant 0 : i32
    return %c0_i32, %c0_i32_0 : i32, i32
  }
  func.func @transform_10(%arg0: i32) -> (i32, i32) {
    %c0_i32 = arith.constant 0 : i32
    %c0_i32_0 = arith.constant 0 : i32
    return %arg0, %c0_i32 : i32, i32
  }
  func.func @transform_11(%arg0: i32) -> (i32, i32) {
    %c0_i32 = arith.constant 0 : i32
    %c0_i32_0 = arith.constant 0 : i32
    return %arg0, %c0_i32 : i32, i32
  }
}

module attributes {stable_mosaic.version = 14 : i64} {
  func.func @_p3_body(%arg0: i32, %arg1: memref<640x128xf32, #tpu.memory_space<vmem>>, %arg2: memref<640x256xi32, #tpu.memory_space<vmem>>, %arg3: memref<640x128xi32, #tpu.memory_space<vmem>>, %arg4: memref<640x9xf32, #tpu.memory_space<vmem>>, %arg5: memref<128x472xf32, #tpu.memory_space<vmem>>, %arg6: memref<128x8xf32, #tpu.memory_space<vmem>>, %arg7: memref<24x72xf32, #tpu.memory_space<vmem>>, %arg8: memref<24x72xf32, #tpu.memory_space<vmem>>, %arg9: memref<9x72xf32, #tpu.memory_space<vmem>>, %arg10: memref<8x72xf32, #tpu.memory_space<vmem>>, %arg11: memref<640x128xf32, #tpu.memory_space<vmem>>, %arg12: memref<640x128xf32, #tpu.memory_space<vmem>>) attributes {dimension_semantics = [#tpu.dimension_semantics<arbitrary>], iteration_bounds = array<i64: 80>, scalar_prefetch = 0 : i64, scratch_operands = 0 : i64, tpu.core_type = #tpu.core_type<tc>, window_params = [{transform_indices = @transform_0, window_bounds = array<i64: 640, 128>}, {transform_indices = @transform_1, window_bounds = array<i64: 640, 256>}, {transform_indices = @transform_2, window_bounds = array<i64: 640, 128>}, {transform_indices = @transform_3, window_bounds = array<i64: 640, 9>}, {pipeline_mode = #tpu.pipeline_mode<synchronous>, transform_indices = @transform_4, window_bounds = array<i64: 128, 472>}, {pipeline_mode = #tpu.pipeline_mode<synchronous>, transform_indices = @transform_5, window_bounds = array<i64: 128, 8>}, {pipeline_mode = #tpu.pipeline_mode<synchronous>, transform_indices = @transform_6, window_bounds = array<i64: 24, 72>}, {pipeline_mode = #tpu.pipeline_mode<synchronous>, transform_indices = @transform_7, window_bounds = array<i64: 24, 72>}, {pipeline_mode = #tpu.pipeline_mode<synchronous>, transform_indices = @transform_8, window_bounds = array<i64: 9, 72>}, {pipeline_mode = #tpu.pipeline_mode<synchronous>, transform_indices = @transform_9, window_bounds = array<i64: 8, 72>}, {transform_indices = @transform_10, window_bounds = array<i64: 640, 128>}, {transform_indices = @transform_11, window_bounds = array<i64: 640, 128>}]} {
    %get3A = arith.constant 0 : index
    %get3A_0 = arith.constant 0 : index
    %get3A_1 = vector.load %arg1[%get3A, %get3A_0] : memref<640x128xf32, #tpu.memory_space<vmem>>, vector<640x128xf32>
    %get3A_2 = arith.constant 0 : index
    %get3A_3 = arith.constant 0 : index
    %get3A_4 = vector.load %arg2[%get3A_2, %get3A_3] : memref<640x256xi32, #tpu.memory_space<vmem>>, vector<640x256xi32>
    %bitcast3A = tpu.bitcast %get3A_4 : vector<640x256xi32> -> vector<640x256xi32>
    %shift_left3A = arith.constant 16 : i32
    %shift_left3A_5 = vector.broadcast %shift_left3A : i32 to vector<640x256xi32>
    %shift_left3A_6 = arith.shli %bitcast3A, %shift_left3A_5 : vector<640x256xi32>
    %bitcast3A_7 = tpu.bitcast %shift_left3A_6 : vector<640x256xi32> -> vector<640x256xf32>
    %bitcast3A_8 = tpu.bitcast %get3A_4 : vector<640x256xi32> -> vector<640x256xi32>
    %and3A = arith.constant -65536 : i32
    %and3A_9 = vector.broadcast %and3A : i32 to vector<640x256xi32>
    %and3A_10 = arith.andi %bitcast3A_8, %and3A_9 : vector<640x256xi32>
    %bitcast3A_11 = tpu.bitcast %and3A_10 : vector<640x256xi32> -> vector<640x256xf32>
    %concatenate3A = tpu.concatenate %bitcast3A_7, %bitcast3A_11 in 1 : vector<640x256xf32>, vector<640x256xf32> -> vector<640x512xf32>
    %get3A_12 = arith.constant 0 : index
    %get3A_13 = arith.constant 0 : index
    %get3A_14 = vector.load %arg5[%get3A_12, %get3A_13] : memref<128x472xf32, #tpu.memory_space<vmem>>, vector<128x472xf32>
    %dot_general3A = arith.constant dense<0.000000e+00> : vector<640x472xf32>
    %dot_general3A_15 = tpu.matmul %get3A_1, %get3A_14, %dot_general3A {dimension_numbers = #tpu.dot_dimension_numbers<[1], [0], [0], [1], [0, 0, 1, 1], [], []>, transpose_lhs_hint = false} : vector<640x128xf32>, vector<128x472xf32>, vector<640x472xf32> -> vector<640x472xf32>
    %slice3A = vector.extract_strided_slice %dot_general3A_15 {offsets = [0, 0], sizes = [640, 344], strides = [1, 1]} : vector<640x472xf32> to vector<640x344xf32>
    %slice3A_16 = vector.extract_strided_slice %dot_general3A_15 {offsets = [0, 344], sizes = [640, 128], strides = [1, 1]} : vector<640x472xf32> to vector<640x128xf32>
    %slice3A_17 = vector.extract_strided_slice %concatenate3A {offsets = [0, 0], sizes = [640, 344], strides = [1, 1]} : vector<640x512xf32> to vector<640x344xf32>
    %slice3A_18 = vector.extract_strided_slice %concatenate3A {offsets = [0, 344], sizes = [640, 128], strides = [1, 1]} : vector<640x512xf32> to vector<640x128xf32>
    %get3A_19 = arith.constant 0 : index
    %get3A_20 = arith.constant 0 : index
    %get3A_21 = vector.load %arg3[%get3A_19, %get3A_20] : memref<640x128xi32, #tpu.memory_space<vmem>>, vector<640x128xi32>
    %bitcast3A_22 = tpu.bitcast %get3A_21 : vector<640x128xi32> -> vector<640x128xi32>
    %shift_left3A_23 = arith.constant 16 : i32
    %shift_left3A_24 = vector.broadcast %shift_left3A_23 : i32 to vector<640x128xi32>
    %shift_left3A_25 = arith.shli %bitcast3A_22, %shift_left3A_24 : vector<640x128xi32>
    %bitcast3A_26 = tpu.bitcast %shift_left3A_25 : vector<640x128xi32> -> vector<640x128xf32>
    %slice3A_27 = vector.extract_strided_slice %bitcast3A_26 {offsets = [0, 0], sizes = [640, 72], strides = [1, 1]} : vector<640x128xf32> to vector<640x72xf32>
    %mul3A = arith.mulf %slice3A, %slice3A_17 : vector<640x344xf32>
    %mul3A_28 = arith.mulf %slice3A_16, %slice3A_18 : vector<640x128xf32>
    %get3A_29 = arith.constant 0 : index
    %get3A_30 = arith.constant 0 : index
    %get3A_31 = vector.load %arg6[%get3A_29, %get3A_30] : memref<128x8xf32, #tpu.memory_space<vmem>>, vector<128x8xf32>
    %dot_general3A_32 = arith.constant dense<0.000000e+00> : vector<640x8xf32>
    %dot_general3A_33 = tpu.matmul %mul3A_28, %get3A_31, %dot_general3A_32 {dimension_numbers = #tpu.dot_dimension_numbers<[1], [0], [0], [1], [0, 0, 1, 1], [], []>, transpose_lhs_hint = false} : vector<640x128xf32>, vector<128x8xf32>, vector<640x8xf32> -> vector<640x8xf32>
    %exp3A = math.exp %dot_general3A_33 : vector<640x8xf32>
    %get3A_34 = arith.constant 0 : index
    %get3A_35 = arith.constant 0 : index
    %get3A_36 = vector.load %arg4[%get3A_34, %get3A_35] : memref<640x9xf32, #tpu.memory_space<vmem>>, vector<640x9xf32>
    %get3A_37 = arith.constant 0 : index
    %get3A_38 = arith.constant 0 : index
    %get3A_39 = vector.load %arg9[%get3A_37, %get3A_38] : memref<9x72xf32, #tpu.memory_space<vmem>>, vector<9x72xf32>
    %dot_general3A_40 = arith.constant dense<0.000000e+00> : vector<640x72xf32>
    %dot_general3A_41 = tpu.matmul %get3A_36, %get3A_39, %dot_general3A_40 {dimension_numbers = #tpu.dot_dimension_numbers<[1], [0], [0], [1], [0, 0, 1, 1], [], []>, transpose_lhs_hint = false} : vector<640x9xf32>, vector<9x72xf32>, vector<640x72xf32> -> vector<640x72xf32>
    %slice3A_42 = vector.extract_strided_slice %mul3A {offsets = [0, 128], sizes = [640, 24], strides = [1, 1]} : vector<640x344xf32> to vector<640x24xf32>
    %get3A_43 = arith.constant 0 : index
    %get3A_44 = arith.constant 0 : index
    %get3A_45 = vector.load %arg7[%get3A_43, %get3A_44] : memref<24x72xf32, #tpu.memory_space<vmem>>, vector<24x72xf32>
    %dot_general3A_46 = arith.constant dense<0.000000e+00> : vector<640x72xf32>
    %dot_general3A_47 = tpu.matmul %slice3A_42, %get3A_45, %dot_general3A_46 {dimension_numbers = #tpu.dot_dimension_numbers<[1], [0], [0], [1], [0, 0, 1, 1], [], []>, transpose_lhs_hint = false} : vector<640x24xf32>, vector<24x72xf32>, vector<640x72xf32> -> vector<640x72xf32>
    %mul3A_48 = arith.mulf %dot_general3A_47, %dot_general3A_41 : vector<640x72xf32>
    %get3A_49 = arith.constant 0 : index
    %get3A_50 = arith.constant 0 : index
    %get3A_51 = vector.load %arg8[%get3A_49, %get3A_50] : memref<24x72xf32, #tpu.memory_space<vmem>>, vector<24x72xf32>
    %get3A_52 = arith.constant 0 : index
    %get3A_53 = arith.constant 0 : index
    %get3A_54 = vector.load %arg9[%get3A_52, %get3A_53] : memref<9x72xf32, #tpu.memory_space<vmem>>, vector<9x72xf32>
    %slice3A_55 = vector.extract_strided_slice %mul3A {offsets = [0, 152], sizes = [640, 24], strides = [1, 1]} : vector<640x344xf32> to vector<640x24xf32>
    %slice3A_56 = vector.extract_strided_slice %slice3A_27 {offsets = [0, 0], sizes = [640, 9], strides = [1, 1]} : vector<640x72xf32> to vector<640x9xf32>
    %dot_general3A_57 = arith.constant dense<0.000000e+00> : vector<640x72xf32>
    %dot_general3A_58 = tpu.matmul %slice3A_55, %get3A_51, %dot_general3A_57 {dimension_numbers = #tpu.dot_dimension_numbers<[1], [0], [0], [1], [0, 0, 1, 1], [], []>, transpose_lhs_hint = false} : vector<640x24xf32>, vector<24x72xf32>, vector<640x72xf32> -> vector<640x72xf32>
    %dot_general3A_59 = arith.constant dense<0.000000e+00> : vector<640x72xf32>
    %dot_general3A_60 = tpu.matmul %slice3A_56, %get3A_54, %dot_general3A_59 {dimension_numbers = #tpu.dot_dimension_numbers<[1], [0], [0], [1], [0, 0, 1, 1], [], []>, transpose_lhs_hint = false} : vector<640x9xf32>, vector<9x72xf32>, vector<640x72xf32> -> vector<640x72xf32>
    %mul3A_61 = arith.mulf %dot_general3A_58, %dot_general3A_60 : vector<640x72xf32>
    %add3A = arith.addf %mul3A_48, %mul3A_61 : vector<640x72xf32>
    %slice3A_62 = vector.extract_strided_slice %mul3A {offsets = [0, 176], sizes = [640, 24], strides = [1, 1]} : vector<640x344xf32> to vector<640x24xf32>
    %slice3A_63 = vector.extract_strided_slice %slice3A_27 {offsets = [0, 9], sizes = [640, 9], strides = [1, 1]} : vector<640x72xf32> to vector<640x9xf32>
    %dot_general3A_64 = arith.constant dense<0.000000e+00> : vector<640x72xf32>
    %dot_general3A_65 = tpu.matmul %slice3A_62, %get3A_51, %dot_general3A_64 {dimension_numbers = #tpu.dot_dimension_numbers<[1], [0], [0], [1], [0, 0, 1, 1], [], []>, transpose_lhs_hint = false} : vector<640x24xf32>, vector<24x72xf32>, vector<640x72xf32> -> vector<640x72xf32>
    %dot_general3A_66 = arith.constant dense<0.000000e+00> : vector<640x72xf32>
    %dot_general3A_67 = tpu.matmul %slice3A_63, %get3A_54, %dot_general3A_66 {dimension_numbers = #tpu.dot_dimension_numbers<[1], [0], [0], [1], [0, 0, 1, 1], [], []>, transpose_lhs_hint = false} : vector<640x9xf32>, vector<9x72xf32>, vector<640x72xf32> -> vector<640x72xf32>
    %mul3A_68 = arith.mulf %dot_general3A_65, %dot_general3A_67 : vector<640x72xf32>
    %add3A_69 = arith.addf %add3A, %mul3A_68 : vector<640x72xf32>
    %slice3A_70 = vector.extract_strided_slice %mul3A {offsets = [0, 200], sizes = [640, 24], strides = [1, 1]} : vector<640x344xf32> to vector<640x24xf32>
    %slice3A_71 = vector.extract_strided_slice %slice3A_27 {offsets = [0, 18], sizes = [640, 9], strides = [1, 1]} : vector<640x72xf32> to vector<640x9xf32>
    %dot_general3A_72 = arith.constant dense<0.000000e+00> : vector<640x72xf32>
    %dot_general3A_73 = tpu.matmul %slice3A_70, %get3A_51, %dot_general3A_72 {dimension_numbers = #tpu.dot_dimension_numbers<[1], [0], [0], [1], [0, 0, 1, 1], [], []>, transpose_lhs_hint = false} : vector<640x24xf32>, vector<24x72xf32>, vector<640x72xf32> -> vector<640x72xf32>
    %dot_general3A_74 = arith.constant dense<0.000000e+00> : vector<640x72xf32>
    %dot_general3A_75 = tpu.matmul %slice3A_71, %get3A_54, %dot_general3A_74 {dimension_numbers = #tpu.dot_dimension_numbers<[1], [0], [0], [1], [0, 0, 1, 1], [], []>, transpose_lhs_hint = false} : vector<640x9xf32>, vector<9x72xf32>, vector<640x72xf32> -> vector<640x72xf32>
    %mul3A_76 = arith.mulf %dot_general3A_73, %dot_general3A_75 : vector<640x72xf32>
    %add3A_77 = arith.addf %add3A_69, %mul3A_76 : vector<640x72xf32>
    %slice3A_78 = vector.extract_strided_slice %mul3A {offsets = [0, 224], sizes = [640, 24], strides = [1, 1]} : vector<640x344xf32> to vector<640x24xf32>
    %slice3A_79 = vector.extract_strided_slice %slice3A_27 {offsets = [0, 27], sizes = [640, 9], strides = [1, 1]} : vector<640x72xf32> to vector<640x9xf32>
    %dot_general3A_80 = arith.constant dense<0.000000e+00> : vector<640x72xf32>
    %dot_general3A_81 = tpu.matmul %slice3A_78, %get3A_51, %dot_general3A_80 {dimension_numbers = #tpu.dot_dimension_numbers<[1], [0], [0], [1], [0, 0, 1, 1], [], []>, transpose_lhs_hint = false} : vector<640x24xf32>, vector<24x72xf32>, vector<640x72xf32> -> vector<640x72xf32>
    %dot_general3A_82 = arith.constant dense<0.000000e+00> : vector<640x72xf32>
    %dot_general3A_83 = tpu.matmul %slice3A_79, %get3A_54, %dot_general3A_82 {dimension_numbers = #tpu.dot_dimension_numbers<[1], [0], [0], [1], [0, 0, 1, 1], [], []>, transpose_lhs_hint = false} : vector<640x9xf32>, vector<9x72xf32>, vector<640x72xf32> -> vector<640x72xf32>
    %mul3A_84 = arith.mulf %dot_general3A_81, %dot_general3A_83 : vector<640x72xf32>
    %add3A_85 = arith.addf %add3A_77, %mul3A_84 : vector<640x72xf32>
    %slice3A_86 = vector.extract_strided_slice %mul3A {offsets = [0, 248], sizes = [640, 24], strides = [1, 1]} : vector<640x344xf32> to vector<640x24xf32>
    %slice3A_87 = vector.extract_strided_slice %slice3A_27 {offsets = [0, 36], sizes = [640, 9], strides = [1, 1]} : vector<640x72xf32> to vector<640x9xf32>
    %dot_general3A_88 = arith.constant dense<0.000000e+00> : vector<640x72xf32>
    %dot_general3A_89 = tpu.matmul %slice3A_86, %get3A_51, %dot_general3A_88 {dimension_numbers = #tpu.dot_dimension_numbers<[1], [0], [0], [1], [0, 0, 1, 1], [], []>, transpose_lhs_hint = false} : vector<640x24xf32>, vector<24x72xf32>, vector<640x72xf32> -> vector<640x72xf32>
    %dot_general3A_90 = arith.constant dense<0.000000e+00> : vector<640x72xf32>
    %dot_general3A_91 = tpu.matmul %slice3A_87, %get3A_54, %dot_general3A_90 {dimension_numbers = #tpu.dot_dimension_numbers<[1], [0], [0], [1], [0, 0, 1, 1], [], []>, transpose_lhs_hint = false} : vector<640x9xf32>, vector<9x72xf32>, vector<640x72xf32> -> vector<640x72xf32>
    %mul3A_92 = arith.mulf %dot_general3A_89, %dot_general3A_91 : vector<640x72xf32>
    %add3A_93 = arith.addf %add3A_85, %mul3A_92 : vector<640x72xf32>
    %slice3A_94 = vector.extract_strided_slice %mul3A {offsets = [0, 272], sizes = [640, 24], strides = [1, 1]} : vector<640x344xf32> to vector<640x24xf32>
    %slice3A_95 = vector.extract_strided_slice %slice3A_27 {offsets = [0, 45], sizes = [640, 9], strides = [1, 1]} : vector<640x72xf32> to vector<640x9xf32>
    %dot_general3A_96 = arith.constant dense<0.000000e+00> : vector<640x72xf32>
    %dot_general3A_97 = tpu.matmul %slice3A_94, %get3A_51, %dot_general3A_96 {dimension_numbers = #tpu.dot_dimension_numbers<[1], [0], [0], [1], [0, 0, 1, 1], [], []>, transpose_lhs_hint = false} : vector<640x24xf32>, vector<24x72xf32>, vector<640x72xf32> -> vector<640x72xf32>
    %dot_general3A_98 = arith.constant dense<0.000000e+00> : vector<640x72xf32>
    %dot_general3A_99 = tpu.matmul %slice3A_95, %get3A_54, %dot_general3A_98 {dimension_numbers = #tpu.dot_dimension_numbers<[1], [0], [0], [1], [0, 0, 1, 1], [], []>, transpose_lhs_hint = false} : vector<640x9xf32>, vector<9x72xf32>, vector<640x72xf32> -> vector<640x72xf32>
    %mul3A_100 = arith.mulf %dot_general3A_97, %dot_general3A_99 : vector<640x72xf32>
    %add3A_101 = arith.addf %add3A_93, %mul3A_100 : vector<640x72xf32>
    %slice3A_102 = vector.extract_strided_slice %mul3A {offsets = [0, 296], sizes = [640, 24], strides = [1, 1]} : vector<640x344xf32> to vector<640x24xf32>
    %slice3A_103 = vector.extract_strided_slice %slice3A_27 {offsets = [0, 54], sizes = [640, 9], strides = [1, 1]} : vector<640x72xf32> to vector<640x9xf32>
    %dot_general3A_104 = arith.constant dense<0.000000e+00> : vector<640x72xf32>
    %dot_general3A_105 = tpu.matmul %slice3A_102, %get3A_51, %dot_general3A_104 {dimension_numbers = #tpu.dot_dimension_numbers<[1], [0], [0], [1], [0, 0, 1, 1], [], []>, transpose_lhs_hint = false} : vector<640x24xf32>, vector<24x72xf32>, vector<640x72xf32> -> vector<640x72xf32>
    %dot_general3A_106 = arith.constant dense<0.000000e+00> : vector<640x72xf32>
    %dot_general3A_107 = tpu.matmul %slice3A_103, %get3A_54, %dot_general3A_106 {dimension_numbers = #tpu.dot_dimension_numbers<[1], [0], [0], [1], [0, 0, 1, 1], [], []>, transpose_lhs_hint = false} : vector<640x9xf32>, vector<9x72xf32>, vector<640x72xf32> -> vector<640x72xf32>
    %mul3A_108 = arith.mulf %dot_general3A_105, %dot_general3A_107 : vector<640x72xf32>
    %add3A_109 = arith.addf %add3A_101, %mul3A_108 : vector<640x72xf32>
    %slice3A_110 = vector.extract_strided_slice %mul3A {offsets = [0, 320], sizes = [640, 24], strides = [1, 1]} : vector<640x344xf32> to vector<640x24xf32>
    %slice3A_111 = vector.extract_strided_slice %slice3A_27 {offsets = [0, 63], sizes = [640, 9], strides = [1, 1]} : vector<640x72xf32> to vector<640x9xf32>
    %dot_general3A_112 = arith.constant dense<0.000000e+00> : vector<640x72xf32>
    %dot_general3A_113 = tpu.matmul %slice3A_110, %get3A_51, %dot_general3A_112 {dimension_numbers = #tpu.dot_dimension_numbers<[1], [0], [0], [1], [0, 0, 1, 1], [], []>, transpose_lhs_hint = false} : vector<640x24xf32>, vector<24x72xf32>, vector<640x72xf32> -> vector<640x72xf32>
    %dot_general3A_114 = arith.constant dense<0.000000e+00> : vector<640x72xf32>
    %dot_general3A_115 = tpu.matmul %slice3A_111, %get3A_54, %dot_general3A_114 {dimension_numbers = #tpu.dot_dimension_numbers<[1], [0], [0], [1], [0, 0, 1, 1], [], []>, transpose_lhs_hint = false} : vector<640x9xf32>, vector<9x72xf32>, vector<640x72xf32> -> vector<640x72xf32>
    %mul3A_116 = arith.mulf %dot_general3A_113, %dot_general3A_115 : vector<640x72xf32>
    %add3A_117 = arith.addf %add3A_109, %mul3A_116 : vector<640x72xf32>
    %get3A_118 = arith.constant 0 : index
    %get3A_119 = arith.constant 0 : index
    %get3A_120 = vector.load %arg10[%get3A_118, %get3A_119] : memref<8x72xf32, #tpu.memory_space<vmem>>, vector<8x72xf32>
    %dot_general3A_121 = arith.constant dense<0.000000e+00> : vector<640x72xf32>
    %dot_general3A_122 = tpu.matmul %exp3A, %get3A_120, %dot_general3A_121 {dimension_numbers = #tpu.dot_dimension_numbers<[1], [0], [0], [1], [0, 0, 1, 1], [], []>, transpose_lhs_hint = false} : vector<640x8xf32>, vector<8x72xf32>, vector<640x72xf32> -> vector<640x72xf32>
    %mul3A_123 = arith.mulf %add3A_117, %dot_general3A_122 : vector<640x72xf32>
    %slice3A_124 = vector.extract_strided_slice %mul3A {offsets = [0, 0], sizes = [640, 128], strides = [1, 1]} : vector<640x344xf32> to vector<640x128xf32>
    %swap3A = arith.constant 0 : index
    %swap3A_125 = arith.constant 0 : index
    %swap3A_126 = vector.load %arg11[%swap3A, %swap3A_125] : memref<640x128xf32, #tpu.memory_space<vmem>>, vector<640x128xf32>
    tpu.vector_store %arg11[%swap3A, %swap3A_125], %slice3A_124 {strides = array<i32>} : memref<640x128xf32, #tpu.memory_space<vmem>>, vector<640x128xf32>,
    %swap3A_127 = arith.constant 0 : index
    %swap3A_128 = arith.constant 0 : index
    %swap3A_129 = vector.load %arg12[%swap3A_127, %swap3A_128] : memref<640x128xf32, #tpu.memory_space<vmem>>, vector<640x72xf32>
    tpu.vector_store %arg12[%swap3A_127, %swap3A_128], %mul3A_123 {strides = array<i32>} : memref<640x128xf32, #tpu.memory_space<vmem>>, vector<640x72xf32>,
    %swap3A_130 = arith.constant 0 : index
    %swap3A_131 = arith.constant 72 : index
    %swap3A_132 = vector.load %arg12[%swap3A_130, %swap3A_131] : memref<640x128xf32, #tpu.memory_space<vmem>>, vector<640x8xf32>
    tpu.vector_store %arg12[%swap3A_130, %swap3A_131], %exp3A {strides = array<i32>} : memref<640x128xf32, #tpu.memory_space<vmem>>, vector<640x8xf32>,
    %broadcast_in_dim3A = arith.constant 0.000000e+00 : f32
    %broadcast_in_dim3A_133 = vector.broadcast %broadcast_in_dim3A : f32 to vector<640x48xf32>
    %swap3A_134 = arith.constant 0 : index
    %swap3A_135 = arith.constant 80 : index
    %swap3A_136 = vector.load %arg12[%swap3A_134, %swap3A_135] : memref<640x128xf32, #tpu.memory_space<vmem>>, vector<640x48xf32>
    tpu.vector_store %arg12[%swap3A_134, %swap3A_135], %broadcast_in_dim3A_133 {strides = array<i32>} : memref<640x128xf32, #tpu.memory_space<vmem>>, vector<640x48xf32>,
    return
  }
  func.func @transform_0(%arg0: i32) -> (i32, i32) {
    %add3A = arith.constant 80 : i32
    %add3A_0 = arith.addi %arg0, %add3A : i32
    %c0_i32 = arith.constant 0 : i32
    %c0_i32_1 = arith.constant 0 : i32
    return %add3A_0, %c0_i32 : i32, i32
  }
  func.func @transform_1(%arg0: i32) -> (i32, i32) {
    %c0_i32 = arith.constant 0 : i32
    %c0_i32_0 = arith.constant 0 : i32
    return %arg0, %c0_i32 : i32, i32
  }
  func.func @transform_2(%arg0: i32) -> (i32, i32) {
    %c0_i32 = arith.constant 0 : i32
    %c0_i32_0 = arith.constant 0 : i32
    return %arg0, %c0_i32 : i32, i32
  }
  func.func @transform_3(%arg0: i32) -> (i32, i32) {
    %add3A = arith.constant 80 : i32
    %add3A_0 = arith.addi %arg0, %add3A : i32
    %c0_i32 = arith.constant 0 : i32
    %c0_i32_1 = arith.constant 0 : i32
    return %add3A_0, %c0_i32 : i32, i32
  }
  func.func @transform_4(%arg0: i32) -> (i32, i32) {
    %c0_i32 = arith.constant 0 : i32
    %c0_i32_0 = arith.constant 0 : i32
    %c0_i32_1 = arith.constant 0 : i32
    return %c0_i32, %c0_i32_0 : i32, i32
  }
  func.func @transform_5(%arg0: i32) -> (i32, i32) {
    %c0_i32 = arith.constant 0 : i32
    %c0_i32_0 = arith.constant 0 : i32
    %c0_i32_1 = arith.constant 0 : i32
    return %c0_i32, %c0_i32_0 : i32, i32
  }
  func.func @transform_6(%arg0: i32) -> (i32, i32) {
    %c0_i32 = arith.constant 0 : i32
    %c0_i32_0 = arith.constant 0 : i32
    %c0_i32_1 = arith.constant 0 : i32
    return %c0_i32, %c0_i32_0 : i32, i32
  }
  func.func @transform_7(%arg0: i32) -> (i32, i32) {
    %c0_i32 = arith.constant 0 : i32
    %c0_i32_0 = arith.constant 0 : i32
    %c0_i32_1 = arith.constant 0 : i32
    return %c0_i32, %c0_i32_0 : i32, i32
  }
  func.func @transform_8(%arg0: i32) -> (i32, i32) {
    %c0_i32 = arith.constant 0 : i32
    %c0_i32_0 = arith.constant 0 : i32
    %c0_i32_1 = arith.constant 0 : i32
    return %c0_i32, %c0_i32_0 : i32, i32
  }
  func.func @transform_9(%arg0: i32) -> (i32, i32) {
    %c0_i32 = arith.constant 0 : i32
    %c0_i32_0 = arith.constant 0 : i32
    %c0_i32_1 = arith.constant 0 : i32
    return %c0_i32, %c0_i32_0 : i32, i32
  }
  func.func @transform_10(%arg0: i32) -> (i32, i32) {
    %c0_i32 = arith.constant 0 : i32
    %c0_i32_0 = arith.constant 0 : i32
    return %arg0, %c0_i32 : i32, i32
  }
  func.func @transform_11(%arg0: i32) -> (i32, i32) {
    %c0_i32 = arith.constant 0 : i32
    %c0_i32_0 = arith.constant 0 : i32
    return %arg0, %c0_i32 : i32, i32
  }
}

module attributes {stable_mosaic.version = 14 : i64} {
  func.func @_p5_body(%arg0: i32, %arg1: memref<400x128xf32, #tpu.memory_space<vmem>>, %arg2: memref<400x72xf32, #tpu.memory_space<vmem>>, %arg3: memref<400x128xf32, #tpu.memory_space<vmem>>, %arg4: memref<400x128xf32, #tpu.memory_space<vmem>>, %arg5: memref<400x128xf32, #tpu.memory_space<vmem>>, %arg6: memref<400x128xf32, #tpu.memory_space<vmem>>, %arg7: memref<400x128xf32, #tpu.memory_space<vmem>>, %arg8: memref<400x128xf32, #tpu.memory_space<vmem>>, %arg9: memref<400x128xf32, #tpu.memory_space<vmem>>, %arg10: memref<400x128xf32, #tpu.memory_space<vmem>>, %arg11: memref<400x128xf32, #tpu.memory_space<vmem>>, %arg12: memref<400x128xf32, #tpu.memory_space<vmem>>, %arg13: memref<400x128xf32, #tpu.memory_space<vmem>>, %arg14: memref<400x128xf32, #tpu.memory_space<vmem>>, %arg15: memref<1x128xf32, #tpu.memory_space<vmem>>, %arg16: memref<1x128xf32, #tpu.memory_space<vmem>>, %arg17: memref<8x72xf32, #tpu.memory_space<vmem>>, %arg18: memref<72x3xf32, #tpu.memory_space<vmem>>, %arg19: memref<3x72xf32, #tpu.memory_space<vmem>>, %arg20: memref<400x128xf32, #tpu.memory_space<vmem>>, %arg21: memref<400x8x9xf32, #tpu.memory_space<vmem>>) attributes {dimension_semantics = [#tpu.dimension_semantics<arbitrary>], iteration_bounds = array<i64: 25>, scalar_prefetch = 0 : i64, scratch_operands = 0 : i64, tpu.core_type = #tpu.core_type<tc>, window_params = [{transform_indices = @transform_0, window_bounds = array<i64: 400, 128>}, {transform_indices = @transform_1, window_bounds = array<i64: 400, 72>}, {transform_indices = @transform_2, window_bounds = array<i64: 400, 128>}, {transform_indices = @transform_3, window_bounds = array<i64: 400, 128>}, {transform_indices = @transform_4, window_bounds = array<i64: 400, 128>}, {transform_indices = @transform_5, window_bounds = array<i64: 400, 128>}, {transform_indices = @transform_6, window_bounds = array<i64: 400, 128>}, {transform_indices = @transform_7, window_bounds = array<i64: 400, 128>}, {transform_indices = @transform_8, window_bounds = array<i64: 400, 128>}, {transform_indices = @transform_9, window_bounds = array<i64: 400, 128>}, {transform_indices = @transform_10, window_bounds = array<i64: 400, 128>}, {transform_indices = @transform_11, window_bounds = array<i64: 400, 128>}, {transform_indices = @transform_12, window_bounds = array<i64: 400, 128>}, {transform_indices = @transform_13, window_bounds = array<i64: 400, 128>}, {pipeline_mode = #tpu.pipeline_mode<synchronous>, transform_indices = @transform_14, window_bounds = array<i64: 1, 128>}, {pipeline_mode = #tpu.pipeline_mode<synchronous>, transform_indices = @transform_15, window_bounds = array<i64: 1, 128>}, {pipeline_mode = #tpu.pipeline_mode<synchronous>, transform_indices = @transform_16, window_bounds = array<i64: 8, 72>}, {pipeline_mode = #tpu.pipeline_mode<synchronous>, transform_indices = @transform_17, window_bounds = array<i64: 72, 3>}, {pipeline_mode = #tpu.pipeline_mode<synchronous>, transform_indices = @transform_18, window_bounds = array<i64: 3, 72>}, {transform_indices = @transform_19, window_bounds = array<i64: 400, 128>}, {transform_indices = @transform_20, window_bounds = array<i64: 400, 8, 9>}]} {
    %get3A = arith.constant 0 : index
    %get3A_0 = arith.constant 0 : index
    %get3A_1 = vector.load %arg1[%get3A, %get3A_0] : memref<400x128xf32, #tpu.memory_space<vmem>>, vector<400x128xf32>
    %get3A_2 = arith.constant 0 : index
    %get3A_3 = arith.constant 0 : index
    %get3A_4 = vector.load %arg3[%get3A_2, %get3A_3] : memref<400x128xf32, #tpu.memory_space<vmem>>, vector<400x128xf32>
    %add3A = arith.addf %get3A_1, %get3A_4 : vector<400x128xf32>
    %get3A_5 = arith.constant 0 : index
    %get3A_6 = arith.constant 0 : index
    %get3A_7 = vector.load %arg4[%get3A_5, %get3A_6] : memref<400x128xf32, #tpu.memory_space<vmem>>, vector<400x128xf32>
    %add3A_8 = arith.addf %add3A, %get3A_7 : vector<400x128xf32>
    %get3A_9 = arith.constant 0 : index
    %get3A_10 = arith.constant 0 : index
    %get3A_11 = vector.load %arg5[%get3A_9, %get3A_10] : memref<400x128xf32, #tpu.memory_space<vmem>>, vector<400x128xf32>
    %add3A_12 = arith.addf %add3A_8, %get3A_11 : vector<400x128xf32>
    %get3A_13 = arith.constant 0 : index
    %get3A_14 = arith.constant 0 : index
    %get3A_15 = vector.load %arg6[%get3A_13, %get3A_14] : memref<400x128xf32, #tpu.memory_space<vmem>>, vector<400x128xf32>
    %add3A_16 = arith.addf %add3A_12, %get3A_15 : vector<400x128xf32>
    %get3A_17 = arith.constant 0 : index
    %get3A_18 = arith.constant 0 : index
    %get3A_19 = vector.load %arg7[%get3A_17, %get3A_18] : memref<400x128xf32, #tpu.memory_space<vmem>>, vector<400x128xf32>
    %add3A_20 = arith.addf %add3A_16, %get3A_19 : vector<400x128xf32>
    %get3A_21 = arith.constant 0 : index
    %get3A_22 = arith.constant 0 : index
    %get3A_23 = vector.load %arg8[%get3A_21, %get3A_22] : memref<400x128xf32, #tpu.memory_space<vmem>>, vector<400x128xf32>
    %add3A_24 = arith.addf %add3A_20, %get3A_23 : vector<400x128xf32>
    %reduce_sum3A = arith.constant dense<0.000000e+00> : vector<400xf32>
    %reduce_sum3A_25 = vector.multi_reduction <add>, %add3A_24, %reduce_sum3A [1] : vector<400x128xf32> to vector<400xf32>
    %broadcast_in_dim3A = vector.shape_cast %reduce_sum3A_25 : vector<400xf32> to vector<400x1xf32>
    %div3A = arith.constant 1.280000e+02 : f32
    %div3A_26 = vector.broadcast %div3A : f32 to vector<400x1xf32>
    %div3A_27 = arith.divf %broadcast_in_dim3A, %div3A_26 : vector<400x1xf32>
    %sub3A = vector.broadcast %div3A_27 : vector<400x1xf32> to vector<400x128xf32>
    %sub3A_28 = arith.subf %add3A_24, %sub3A : vector<400x128xf32>
    %mul3A = arith.mulf %sub3A_28, %sub3A_28 : vector<400x128xf32>
    %reduce_sum3A_29 = arith.constant dense<0.000000e+00> : vector<400xf32>
    %reduce_sum3A_30 = vector.multi_reduction <add>, %mul3A, %reduce_sum3A_29 [1] : vector<400x128xf32> to vector<400xf32>
    %broadcast_in_dim3A_31 = vector.shape_cast %reduce_sum3A_30 : vector<400xf32> to vector<400x1xf32>
    %div3A_32 = arith.constant 1.280000e+02 : f32
    %div3A_33 = vector.broadcast %div3A_32 : f32 to vector<400x1xf32>
    %div3A_34 = arith.divf %broadcast_in_dim3A_31, %div3A_33 : vector<400x1xf32>
    %add3A_35 = arith.constant 9.99999974E-6 : f32
    %add3A_36 = vector.broadcast %add3A_35 : f32 to vector<400x1xf32>
    %add3A_37 = arith.addf %div3A_34, %add3A_36 : vector<400x1xf32>
    %rsqrt3A = math.rsqrt %add3A_37 : vector<400x1xf32>
    %mul3A_38 = vector.broadcast %rsqrt3A : vector<400x1xf32> to vector<400x128xf32>
    %mul3A_39 = arith.mulf %sub3A_28, %mul3A_38 : vector<400x128xf32>
    %get3A_40 = arith.constant 0 : index
    %get3A_41 = arith.constant 0 : index
    %get3A_42 = vector.load %arg15[%get3A_40, %get3A_41] : memref<1x128xf32, #tpu.memory_space<vmem>>, vector<1x128xf32>
    %mul3A_43 = vector.broadcast %get3A_42 : vector<1x128xf32> to vector<400x128xf32>
    %mul3A_44 = arith.mulf %mul3A_39, %mul3A_43 : vector<400x128xf32>
    %get3A_45 = arith.constant 0 : index
    %get3A_46 = arith.constant 0 : index
    %get3A_47 = vector.load %arg16[%get3A_45, %get3A_46] : memref<1x128xf32, #tpu.memory_space<vmem>>, vector<1x128xf32>
    %add3A_48 = vector.broadcast %get3A_47 : vector<1x128xf32> to vector<400x128xf32>
    %add3A_49 = arith.addf %mul3A_44, %add3A_48 : vector<400x128xf32>
    %swap3A = arith.constant 0 : index
    %swap3A_50 = arith.constant 0 : index
    %swap3A_51 = vector.load %arg20[%swap3A, %swap3A_50] : memref<400x128xf32, #tpu.memory_space<vmem>>, vector<400x128xf32>
    tpu.vector_store %arg20[%swap3A, %swap3A_50], %add3A_49 {strides = array<i32>} : memref<400x128xf32, #tpu.memory_space<vmem>>, vector<400x128xf32>,
    %get3A_52 = arith.constant 0 : index
    %get3A_53 = arith.constant 0 : index
    %get3A_54 = vector.load %arg9[%get3A_52, %get3A_53] : memref<400x128xf32, #tpu.memory_space<vmem>>, vector<400x128xf32>
    %get3A_55 = arith.constant 0 : index
    %get3A_56 = arith.constant 0 : index
    %get3A_57 = vector.load %arg10[%get3A_55, %get3A_56] : memref<400x128xf32, #tpu.memory_space<vmem>>, vector<400x128xf32>
    %add3A_58 = arith.addf %get3A_54, %get3A_57 : vector<400x128xf32>
    %get3A_59 = arith.constant 0 : index
    %get3A_60 = arith.constant 0 : index
    %get3A_61 = vector.load %arg11[%get3A_59, %get3A_60] : memref<400x128xf32, #tpu.memory_space<vmem>>, vector<400x128xf32>
    %add3A_62 = arith.addf %add3A_58, %get3A_61 : vector<400x128xf32>
    %get3A_63 = arith.constant 0 : index
    %get3A_64 = arith.constant 0 : index
    %get3A_65 = vector.load %arg12[%get3A_63, %get3A_64] : memref<400x128xf32, #tpu.memory_space<vmem>>, vector<400x128xf32>
    %add3A_66 = arith.addf %add3A_62, %get3A_65 : vector<400x128xf32>
    %get3A_67 = arith.constant 0 : index
    %get3A_68 = arith.constant 0 : index
    %get3A_69 = vector.load %arg13[%get3A_67, %get3A_68] : memref<400x128xf32, #tpu.memory_space<vmem>>, vector<400x128xf32>
    %add3A_70 = arith.addf %add3A_66, %get3A_69 : vector<400x128xf32>
    %get3A_71 = arith.constant 0 : index
    %get3A_72 = arith.constant 0 : index
    %get3A_73 = vector.load %arg14[%get3A_71, %get3A_72] : memref<400x128xf32, #tpu.memory_space<vmem>>, vector<400x128xf32>
    %add3A_74 = arith.addf %add3A_70, %get3A_73 : vector<400x128xf32>
    %slice3A = vector.extract_strided_slice %add3A_74 {offsets = [0, 0], sizes = [400, 72], strides = [1, 1]} : vector<400x128xf32> to vector<400x72xf32>
    %slice3A_75 = vector.extract_strided_slice %add3A_74 {offsets = [0, 72], sizes = [400, 8], strides = [1, 1]} : vector<400x128xf32> to vector<400x8xf32>
    %get3A_76 = arith.constant 0 : index
    %get3A_77 = arith.constant 0 : index
    %get3A_78 = vector.load %arg17[%get3A_76, %get3A_77] : memref<8x72xf32, #tpu.memory_space<vmem>>, vector<8x72xf32>
    %dot_general3A = arith.constant dense<0.000000e+00> : vector<400x72xf32>
    %dot_general3A_79 = tpu.matmul %slice3A_75, %get3A_78, %dot_general3A {dimension_numbers = #tpu.dot_dimension_numbers<[1], [0], [0], [1], [0, 0, 1, 1], [], []>, transpose_lhs_hint = false} : vector<400x8xf32>, vector<8x72xf32>, vector<400x72xf32> -> vector<400x72xf32>
    %get3A_80 = arith.constant 0 : index
    %get3A_81 = arith.constant 0 : index
    %get3A_82 = vector.load %arg2[%get3A_80, %get3A_81] : memref<400x72xf32, #tpu.memory_space<vmem>>, vector<400x72xf32>
    %add3A_83 = arith.constant 1.000000e-16 : f32
    %add3A_84 = vector.broadcast %add3A_83 : f32 to vector<400x72xf32>
    %add3A_85 = arith.addf %dot_general3A_79, %add3A_84 : vector<400x72xf32>
    %div3A_86 = arith.divf %slice3A, %add3A_85 : vector<400x72xf32>
    %add3A_87 = arith.addf %get3A_82, %div3A_86 : vector<400x72xf32>
    %mul3A_88 = arith.mulf %add3A_87, %add3A_87 : vector<400x72xf32>
    %get3A_89 = arith.constant 0 : index
    %get3A_90 = arith.constant 0 : index
    %get3A_91 = vector.load %arg18[%get3A_89, %get3A_90] : memref<72x3xf32, #tpu.memory_space<vmem>>, vector<72x3xf32>
    %dot_general3A_92 = arith.constant dense<0.000000e+00> : vector<400x3xf32>
    %dot_general3A_93 = tpu.matmul %mul3A_88, %get3A_91, %dot_general3A_92 {dimension_numbers = #tpu.dot_dimension_numbers<[1], [0], [0], [1], [0, 0, 1, 1], [], []>, transpose_lhs_hint = false} : vector<400x72xf32>, vector<72x3xf32>, vector<400x3xf32> -> vector<400x3xf32>
    %add3A_94 = arith.constant 9.99999993E-9 : f32
    %add3A_95 = vector.broadcast %add3A_94 : f32 to vector<400x3xf32>
    %add3A_96 = arith.addf %dot_general3A_93, %add3A_95 : vector<400x3xf32>
    %rsqrt3A_97 = math.rsqrt %add3A_96 : vector<400x3xf32>
    %get3A_98 = arith.constant 0 : index
    %get3A_99 = arith.constant 0 : index
    %get3A_100 = vector.load %arg19[%get3A_98, %get3A_99] : memref<3x72xf32, #tpu.memory_space<vmem>>, vector<3x72xf32>
    %dot_general3A_101 = arith.constant dense<0.000000e+00> : vector<400x72xf32>
    %dot_general3A_102 = tpu.matmul %rsqrt3A_97, %get3A_100, %dot_general3A_101 {dimension_numbers = #tpu.dot_dimension_numbers<[1], [0], [0], [1], [0, 0, 1, 1], [], []>, transpose_lhs_hint = false} : vector<400x3xf32>, vector<3x72xf32>, vector<400x72xf32> -> vector<400x72xf32>
    %mul3A_103 = arith.mulf %add3A_87, %dot_general3A_102 : vector<400x72xf32>
    %reshape3A = vector.shape_cast %mul3A_103 : vector<400x72xf32> to vector<400x8x9xf32>
    %swap3A_104 = arith.constant 0 : index
    %swap3A_105 = arith.constant 0 : index
    %swap3A_106 = arith.constant 0 : index
    %swap3A_107 = vector.load %arg21[%swap3A_104, %swap3A_105, %swap3A_106] : memref<400x8x9xf32, #tpu.memory_space<vmem>>, vector<400x8x9xf32>
    tpu.vector_store %arg21[%swap3A_104, %swap3A_105, %swap3A_106], %reshape3A {strides = array<i32>} : memref<400x8x9xf32, #tpu.memory_space<vmem>>, vector<400x8x9xf32>,
    return
  }
  func.func @transform_0(%arg0: i32) -> (i32, i32) {
    %c0_i32 = arith.constant 0 : i32
    %c0_i32_0 = arith.constant 0 : i32
    return %arg0, %c0_i32 : i32, i32
  }
  func.func @transform_1(%arg0: i32) -> (i32, i32) {
    %c0_i32 = arith.constant 0 : i32
    %c0_i32_0 = arith.constant 0 : i32
    return %arg0, %c0_i32 : i32, i32
  }
  func.func @transform_2(%arg0: i32) -> (i32, i32) {
    %c0_i32 = arith.constant 0 : i32
    %c0_i32_0 = arith.constant 0 : i32
    return %arg0, %c0_i32 : i32, i32
  }
  func.func @transform_3(%arg0: i32) -> (i32, i32) {
    %c0_i32 = arith.constant 0 : i32
    %c0_i32_0 = arith.constant 0 : i32
    return %arg0, %c0_i32 : i32, i32
  }
  func.func @transform_4(%arg0: i32) -> (i32, i32) {
    %c0_i32 = arith.constant 0 : i32
    %c0_i32_0 = arith.constant 0 : i32
    return %arg0, %c0_i32 : i32, i32
  }
  func.func @transform_5(%arg0: i32) -> (i32, i32) {
    %c0_i32 = arith.constant 0 : i32
    %c0_i32_0 = arith.constant 0 : i32
    return %arg0, %c0_i32 : i32, i32
  }
  func.func @transform_6(%arg0: i32) -> (i32, i32) {
    %c0_i32 = arith.constant 0 : i32
    %c0_i32_0 = arith.constant 0 : i32
    return %arg0, %c0_i32 : i32, i32
  }
  func.func @transform_7(%arg0: i32) -> (i32, i32) {
    %c0_i32 = arith.constant 0 : i32
    %c0_i32_0 = arith.constant 0 : i32
    return %arg0, %c0_i32 : i32, i32
  }
  func.func @transform_8(%arg0: i32) -> (i32, i32) {
    %c0_i32 = arith.constant 0 : i32
    %c0_i32_0 = arith.constant 0 : i32
    return %arg0, %c0_i32 : i32, i32
  }
  func.func @transform_9(%arg0: i32) -> (i32, i32) {
    %c0_i32 = arith.constant 0 : i32
    %c0_i32_0 = arith.constant 0 : i32
    return %arg0, %c0_i32 : i32, i32
  }
  func.func @transform_10(%arg0: i32) -> (i32, i32) {
    %c0_i32 = arith.constant 0 : i32
    %c0_i32_0 = arith.constant 0 : i32
    return %arg0, %c0_i32 : i32, i32
  }
  func.func @transform_11(%arg0: i32) -> (i32, i32) {
    %c0_i32 = arith.constant 0 : i32
    %c0_i32_0 = arith.constant 0 : i32
    return %arg0, %c0_i32 : i32, i32
  }
  func.func @transform_12(%arg0: i32) -> (i32, i32) {
    %c0_i32 = arith.constant 0 : i32
    %c0_i32_0 = arith.constant 0 : i32
    return %arg0, %c0_i32 : i32, i32
  }
  func.func @transform_13(%arg0: i32) -> (i32, i32) {
    %c0_i32 = arith.constant 0 : i32
    %c0_i32_0 = arith.constant 0 : i32
    return %arg0, %c0_i32 : i32, i32
  }
  func.func @transform_14(%arg0: i32) -> (i32, i32) {
    %c0_i32 = arith.constant 0 : i32
    %c0_i32_0 = arith.constant 0 : i32
    %c0_i32_1 = arith.constant 0 : i32
    return %c0_i32, %c0_i32_0 : i32, i32
  }
  func.func @transform_15(%arg0: i32) -> (i32, i32) {
    %c0_i32 = arith.constant 0 : i32
    %c0_i32_0 = arith.constant 0 : i32
    %c0_i32_1 = arith.constant 0 : i32
    return %c0_i32, %c0_i32_0 : i32, i32
  }
  func.func @transform_16(%arg0: i32) -> (i32, i32) {
    %c0_i32 = arith.constant 0 : i32
    %c0_i32_0 = arith.constant 0 : i32
    %c0_i32_1 = arith.constant 0 : i32
    return %c0_i32, %c0_i32_0 : i32, i32
  }
  func.func @transform_17(%arg0: i32) -> (i32, i32) {
    %c0_i32 = arith.constant 0 : i32
    %c0_i32_0 = arith.constant 0 : i32
    %c0_i32_1 = arith.constant 0 : i32
    return %c0_i32, %c0_i32_0 : i32, i32
  }
  func.func @transform_18(%arg0: i32) -> (i32, i32) {
    %c0_i32 = arith.constant 0 : i32
    %c0_i32_0 = arith.constant 0 : i32
    %c0_i32_1 = arith.constant 0 : i32
    return %c0_i32, %c0_i32_0 : i32, i32
  }
  func.func @transform_19(%arg0: i32) -> (i32, i32) {
    %c0_i32 = arith.constant 0 : i32
    %c0_i32_0 = arith.constant 0 : i32
    return %arg0, %c0_i32 : i32, i32
  }
  func.func @transform_20(%arg0: i32) -> (i32, i32, i32) {
    %c0_i32 = arith.constant 0 : i32
    %c0_i32_0 = arith.constant 0 : i32
    %c0_i32_1 = arith.constant 0 : i32
    return %arg0, %c0_i32, %c0_i32_0 : i32, i32, i32
  }
}

</mosaic_0001>

<sc_bundles>
// kernel: kernel.16.cloned.1.call-start
scs
__scs_entry_jumppad:
0x0: {  	(pc) =	sbr.rel $0x88, $3  }
0x1: {  	(tag) =	ssettag $0x0;
	lr =	simm.s32 $0x1  }
0x2: {  	[smem:$0x3F92] =	sst lr;
	_ =	strace $0xD0000000  }
0x3: {  	_ = 	snop  }
0x4: {  	_ = 	snop  }
0x5: {  	_ = 	snop  }
0x6: {  	_ = 	snop  }
0x7: {  	_ = 	snop  }
__scs_overlays_trampoline_lowered:
0x8: {  	[smem:$0x3FA1] =	sst s0  }
0x9: {  	[smem:$0x3FA2] =	sst s1  }
0xa: {  	[smem:$0x3FA3] =	sst s2  }
0xb: {  	[smem:$0x3FA4] =	sst s3  }
0xc: {  	[smem:$0x3FA5] =	sst s4  }
0xd: {  	[smem:$0x3FA6] =	sst s5  }
0xe: {  	[smem:$0x3FA7] =	sst s6  }
0xf: {  	[smem:$0x3FA8] =	sst s7  }
0x10: {  	[smem:$0x3FA9] =	sst s8  }
0x11: {  	[smem:$0x3FAA] =	sst s9;
	s0 =	simm.s32 @!p0 $0x0  }
0x12: {  	s1 =	sld [smem:$0x3F90];
	s0 =	simm.s32 @p0 $0x1  }
0x13: {  	[smem:$0x3FAB] =	sst s0;
	s0 =	simm.s32 @!p1 $0x0  }
0x14: {  	s2 =	sld [smem:$0x3F8F];
	s0 =	simm.s32 @p1 $0x1  }
0x15: {  	[smem:$0x3FAC] =	sst s0;
	s0 =	simm.s32 @!p2 $0x0  }
0x16: {  	s3 =	sld [smem:$0x3FDB];
	s0 =	simm.s32 @p2 $0x1  }
0x17: {  	s4 =	simm.s32 $0x1BF5;
	[smem:$0x3FAE] =	sst s0  }
0x18: {  	s0 =	sld [smem:$0x3F91];
	_ =	swait.ge [sflag:s4], $0x0  }
0x19: {  	s7 =	sld [smem:$0x3F92]  }
0x1a: {  	s8 =	sadd.s32 $0xFFFFE003, lr  }
0x1b: {  	s9 =	sadd.s32 $0xFFFFFEF7, lr;
	s5 =	simm.s32 $0xFFFFFFFF;
	p2 =	slt.u32 s8, $0xFFFFF086  }
0x1c: {  	p1 =	slt.u32 s9, $0xF7A;
	s5 =	simm.s32 @!p2 $0x0  }
0x1d: {  	s5 =	simm.s32 @p1 $0x1;
	p0 =	seq.s32 s7, s2  }
0x1e: {  	s7 =	smul.u32 @!p0 $0xF7A, s2;
	p2 =	seq.s32 @!p0 s5, $0x0  }
0x1f: {  	s9 =	smul.u32 $0xF7A, s1;
	s8 =	simm.s32 @!p0 $0x1BF5;
	p2 =	por !p2, p0  }
0x20: {  	[sflag:s8] =	ssyncset.s32 @!p0 $0xFFFFF086;
	s6 =	sadd.s32 @!p0 s3, s7;
	s7 =	simm.s32 @!p0 $0x108  }
0x21: {  	s3 =	sadd.s32 s3, s9;
	s6 =	sadd.s32 @!p0 $0x88, s6;
	s7 =	simm.s32 @p2 $0x1082  }
0x22: {  	[simem:s7], [sflag:s8] =	dma.local @!p0 [hbm:s6], $0xF7A  }
0x23: {  	s9 =	sor.u32 $0xD0000000, s2;
	s6 =	simm.s32 $0x108;
	_ =	swait.ge @!p0 [sflag:s8], $0x0  }
0x24: {  	s3 =	sadd.s32 $0x88, s3;
	s6 =	simm.s32 @!p1 $0x1082;
	[sflag:s4] =	ssyncset.s32 $0xFFFFF086  }
0x25: {  	[simem:s6], [sflag:s4] =	dma.local [hbm:s3], $0xF7A  }
0x26: {  	[smem:$0x3F92] =	sst s1;
	(tag) =	ssettag s2;
	_ =	strace s9  }
0x27: {  	s1 =	sld [smem:$0x3FA2]  }
0x28: {  	s2 =	sld [smem:$0x3FA3]  }
0x29: {  	s4 =	sld [smem:$0x3FA5]  }
0x2a: {  	p0 =	seq.s32 s5, $0x0;
	s5 =	sld [smem:$0x3FA6]  }
0x2b: {  	s6 =	sld [smem:$0x3FA7]  }
0x2c: {  	s7 =	sld [smem:$0x3FA8]  }
0x2d: {  	s3 =	simm.s32 $0x108;
	s8 =	sld [smem:$0x3FA9]  }
0x2e: {  	s3 =	simm.s32 @!p0 $0x1082;
	s9 =	sld [smem:$0x3FAA]  }
0x2f: {  	lr =	sadd.s32 s0, s3;
	s0 =	sld [smem:$0x3FA1]  }
0x30: {  	s3 =	sld [smem:$0x3FA4]  }
0x31: {  	[smem:$0x3FAD] =	sst s10  }
0x32: {  	s10 =	sld [smem:$0x3FAB];
	_ =	sdelay $0x3  }
0x33: {  	p0 =	seq.s32 s10, $0x1;
	s10 =	sld [smem:$0x3FAD];
	_ =	sdelay $0x3  }
0x34: {  	[smem:$0x3FAD] =	sst s10  }
0x35: {  	s10 =	sld [smem:$0x3FAC];
	_ =	sdelay $0x3  }
0x36: {  	p1 =	seq.s32 s10, $0x1;
	s10 =	sld [smem:$0x3FAD];
	_ =	sdelay $0x3  }
0x37: {  	[smem:$0x3FAD] =	sst s10  }
0x38: {  	s10 =	sld [smem:$0x3FAE]  }
0x39: {  	_ = 	snop;
	(pc) =	sbr.ind lr, $3  }
0x3a: {  	_ = 	snop  }
0x3b: {  	_ = 	snop  }
0x3c: {  	p2 =	seq.s32 s10, $0x1;
	s10 =	sld [smem:$0x3FAD]  }
0x3d: {  	_ =	shalt  }
0x3e: {  	_ =	shalt  }
0x3f: {  	_ =	shalt  }
0x40: {  	_ =	shalt  }
0x41: {  	_ =	shalt  }
0x42: {  	_ =	shalt  }
0x43: {  	_ =	shalt  }
0x44: {  	_ =	shalt  }
0x45: {  	_ =	shalt  }
0x46: {  	_ =	shalt  }
0x47: {  	_ =	shalt  }
0x48: {  	_ =	shalt  }
0x49: {  	_ =	shalt  }
0x4a: {  	_ =	shalt  }
0x4b: {  	_ =	shalt  }
0x4c: {  	_ =	shalt  }
0x4d: {  	_ =	shalt  }
0x4e: {  	_ =	shalt  }
0x4f: {  	_ =	shalt  }
0x50: {  	_ =	shalt  }
0x51: {  	_ =	shalt  }
0x52: {  	_ =	shalt  }
0x53: {  	_ =	shalt  }
0x54: {  	_ =	shalt  }
0x55: {  	_ =	shalt  }
0x56: {  	_ =	shalt  }
0x57: {  	_ =	shalt  }
0x58: {  	_ =	shalt  }
0x59: {  	_ =	shalt  }
0x5a: {  	_ =	shalt  }
0x5b: {  	_ =	shalt  }
0x5c: {  	_ =	shalt  }
0x5d: {  	_ =	shalt  }
0x5e: {  	_ =	shalt  }
0x5f: {  	_ =	shalt  }
0x60: {  	_ =	shalt  }
0x61: {  	_ =	shalt  }
0x62: {  	_ =	shalt  }
0x63: {  	_ =	shalt  }
0x64: {  	_ =	shalt  }
0x65: {  	_ =	shalt  }
0x66: {  	_ =	shalt  }
0x67: {  	_ =	shalt  }
0x68: {  	_ =	shalt  }
0x69: {  	_ =	shalt  }
0x6a: {  	_ =	shalt  }
0x6b: {  	_ =	shalt  }
0x6c: {  	_ =	shalt  }
0x6d: {  	_ =	shalt  }
0x6e: {  	_ =	shalt  }
0x6f: {  	_ =	shalt  }
0x70: {  	_ =	shalt  }
0x71: {  	_ =	shalt  }
0x72: {  	_ =	shalt  }
0x73: {  	_ =	shalt  }
0x74: {  	_ =	shalt  }
0x75: {  	_ =	shalt  }
0x76: {  	_ =	shalt  }
0x77: {  	_ =	shalt  }
0x78: {  	_ =	shalt  }
0x79: {  	_ =	shalt  }
0x7a: {  	_ =	shalt  }
0x7b: {  	_ =	shalt  }
0x7c: {  	_ =	shalt  }
0x7d: {  	_ =	shalt  }
0x7e: {  	_ =	shalt  }
0x7f: {  	_ =	shalt  }
0x80: {  	_ =	shalt  }
0x81: {  	_ =	shalt  }
0x82: {  	_ =	shalt  }
0x83: {  	_ =	shalt  }
0x84: {  	_ =	shalt  }
0x85: {  	_ =	shalt  }
0x86: {  	_ =	shalt  }
0x87: {  	_ =	shalt  }
.Lfunc_end0:
.L_simem_size_0:
called_computation_lowered:
.L_overlay_start_0:
0x88: {  	s2 =	sld [smem:$0x3FD9]  }
0x89: {  	s3 =	sld [smem:$0x3FFE];
	_ =	sdelay $0x1  }
0x8a: {  	s1 =	srdreg.scid  }
0x8b: {  	s0 =	sand.u32 $0x1, s1  }
0x8c: {  	s17 =	sshll.u32 s0, $0xA;
	s2 =	sadd.s32 s3, s2  }
0x8d: {  	s2 =	sadd.s32 s2, s17  }
0x8e: {  	[smem:$0x3FB9] =	sst s2  }
0x8f: {  	_ = 	snop  }
0x90: {  	s18 =	sld [smem:$0x3FC5];
	(tm) =	ssettm $0x1  }
0x91: {  	s19 =	sld [smem:$0x3FFB];
	_ =	sdelay $0x3  }
0x92: {  	_ =	strace s19  }
0x93: {  	s2 =	sld [smem:$0x3FFC];
	_ =	sdelay $0x3  }
0x94: {  	_ =	strace s2  }
0x95: {  	s2 =	sld [smem:$0x3FFD];
	_ =	sdelay $0x3  }
0x96: {  	_ =	strace s2  }
0x97: {  	_ =	strace $0x8FFFFFFF  }
0x98: {  	s20 =	sld [smem:$0x3FDB];
	_ =	sdelay $0x1  }
0x99: {  	s4 =	simm.s32 $_scs_section_size  }
0x9a: {  	s5 =	simm.s32 $_size__tile_overlayer_lowered;
	s6 =	simm.s32 $_tile_overlayer_lowered  }
0x9b: {  	s7 =	simm.s32 $0x1BFF;
	s21 =	sshll.u32 s6, $0x1;
	s4 =	sadd.s32 s4, s20  }
0x9c: {  	s22 =	simm.s32 $0x0;
	s5 =	sshll.u32 s5, $0x1;
	s6 =	sadd.s32 s21, s4  }
0x9d: {  	[timem:s22], [sflag:s7] =	dma.local [hbm:s6], s5  }
0x9e: {  	_ =	swait.ge [sflag:s7], s5  }
0x9f: {  	s5 =	ssub.s32 $0x0, s5;
	[sflag:s7] =	ssyncset.done $0x0  }
0xa0: {  	[sflag:s7] =	ssyncadd.s32 s5;
	_ =	sdelay $0x1  }
0xa1: {  	s23 =	simm.s32 $0x1B8B  }
0xa2: {  	_ =	swait.ge [sflag:s23], $0x1  }
0xa3: {  	[sflag:s23] =	ssyncset.done $0x0  }
0xa4: {  	[sflag:s23] =	ssyncadd.s32 $0xFFFFFFFF  }
0xa5: {  	s5 =	sld [smem:$0x0]  }
0xa6: {  	s6 =	sand.u32 $0xFFFFFFFE, s1  }
0xa7: {  	p0 =	sne.s32 s1, s6  }
0xa8: {  	s6 =	sshll.u32 @p0 s6, $0xE  }
0xa9: {  	s6 =	sadd.s32 @p0 $0x11B8D, s6;
	s7 =	sshll.u32 @p0 s5, $0x11  }
0xaa: {  	s6 =	sor.u32 @p0 s7, s6  }
0xab: {  	[sflag:s6] =	ssyncadd.remote.s32 @p0 $0x1;
	_ =	sdelay $0x1  }
0xac: {  	s6 =	simm.s32 @p0 $0x1B8D  }
0xad: {  	_ =	swait.eq @p0 [sflag:s6], $0x1  }
0xae: {  	[sflag:s6] =	ssyncadd.s32 @p0 $0xFFFFFFFF  }
0xaf: {  	s7 =	sshll.u32 @!p0 s1, $0xE  }
0xb0: {  	s7 =	sor.u32 @!p0 $0x4000, s7;
	s6 =	simm.s32 @!p0 $0x1B8D  }
0xb1: {  	s5 =	sshll.u32 @!p0 s5, $0x11;
	s7 =	sadd.s32 @!p0 $0x11B8D, s7;
	_ =	swait.eq @!p0 [sflag:s6], $0x1  }
0xb2: {  	s5 =	sor.u32 @!p0 s5, s7;
	[sflag:s6] =	ssyncadd.s32 @!p0 $0xFFFFFFFF  }
0xb3: {  	s25 =	simm.s32 $0x1B8E;
	s24 =	sld [smem:$0x3FFE];
	[sflag:s5] =	ssyncadd.remote.s32 @!p0 $0x1  }
0xb4: {  	s26 =	simm.s32 $execute0_lowered;
	[smem:$0x3FD2] =	sst s25  }
0xb5: {  	s6 =	sshll.u32 s26, $0x1;
	_ =	strace $0x8000004C;
	[dreg:$0x1] =	wrdreg $0xFFFFFFFF  }
0xb6: {  	s28 =	simm.s32 $_size_execute0_lowered;
	s4 =	sadd.s32 s4, s6;
	[dreg:$0x0] =	wrdreg $0x0  }
0xb7: {  	s6 =	sshll.u32 s28, $0x1;
	[dreg:$0x2] =	wrdreg s4  }
0xb8: {  	[dreg:$0x3] =	wrdreg s6  }
0xb9: {  	[dreg:$0x4] =	wrdreg $0xC0  }
0xba: {  	_ =	task [dreg:s22], $0x5FFFF  }
0xbb: {  	[dreg:$0x1] =	wrdreg $0xFFFFFFFF  }
0xbc: {  	[dreg:$0x0] =	wrdreg $0x60  }
0xbd: {  	[dreg:$0x2] =	wrdreg s24  }
0xbe: {  	[dreg:$0x3] =	wrdreg s18  }
0xbf: {  	[dreg:$0x4] =	wrdreg $0xC  }
0xc0: {  	_ =	task.clear_ibuf [dreg:s22], $0x5FFFF;
	_ =	strace $0x9000004C  }
0xc1: {  	s29 =	simm.s32 $0xC;
	_ =	strace $0x8000004E  }
0xc2: {  	_ =	swait.ge [sflag:s29], $0x1  }
0xc3: {  	[sflag:s29] =	ssyncadd.s32 $0xFFFFFFFF  }
0xc4: {  	_ =	strace $0x9000004E  }
0xc5: {  	_ =	sfence  }
0xc6: {  	s30 =	sld [smem:$0x0];
	_ =	sdelay $0x2  }
0xc7: {  	s31 =	sshll.u32 s1, $0xD;
	s1 =	sshrl.u32 s1, $0x2  }
0xc8: {  	s4 =	sand.u32 $0x4000, s31;
	s1 =	sadd.s32 s1, s30  }
0xc9: {  	s0 =	sor.u32 s4, s0;
	s1 =	sshll.u32 s1, $0x11  }
0xca: {  	s0 =	sor.u32 s1, s0  }
0xcb: {  	s0 =	sadd.s32 $0x8F2B, s0  }
0xcc: {  	[sflag:s0] =	ssyncadd.remote.s32 $0x1  }
0xcd: {  	_ =	sfence.sel $0xFFFF  }
0xce: {  	[dreg:$0x0] =	wrdreg $0xFFFFFFFF;
	(pc) =	sbr.abs _section_cstart, $3  }
0xcf: {  	[dreg:$0x1] =	wrdreg $0xFFFFFFFF  }
0xd0: {  	_ =	task.clear_ibuf [dreg:s22], $0x2FFFF;
	_ =	strace $0x9FFFFFFF  }
0xd1: {  	(tm) =	ssettm $0x7FFFFFFF  }
tec
execute0_lowered:
.L_overlay_start_1:
0x0: {  	(tag) =	ssettag $0x1  }
0x1: {  	s0 =	rddreg [dreg:$0x0]  }
0x2: {  	s1 =	rddreg [dreg:$0x1];
	s2 =	simm.s32 $0x0  }
0x3: {  	s9 =	stileid.u32;
	s3 =	srdreg.scid;
	s19 =	simm.s32 $0x900  }
0x4: {  	s21 =	simm.s32 $0x1100;
	s22 =	simm.s32 $0x1900;
	s23 =	simm.s32 $0x2100  }
0x5: {  	s24 =	simm.s32 $0x2900;
	s25 =	simm.s32 $0x3100;
	s26 =	simm.s32 $0x3900  }
0x6: {  	s31 =	simm.s32 $0x4100;
	s10 =	simm.s32 $0x5100;
	s11 =	simm.s32 $0x5900  }
0x7: {  	s12 =	simm.s32 $0x6100;
	[smem:$0x7FF] =	sst s2;
	s7 =	sadd.s32 $0x56C00, s0  }
0x8: {  	s13 =	simm.s32 $0x6900;
	_ =	strace $0x8000004D;
	[dreg:$0x3] =	wrdreg s7  }
0x9: {  	s28 =	simm.s32 $0x1;
	s29 =	simm.s32 $0x2;
	[dreg:$0x5] =	wrdreg s19  }
0xa: {  	s30 =	simm.s32 $0x0;
	s4 =	smul.u32 $0xC80, s9;
	[dreg:$0x6] =	wrdreg s21  }
0xb: {  	s5 =	sand.u32 $0x1, s3;
	s8 =	smul.u32 $0x19000, s9;
	[dreg:$0x7] =	wrdreg s22  }
0xc: {  	s3 =	sadd.s32 $0x8A00, s0;
	s14 =	smul.u32 $0xC800, s9;
	[dreg:$0x8] =	wrdreg s23  }
0xd: {  	s9 =	simm.s32 $0x4900;
	s6 =	smul.u32 $0x640, s5;
	[dreg:$0x9] =	wrdreg s24  }
0xe: {  	s16 =	ssub.s32 $0x2, s5;
	s20 =	smul.u32 $0x6400, s5;
	[dreg:$0xa] =	wrdreg s25  }
0xf: {  	s5 =	smul.u32 $0xC800, s5;
	[dreg:$0xb] =	wrdreg s26;
	s7 =	simm.s32 $0x3  }
0x10: {  	[dreg:$0xc] =	wrdreg s31;
	s19 =	simm.s32 $0x9900;
	s21 =	simm.s32 $0xA900  }
0x11: {  	s22 =	simm.s32 $0xB100;
	s23 =	simm.s32 $0xB900;
	s24 =	simm.s32 $0xC100  }
0x12: {  	s25 =	simm.s32 $0xC8;
	s26 =	simm.s32 $0xC900;
	s15 =	sadd.s32 s8, s0  }
0x13: {  	s0 =	sadd.s32 s14, s0;
	s17 =	sshrl.u32 s16, $0x1;
	s8 =	simm.s32 $0x100  }
0x14: {  	s14 =	simm.s32 $0x7100;
	s4 =	sadd.s32 s6, s4;
	s18 =	ssub.s32 s16, s17  }
0x15: {  	s0 =	sadd.s32 s20, s0;
	s5 =	sadd.s32 s5, s15;
	s15 =	simm.s32 $0x7900  }
0x16: {  	s16 =	simm.s32 $0x8100;
	s4 =	sshrl.u32 s4, $0x3;
	s0 =	sadd.s32 $0x708E00, s0  }
0x17: {  	v2 =	vlaneseq.u32;
	s17 =	simm.s32 $0x8900;
	s1 =	sadd.s32 s4, s1;
	[dreg:$0xe] =	wrdreg s0  }
0x18: {  	vm0 =	vmmov $0xffff;
	v1 =	vshrl.u32 v2, $0x3;
	s20 =	simm.s32 $0xA100;
	s4 =	smax.u32 s18, $0x1;
	[dreg:$0x4] =	wrdreg s1  }
0x19: {  	v0 =	vand.u32 $0x7, v2;
	v2 =	vor.u32 $0x8, v2;
	v1 =	vmul.u32 $0x8, v1;
	s6 =	sadd.s32 $0x578E00, s5;
	s18 =	simm.s32 $0x9100;
	[dreg:$0xd] =	wrdreg s4  }
.LBB2_1:
0x1a: {  	s31 =	smov.u32 s6;
	s5 =	rddreg [dreg:$0xe];
	s1 =	simm.s32 $0x0  }
.LBB2_2:
0x1b: {  	s4 =	rddreg [dreg:$0x4]  }
0x1c: {  	s4 =	sadd.s32 s1, s4  }
0x1d: {  	[tilespmem:s2], [sflag:$0x3] =	stream.linear.gather [hbm4b:s4+s2], $0xC8, $0x38;
	[tilespmem:$0x12D00] =	vst v63  }
0x1e: {  	_ =	swait.ge [sflag:s7], $0xC8  }
0x1f: {  	[sflag:s7] =	ssyncset.done $0x0  }
0x20: {  	[sflag:s7] =	ssyncadd.s32 $0xFFFFFF38  }
0x21: {  	v3 =	vld [tilespmem:$0x0];
	_ =	sdelay $0x4  }
0x22: {  	v4 =	vshll.u32 v3, $0x1  }
0x23: {  	v3 =	vand.u32 $0x7, v3;
	v4 =	vand.u32 $0xFFFFFFF0, v4  }
0x24: {  	v3 =	vor.u32 v3, v4  }
0x25: {  	v4 =	vperm.xlane v3, v0;
	_ =	sdelay $0x1  }
0x26: {  	v3 =	vperm.xlane v3, v2;
	v4 =	vadd.s32 v1, v4;
	_ =	sdelay $0x1  }
0x27: {  	v3 =	vadd.s32 v1, v3;
	_ =	sdelay $0x2  }
0x28: {  	[tilespmem:s8], [sflag:$0x1] =	stream.indirect_vreg.gather [hbm4b:s3+s2], $0x80, v4, vm0, $0xb8;
	[tilespmem:$0x12D00] =	vst v63  }
0x29: {  	s0 =	rddreg [dreg:$0x5]  }
0x2a: {  	[tilespmem:s0], [sflag:$0x1] =	stream.indirect_vreg.gather [hbm4b:s3+s2], $0x80, v3, vm0, $0xb8;
	[tilespmem:$0x12D00] =	vst v63  }
0x2b: {  	v3 =	vld [tilespmem:$0x10];
	_ =	sdelay $0x4  }
0x2c: {  	v52 =	vshll.u32 v3, $0x1  }
0x2d: {  	v3 =	vand.u32 $0x7, v3;
	v4 =	vand.u32 $0xFFFFFFF0, v52  }
0x2e: {  	v3 =	vor.u32 v3, v4  }
0x2f: {  	v4 =	vperm.xlane v3, v0;
	_ =	sdelay $0x1  }
0x30: {  	v3 =	vperm.xlane v3, v2;
	v4 =	vadd.s32 v1, v4;
	_ =	sdelay $0x1  }
0x31: {  	v3 =	vadd.s32 v1, v3;
	_ =	sdelay $0x1  }
0x32: {  	s4 =	rddreg [dreg:$0x6]  }
0x33: {  	[tilespmem:s4], [sflag:$0x1] =	stream.indirect_vreg.gather [hbm4b:s3+s2], $0x80, v4, vm0, $0xb8;
	[tilespmem:$0x12D00] =	vst v63  }
0x34: {  	s0 =	rddreg [dreg:$0x7]  }
0x35: {  	[tilespmem:s0], [sflag:$0x1] =	stream.indirect_vreg.gather [hbm4b:s3+s2], $0x80, v3, vm0, $0xb8;
	[tilespmem:$0x12D00] =	vst v63  }
0x36: {  	v3 =	vld [tilespmem:$0x20];
	_ =	sdelay $0x4  }
0x37: {  	v53 =	vshll.u32 v3, $0x1  }
0x38: {  	v3 =	vand.u32 $0x7, v3;
	v4 =	vand.u32 $0xFFFFFFF0, v53  }
0x39: {  	v3 =	vor.u32 v3, v4  }
0x3a: {  	v4 =	vperm.xlane v3, v0;
	_ =	sdelay $0x1  }
0x3b: {  	v3 =	vperm.xlane v3, v2;
	v4 =	vadd.s32 v1, v4;
	_ =	sdelay $0x1  }
0x3c: {  	v3 =	vadd.s32 v1, v3;
	_ =	sdelay $0x1  }
0x3d: {  	s0 =	rddreg [dreg:$0x8]  }
0x3e: {  	[tilespmem:s0], [sflag:$0x1] =	stream.indirect_vreg.gather [hbm4b:s3+s2], $0x80, v4, vm0, $0xb8;
	[tilespmem:$0x12D00] =	vst v63  }
0x3f: {  	s4 =	rddreg [dreg:$0x9]  }
0x40: {  	[tilespmem:s4], [sflag:$0x1] =	stream.indirect_vreg.gather [hbm4b:s3+s2], $0x80, v3, vm0, $0xb8;
	[tilespmem:$0x12D00] =	vst v63  }
0x41: {  	v3 =	vld [tilespmem:$0x30];
	_ =	sdelay $0x4  }
0x42: {  	v54 =	vshll.u32 v3, $0x1  }
0x43: {  	v3 =	vand.u32 $0x7, v3;
	v4 =	vand.u32 $0xFFFFFFF0, v54  }
0x44: {  	v3 =	vor.u32 v3, v4  }
0x45: {  	v4 =	vperm.xlane v3, v0;
	_ =	sdelay $0x1  }
0x46: {  	v3 =	vperm.xlane v3, v2;
	v4 =	vadd.s32 v1, v4;
	_ =	sdelay $0x1  }
0x47: {  	v3 =	vadd.s32 v1, v3;
	_ =	sdelay $0x1  }
0x48: {  	s0 =	rddreg [dreg:$0xa]  }
0x49: {  	[tilespmem:s0], [sflag:$0x1] =	stream.indirect_vreg.gather [hbm4b:s3+s2], $0x80, v4, vm0, $0xb8;
	[tilespmem:$0x12D00] =	vst v63  }
0x4a: {  	s4 =	rddreg [dreg:$0xb]  }
0x4b: {  	[tilespmem:s4], [sflag:$0x1] =	stream.indirect_vreg.gather [hbm4b:s3+s2], $0x80, v3, vm0, $0xb8;
	[tilespmem:$0x12D00] =	vst v63  }
0x4c: {  	v3 =	vld [tilespmem:$0x40];
	_ =	sdelay $0x4  }
0x4d: {  	v55 =	vshll.u32 v3, $0x1  }
0x4e: {  	v3 =	vand.u32 $0x7, v3;
	v4 =	vand.u32 $0xFFFFFFF0, v55  }
0x4f: {  	v3 =	vor.u32 v3, v4  }
0x50: {  	v4 =	vperm.xlane v3, v0;
	_ =	sdelay $0x1  }
0x51: {  	v3 =	vperm.xlane v3, v2;
	v4 =	vadd.s32 v1, v4;
	_ =	sdelay $0x1  }
0x52: {  	v3 =	vadd.s32 v1, v3;
	_ =	sdelay $0x1  }
0x53: {  	s4 =	rddreg [dreg:$0xc]  }
0x54: {  	[tilespmem:s4], [sflag:$0x1] =	stream.indirect_vreg.gather [hbm4b:s3+s2], $0x80, v4, vm0, $0xb8;
	[tilespmem:$0x12D00] =	vst v63  }
0x55: {  	_ = 	snop  }
0x56: {  	[tilespmem:s9], [sflag:$0x1] =	stream.indirect_vreg.gather [hbm4b:s3+s2], $0x80, v3, vm0, $0xb8;
	[tilespmem:$0x12D00] =	vst v63  }
0x57: {  	v3 =	vld [tilespmem:$0x50];
	_ =	sdelay $0x4  }
0x58: {  	v56 =	vshll.u32 v3, $0x1  }
0x59: {  	v3 =	vand.u32 $0x7, v3;
	v4 =	vand.u32 $0xFFFFFFF0, v56  }
0x5a: {  	v3 =	vor.u32 v3, v4  }
0x5b: {  	v4 =	vperm.xlane v3, v0;
	_ =	sdelay $0x1  }
0x5c: {  	v3 =	vperm.xlane v3, v2;
	v4 =	vadd.s32 v1, v4;
	_ =	sdelay $0x1  }
0x5d: {  	v3 =	vadd.s32 v1, v3;
	_ =	sdelay $0x2  }
0x5e: {  	[tilespmem:s10], [sflag:$0x1] =	stream.indirect_vreg.gather [hbm4b:s3+s2], $0x80, v4, vm0, $0xb8;
	[tilespmem:$0x12D00] =	vst v63  }
0x5f: {  	_ = 	snop  }
0x60: {  	[tilespmem:s11], [sflag:$0x1] =	stream.indirect_vreg.gather [hbm4b:s3+s2], $0x80, v3, vm0, $0xb8;
	[tilespmem:$0x12D00] =	vst v63  }
0x61: {  	v3 =	vld [tilespmem:$0x60];
	_ =	sdelay $0x4  }
0x62: {  	v57 =	vshll.u32 v3, $0x1  }
0x63: {  	v3 =	vand.u32 $0x7, v3;
	v4 =	vand.u32 $0xFFFFFFF0, v57  }
0x64: {  	v3 =	vor.u32 v3, v4  }
0x65: {  	v4 =	vperm.xlane v3, v0;
	_ =	sdelay $0x1  }
0x66: {  	v3 =	vperm.xlane v3, v2;
	v4 =	vadd.s32 v1, v4;
	_ =	sdelay $0x1  }
0x67: {  	v3 =	vadd.s32 v1, v3;
	_ =	sdelay $0x2  }
0x68: {  	[tilespmem:s12], [sflag:$0x1] =	stream.indirect_vreg.gather [hbm4b:s3+s2], $0x80, v4, vm0, $0xb8;
	[tilespmem:$0x12D00] =	vst v63  }
0x69: {  	_ = 	snop  }
0x6a: {  	[tilespmem:s13], [sflag:$0x1] =	stream.indirect_vreg.gather [hbm4b:s3+s2], $0x80, v3, vm0, $0xb8;
	[tilespmem:$0x12D00] =	vst v63  }
0x6b: {  	v3 =	vld [tilespmem:$0x70];
	_ =	sdelay $0x4  }
0x6c: {  	v58 =	vshll.u32 v3, $0x1  }
0x6d: {  	v3 =	vand.u32 $0x7, v3;
	v4 =	vand.u32 $0xFFFFFFF0, v58  }
0x6e: {  	v3 =	vor.u32 v3, v4  }
0x6f: {  	v4 =	vperm.xlane v3, v0;
	_ =	sdelay $0x1  }
0x70: {  	v3 =	vperm.xlane v3, v2;
	v4 =	vadd.s32 v1, v4;
	_ =	sdelay $0x1  }
0x71: {  	v3 =	vadd.s32 v1, v3;
	_ =	sdelay $0x2  }
0x72: {  	[tilespmem:s14], [sflag:$0x1] =	stream.indirect_vreg.gather [hbm4b:s3+s2], $0x80, v4, vm0, $0xb8;
	[tilespmem:$0x12D00] =	vst v63  }
0x73: {  	_ = 	snop  }
0x74: {  	[tilespmem:s15], [sflag:$0x1] =	stream.indirect_vreg.gather [hbm4b:s3+s2], $0x80, v3, vm0, $0xb8;
	[tilespmem:$0x12D00] =	vst v63  }
0x75: {  	v3 =	vld [tilespmem:$0x80];
	_ =	sdelay $0x4  }
0x76: {  	v59 =	vshll.u32 v3, $0x1  }
0x77: {  	v3 =	vand.u32 $0x7, v3;
	v4 =	vand.u32 $0xFFFFFFF0, v59  }
0x78: {  	v3 =	vor.u32 v3, v4  }
0x79: {  	v4 =	vperm.xlane v3, v0;
	_ =	sdelay $0x1  }
0x7a: {  	v3 =	vperm.xlane v3, v2;
	v4 =	vadd.s32 v1, v4;
	_ =	sdelay $0x1  }
0x7b: {  	v3 =	vadd.s32 v1, v3;
	_ =	sdelay $0x2  }
0x7c: {  	[tilespmem:s16], [sflag:$0x1] =	stream.indirect_vreg.gather [hbm4b:s3+s2], $0x80, v4, vm0, $0xb8;
	[tilespmem:$0x12D00] =	vst v63  }
0x7d: {  	_ = 	snop  }
0x7e: {  	[tilespmem:s17], [sflag:$0x1] =	stream.indirect_vreg.gather [hbm4b:s3+s2], $0x80, v3, vm0, $0xb8;
	[tilespmem:$0x12D00] =	vst v63  }
0x7f: {  	v3 =	vld [tilespmem:$0x90];
	_ =	sdelay $0x4  }
0x80: {  	v60 =	vshll.u32 v3, $0x1  }
0x81: {  	v3 =	vand.u32 $0x7, v3;
	v4 =	vand.u32 $0xFFFFFFF0, v60  }
0x82: {  	v3 =	vor.u32 v3, v4  }
0x83: {  	v4 =	vperm.xlane v3, v0;
	_ =	sdelay $0x1  }
0x84: {  	v3 =	vperm.xlane v3, v2;
	v4 =	vadd.s32 v1, v4;
	_ =	sdelay $0x1  }
0x85: {  	v3 =	vadd.s32 v1, v3;
	_ =	sdelay $0x2  }
0x86: {  	[tilespmem:s18], [sflag:$0x1] =	stream.indirect_vreg.gather [hbm4b:s3+s2], $0x80, v4, vm0, $0xb8;
	[tilespmem:$0x12D00] =	vst v63  }
0x87: {  	_ = 	snop  }
0x88: {  	[tilespmem:s19], [sflag:$0x1] =	stream.indirect_vreg.gather [hbm4b:s3+s2], $0x80, v3, vm0, $0xb8;
	[tilespmem:$0x12D00] =	vst v63  }
0x89: {  	v3 =	vld [tilespmem:$0xA0];
	_ =	sdelay $0x4  }
0x8a: {  	v61 =	vshll.u32 v3, $0x1  }
0x8b: {  	v3 =	vand.u32 $0x7, v3;
	v4 =	vand.u32 $0xFFFFFFF0, v61  }
0x8c: {  	v3 =	vor.u32 v3, v4  }
0x8d: {  	v4 =	vperm.xlane v3, v0;
	_ =	sdelay $0x1  }
0x8e: {  	v3 =	vperm.xlane v3, v2;
	v4 =	vadd.s32 v1, v4;
	_ =	sdelay $0x1  }
0x8f: {  	v3 =	vadd.s32 v1, v3;
	_ =	sdelay $0x2  }
0x90: {  	[tilespmem:s20], [sflag:$0x1] =	stream.indirect_vreg.gather [hbm4b:s3+s2], $0x80, v4, vm0, $0xb8;
	[tilespmem:$0x12D00] =	vst v63  }
0x91: {  	_ = 	snop  }
0x92: {  	[tilespmem:s21], [sflag:$0x1] =	stream.indirect_vreg.gather [hbm4b:s3+s2], $0x80, v3, vm0, $0xb8;
	[tilespmem:$0x12D00] =	vst v63  }
0x93: {  	v3 =	vld [tilespmem:$0xB0];
	_ =	sdelay $0x4  }
0x94: {  	v62 =	vshll.u32 v3, $0x1  }
0x95: {  	v3 =	vand.u32 $0x7, v3;
	v4 =	vand.u32 $0xFFFFFFF0, v62  }
0x96: {  	v3 =	vor.u32 v3, v4  }
0x97: {  	v4 =	vperm.xlane v3, v0;
	_ =	sdelay $0x1  }
0x98: {  	v3 =	vperm.xlane v3, v2;
	v4 =	vadd.s32 v1, v4;
	_ =	sdelay $0x1  }
0x99: {  	v3 =	vadd.s32 v1, v3;
	_ =	sdelay $0x2  }
0x9a: {  	[tilespmem:s22], [sflag:$0x1] =	stream.indirect_vreg.gather [hbm4b:s3+s2], $0x80, v4, vm0, $0xb8;
	[tilespmem:$0x12D00] =	vst v63  }
0x9b: {  	_ = 	snop  }
0x9c: {  	[tilespmem:s23], [sflag:$0x1] =	stream.indirect_vreg.gather [hbm4b:s3+s2], $0x80, v3, vm0, $0xb8;
	[tilespmem:$0x12D00] =	vst v63  }
0x9d: {  	v3 =	vld.msk [tilespmem:$0xC0], $0xff;
	_ =	sdelay $0x4  }
0x9e: {  	v63 =	vshll.u32 v3, $0x1  }
0x9f: {  	v3 =	vand.u32 $0x7, v3;
	v4 =	vand.u32 $0xFFFFFFF0, v63  }
0xa0: {  	v3 =	vor.u32 v3, v4  }
0xa1: {  	v3 =	vperm.xlane v3, v0;
	_ =	sdelay $0x1  }
0xa2: {  	v3 =	vadd.s32 v1, v3;
	_ =	sdelay $0x4  }
0xa3: {  	[tilespmem:s24], [sflag:$0x1] =	stream.indirect_vreg.gather [hbm4b:s3+s2], $0x80, v3, vm0, $0xb8;
	[tilespmem:$0x12D00] =	vst v63  }
0xa4: {  	s4 =	rddreg [dreg:$0x3]  }
0xa5: {  	[tilespmem:s26], [sflag:$0x2] =	stream.indirect.gather [hbm4b:s4+s25], $0x80, s2, s25, $0xb8;
	[tilespmem:$0x12D00] =	vst v63  }
0xa6: {  	_ =	swait.ge [sflag:s28], $0xC800  }
0xa7: {  	[sflag:s28] =	ssyncset.done $0x0  }
0xa8: {  	[sflag:s28] =	ssyncadd.s32 $0xFFFF3800  }
0xa9: {  	_ =	swait.ge [sflag:s29], $0x6400  }
0xaa: {  	[sflag:s29] =	ssyncset.done $0x0  }
0xab: {  	[sflag:s29] =	ssyncadd.s32 $0xFFFF9C00  }
0xac: {  	[hbm4b:s31+s2] =	stream.linear.scatter [tilespmem:s8], [sflag:$0x3], $0xC800, $0x38;
	[tilespmem:$0x12D00] =	vst v63  }
0xad: {  	_ =	swait.ge [sflag:s7], $0xC800  }
0xae: {  	p0 =	sne.s32 s1, $0xAF;
	[sflag:s7] =	ssyncset.done $0x0  }
.Ltmp0:
0xaf: {  	[sflag:s7] =	ssyncadd.s32 $0xFFFF3800;
	(pc) =	sbr.rel @p0 .LBB2_2-.Ltmp0, $4  }
0xb0: {  	[hbm4b:s5+s2] =	stream.linear.scatter [tilespmem:s26], [sflag:$0x3], $0x6400, $0x38;
	[tilespmem:$0x12D00] =	vst v63  }
0xb1: {  	_ =	swait.ge [sflag:s7], $0x6400  }
0xb2: {  	s1 =	sadd.s32 $0x19, s1;
	[sflag:s7] =	ssyncset.done $0x0  }
0xb3: {  	s31 =	sadd.s32 $0x1900, s31;
	s5 =	sadd.s32 $0xC80, s5;
	[sflag:s7] =	ssyncadd.s32 $0xFFFF9C00  }
0xb4: {  	s30 =	sadd.s32 $0x1, s30;
	s0 =	rddreg [dreg:$0xd]  }
0xb5: {  	p0 =	sne.s32 s30, s0  }
.Ltmp1:
0xb6: {  	_ = 	snop;
	(pc) =	sbr.rel @p0 .LBB2_1-.Ltmp1, $1  }
0xb7: {  	_ =	sdelay $0x3  }
0xb8: {  	_ =	sfence.sel $0x180000  }
0xb9: {  	[bflag:$0x0] =	sbarrier.arrive $0xFFFF  }
0xba: {  	_ =	strace $0x9000004D  }
0xbb: {  	s0 =	stileid.u32;
	[bflag:$0x2] =	sbarrier.arrive $0xFFFF  }
0xbc: {  	p0 =	sne.s32 s0, $0x0;
	s0 =	rddreg [dreg:$0x2]  }
0xbd: {  	s0 =	sadd.s32 @!p0 $0x100000, s0  }
0xbe: {  	[sflag:s0] =	ssyncadd.tile.s32 @!p0 $0x1;
	_ =	shalt  }
.Lfunc_end2:
_tile_overlayer_lowered:
.L_overlay_start_2:
0xbf: {  	(tag) =	ssettag $0x2  }
0xc0: {  	s0 =	rddreg [dreg:$0x0];
	s2 =	stileid.u32  }
0xc1: {  	s1 =	rddreg [dreg:$0x1];
	p0 =	sne.s32 s2, $0x0  }
0xc2: {  	s3 =	rddreg [dreg:$0x2];
	[bflag:$0x3] =	sbarrier.arrive $0xFFFF;
	s2 =	simm.s32 @!p0 $0x1C03  }
0xc3: {  	[timem:s3], [sflag:s2] =	dma.local @!p0 [hbm:s0], s1  }
0xc4: {  	s0 =	simm.s32 @!p0 $0x3  }
0xc5: {  	_ =	swait.ge @!p0 [sflag:s0], s1  }
0xc6: {  	s1 =	ssub.s32 @!p0 $0x0, s1;
	[sflag:s0] =	ssyncset.done @!p0 $0x0  }
0xc7: {  	[sflag:s0] =	ssyncadd.s32 @!p0 s1  }
0xc8: {  	[bflag:$0x3] =	sbarrier.arrive $0xFFFF  }
0xc9: {  	_ =	shalt  }

// kernel: kernel.19.cloned.1.call-start
scs
__scs_entry_jumppad:
0x0: {  	(pc) =	sbr.rel $0x88, $3  }
0x1: {  	(tag) =	ssettag $0x0;
	lr =	simm.s32 $0x1  }
0x2: {  	[smem:$0x3F92] =	sst lr;
	_ =	strace $0xD0000000  }
0x3: {  	_ = 	snop  }
0x4: {  	_ = 	snop  }
0x5: {  	_ = 	snop  }
0x6: {  	_ = 	snop  }
0x7: {  	_ = 	snop  }
__scs_overlays_trampoline_lowered:
0x8: {  	[smem:$0x3FA1] =	sst s0  }
0x9: {  	[smem:$0x3FA2] =	sst s1  }
0xa: {  	[smem:$0x3FA3] =	sst s2  }
0xb: {  	[smem:$0x3FA4] =	sst s3  }
0xc: {  	[smem:$0x3FA5] =	sst s4  }
0xd: {  	[smem:$0x3FA6] =	sst s5  }
0xe: {  	[smem:$0x3FA7] =	sst s6  }
0xf: {  	[smem:$0x3FA8] =	sst s7  }
0x10: {  	[smem:$0x3FA9] =	sst s8  }
0x11: {  	[smem:$0x3FAA] =	sst s9;
	s0 =	simm.s32 @!p0 $0x0  }
0x12: {  	s1 =	sld [smem:$0x3F90];
	s0 =	simm.s32 @p0 $0x1  }
0x13: {  	[smem:$0x3FAB] =	sst s0;
	s0 =	simm.s32 @!p1 $0x0  }
0x14: {  	s2 =	sld [smem:$0x3F8F];
	s0 =	simm.s32 @p1 $0x1  }
0x15: {  	[smem:$0x3FAC] =	sst s0;
	s0 =	simm.s32 @!p2 $0x0  }
0x16: {  	s3 =	sld [smem:$0x3FDB];
	s0 =	simm.s32 @p2 $0x1  }
0x17: {  	s4 =	simm.s32 $0x1BF5;
	[smem:$0x3FAE] =	sst s0  }
0x18: {  	s0 =	sld [smem:$0x3F91];
	_ =	swait.ge [sflag:s4], $0x0  }
0x19: {  	s7 =	sld [smem:$0x3F92]  }
0x1a: {  	s8 =	sadd.s32 $0xFFFFE003, lr  }
0x1b: {  	s9 =	sadd.s32 $0xFFFFFEF7, lr;
	s5 =	simm.s32 $0xFFFFFFFF;
	p2 =	slt.u32 s8, $0xFFFFF086  }
0x1c: {  	p1 =	slt.u32 s9, $0xF7A;
	s5 =	simm.s32 @!p2 $0x0  }
0x1d: {  	s5 =	simm.s32 @p1 $0x1;
	p0 =	seq.s32 s7, s2  }
0x1e: {  	s7 =	smul.u32 @!p0 $0xF7A, s2;
	p2 =	seq.s32 @!p0 s5, $0x0  }
0x1f: {  	s9 =	smul.u32 $0xF7A, s1;
	s8 =	simm.s32 @!p0 $0x1BF5;
	p2 =	por !p2, p0  }
0x20: {  	[sflag:s8] =	ssyncset.s32 @!p0 $0xFFFFF086;
	s6 =	sadd.s32 @!p0 s3, s7;
	s7 =	simm.s32 @!p0 $0x108  }
0x21: {  	s3 =	sadd.s32 s3, s9;
	s6 =	sadd.s32 @!p0 $0x88, s6;
	s7 =	simm.s32 @p2 $0x1082  }
0x22: {  	[simem:s7], [sflag:s8] =	dma.local @!p0 [hbm:s6], $0xF7A  }
0x23: {  	s9 =	sor.u32 $0xD0000000, s2;
	s6 =	simm.s32 $0x108;
	_ =	swait.ge @!p0 [sflag:s8], $0x0  }
0x24: {  	s3 =	sadd.s32 $0x88, s3;
	s6 =	simm.s32 @!p1 $0x1082;
	[sflag:s4] =	ssyncset.s32 $0xFFFFF086  }
0x25: {  	[simem:s6], [sflag:s4] =	dma.local [hbm:s3], $0xF7A  }
0x26: {  	[smem:$0x3F92] =	sst s1;
	(tag) =	ssettag s2;
	_ =	strace s9  }
0x27: {  	s1 =	sld [smem:$0x3FA2]  }
0x28: {  	s2 =	sld [smem:$0x3FA3]  }
0x29: {  	s4 =	sld [smem:$0x3FA5]  }
0x2a: {  	p0 =	seq.s32 s5, $0x0;
	s5 =	sld [smem:$0x3FA6]  }
0x2b: {  	s6 =	sld [smem:$0x3FA7]  }
0x2c: {  	s7 =	sld [smem:$0x3FA8]  }
0x2d: {  	s3 =	simm.s32 $0x108;
	s8 =	sld [smem:$0x3FA9]  }
0x2e: {  	s3 =	simm.s32 @!p0 $0x1082;
	s9 =	sld [smem:$0x3FAA]  }
0x2f: {  	lr =	sadd.s32 s0, s3;
	s0 =	sld [smem:$0x3FA1]  }
0x30: {  	s3 =	sld [smem:$0x3FA4]  }
0x31: {  	[smem:$0x3FAD] =	sst s10  }
0x32: {  	s10 =	sld [smem:$0x3FAB];
	_ =	sdelay $0x3  }
0x33: {  	p0 =	seq.s32 s10, $0x1;
	s10 =	sld [smem:$0x3FAD];
	_ =	sdelay $0x3  }
0x34: {  	[smem:$0x3FAD] =	sst s10  }
0x35: {  	s10 =	sld [smem:$0x3FAC];
	_ =	sdelay $0x3  }
0x36: {  	p1 =	seq.s32 s10, $0x1;
	s10 =	sld [smem:$0x3FAD];
	_ =	sdelay $0x3  }
0x37: {  	[smem:$0x3FAD] =	sst s10  }
0x38: {  	s10 =	sld [smem:$0x3FAE]  }
0x39: {  	_ = 	snop;
	(pc) =	sbr.ind lr, $3  }
0x3a: {  	_ = 	snop  }
0x3b: {  	_ = 	snop  }
0x3c: {  	p2 =	seq.s32 s10, $0x1;
	s10 =	sld [smem:$0x3FAD]  }
0x3d: {  	_ =	shalt  }
0x3e: {  	_ =	shalt  }
0x3f: {  	_ =	shalt  }
0x40: {  	_ =	shalt  }
0x41: {  	_ =	shalt  }
0x42: {  	_ =	shalt  }
0x43: {  	_ =	shalt  }
0x44: {  	_ =	shalt  }
0x45: {  	_ =	shalt  }
0x46: {  	_ =	shalt  }
0x47: {  	_ =	shalt  }
0x48: {  	_ =	shalt  }
0x49: {  	_ =	shalt  }
0x4a: {  	_ =	shalt  }
0x4b: {  	_ =	shalt  }
0x4c: {  	_ =	shalt  }
0x4d: {  	_ =	shalt  }
0x4e: {  	_ =	shalt  }
0x4f: {  	_ =	shalt  }
0x50: {  	_ =	shalt  }
0x51: {  	_ =	shalt  }
0x52: {  	_ =	shalt  }
0x53: {  	_ =	shalt  }
0x54: {  	_ =	shalt  }
0x55: {  	_ =	shalt  }
0x56: {  	_ =	shalt  }
0x57: {  	_ =	shalt  }
0x58: {  	_ =	shalt  }
0x59: {  	_ =	shalt  }
0x5a: {  	_ =	shalt  }
0x5b: {  	_ =	shalt  }
0x5c: {  	_ =	shalt  }
0x5d: {  	_ =	shalt  }
0x5e: {  	_ =	shalt  }
0x5f: {  	_ =	shalt  }
0x60: {  	_ =	shalt  }
0x61: {  	_ =	shalt  }
0x62: {  	_ =	shalt  }
0x63: {  	_ =	shalt  }
0x64: {  	_ =	shalt  }
0x65: {  	_ =	shalt  }
0x66: {  	_ =	shalt  }
0x67: {  	_ =	shalt  }
0x68: {  	_ =	shalt  }
0x69: {  	_ =	shalt  }
0x6a: {  	_ =	shalt  }
0x6b: {  	_ =	shalt  }
0x6c: {  	_ =	shalt  }
0x6d: {  	_ =	shalt  }
0x6e: {  	_ =	shalt  }
0x6f: {  	_ =	shalt  }
0x70: {  	_ =	shalt  }
0x71: {  	_ =	shalt  }
0x72: {  	_ =	shalt  }
0x73: {  	_ =	shalt  }
0x74: {  	_ =	shalt  }
0x75: {  	_ =	shalt  }
0x76: {  	_ =	shalt  }
0x77: {  	_ =	shalt  }
0x78: {  	_ =	shalt  }
0x79: {  	_ =	shalt  }
0x7a: {  	_ =	shalt  }
0x7b: {  	_ =	shalt  }
0x7c: {  	_ =	shalt  }
0x7d: {  	_ =	shalt  }
0x7e: {  	_ =	shalt  }
0x7f: {  	_ =	shalt  }
0x80: {  	_ =	shalt  }
0x81: {  	_ =	shalt  }
0x82: {  	_ =	shalt  }
0x83: {  	_ =	shalt  }
0x84: {  	_ =	shalt  }
0x85: {  	_ =	shalt  }
0x86: {  	_ =	shalt  }
0x87: {  	_ =	shalt  }
.Lfunc_end0:
.L_simem_size_0:
called_computation.1_lowered:
.L_overlay_start_0:
0x88: {  	s2 =	sld [smem:$0x3FD9]  }
0x89: {  	s3 =	sld [smem:$0x3FFE];
	_ =	sdelay $0x1  }
0x8a: {  	s1 =	srdreg.scid  }
0x8b: {  	s0 =	sand.u32 $0x1, s1  }
0x8c: {  	s17 =	sshll.u32 s0, $0xA;
	s2 =	sadd.s32 s3, s2  }
0x8d: {  	s2 =	sadd.s32 s2, s17  }
0x8e: {  	[smem:$0x3FB9] =	sst s2  }
0x8f: {  	_ = 	snop  }
0x90: {  	s18 =	sld [smem:$0x3FC6];
	(tm) =	ssettm $0x1  }
0x91: {  	s19 =	sld [smem:$0x3FFB];
	_ =	sdelay $0x3  }
0x92: {  	_ =	strace s19  }
0x93: {  	s2 =	sld [smem:$0x3FFC];
	_ =	sdelay $0x3  }
0x94: {  	_ =	strace s2  }
0x95: {  	s2 =	sld [smem:$0x3FFD];
	_ =	sdelay $0x3  }
0x96: {  	_ =	strace s2  }
0x97: {  	_ =	strace $0x8FFFFFFF  }
0x98: {  	s20 =	sld [smem:$0x3FDB];
	_ =	sdelay $0x1  }
0x99: {  	s4 =	simm.s32 $_scs_section_size  }
0x9a: {  	s5 =	simm.s32 $_size__tile_overlayer_lowered;
	s6 =	simm.s32 $_tile_overlayer_lowered  }
0x9b: {  	s7 =	simm.s32 $0x1BFF;
	s21 =	sshll.u32 s6, $0x1;
	s4 =	sadd.s32 s4, s20  }
0x9c: {  	s22 =	simm.s32 $0x0;
	s5 =	sshll.u32 s5, $0x1;
	s6 =	sadd.s32 s21, s4  }
0x9d: {  	[timem:s22], [sflag:s7] =	dma.local [hbm:s6], s5  }
0x9e: {  	_ =	swait.ge [sflag:s7], s5  }
0x9f: {  	s5 =	ssub.s32 $0x0, s5;
	[sflag:s7] =	ssyncset.done $0x0  }
0xa0: {  	[sflag:s7] =	ssyncadd.s32 s5;
	_ =	sdelay $0x1  }
0xa1: {  	s23 =	simm.s32 $0x1B8B  }
0xa2: {  	_ =	swait.ge [sflag:s23], $0x1  }
0xa3: {  	[sflag:s23] =	ssyncset.done $0x0  }
0xa4: {  	[sflag:s23] =	ssyncadd.s32 $0xFFFFFFFF  }
0xa5: {  	s5 =	sld [smem:$0x0]  }
0xa6: {  	s6 =	sand.u32 $0xFFFFFFFE, s1  }
0xa7: {  	p0 =	sne.s32 s1, s6  }
0xa8: {  	s6 =	sshll.u32 @p0 s6, $0xE  }
0xa9: {  	s6 =	sadd.s32 @p0 $0x11B8D, s6;
	s7 =	sshll.u32 @p0 s5, $0x11  }
0xaa: {  	s6 =	sor.u32 @p0 s7, s6  }
0xab: {  	[sflag:s6] =	ssyncadd.remote.s32 @p0 $0x1;
	_ =	sdelay $0x1  }
0xac: {  	s6 =	simm.s32 @p0 $0x1B8D  }
0xad: {  	_ =	swait.eq @p0 [sflag:s6], $0x1  }
0xae: {  	[sflag:s6] =	ssyncadd.s32 @p0 $0xFFFFFFFF  }
0xaf: {  	s7 =	sshll.u32 @!p0 s1, $0xE  }
0xb0: {  	s7 =	sor.u32 @!p0 $0x4000, s7;
	s6 =	simm.s32 @!p0 $0x1B8D  }
0xb1: {  	s5 =	sshll.u32 @!p0 s5, $0x11;
	s7 =	sadd.s32 @!p0 $0x11B8D, s7;
	_ =	swait.eq @!p0 [sflag:s6], $0x1  }
0xb2: {  	s5 =	sor.u32 @!p0 s5, s7;
	[sflag:s6] =	ssyncadd.s32 @!p0 $0xFFFFFFFF  }
0xb3: {  	s25 =	simm.s32 $0x1B8E;
	s24 =	sld [smem:$0x3FFE];
	[sflag:s5] =	ssyncadd.remote.s32 @!p0 $0x1  }
0xb4: {  	s26 =	simm.s32 $execute0_lowered;
	[smem:$0x3FD2] =	sst s25  }
0xb5: {  	s6 =	sshll.u32 s26, $0x1;
	_ =	strace $0x8000005B;
	[dreg:$0x1] =	wrdreg $0xFFFFFFFF  }
0xb6: {  	s28 =	simm.s32 $_size_execute0_lowered;
	s4 =	sadd.s32 s4, s6;
	[dreg:$0x0] =	wrdreg $0x0  }
0xb7: {  	s6 =	sshll.u32 s28, $0x1;
	[dreg:$0x2] =	wrdreg s4  }
0xb8: {  	[dreg:$0x3] =	wrdreg s6  }
0xb9: {  	[dreg:$0x4] =	wrdreg $0xC0  }
0xba: {  	_ =	task [dreg:s22], $0x5FFFF  }
0xbb: {  	[dreg:$0x1] =	wrdreg $0xFFFFFFFF  }
0xbc: {  	[dreg:$0x0] =	wrdreg $0x60  }
0xbd: {  	[dreg:$0x2] =	wrdreg s24  }
0xbe: {  	[dreg:$0x3] =	wrdreg s18  }
0xbf: {  	[dreg:$0x4] =	wrdreg $0x65000  }
0xc0: {  	[dreg:$0x5] =	wrdreg $0xC  }
0xc1: {  	_ =	task.clear_ibuf [dreg:s22], $0x6FFFF;
	_ =	strace $0x9000005B  }
0xc2: {  	s29 =	simm.s32 $0xC;
	_ =	strace $0x8000005D  }
0xc3: {  	_ =	swait.ge [sflag:s29], $0x1  }
0xc4: {  	[sflag:s29] =	ssyncadd.s32 $0xFFFFFFFF  }
0xc5: {  	_ =	strace $0x9000005D  }
0xc6: {  	_ =	sfence  }
0xc7: {  	s30 =	sld [smem:$0x0];
	_ =	sdelay $0x2  }
0xc8: {  	s31 =	sshll.u32 s1, $0xD;
	s1 =	sshrl.u32 s1, $0x2  }
0xc9: {  	s4 =	sand.u32 $0x4000, s31;
	s1 =	sadd.s32 s1, s30  }
0xca: {  	s0 =	sor.u32 s4, s0;
	s1 =	sshll.u32 s1, $0x11  }
0xcb: {  	s0 =	sor.u32 s1, s0  }
0xcc: {  	s0 =	sadd.s32 $0x8F2B, s0  }
0xcd: {  	[sflag:s0] =	ssyncadd.remote.s32 $0x1  }
0xce: {  	_ =	sfence.sel $0xFFFF  }
0xcf: {  	[dreg:$0x0] =	wrdreg $0xFFFFFFFF;
	(pc) =	sbr.abs _section_cstart, $3  }
0xd0: {  	[dreg:$0x1] =	wrdreg $0xFFFFFFFF  }
0xd1: {  	_ =	task.clear_ibuf [dreg:s22], $0x2FFFF;
	_ =	strace $0x9FFFFFFF  }
0xd2: {  	(tm) =	ssettm $0x7FFFFFFF  }
0xd3: {  	_ =	shalt  }
tec
execute0_lowered:
.L_overlay_start_1:
0x0: {  	(tag) =	ssettag $0x1  }
0x1: {  	s3 =	rddreg [dreg:$0x0]  }
0x2: {  	s7 =	rddreg [dreg:$0x1]  }
0x3: {  	s1 =	rddreg [dreg:$0x2]  }
0x4: {  	s0 =	rddreg [dreg:$0x3];
	s8 =	stileid.u32  }
0x5: {  	s4 =	srdreg.scid;
	s5 =	smul.u32 $0xC800, s8  }
0x6: {  	s2 =	simm.s32 $0x0;
	s4 =	sand.u32 $0x1, s4;
	s11 =	smul.u32 $0xC80, s8  }
0x7: {  	[smem:$0x7FF] =	sst s2;
	p0 =	sne.s32 s8, $0x0;
	s6 =	smul.u32 $0x27100, s4  }
0x8: {  	_ =	strace $0x8000005C;
	s9 =	smul.u32 $0x6400, s4;
	s29 =	ssub.s32 $0x2, s4  }
0x9: {  	s13 =	smul.u32 $0x640, s4;
	s8 =	sshrl.u32 @!p0 s1, $0x3;
	s10 =	sadd.s32 s5, s3  }
0xa: {  	s12 =	sshrl.u32 s29, $0x1;
	s6 =	sadd.s32 s6, s3;
	s3 =	sadd.s32 $0x7DE00, s3  }
0xb: {  	s5 =	ssub.s32 s29, s12;
	s30 =	sadd.s32 s9, s10;
	s31 =	sadd.s32 s13, s11  }
0xc: {  	s10 =	simm.s32 $0x100;
	s11 =	simm.s32 $0xC8;
	s12 =	simm.s32 $0x0  }
0xd: {  	s4 =	sadd.s32 $0x4AF600, s6;
	s5 =	smax.u32 s5, $0x1;
	s9 =	sshrl.u32 s31, $0x3  }
0xe: {  	s6 =	sadd.s32 $0x3E7600, s30;
	s7 =	sadd.s32 s9, s7;
	s9 =	simm.s32 $0x1  }
.LBB2_1:
0xf: {  	s13 =	simm.s32 @!p0 $0x1C01  }
0x10: {  	[spmem:s8], [sflag:s13] =	dma.local @!p0 [hbm:s3], $0x27100  }
0x11: {  	s13 =	simm.s32 @!p0 $0x1  }
0x12: {  	_ =	swait.ge @!p0 [sflag:s13], $0x27100  }
0x13: {  	[sflag:s13] =	ssyncset.done @!p0 $0x0  }
0x14: {  	[sflag:s13] =	ssyncadd.s32 @!p0 $0xFFFD8F00  }
0x15: {  	s31 =	sadd.s32 $0x0, s7;
	[bflag:$0x0] =	sbarrier.arrive $0xFFFF  }
0x16: {  	[tilespmem:s2], [sflag:$0x1] =	stream.linear.gather [hbm4b:s31+s2], $0xC8, $0x38;
	[tilespmem:$0x19D80] =	vst v63  }
0x17: {  	_ =	swait.ge [sflag:s9], $0xC8  }
0x18: {  	[sflag:s9] =	ssyncset.done $0x0  }
0x19: {  	[sflag:s9] =	ssyncadd.s32 $0xFFFFFF38  }
0x1a: {  	[tilespmem:s10], [sflag:$0x1] =	stream.linear.gather [hbm4b:s6+s2], $0x6400, $0x38;
	[tilespmem:$0x19D80] =	vst v63  }
0x1b: {  	_ =	swait.ge [sflag:s9], $0x6400  }
0x1c: {  	[sflag:s9] =	ssyncset.done $0x0  }
0x1d: {  	[sflag:s9] =	ssyncadd.s32 $0xFFFF9C00  }
0x1e: {  	[spmem:s1] =	stream.indirect.scatter.add.f32 [tilespmem:s10], [sflag:$0x1], $0x80, s2, s11, $0xb8;
	[tilespmem:$0x19D80] =	vst v63  }
0x1f: {  	s14 =	simm.s32 $0x19;
	_ =	swait.ge [sflag:s9], $0x6400  }
0x20: {  	s15 =	simm.s32 $0x32;
	s13 =	sadd.s32 $0xC80, s6;
	[sflag:s9] =	ssyncset.done $0x0  }
.LBB2_2:
0x21: {  	s16 =	sadd.s32 s14, s7  }
0x22: {  	[sflag:s9] =	ssyncadd.s32 $0xFFFF9C00;
	s14 =	smov.u32 s15;
	s17 =	sadd.s32 $0x19, s15  }
0x23: {  	[tilespmem:s2], [sflag:$0x1] =	stream.linear.gather [hbm4b:s16+s2], $0xC8, $0x38;
	[tilespmem:$0x19D80] =	vst v63  }
0x24: {  	p1 =	sne.s32 s15, $0xAF;
	_ =	swait.ge [sflag:s9], $0xC8  }
0x25: {  	[sflag:s9] =	ssyncset.done $0x0  }
0x26: {  	[sflag:s9] =	ssyncadd.s32 $0xFFFFFF38  }
0x27: {  	[tilespmem:s10], [sflag:$0x1] =	stream.linear.gather [hbm4b:s13+s2], $0x6400, $0x38;
	[tilespmem:$0x19D80] =	vst v63  }
0x28: {  	_ =	swait.ge [sflag:s9], $0x6400  }
.Ltmp0:
0x29: {  	[sflag:s9] =	ssyncset.done $0x0;
	(pc) =	sbr.rel @p1 .LBB2_2-.Ltmp0, $4  }
0x2a: {  	[sflag:s9] =	ssyncadd.s32 $0xFFFF9C00  }
0x2b: {  	[spmem:s1] =	stream.indirect.scatter.add.f32 [tilespmem:s10], [sflag:$0x1], $0x80, s2, s11, $0xb8;
	[tilespmem:$0x19D80] =	vst v63  }
0x2c: {  	_ =	swait.ge [sflag:s9], $0x6400  }
0x2d: {  	s15 =	smov.u32 s17;
	s13 =	sadd.s32 $0xC80, s13;
	[sflag:s9] =	ssyncset.done $0x0  }
0x2e: {  	s14 =	sadd.s32 s14, s7;
	[sflag:s9] =	ssyncadd.s32 $0xFFFF9C00  }
0x2f: {  	[tilespmem:s2], [sflag:$0x1] =	stream.linear.gather [hbm4b:s14+s2], $0xC8, $0x38;
	[tilespmem:$0x19D80] =	vst v63  }
0x30: {  	_ =	swait.ge [sflag:s9], $0xC8  }
0x31: {  	[sflag:s9] =	ssyncset.done $0x0  }
0x32: {  	[sflag:s9] =	ssyncadd.s32 $0xFFFFFF38  }
0x33: {  	[tilespmem:s10], [sflag:$0x1] =	stream.linear.gather [hbm4b:s13+s2], $0x6400, $0x38;
	[tilespmem:$0x19D80] =	vst v63  }
0x34: {  	_ =	swait.ge [sflag:s9], $0x6400  }
0x35: {  	[sflag:s9] =	ssyncset.done $0x0  }
0x36: {  	[sflag:s9] =	ssyncadd.s32 $0xFFFF9C00  }
0x37: {  	[spmem:s1] =	stream.indirect.scatter.add.f32 [tilespmem:s10], [sflag:$0x1], $0x80, s2, s11, $0xb8;
	[tilespmem:$0x19D80] =	vst v63  }
0x38: {  	_ =	swait.ge [sflag:s9], $0x6400  }
0x39: {  	[sflag:s9] =	ssyncset.done $0x0  }
0x3a: {  	s12 =	sadd.s32 $0x1, s12;
	[sflag:s9] =	ssyncadd.s32 $0xFFFF9C00  }
0x3b: {  	p1 =	sne.s32 s12, s5;
	s13 =	simm.s32 @!p0 $0x1C01;
	[bflag:$0x0] =	sbarrier.arrive $0xFFFF  }
0x3c: {  	[hbm:s4], [sflag:s13] =	dma.local @!p0 [spmem:s8], $0x27100  }
.Ltmp1:
0x3d: {  	_ = 	snop;
	(pc) =	sbr.rel @p1 .LBB2_1-.Ltmp1, $4  }
0x3e: {  	s13 =	simm.s32 @!p0 $0x1  }
0x3f: {  	_ =	swait.ge @!p0 [sflag:s13], $0x27100  }
0x40: {  	[sflag:s13] =	ssyncset.done @!p0 $0x0  }
0x41: {  	[sflag:s13] =	ssyncadd.s32 @!p0 $0xFFFD8F00  }
0x42: {  	_ =	sfence.sel $0x180000  }
0x43: {  	[bflag:$0x0] =	sbarrier.arrive $0xFFFF  }
0x44: {  	_ =	strace $0x9000005C  }
0x45: {  	s0 =	sadd.s32 @!p0 $0x100000, s0;
	[bflag:$0x2] =	sbarrier.arrive $0xFFFF  }
0x46: {  	[sflag:s0] =	ssyncadd.tile.s32 @!p0 $0x1;
	_ =	shalt  }
.Lfunc_end2:
_tile_overlayer_lowered:
.L_overlay_start_2:
0x47: {  	(tag) =	ssettag $0x2  }
0x48: {  	s0 =	rddreg [dreg:$0x0];
	s2 =	stileid.u32  }
0x49: {  	s1 =	rddreg [dreg:$0x1];
	p0 =	sne.s32 s2, $0x0  }
0x4a: {  	s3 =	rddreg [dreg:$0x2];
	[bflag:$0x3] =	sbarrier.arrive $0xFFFF;
	s2 =	simm.s32 @!p0 $0x1C01  }
0x4b: {  	[timem:s3], [sflag:s2] =	dma.local @!p0 [hbm:s0], s1  }
0x4c: {  	s0 =	simm.s32 @!p0 $0x1  }
0x4d: {  	_ =	swait.ge @!p0 [sflag:s0], s1  }
0x4e: {  	s1 =	ssub.s32 @!p0 $0x0, s1;
	[sflag:s0] =	ssyncset.done @!p0 $0x0  }
0x4f: {  	[sflag:s0] =	ssyncadd.s32 @!p0 s1  }
0x50: {  	[bflag:$0x3] =	sbarrier.arrive $0xFFFF  }
0x51: {  	_ =	shalt  }

// kernel: kernel.22.cloned.1.call-start
scs
__scs_entry_jumppad:
0x0: {  	(pc) =	sbr.rel $0x88, $3  }
0x1: {  	(tag) =	ssettag $0x0;
	lr =	simm.s32 $0x1  }
0x2: {  	[smem:$0x3F92] =	sst lr;
	_ =	strace $0xD0000000  }
0x3: {  	_ = 	snop  }
0x4: {  	_ = 	snop  }
0x5: {  	_ = 	snop  }
0x6: {  	_ = 	snop  }
0x7: {  	_ = 	snop  }
__scs_overlays_trampoline_lowered:
0x8: {  	[smem:$0x3FA1] =	sst s0  }
0x9: {  	[smem:$0x3FA2] =	sst s1  }
0xa: {  	[smem:$0x3FA3] =	sst s2  }
0xb: {  	[smem:$0x3FA4] =	sst s3  }
0xc: {  	[smem:$0x3FA5] =	sst s4  }
0xd: {  	[smem:$0x3FA6] =	sst s5  }
0xe: {  	[smem:$0x3FA7] =	sst s6  }
0xf: {  	[smem:$0x3FA8] =	sst s7  }
0x10: {  	[smem:$0x3FA9] =	sst s8  }
0x11: {  	[smem:$0x3FAA] =	sst s9;
	s0 =	simm.s32 @!p0 $0x0  }
0x12: {  	s1 =	sld [smem:$0x3F90];
	s0 =	simm.s32 @p0 $0x1  }
0x13: {  	[smem:$0x3FAB] =	sst s0;
	s0 =	simm.s32 @!p1 $0x0  }
0x14: {  	s2 =	sld [smem:$0x3F8F];
	s0 =	simm.s32 @p1 $0x1  }
0x15: {  	[smem:$0x3FAC] =	sst s0;
	s0 =	simm.s32 @!p2 $0x0  }
0x16: {  	s3 =	sld [smem:$0x3FDB];
	s0 =	simm.s32 @p2 $0x1  }
0x17: {  	s4 =	simm.s32 $0x1BF5;
	[smem:$0x3FAE] =	sst s0  }
0x18: {  	s0 =	sld [smem:$0x3F91];
	_ =	swait.ge [sflag:s4], $0x0  }
0x19: {  	s7 =	sld [smem:$0x3F92]  }
0x1a: {  	s8 =	sadd.s32 $0xFFFFE003, lr  }
0x1b: {  	s9 =	sadd.s32 $0xFFFFFEF7, lr;
	s5 =	simm.s32 $0xFFFFFFFF;
	p2 =	slt.u32 s8, $0xFFFFF086  }
0x1c: {  	p1 =	slt.u32 s9, $0xF7A;
	s5 =	simm.s32 @!p2 $0x0  }
0x1d: {  	s5 =	simm.s32 @p1 $0x1;
	p0 =	seq.s32 s7, s2  }
0x1e: {  	s7 =	smul.u32 @!p0 $0xF7A, s2;
	p2 =	seq.s32 @!p0 s5, $0x0  }
0x1f: {  	s9 =	smul.u32 $0xF7A, s1;
	s8 =	simm.s32 @!p0 $0x1BF5;
	p2 =	por !p2, p0  }
0x20: {  	[sflag:s8] =	ssyncset.s32 @!p0 $0xFFFFF086;
	s6 =	sadd.s32 @!p0 s3, s7;
	s7 =	simm.s32 @!p0 $0x108  }
0x21: {  	s3 =	sadd.s32 s3, s9;
	s6 =	sadd.s32 @!p0 $0x88, s6;
	s7 =	simm.s32 @p2 $0x1082  }
0x22: {  	[simem:s7], [sflag:s8] =	dma.local @!p0 [hbm:s6], $0xF7A  }
0x23: {  	s9 =	sor.u32 $0xD0000000, s2;
	s6 =	simm.s32 $0x108;
	_ =	swait.ge @!p0 [sflag:s8], $0x0  }
0x24: {  	s3 =	sadd.s32 $0x88, s3;
	s6 =	simm.s32 @!p1 $0x1082;
	[sflag:s4] =	ssyncset.s32 $0xFFFFF086  }
0x25: {  	[simem:s6], [sflag:s4] =	dma.local [hbm:s3], $0xF7A  }
0x26: {  	[smem:$0x3F92] =	sst s1;
	(tag) =	ssettag s2;
	_ =	strace s9  }
0x27: {  	s1 =	sld [smem:$0x3FA2]  }
0x28: {  	s2 =	sld [smem:$0x3FA3]  }
0x29: {  	s4 =	sld [smem:$0x3FA5]  }
0x2a: {  	p0 =	seq.s32 s5, $0x0;
	s5 =	sld [smem:$0x3FA6]  }
0x2b: {  	s6 =	sld [smem:$0x3FA7]  }
0x2c: {  	s7 =	sld [smem:$0x3FA8]  }
0x2d: {  	s3 =	simm.s32 $0x108;
	s8 =	sld [smem:$0x3FA9]  }
0x2e: {  	s3 =	simm.s32 @!p0 $0x1082;
	s9 =	sld [smem:$0x3FAA]  }
0x2f: {  	lr =	sadd.s32 s0, s3;
	s0 =	sld [smem:$0x3FA1]  }
0x30: {  	s3 =	sld [smem:$0x3FA4]  }
0x31: {  	[smem:$0x3FAD] =	sst s10  }
0x32: {  	s10 =	sld [smem:$0x3FAB];
	_ =	sdelay $0x3  }
0x33: {  	p0 =	seq.s32 s10, $0x1;
	s10 =	sld [smem:$0x3FAD];
	_ =	sdelay $0x3  }
0x34: {  	[smem:$0x3FAD] =	sst s10  }
0x35: {  	s10 =	sld [smem:$0x3FAC];
	_ =	sdelay $0x3  }
0x36: {  	p1 =	seq.s32 s10, $0x1;
	s10 =	sld [smem:$0x3FAD];
	_ =	sdelay $0x3  }
0x37: {  	[smem:$0x3FAD] =	sst s10  }
0x38: {  	s10 =	sld [smem:$0x3FAE]  }
0x39: {  	_ = 	snop;
	(pc) =	sbr.ind lr, $3  }
0x3a: {  	_ = 	snop  }
0x3b: {  	_ = 	snop  }
0x3c: {  	p2 =	seq.s32 s10, $0x1;
	s10 =	sld [smem:$0x3FAD]  }
0x3d: {  	_ =	shalt  }
0x3e: {  	_ =	shalt  }
0x3f: {  	_ =	shalt  }
0x40: {  	_ =	shalt  }
0x41: {  	_ =	shalt  }
0x42: {  	_ =	shalt  }
0x43: {  	_ =	shalt  }
0x44: {  	_ =	shalt  }
0x45: {  	_ =	shalt  }
0x46: {  	_ =	shalt  }
0x47: {  	_ =	shalt  }
0x48: {  	_ =	shalt  }
0x49: {  	_ =	shalt  }
0x4a: {  	_ =	shalt  }
0x4b: {  	_ =	shalt  }
0x4c: {  	_ =	shalt  }
0x4d: {  	_ =	shalt  }
0x4e: {  	_ =	shalt  }
0x4f: {  	_ =	shalt  }
0x50: {  	_ =	shalt  }
0x51: {  	_ =	shalt  }
0x52: {  	_ =	shalt  }
0x53: {  	_ =	shalt  }
0x54: {  	_ =	shalt  }
0x55: {  	_ =	shalt  }
0x56: {  	_ =	shalt  }
0x57: {  	_ =	shalt  }
0x58: {  	_ =	shalt  }
0x59: {  	_ =	shalt  }
0x5a: {  	_ =	shalt  }
0x5b: {  	_ =	shalt  }
0x5c: {  	_ =	shalt  }
0x5d: {  	_ =	shalt  }
0x5e: {  	_ =	shalt  }
0x5f: {  	_ =	shalt  }
0x60: {  	_ =	shalt  }
0x61: {  	_ =	shalt  }
0x62: {  	_ =	shalt  }
0x63: {  	_ =	shalt  }
0x64: {  	_ =	shalt  }
0x65: {  	_ =	shalt  }
0x66: {  	_ =	shalt  }
0x67: {  	_ =	shalt  }
0x68: {  	_ =	shalt  }
0x69: {  	_ =	shalt  }
0x6a: {  	_ =	shalt  }
0x6b: {  	_ =	shalt  }
0x6c: {  	_ =	shalt  }
0x6d: {  	_ =	shalt  }
0x6e: {  	_ =	shalt  }
0x6f: {  	_ =	shalt  }
0x70: {  	_ =	shalt  }
0x71: {  	_ =	shalt  }
0x72: {  	_ =	shalt  }
0x73: {  	_ =	shalt  }
0x74: {  	_ =	shalt  }
0x75: {  	_ =	shalt  }
0x76: {  	_ =	shalt  }
0x77: {  	_ =	shalt  }
0x78: {  	_ =	shalt  }
0x79: {  	_ =	shalt  }
0x7a: {  	_ =	shalt  }
0x7b: {  	_ =	shalt  }
0x7c: {  	_ =	shalt  }
0x7d: {  	_ =	shalt  }
0x7e: {  	_ =	shalt  }
0x7f: {  	_ =	shalt  }
0x80: {  	_ =	shalt  }
0x81: {  	_ =	shalt  }
0x82: {  	_ =	shalt  }
0x83: {  	_ =	shalt  }
0x84: {  	_ =	shalt  }
0x85: {  	_ =	shalt  }
0x86: {  	_ =	shalt  }
0x87: {  	_ =	shalt  }
.Lfunc_end0:
.L_simem_size_0:
called_computation.2_lowered:
.L_overlay_start_0:
0x88: {  	s2 =	sld [smem:$0x3FD9]  }
0x89: {  	s3 =	sld [smem:$0x3FFE];
	_ =	sdelay $0x1  }
0x8a: {  	s1 =	srdreg.scid  }
0x8b: {  	s0 =	sand.u32 $0x1, s1  }
0x8c: {  	s17 =	sshll.u32 s0, $0xA;
	s2 =	sadd.s32 s3, s2  }
0x8d: {  	s2 =	sadd.s32 s2, s17  }
0x8e: {  	[smem:$0x3FB9] =	sst s2  }
0x8f: {  	_ = 	snop  }
0x90: {  	s18 =	sld [smem:$0x3FC6];
	(tm) =	ssettm $0x1  }
0x91: {  	s19 =	sld [smem:$0x3FFB];
	_ =	sdelay $0x3  }
0x92: {  	_ =	strace s19  }
0x93: {  	s2 =	sld [smem:$0x3FFC];
	_ =	sdelay $0x3  }
0x94: {  	_ =	strace s2  }
0x95: {  	s2 =	sld [smem:$0x3FFD];
	_ =	sdelay $0x3  }
0x96: {  	_ =	strace s2  }
0x97: {  	_ =	strace $0x8FFFFFFF  }
0x98: {  	s20 =	sld [smem:$0x3FDB];
	_ =	sdelay $0x1  }
0x99: {  	s4 =	simm.s32 $_scs_section_size  }
0x9a: {  	s5 =	simm.s32 $_size__tile_overlayer_lowered;
	s6 =	simm.s32 $_tile_overlayer_lowered  }
0x9b: {  	s7 =	simm.s32 $0x1BFF;
	s21 =	sshll.u32 s6, $0x1;
	s4 =	sadd.s32 s4, s20  }
0x9c: {  	s22 =	simm.s32 $0x0;
	s5 =	sshll.u32 s5, $0x1;
	s6 =	sadd.s32 s21, s4  }
0x9d: {  	[timem:s22], [sflag:s7] =	dma.local [hbm:s6], s5  }
0x9e: {  	_ =	swait.ge [sflag:s7], s5  }
0x9f: {  	s5 =	ssub.s32 $0x0, s5;
	[sflag:s7] =	ssyncset.done $0x0  }
0xa0: {  	[sflag:s7] =	ssyncadd.s32 s5;
	_ =	sdelay $0x1  }
0xa1: {  	s23 =	simm.s32 $0x1B8B  }
0xa2: {  	_ =	swait.ge [sflag:s23], $0x1  }
0xa3: {  	[sflag:s23] =	ssyncset.done $0x0  }
0xa4: {  	[sflag:s23] =	ssyncadd.s32 $0xFFFFFFFF  }
0xa5: {  	s5 =	sld [smem:$0x0]  }
0xa6: {  	s6 =	sand.u32 $0xFFFFFFFE, s1  }
0xa7: {  	p0 =	sne.s32 s1, s6  }
0xa8: {  	s6 =	sshll.u32 @p0 s6, $0xE  }
0xa9: {  	s6 =	sadd.s32 @p0 $0x11B8D, s6;
	s7 =	sshll.u32 @p0 s5, $0x11  }
0xaa: {  	s6 =	sor.u32 @p0 s7, s6  }
0xab: {  	[sflag:s6] =	ssyncadd.remote.s32 @p0 $0x1;
	_ =	sdelay $0x1  }
0xac: {  	s6 =	simm.s32 @p0 $0x1B8D  }
0xad: {  	_ =	swait.eq @p0 [sflag:s6], $0x1  }
0xae: {  	[sflag:s6] =	ssyncadd.s32 @p0 $0xFFFFFFFF  }
0xaf: {  	s7 =	sshll.u32 @!p0 s1, $0xE  }
0xb0: {  	s7 =	sor.u32 @!p0 $0x4000, s7;
	s6 =	simm.s32 @!p0 $0x1B8D  }
0xb1: {  	s5 =	sshll.u32 @!p0 s5, $0x11;
	s7 =	sadd.s32 @!p0 $0x11B8D, s7;
	_ =	swait.eq @!p0 [sflag:s6], $0x1  }
0xb2: {  	s5 =	sor.u32 @!p0 s5, s7;
	[sflag:s6] =	ssyncadd.s32 @!p0 $0xFFFFFFFF  }
0xb3: {  	s25 =	simm.s32 $0x1B8E;
	s24 =	sld [smem:$0x3FFE];
	[sflag:s5] =	ssyncadd.remote.s32 @!p0 $0x1  }
0xb4: {  	s26 =	simm.s32 $execute0_lowered;
	[smem:$0x3FD2] =	sst s25  }
0xb5: {  	s6 =	sshll.u32 s26, $0x1;
	_ =	strace $0x80000058;
	[dreg:$0x1] =	wrdreg $0xFFFFFFFF  }
0xb6: {  	s28 =	simm.s32 $_size_execute0_lowered;
	s4 =	sadd.s32 s4, s6;
	[dreg:$0x0] =	wrdreg $0x0  }
0xb7: {  	s6 =	sshll.u32 s28, $0x1;
	[dreg:$0x2] =	wrdreg s4  }
0xb8: {  	[dreg:$0x3] =	wrdreg s6  }
0xb9: {  	[dreg:$0x4] =	wrdreg $0xC0  }
0xba: {  	_ =	task [dreg:s22], $0x5FFFF  }
0xbb: {  	[dreg:$0x1] =	wrdreg $0xFFFFFFFF  }
0xbc: {  	[dreg:$0x0] =	wrdreg $0x60  }
0xbd: {  	[dreg:$0x2] =	wrdreg s24  }
0xbe: {  	[dreg:$0x3] =	wrdreg s18  }
0xbf: {  	[dreg:$0x4] =	wrdreg $0x65000  }
0xc0: {  	[dreg:$0x5] =	wrdreg $0xD  }
0xc1: {  	_ =	task.clear_ibuf [dreg:s22], $0x6FFFF;
	_ =	strace $0x90000058  }
0xc2: {  	s29 =	simm.s32 $0xD;
	_ =	strace $0x8000005A  }
0xc3: {  	_ =	swait.ge [sflag:s29], $0x1  }
0xc4: {  	[sflag:s29] =	ssyncadd.s32 $0xFFFFFFFF  }
0xc5: {  	_ =	strace $0x9000005A  }
0xc6: {  	_ =	sfence  }
0xc7: {  	s30 =	sld [smem:$0x0];
	_ =	sdelay $0x2  }
0xc8: {  	s31 =	sshll.u32 s1, $0xD;
	s1 =	sshrl.u32 s1, $0x2  }
0xc9: {  	s4 =	sand.u32 $0x4000, s31;
	s1 =	sadd.s32 s1, s30  }
0xca: {  	s0 =	sor.u32 s4, s0;
	s1 =	sshll.u32 s1, $0x11  }
0xcb: {  	s0 =	sor.u32 s1, s0  }
0xcc: {  	s0 =	sadd.s32 $0x8F2B, s0  }
0xcd: {  	[sflag:s0] =	ssyncadd.remote.s32 $0x1  }
0xce: {  	_ =	sfence.sel $0xFFFF  }
0xcf: {  	[dreg:$0x0] =	wrdreg $0xFFFFFFFF;
	(pc) =	sbr.abs _section_cstart, $3  }
0xd0: {  	[dreg:$0x1] =	wrdreg $0xFFFFFFFF  }
0xd1: {  	_ =	task.clear_ibuf [dreg:s22], $0x2FFFF;
	_ =	strace $0x9FFFFFFF  }
0xd2: {  	(tm) =	ssettm $0x7FFFFFFF  }
0xd3: {  	_ =	shalt  }
tec
execute0_lowered:
.L_overlay_start_1:
0x0: {  	(tag) =	ssettag $0x1  }
0x1: {  	s3 =	rddreg [dreg:$0x0]  }
0x2: {  	s7 =	rddreg [dreg:$0x1]  }
0x3: {  	s1 =	rddreg [dreg:$0x2]  }
0x4: {  	s0 =	rddreg [dreg:$0x3];
	s8 =	stileid.u32  }
0x5: {  	s4 =	srdreg.scid;
	s5 =	smul.u32 $0xC800, s8  }
0x6: {  	s2 =	simm.s32 $0x0;
	s4 =	sand.u32 $0x1, s4;
	s11 =	smul.u32 $0xC80, s8  }
0x7: {  	[smem:$0x7FF] =	sst s2;
	p0 =	sne.s32 s8, $0x0;
	s6 =	smul.u32 $0x27100, s4  }
0x8: {  	_ =	strace $0x80000059;
	s9 =	smul.u32 $0x6400, s4;
	s29 =	ssub.s32 $0x2, s4  }
0x9: {  	s13 =	smul.u32 $0x640, s4;
	s8 =	sshrl.u32 @!p0 s1, $0x3;
	s10 =	sadd.s32 s5, s3  }
0xa: {  	s12 =	sshrl.u32 s29, $0x1;
	s6 =	sadd.s32 s6, s3;
	s3 =	sadd.s32 $0x7DE00, s3  }
0xb: {  	s5 =	ssub.s32 s29, s12;
	s30 =	sadd.s32 s9, s10;
	s31 =	sadd.s32 s13, s11  }
0xc: {  	s10 =	simm.s32 $0x100;
	s11 =	simm.s32 $0xC8;
	s12 =	simm.s32 $0x0  }
0xd: {  	s4 =	sadd.s32 $0x8A00, s6;
	s5 =	smax.u32 s5, $0x1;
	s9 =	sshrl.u32 s31, $0x3  }
0xe: {  	s6 =	sadd.s32 $0x31F600, s30;
	s7 =	sadd.s32 s9, s7;
	s9 =	simm.s32 $0x1  }
.LBB2_1:
0xf: {  	s13 =	simm.s32 @!p0 $0x1C01  }
0x10: {  	[spmem:s8], [sflag:s13] =	dma.local @!p0 [hbm:s3], $0x27100  }
0x11: {  	s13 =	simm.s32 @!p0 $0x1  }
0x12: {  	_ =	swait.ge @!p0 [sflag:s13], $0x27100  }
0x13: {  	[sflag:s13] =	ssyncset.done @!p0 $0x0  }
0x14: {  	[sflag:s13] =	ssyncadd.s32 @!p0 $0xFFFD8F00  }
0x15: {  	s31 =	sadd.s32 $0x0, s7;
	[bflag:$0x0] =	sbarrier.arrive $0xFFFF  }
0x16: {  	[tilespmem:s2], [sflag:$0x1] =	stream.linear.gather [hbm4b:s31+s2], $0xC8, $0x38;
	[tilespmem:$0x19D80] =	vst v63  }
0x17: {  	_ =	swait.ge [sflag:s9], $0xC8  }
0x18: {  	[sflag:s9] =	ssyncset.done $0x0  }
0x19: {  	[sflag:s9] =	ssyncadd.s32 $0xFFFFFF38  }
0x1a: {  	[tilespmem:s10], [sflag:$0x1] =	stream.linear.gather [hbm4b:s6+s2], $0x6400, $0x38;
	[tilespmem:$0x19D80] =	vst v63  }
0x1b: {  	_ =	swait.ge [sflag:s9], $0x6400  }
0x1c: {  	[sflag:s9] =	ssyncset.done $0x0  }
0x1d: {  	[sflag:s9] =	ssyncadd.s32 $0xFFFF9C00  }
0x1e: {  	[spmem:s1] =	stream.indirect.scatter.add.f32 [tilespmem:s10], [sflag:$0x1], $0x80, s2, s11, $0xb8;
	[tilespmem:$0x19D80] =	vst v63  }
0x1f: {  	s14 =	simm.s32 $0x19;
	_ =	swait.ge [sflag:s9], $0x6400  }
0x20: {  	s15 =	simm.s32 $0x32;
	s13 =	sadd.s32 $0xC80, s6;
	[sflag:s9] =	ssyncset.done $0x0  }
.LBB2_2:
0x21: {  	s16 =	sadd.s32 s14, s7  }
0x22: {  	[sflag:s9] =	ssyncadd.s32 $0xFFFF9C00;
	s14 =	smov.u32 s15;
	s17 =	sadd.s32 $0x19, s15  }
0x23: {  	[tilespmem:s2], [sflag:$0x1] =	stream.linear.gather [hbm4b:s16+s2], $0xC8, $0x38;
	[tilespmem:$0x19D80] =	vst v63  }
0x24: {  	p1 =	sne.s32 s15, $0xAF;
	_ =	swait.ge [sflag:s9], $0xC8  }
0x25: {  	[sflag:s9] =	ssyncset.done $0x0  }
0x26: {  	[sflag:s9] =	ssyncadd.s32 $0xFFFFFF38  }
0x27: {  	[tilespmem:s10], [sflag:$0x1] =	stream.linear.gather [hbm4b:s13+s2], $0x6400, $0x38;
	[tilespmem:$0x19D80] =	vst v63  }
0x28: {  	_ =	swait.ge [sflag:s9], $0x6400  }
.Ltmp0:
0x29: {  	[sflag:s9] =	ssyncset.done $0x0;
	(pc) =	sbr.rel @p1 .LBB2_2-.Ltmp0, $4  }
0x2a: {  	[sflag:s9] =	ssyncadd.s32 $0xFFFF9C00  }
0x2b: {  	[spmem:s1] =	stream.indirect.scatter.add.f32 [tilespmem:s10], [sflag:$0x1], $0x80, s2, s11, $0xb8;
	[tilespmem:$0x19D80] =	vst v63  }
0x2c: {  	_ =	swait.ge [sflag:s9], $0x6400  }
0x2d: {  	s15 =	smov.u32 s17;
	s13 =	sadd.s32 $0xC80, s13;
	[sflag:s9] =	ssyncset.done $0x0  }
0x2e: {  	s14 =	sadd.s32 s14, s7;
	[sflag:s9] =	ssyncadd.s32 $0xFFFF9C00  }
0x2f: {  	[tilespmem:s2], [sflag:$0x1] =	stream.linear.gather [hbm4b:s14+s2], $0xC8, $0x38;
	[tilespmem:$0x19D80] =	vst v63  }
0x30: {  	_ =	swait.ge [sflag:s9], $0xC8  }
0x31: {  	[sflag:s9] =	ssyncset.done $0x0  }
0x32: {  	[sflag:s9] =	ssyncadd.s32 $0xFFFFFF38  }
0x33: {  	[tilespmem:s10], [sflag:$0x1] =	stream.linear.gather [hbm4b:s13+s2], $0x6400, $0x38;
	[tilespmem:$0x19D80] =	vst v63  }
0x34: {  	_ =	swait.ge [sflag:s9], $0x6400  }
0x35: {  	[sflag:s9] =	ssyncset.done $0x0  }
0x36: {  	[sflag:s9] =	ssyncadd.s32 $0xFFFF9C00  }
0x37: {  	[spmem:s1] =	stream.indirect.scatter.add.f32 [tilespmem:s10], [sflag:$0x1], $0x80, s2, s11, $0xb8;
	[tilespmem:$0x19D80] =	vst v63  }
0x38: {  	_ =	swait.ge [sflag:s9], $0x6400  }
0x39: {  	[sflag:s9] =	ssyncset.done $0x0  }
0x3a: {  	s12 =	sadd.s32 $0x1, s12;
	[sflag:s9] =	ssyncadd.s32 $0xFFFF9C00  }
0x3b: {  	p1 =	sne.s32 s12, s5;
	s13 =	simm.s32 @!p0 $0x1C01;
	[bflag:$0x0] =	sbarrier.arrive $0xFFFF  }
0x3c: {  	[hbm:s4], [sflag:s13] =	dma.local @!p0 [spmem:s8], $0x27100  }
.Ltmp1:
0x3d: {  	_ = 	snop;
	(pc) =	sbr.rel @p1 .LBB2_1-.Ltmp1, $4  }
0x3e: {  	s13 =	simm.s32 @!p0 $0x1  }
0x3f: {  	_ =	swait.ge @!p0 [sflag:s13], $0x27100  }
0x40: {  	[sflag:s13] =	ssyncset.done @!p0 $0x0  }
0x41: {  	[sflag:s13] =	ssyncadd.s32 @!p0 $0xFFFD8F00  }
0x42: {  	_ =	sfence.sel $0x180000  }
0x43: {  	[bflag:$0x0] =	sbarrier.arrive $0xFFFF  }
0x44: {  	_ =	strace $0x90000059  }
0x45: {  	s0 =	sadd.s32 @!p0 $0x100000, s0;
	[bflag:$0x2] =	sbarrier.arrive $0xFFFF  }
0x46: {  	[sflag:s0] =	ssyncadd.tile.s32 @!p0 $0x1;
	_ =	shalt  }
.Lfunc_end2:
_tile_overlayer_lowered:
.L_overlay_start_2:
0x47: {  	(tag) =	ssettag $0x2  }
0x48: {  	s0 =	rddreg [dreg:$0x0];
	s2 =	stileid.u32  }
0x49: {  	s1 =	rddreg [dreg:$0x1];
	p0 =	sne.s32 s2, $0x0  }
0x4a: {  	s3 =	rddreg [dreg:$0x2];
	[bflag:$0x3] =	sbarrier.arrive $0xFFFF;
	s2 =	simm.s32 @!p0 $0x1C01  }
0x4b: {  	[timem:s3], [sflag:s2] =	dma.local @!p0 [hbm:s0], s1  }
0x4c: {  	s0 =	simm.s32 @!p0 $0x1  }
0x4d: {  	_ =	swait.ge @!p0 [sflag:s0], s1  }
0x4e: {  	s1 =	ssub.s32 @!p0 $0x0, s1;
	[sflag:s0] =	ssyncset.done @!p0 $0x0  }
0x4f: {  	[sflag:s0] =	ssyncadd.s32 @!p0 s1  }
0x50: {  	[bflag:$0x3] =	sbarrier.arrive $0xFFFF  }
0x51: {  	_ =	shalt  }

// kernel: kernel.25.cloned.1.call-start
scs
__scs_entry_jumppad:
0x0: {  	(pc) =	sbr.rel $0x88, $3  }
0x1: {  	(tag) =	ssettag $0x0;
	lr =	simm.s32 $0x1  }
0x2: {  	[smem:$0x3F92] =	sst lr;
	_ =	strace $0xD0000000  }
0x3: {  	_ = 	snop  }
0x4: {  	_ = 	snop  }
0x5: {  	_ = 	snop  }
0x6: {  	_ = 	snop  }
0x7: {  	_ = 	snop  }
__scs_overlays_trampoline_lowered:
0x8: {  	[smem:$0x3FA1] =	sst s0  }
0x9: {  	[smem:$0x3FA2] =	sst s1  }
0xa: {  	[smem:$0x3FA3] =	sst s2  }
0xb: {  	[smem:$0x3FA4] =	sst s3  }
0xc: {  	[smem:$0x3FA5] =	sst s4  }
0xd: {  	[smem:$0x3FA6] =	sst s5  }
0xe: {  	[smem:$0x3FA7] =	sst s6  }
0xf: {  	[smem:$0x3FA8] =	sst s7  }
0x10: {  	[smem:$0x3FA9] =	sst s8  }
0x11: {  	[smem:$0x3FAA] =	sst s9;
	s0 =	simm.s32 @!p0 $0x0  }
0x12: {  	s1 =	sld [smem:$0x3F90];
	s0 =	simm.s32 @p0 $0x1  }
0x13: {  	[smem:$0x3FAB] =	sst s0;
	s0 =	simm.s32 @!p1 $0x0  }
0x14: {  	s2 =	sld [smem:$0x3F8F];
	s0 =	simm.s32 @p1 $0x1  }
0x15: {  	[smem:$0x3FAC] =	sst s0;
	s0 =	simm.s32 @!p2 $0x0  }
0x16: {  	s3 =	sld [smem:$0x3FDB];
	s0 =	simm.s32 @p2 $0x1  }
0x17: {  	s4 =	simm.s32 $0x1BF5;
	[smem:$0x3FAE] =	sst s0  }
0x18: {  	s0 =	sld [smem:$0x3F91];
	_ =	swait.ge [sflag:s4], $0x0  }
0x19: {  	s7 =	sld [smem:$0x3F92]  }
0x1a: {  	s8 =	sadd.s32 $0xFFFFE003, lr  }
0x1b: {  	s9 =	sadd.s32 $0xFFFFFEF7, lr;
	s5 =	simm.s32 $0xFFFFFFFF;
	p2 =	slt.u32 s8, $0xFFFFF086  }
0x1c: {  	p1 =	slt.u32 s9, $0xF7A;
	s5 =	simm.s32 @!p2 $0x0  }
0x1d: {  	s5 =	simm.s32 @p1 $0x1;
	p0 =	seq.s32 s7, s2  }
0x1e: {  	s7 =	smul.u32 @!p0 $0xF7A, s2;
	p2 =	seq.s32 @!p0 s5, $0x0  }
0x1f: {  	s9 =	smul.u32 $0xF7A, s1;
	s8 =	simm.s32 @!p0 $0x1BF5;
	p2 =	por !p2, p0  }
0x20: {  	[sflag:s8] =	ssyncset.s32 @!p0 $0xFFFFF086;
	s6 =	sadd.s32 @!p0 s3, s7;
	s7 =	simm.s32 @!p0 $0x108  }
0x21: {  	s3 =	sadd.s32 s3, s9;
	s6 =	sadd.s32 @!p0 $0x88, s6;
	s7 =	simm.s32 @p2 $0x1082  }
0x22: {  	[simem:s7], [sflag:s8] =	dma.local @!p0 [hbm:s6], $0xF7A  }
0x23: {  	s9 =	sor.u32 $0xD0000000, s2;
	s6 =	simm.s32 $0x108;
	_ =	swait.ge @!p0 [sflag:s8], $0x0  }
0x24: {  	s3 =	sadd.s32 $0x88, s3;
	s6 =	simm.s32 @!p1 $0x1082;
	[sflag:s4] =	ssyncset.s32 $0xFFFFF086  }
0x25: {  	[simem:s6], [sflag:s4] =	dma.local [hbm:s3], $0xF7A  }
0x26: {  	[smem:$0x3F92] =	sst s1;
	(tag) =	ssettag s2;
	_ =	strace s9  }
0x27: {  	s1 =	sld [smem:$0x3FA2]  }
0x28: {  	s2 =	sld [smem:$0x3FA3]  }
0x29: {  	s4 =	sld [smem:$0x3FA5]  }
0x2a: {  	p0 =	seq.s32 s5, $0x0;
	s5 =	sld [smem:$0x3FA6]  }
0x2b: {  	s6 =	sld [smem:$0x3FA7]  }
0x2c: {  	s7 =	sld [smem:$0x3FA8]  }
0x2d: {  	s3 =	simm.s32 $0x108;
	s8 =	sld [smem:$0x3FA9]  }
0x2e: {  	s3 =	simm.s32 @!p0 $0x1082;
	s9 =	sld [smem:$0x3FAA]  }
0x2f: {  	lr =	sadd.s32 s0, s3;
	s0 =	sld [smem:$0x3FA1]  }
0x30: {  	s3 =	sld [smem:$0x3FA4]  }
0x31: {  	[smem:$0x3FAD] =	sst s10  }
0x32: {  	s10 =	sld [smem:$0x3FAB];
	_ =	sdelay $0x3  }
0x33: {  	p0 =	seq.s32 s10, $0x1;
	s10 =	sld [smem:$0x3FAD];
	_ =	sdelay $0x3  }
0x34: {  	[smem:$0x3FAD] =	sst s10  }
0x35: {  	s10 =	sld [smem:$0x3FAC];
	_ =	sdelay $0x3  }
0x36: {  	p1 =	seq.s32 s10, $0x1;
	s10 =	sld [smem:$0x3FAD];
	_ =	sdelay $0x3  }
0x37: {  	[smem:$0x3FAD] =	sst s10  }
0x38: {  	s10 =	sld [smem:$0x3FAE]  }
0x39: {  	_ = 	snop;
	(pc) =	sbr.ind lr, $3  }
0x3a: {  	_ = 	snop  }
0x3b: {  	_ = 	snop  }
0x3c: {  	p2 =	seq.s32 s10, $0x1;
	s10 =	sld [smem:$0x3FAD]  }
0x3d: {  	_ =	shalt  }
0x3e: {  	_ =	shalt  }
0x3f: {  	_ =	shalt  }
0x40: {  	_ =	shalt  }
0x41: {  	_ =	shalt  }
0x42: {  	_ =	shalt  }
0x43: {  	_ =	shalt  }
0x44: {  	_ =	shalt  }
0x45: {  	_ =	shalt  }
0x46: {  	_ =	shalt  }
0x47: {  	_ =	shalt  }
0x48: {  	_ =	shalt  }
0x49: {  	_ =	shalt  }
0x4a: {  	_ =	shalt  }
0x4b: {  	_ =	shalt  }
0x4c: {  	_ =	shalt  }
0x4d: {  	_ =	shalt  }
0x4e: {  	_ =	shalt  }
0x4f: {  	_ =	shalt  }
0x50: {  	_ =	shalt  }
0x51: {  	_ =	shalt  }
0x52: {  	_ =	shalt  }
0x53: {  	_ =	shalt  }
0x54: {  	_ =	shalt  }
0x55: {  	_ =	shalt  }
0x56: {  	_ =	shalt  }
0x57: {  	_ =	shalt  }
0x58: {  	_ =	shalt  }
0x59: {  	_ =	shalt  }
0x5a: {  	_ =	shalt  }
0x5b: {  	_ =	shalt  }
0x5c: {  	_ =	shalt  }
0x5d: {  	_ =	shalt  }
0x5e: {  	_ =	shalt  }
0x5f: {  	_ =	shalt  }
0x60: {  	_ =	shalt  }
0x61: {  	_ =	shalt  }
0x62: {  	_ =	shalt  }
0x63: {  	_ =	shalt  }
0x64: {  	_ =	shalt  }
0x65: {  	_ =	shalt  }
0x66: {  	_ =	shalt  }
0x67: {  	_ =	shalt  }
0x68: {  	_ =	shalt  }
0x69: {  	_ =	shalt  }
0x6a: {  	_ =	shalt  }
0x6b: {  	_ =	shalt  }
0x6c: {  	_ =	shalt  }
0x6d: {  	_ =	shalt  }
0x6e: {  	_ =	shalt  }
0x6f: {  	_ =	shalt  }
0x70: {  	_ =	shalt  }
0x71: {  	_ =	shalt  }
0x72: {  	_ =	shalt  }
0x73: {  	_ =	shalt  }
0x74: {  	_ =	shalt  }
0x75: {  	_ =	shalt  }
0x76: {  	_ =	shalt  }
0x77: {  	_ =	shalt  }
0x78: {  	_ =	shalt  }
0x79: {  	_ =	shalt  }
0x7a: {  	_ =	shalt  }
0x7b: {  	_ =	shalt  }
0x7c: {  	_ =	shalt  }
0x7d: {  	_ =	shalt  }
0x7e: {  	_ =	shalt  }
0x7f: {  	_ =	shalt  }
0x80: {  	_ =	shalt  }
0x81: {  	_ =	shalt  }
0x82: {  	_ =	shalt  }
0x83: {  	_ =	shalt  }
0x84: {  	_ =	shalt  }
0x85: {  	_ =	shalt  }
0x86: {  	_ =	shalt  }
0x87: {  	_ =	shalt  }
.Lfunc_end0:
.L_simem_size_0:
called_computation.3_lowered:
.L_overlay_start_0:
0x88: {  	s2 =	sld [smem:$0x3FD9]  }
0x89: {  	s3 =	sld [smem:$0x3FFE];
	_ =	sdelay $0x1  }
0x8a: {  	s1 =	srdreg.scid  }
0x8b: {  	s0 =	sand.u32 $0x1, s1  }
0x8c: {  	s17 =	sshll.u32 s0, $0xA;
	s2 =	sadd.s32 s3, s2  }
0x8d: {  	s2 =	sadd.s32 s2, s17  }
0x8e: {  	[smem:$0x3FB9] =	sst s2  }
0x8f: {  	_ = 	snop  }
0x90: {  	s18 =	sld [smem:$0x3FC5];
	(tm) =	ssettm $0x1  }
0x91: {  	s19 =	sld [smem:$0x3FFB];
	_ =	sdelay $0x3  }
0x92: {  	_ =	strace s19  }
0x93: {  	s2 =	sld [smem:$0x3FFC];
	_ =	sdelay $0x3  }
0x94: {  	_ =	strace s2  }
0x95: {  	s2 =	sld [smem:$0x3FFD];
	_ =	sdelay $0x3  }
0x96: {  	_ =	strace s2  }
0x97: {  	_ =	strace $0x8FFFFFFF  }
0x98: {  	s20 =	sld [smem:$0x3FDB];
	_ =	sdelay $0x1  }
0x99: {  	s4 =	simm.s32 $_scs_section_size  }
0x9a: {  	s5 =	simm.s32 $_size__tile_overlayer_lowered;
	s6 =	simm.s32 $_tile_overlayer_lowered  }
0x9b: {  	s7 =	simm.s32 $0x1BFF;
	s21 =	sshll.u32 s6, $0x1;
	s4 =	sadd.s32 s4, s20  }
0x9c: {  	s22 =	simm.s32 $0x0;
	s5 =	sshll.u32 s5, $0x1;
	s6 =	sadd.s32 s21, s4  }
0x9d: {  	[timem:s22], [sflag:s7] =	dma.local [hbm:s6], s5  }
0x9e: {  	_ =	swait.ge [sflag:s7], s5  }
0x9f: {  	s5 =	ssub.s32 $0x0, s5;
	[sflag:s7] =	ssyncset.done $0x0  }
0xa0: {  	[sflag:s7] =	ssyncadd.s32 s5;
	_ =	sdelay $0x1  }
0xa1: {  	s23 =	simm.s32 $0x1B8B  }
0xa2: {  	_ =	swait.ge [sflag:s23], $0x1  }
0xa3: {  	[sflag:s23] =	ssyncset.done $0x0  }
0xa4: {  	[sflag:s23] =	ssyncadd.s32 $0xFFFFFFFF  }
0xa5: {  	s5 =	sld [smem:$0x0]  }
0xa6: {  	s6 =	sand.u32 $0xFFFFFFFE, s1  }
0xa7: {  	p0 =	sne.s32 s1, s6  }
0xa8: {  	s6 =	sshll.u32 @p0 s6, $0xE  }
0xa9: {  	s6 =	sadd.s32 @p0 $0x11B8D, s6;
	s7 =	sshll.u32 @p0 s5, $0x11  }
0xaa: {  	s6 =	sor.u32 @p0 s7, s6  }
0xab: {  	[sflag:s6] =	ssyncadd.remote.s32 @p0 $0x1;
	_ =	sdelay $0x1  }
0xac: {  	s6 =	simm.s32 @p0 $0x1B8D  }
0xad: {  	_ =	swait.eq @p0 [sflag:s6], $0x1  }
0xae: {  	[sflag:s6] =	ssyncadd.s32 @p0 $0xFFFFFFFF  }
0xaf: {  	s7 =	sshll.u32 @!p0 s1, $0xE  }
0xb0: {  	s7 =	sor.u32 @!p0 $0x4000, s7;
	s6 =	simm.s32 @!p0 $0x1B8D  }
0xb1: {  	s5 =	sshll.u32 @!p0 s5, $0x11;
	s7 =	sadd.s32 @!p0 $0x11B8D, s7;
	_ =	swait.eq @!p0 [sflag:s6], $0x1  }
0xb2: {  	s5 =	sor.u32 @!p0 s5, s7;
	[sflag:s6] =	ssyncadd.s32 @!p0 $0xFFFFFFFF  }
0xb3: {  	s25 =	simm.s32 $0x1B8E;
	s24 =	sld [smem:$0x3FFE];
	[sflag:s5] =	ssyncadd.remote.s32 @!p0 $0x1  }
0xb4: {  	s26 =	simm.s32 $execute0_lowered;
	[smem:$0x3FD2] =	sst s25  }
0xb5: {  	s6 =	sshll.u32 s26, $0x1;
	_ =	strace $0x80000049;
	[dreg:$0x1] =	wrdreg $0xFFFFFFFF  }
0xb6: {  	s28 =	simm.s32 $_size_execute0_lowered;
	s4 =	sadd.s32 s4, s6;
	[dreg:$0x0] =	wrdreg $0x0  }
0xb7: {  	s6 =	sshll.u32 s28, $0x1;
	[dreg:$0x2] =	wrdreg s4  }
0xb8: {  	[dreg:$0x3] =	wrdreg s6  }
0xb9: {  	[dreg:$0x4] =	wrdreg $0xC0  }
0xba: {  	_ =	task [dreg:s22], $0x5FFFF  }
0xbb: {  	[dreg:$0x1] =	wrdreg $0xFFFFFFFF  }
0xbc: {  	[dreg:$0x0] =	wrdreg $0x60  }
0xbd: {  	[dreg:$0x2] =	wrdreg s24  }
0xbe: {  	[dreg:$0x3] =	wrdreg s18  }
0xbf: {  	[dreg:$0x4] =	wrdreg $0xA  }
0xc0: {  	_ =	task.clear_ibuf [dreg:s22], $0x5FFFF;
	_ =	strace $0x90000049  }
0xc1: {  	s29 =	simm.s32 $0xA;
	_ =	strace $0x8000004B  }
0xc2: {  	_ =	swait.ge [sflag:s29], $0x1  }
0xc3: {  	[sflag:s29] =	ssyncadd.s32 $0xFFFFFFFF  }
0xc4: {  	_ =	strace $0x9000004B  }
0xc5: {  	_ =	sfence  }
0xc6: {  	s30 =	sld [smem:$0x0];
	_ =	sdelay $0x2  }
0xc7: {  	s31 =	sshll.u32 s1, $0xD;
	s1 =	sshrl.u32 s1, $0x2  }
0xc8: {  	s4 =	sand.u32 $0x4000, s31;
	s1 =	sadd.s32 s1, s30  }
0xc9: {  	s0 =	sor.u32 s4, s0;
	s1 =	sshll.u32 s1, $0x11  }
0xca: {  	s0 =	sor.u32 s1, s0  }
0xcb: {  	s0 =	sadd.s32 $0x8F2B, s0  }
0xcc: {  	[sflag:s0] =	ssyncadd.remote.s32 $0x1  }
0xcd: {  	_ =	sfence.sel $0xFFFF  }
0xce: {  	[dreg:$0x0] =	wrdreg $0xFFFFFFFF;
	(pc) =	sbr.abs _section_cstart, $3  }
0xcf: {  	[dreg:$0x1] =	wrdreg $0xFFFFFFFF  }
0xd0: {  	_ =	task.clear_ibuf [dreg:s22], $0x2FFFF;
	_ =	strace $0x9FFFFFFF  }
0xd1: {  	(tm) =	ssettm $0x7FFFFFFF  }
tec
execute0_lowered:
.L_overlay_start_1:
0x0: {  	(tag) =	ssettag $0x1  }
0x1: {  	s0 =	rddreg [dreg:$0x0]  }
0x2: {  	s1 =	rddreg [dreg:$0x1]  }
0x3: {  	s9 =	stileid.u32;
	s3 =	srdreg.scid  }
0x4: {  	s2 =	simm.s32 $0x0;
	s19 =	simm.s32 $0x900;
	s21 =	simm.s32 $0x1100  }
0x5: {  	s22 =	simm.s32 $0x1900;
	s23 =	simm.s32 $0x2100;
	s24 =	simm.s32 $0x2900  }
0x6: {  	s25 =	simm.s32 $0x3100;
	s26 =	simm.s32 $0x3900;
	s31 =	simm.s32 $0x4100  }
0x7: {  	s10 =	simm.s32 $0x5100;
	[smem:$0x7FF] =	sst s2;
	s7 =	sadd.s32 $0x56C00, s0  }
0x8: {  	s11 =	simm.s32 $0x5900;
	_ =	strace $0x8000004A;
	[dreg:$0x3] =	wrdreg s7  }
0x9: {  	s12 =	simm.s32 $0x6100;
	s13 =	simm.s32 $0x6900;
	[dreg:$0x5] =	wrdreg s19  }
0xa: {  	s28 =	simm.s32 $0x1;
	s29 =	simm.s32 $0x2;
	[dreg:$0x6] =	wrdreg s21  }
0xb: {  	s30 =	simm.s32 $0x0;
	s4 =	smul.u32 $0xC80, s9;
	[dreg:$0x7] =	wrdreg s22  }
0xc: {  	s5 =	sand.u32 $0x1, s3;
	s8 =	smul.u32 $0x19000, s9;
	[dreg:$0x8] =	wrdreg s23  }
0xd: {  	s3 =	sadd.s32 $0x8A00, s0;
	s14 =	smul.u32 $0xC800, s9;
	[dreg:$0x9] =	wrdreg s24  }
0xe: {  	s9 =	simm.s32 $0x4900;
	s6 =	smul.u32 $0x640, s5;
	[dreg:$0xa] =	wrdreg s25  }
0xf: {  	s16 =	ssub.s32 $0x2, s5;
	s20 =	smul.u32 $0x6400, s5;
	[dreg:$0xb] =	wrdreg s26  }
0x10: {  	s5 =	smul.u32 $0xC800, s5;
	s7 =	simm.s32 $0x3;
	[dreg:$0xc] =	wrdreg s31  }
0x11: {  	s19 =	simm.s32 $0x9900;
	s21 =	simm.s32 $0xA900;
	s22 =	simm.s32 $0xB100  }
0x12: {  	s23 =	simm.s32 $0xB900;
	s24 =	simm.s32 $0xC100;
	s25 =	simm.s32 $0xC8  }
0x13: {  	s26 =	simm.s32 $0xC900;
	s15 =	sadd.s32 s8, s0;
	s0 =	sadd.s32 s14, s0  }
0x14: {  	s17 =	sshrl.u32 s16, $0x1;
	s8 =	simm.s32 $0x100;
	s14 =	simm.s32 $0x7100  }
0x15: {  	s4 =	sadd.s32 s6, s4;
	s18 =	ssub.s32 s16, s17;
	s0 =	sadd.s32 s20, s0  }
0x16: {  	s5 =	sadd.s32 s5, s15;
	s15 =	simm.s32 $0x7900;
	s4 =	sadd.s32 $0xC800, s4  }
0x17: {  	s16 =	simm.s32 $0x8100;
	s0 =	sadd.s32 $0x4B0E00, s0;
	s4 =	sshrl.u32 s4, $0x3  }
0x18: {  	v2 =	vlaneseq.u32;
	s17 =	simm.s32 $0x8900;
	[dreg:$0xe] =	wrdreg s0;
	s1 =	sadd.s32 s4, s1  }
0x19: {  	vm0 =	vmmov $0xffff;
	v1 =	vshrl.u32 v2, $0x3;
	s20 =	simm.s32 $0xA100;
	s4 =	smax.u32 s18, $0x1;
	[dreg:$0x4] =	wrdreg s1  }
0x1a: {  	v0 =	vand.u32 $0x7, v2;
	v2 =	vor.u32 $0x8, v2;
	v1 =	vmul.u32 $0x8, v1;
	s6 =	sadd.s32 $0x320E00, s5;
	s18 =	simm.s32 $0x9100;
	[dreg:$0xd] =	wrdreg s4  }
.LBB2_1:
0x1b: {  	s31 =	smov.u32 s6;
	s5 =	rddreg [dreg:$0xe];
	s1 =	simm.s32 $0x0  }
.LBB2_2:
0x1c: {  	s4 =	rddreg [dreg:$0x4]  }
0x1d: {  	s4 =	sadd.s32 s1, s4  }
0x1e: {  	[tilespmem:s2], [sflag:$0x3] =	stream.linear.gather [hbm4b:s4+s2], $0xC8, $0x38;
	[tilespmem:$0x12D00] =	vst v63  }
0x1f: {  	_ =	swait.ge [sflag:s7], $0xC8  }
0x20: {  	[sflag:s7] =	ssyncset.done $0x0  }
0x21: {  	[sflag:s7] =	ssyncadd.s32 $0xFFFFFF38  }
0x22: {  	v3 =	vld [tilespmem:$0x0];
	_ =	sdelay $0x4  }
0x23: {  	v4 =	vshll.u32 v3, $0x1  }
0x24: {  	v3 =	vand.u32 $0x7, v3;
	v4 =	vand.u32 $0xFFFFFFF0, v4  }
0x25: {  	v3 =	vor.u32 v3, v4  }
0x26: {  	v4 =	vperm.xlane v3, v0;
	_ =	sdelay $0x1  }
0x27: {  	v3 =	vperm.xlane v3, v2;
	v4 =	vadd.s32 v1, v4;
	_ =	sdelay $0x1  }
0x28: {  	v3 =	vadd.s32 v1, v3;
	_ =	sdelay $0x2  }
0x29: {  	[tilespmem:s8], [sflag:$0x1] =	stream.indirect_vreg.gather [hbm4b:s3+s2], $0x80, v4, vm0, $0xb8;
	[tilespmem:$0x12D00] =	vst v63  }
0x2a: {  	s0 =	rddreg [dreg:$0x5]  }
0x2b: {  	[tilespmem:s0], [sflag:$0x1] =	stream.indirect_vreg.gather [hbm4b:s3+s2], $0x80, v3, vm0, $0xb8;
	[tilespmem:$0x12D00] =	vst v63  }
0x2c: {  	v3 =	vld [tilespmem:$0x10];
	_ =	sdelay $0x4  }
0x2d: {  	v52 =	vshll.u32 v3, $0x1  }
0x2e: {  	v3 =	vand.u32 $0x7, v3;
	v4 =	vand.u32 $0xFFFFFFF0, v52  }
0x2f: {  	v3 =	vor.u32 v3, v4  }
0x30: {  	v4 =	vperm.xlane v3, v0;
	_ =	sdelay $0x1  }
0x31: {  	v3 =	vperm.xlane v3, v2;
	v4 =	vadd.s32 v1, v4;
	_ =	sdelay $0x1  }
0x32: {  	v3 =	vadd.s32 v1, v3;
	_ =	sdelay $0x1  }
0x33: {  	s4 =	rddreg [dreg:$0x6]  }
0x34: {  	[tilespmem:s4], [sflag:$0x1] =	stream.indirect_vreg.gather [hbm4b:s3+s2], $0x80, v4, vm0, $0xb8;
	[tilespmem:$0x12D00] =	vst v63  }
0x35: {  	s0 =	rddreg [dreg:$0x7]  }
0x36: {  	[tilespmem:s0], [sflag:$0x1] =	stream.indirect_vreg.gather [hbm4b:s3+s2], $0x80, v3, vm0, $0xb8;
	[tilespmem:$0x12D00] =	vst v63  }
0x37: {  	v3 =	vld [tilespmem:$0x20];
	_ =	sdelay $0x4  }
0x38: {  	v53 =	vshll.u32 v3, $0x1  }
0x39: {  	v3 =	vand.u32 $0x7, v3;
	v4 =	vand.u32 $0xFFFFFFF0, v53  }
0x3a: {  	v3 =	vor.u32 v3, v4  }
0x3b: {  	v4 =	vperm.xlane v3, v0;
	_ =	sdelay $0x1  }
0x3c: {  	v3 =	vperm.xlane v3, v2;
	v4 =	vadd.s32 v1, v4;
	_ =	sdelay $0x1  }
0x3d: {  	v3 =	vadd.s32 v1, v3;
	_ =	sdelay $0x1  }
0x3e: {  	s0 =	rddreg [dreg:$0x8]  }
0x3f: {  	[tilespmem:s0], [sflag:$0x1] =	stream.indirect_vreg.gather [hbm4b:s3+s2], $0x80, v4, vm0, $0xb8;
	[tilespmem:$0x12D00] =	vst v63  }
0x40: {  	s4 =	rddreg [dreg:$0x9]  }
0x41: {  	[tilespmem:s4], [sflag:$0x1] =	stream.indirect_vreg.gather [hbm4b:s3+s2], $0x80, v3, vm0, $0xb8;
	[tilespmem:$0x12D00] =	vst v63  }
0x42: {  	v3 =	vld [tilespmem:$0x30];
	_ =	sdelay $0x4  }
0x43: {  	v54 =	vshll.u32 v3, $0x1  }
0x44: {  	v3 =	vand.u32 $0x7, v3;
	v4 =	vand.u32 $0xFFFFFFF0, v54  }
0x45: {  	v3 =	vor.u32 v3, v4  }
0x46: {  	v4 =	vperm.xlane v3, v0;
	_ =	sdelay $0x1  }
0x47: {  	v3 =	vperm.xlane v3, v2;
	v4 =	vadd.s32 v1, v4;
	_ =	sdelay $0x1  }
0x48: {  	v3 =	vadd.s32 v1, v3;
	_ =	sdelay $0x1  }
0x49: {  	s0 =	rddreg [dreg:$0xa]  }
0x4a: {  	[tilespmem:s0], [sflag:$0x1] =	stream.indirect_vreg.gather [hbm4b:s3+s2], $0x80, v4, vm0, $0xb8;
	[tilespmem:$0x12D00] =	vst v63  }
0x4b: {  	s4 =	rddreg [dreg:$0xb]  }
0x4c: {  	[tilespmem:s4], [sflag:$0x1] =	stream.indirect_vreg.gather [hbm4b:s3+s2], $0x80, v3, vm0, $0xb8;
	[tilespmem:$0x12D00] =	vst v63  }
0x4d: {  	v3 =	vld [tilespmem:$0x40];
	_ =	sdelay $0x4  }
0x4e: {  	v55 =	vshll.u32 v3, $0x1  }
0x4f: {  	v3 =	vand.u32 $0x7, v3;
	v4 =	vand.u32 $0xFFFFFFF0, v55  }
0x50: {  	v3 =	vor.u32 v3, v4  }
0x51: {  	v4 =	vperm.xlane v3, v0;
	_ =	sdelay $0x1  }
0x52: {  	v3 =	vperm.xlane v3, v2;
	v4 =	vadd.s32 v1, v4;
	_ =	sdelay $0x1  }
0x53: {  	v3 =	vadd.s32 v1, v3;
	_ =	sdelay $0x1  }
0x54: {  	s4 =	rddreg [dreg:$0xc]  }
0x55: {  	[tilespmem:s4], [sflag:$0x1] =	stream.indirect_vreg.gather [hbm4b:s3+s2], $0x80, v4, vm0, $0xb8;
	[tilespmem:$0x12D00] =	vst v63  }
0x56: {  	_ = 	snop  }
0x57: {  	[tilespmem:s9], [sflag:$0x1] =	stream.indirect_vreg.gather [hbm4b:s3+s2], $0x80, v3, vm0, $0xb8;
	[tilespmem:$0x12D00] =	vst v63  }
0x58: {  	v3 =	vld [tilespmem:$0x50];
	_ =	sdelay $0x4  }
0x59: {  	v56 =	vshll.u32 v3, $0x1  }
0x5a: {  	v3 =	vand.u32 $0x7, v3;
	v4 =	vand.u32 $0xFFFFFFF0, v56  }
0x5b: {  	v3 =	vor.u32 v3, v4  }
0x5c: {  	v4 =	vperm.xlane v3, v0;
	_ =	sdelay $0x1  }
0x5d: {  	v3 =	vperm.xlane v3, v2;
	v4 =	vadd.s32 v1, v4;
	_ =	sdelay $0x1  }
0x5e: {  	v3 =	vadd.s32 v1, v3;
	_ =	sdelay $0x2  }
0x5f: {  	[tilespmem:s10], [sflag:$0x1] =	stream.indirect_vreg.gather [hbm4b:s3+s2], $0x80, v4, vm0, $0xb8;
	[tilespmem:$0x12D00] =	vst v63  }
0x60: {  	_ = 	snop  }
0x61: {  	[tilespmem:s11], [sflag:$0x1] =	stream.indirect_vreg.gather [hbm4b:s3+s2], $0x80, v3, vm0, $0xb8;
	[tilespmem:$0x12D00] =	vst v63  }
0x62: {  	v3 =	vld [tilespmem:$0x60];
	_ =	sdelay $0x4  }
0x63: {  	v57 =	vshll.u32 v3, $0x1  }
0x64: {  	v3 =	vand.u32 $0x7, v3;
	v4 =	vand.u32 $0xFFFFFFF0, v57  }
0x65: {  	v3 =	vor.u32 v3, v4  }
0x66: {  	v4 =	vperm.xlane v3, v0;
	_ =	sdelay $0x1  }
0x67: {  	v3 =	vperm.xlane v3, v2;
	v4 =	vadd.s32 v1, v4;
	_ =	sdelay $0x1  }
0x68: {  	v3 =	vadd.s32 v1, v3;
	_ =	sdelay $0x2  }
0x69: {  	[tilespmem:s12], [sflag:$0x1] =	stream.indirect_vreg.gather [hbm4b:s3+s2], $0x80, v4, vm0, $0xb8;
	[tilespmem:$0x12D00] =	vst v63  }
0x6a: {  	_ = 	snop  }
0x6b: {  	[tilespmem:s13], [sflag:$0x1] =	stream.indirect_vreg.gather [hbm4b:s3+s2], $0x80, v3, vm0, $0xb8;
	[tilespmem:$0x12D00] =	vst v63  }
0x6c: {  	v3 =	vld [tilespmem:$0x70];
	_ =	sdelay $0x4  }
0x6d: {  	v58 =	vshll.u32 v3, $0x1  }
0x6e: {  	v3 =	vand.u32 $0x7, v3;
	v4 =	vand.u32 $0xFFFFFFF0, v58  }
0x6f: {  	v3 =	vor.u32 v3, v4  }
0x70: {  	v4 =	vperm.xlane v3, v0;
	_ =	sdelay $0x1  }
0x71: {  	v3 =	vperm.xlane v3, v2;
	v4 =	vadd.s32 v1, v4;
	_ =	sdelay $0x1  }
0x72: {  	v3 =	vadd.s32 v1, v3;
	_ =	sdelay $0x2  }
0x73: {  	[tilespmem:s14], [sflag:$0x1] =	stream.indirect_vreg.gather [hbm4b:s3+s2], $0x80, v4, vm0, $0xb8;
	[tilespmem:$0x12D00] =	vst v63  }
0x74: {  	_ = 	snop  }
0x75: {  	[tilespmem:s15], [sflag:$0x1] =	stream.indirect_vreg.gather [hbm4b:s3+s2], $0x80, v3, vm0, $0xb8;
	[tilespmem:$0x12D00] =	vst v63  }
0x76: {  	v3 =	vld [tilespmem:$0x80];
	_ =	sdelay $0x4  }
0x77: {  	v59 =	vshll.u32 v3, $0x1  }
0x78: {  	v3 =	vand.u32 $0x7, v3;
	v4 =	vand.u32 $0xFFFFFFF0, v59  }
0x79: {  	v3 =	vor.u32 v3, v4  }
0x7a: {  	v4 =	vperm.xlane v3, v0;
	_ =	sdelay $0x1  }
0x7b: {  	v3 =	vperm.xlane v3, v2;
	v4 =	vadd.s32 v1, v4;
	_ =	sdelay $0x1  }
0x7c: {  	v3 =	vadd.s32 v1, v3;
	_ =	sdelay $0x2  }
0x7d: {  	[tilespmem:s16], [sflag:$0x1] =	stream.indirect_vreg.gather [hbm4b:s3+s2], $0x80, v4, vm0, $0xb8;
	[tilespmem:$0x12D00] =	vst v63  }
0x7e: {  	_ = 	snop  }
0x7f: {  	[tilespmem:s17], [sflag:$0x1] =	stream.indirect_vreg.gather [hbm4b:s3+s2], $0x80, v3, vm0, $0xb8;
	[tilespmem:$0x12D00] =	vst v63  }
0x80: {  	v3 =	vld [tilespmem:$0x90];
	_ =	sdelay $0x4  }
0x81: {  	v60 =	vshll.u32 v3, $0x1  }
0x82: {  	v3 =	vand.u32 $0x7, v3;
	v4 =	vand.u32 $0xFFFFFFF0, v60  }
0x83: {  	v3 =	vor.u32 v3, v4  }
0x84: {  	v4 =	vperm.xlane v3, v0;
	_ =	sdelay $0x1  }
0x85: {  	v3 =	vperm.xlane v3, v2;
	v4 =	vadd.s32 v1, v4;
	_ =	sdelay $0x1  }
0x86: {  	v3 =	vadd.s32 v1, v3;
	_ =	sdelay $0x2  }
0x87: {  	[tilespmem:s18], [sflag:$0x1] =	stream.indirect_vreg.gather [hbm4b:s3+s2], $0x80, v4, vm0, $0xb8;
	[tilespmem:$0x12D00] =	vst v63  }
0x88: {  	_ = 	snop  }
0x89: {  	[tilespmem:s19], [sflag:$0x1] =	stream.indirect_vreg.gather [hbm4b:s3+s2], $0x80, v3, vm0, $0xb8;
	[tilespmem:$0x12D00] =	vst v63  }
0x8a: {  	v3 =	vld [tilespmem:$0xA0];
	_ =	sdelay $0x4  }
0x8b: {  	v61 =	vshll.u32 v3, $0x1  }
0x8c: {  	v3 =	vand.u32 $0x7, v3;
	v4 =	vand.u32 $0xFFFFFFF0, v61  }
0x8d: {  	v3 =	vor.u32 v3, v4  }
0x8e: {  	v4 =	vperm.xlane v3, v0;
	_ =	sdelay $0x1  }
0x8f: {  	v3 =	vperm.xlane v3, v2;
	v4 =	vadd.s32 v1, v4;
	_ =	sdelay $0x1  }
0x90: {  	v3 =	vadd.s32 v1, v3;
	_ =	sdelay $0x2  }
0x91: {  	[tilespmem:s20], [sflag:$0x1] =	stream.indirect_vreg.gather [hbm4b:s3+s2], $0x80, v4, vm0, $0xb8;
	[tilespmem:$0x12D00] =	vst v63  }
0x92: {  	_ = 	snop  }
0x93: {  	[tilespmem:s21], [sflag:$0x1] =	stream.indirect_vreg.gather [hbm4b:s3+s2], $0x80, v3, vm0, $0xb8;
	[tilespmem:$0x12D00] =	vst v63  }
0x94: {  	v3 =	vld [tilespmem:$0xB0];
	_ =	sdelay $0x4  }
0x95: {  	v62 =	vshll.u32 v3, $0x1  }
0x96: {  	v3 =	vand.u32 $0x7, v3;
	v4 =	vand.u32 $0xFFFFFFF0, v62  }
0x97: {  	v3 =	vor.u32 v3, v4  }
0x98: {  	v4 =	vperm.xlane v3, v0;
	_ =	sdelay $0x1  }
0x99: {  	v3 =	vperm.xlane v3, v2;
	v4 =	vadd.s32 v1, v4;
	_ =	sdelay $0x1  }
0x9a: {  	v3 =	vadd.s32 v1, v3;
	_ =	sdelay $0x2  }
0x9b: {  	[tilespmem:s22], [sflag:$0x1] =	stream.indirect_vreg.gather [hbm4b:s3+s2], $0x80, v4, vm0, $0xb8;
	[tilespmem:$0x12D00] =	vst v63  }
0x9c: {  	_ = 	snop  }
0x9d: {  	[tilespmem:s23], [sflag:$0x1] =	stream.indirect_vreg.gather [hbm4b:s3+s2], $0x80, v3, vm0, $0xb8;
	[tilespmem:$0x12D00] =	vst v63  }
0x9e: {  	v3 =	vld.msk [tilespmem:$0xC0], $0xff;
	_ =	sdelay $0x4  }
0x9f: {  	v63 =	vshll.u32 v3, $0x1  }
0xa0: {  	v3 =	vand.u32 $0x7, v3;
	v4 =	vand.u32 $0xFFFFFFF0, v63  }
0xa1: {  	v3 =	vor.u32 v3, v4  }
0xa2: {  	v3 =	vperm.xlane v3, v0;
	_ =	sdelay $0x1  }
0xa3: {  	v3 =	vadd.s32 v1, v3;
	_ =	sdelay $0x4  }
0xa4: {  	[tilespmem:s24], [sflag:$0x1] =	stream.indirect_vreg.gather [hbm4b:s3+s2], $0x80, v3, vm0, $0xb8;
	[tilespmem:$0x12D00] =	vst v63  }
0xa5: {  	s4 =	rddreg [dreg:$0x3]  }
0xa6: {  	[tilespmem:s26], [sflag:$0x2] =	stream.indirect.gather [hbm4b:s4+s25], $0x80, s2, s25, $0xb8;
	[tilespmem:$0x12D00] =	vst v63  }
0xa7: {  	_ =	swait.ge [sflag:s28], $0xC800  }
0xa8: {  	[sflag:s28] =	ssyncset.done $0x0  }
0xa9: {  	[sflag:s28] =	ssyncadd.s32 $0xFFFF3800  }
0xaa: {  	_ =	swait.ge [sflag:s29], $0x6400  }
0xab: {  	[sflag:s29] =	ssyncset.done $0x0  }
0xac: {  	[sflag:s29] =	ssyncadd.s32 $0xFFFF9C00  }
0xad: {  	[hbm4b:s31+s2] =	stream.linear.scatter [tilespmem:s8], [sflag:$0x3], $0xC800, $0x38;
	[tilespmem:$0x12D00] =	vst v63  }
0xae: {  	_ =	swait.ge [sflag:s7], $0xC800  }
0xaf: {  	p0 =	sne.s32 s1, $0xAF;
	[sflag:s7] =	ssyncset.done $0x0  }
.Ltmp0:
0xb0: {  	[sflag:s7] =	ssyncadd.s32 $0xFFFF3800;
	(pc) =	sbr.rel @p0 .LBB2_2-.Ltmp0, $4  }
0xb1: {  	[hbm4b:s5+s2] =	stream.linear.scatter [tilespmem:s26], [sflag:$0x3], $0x6400, $0x38;
	[tilespmem:$0x12D00] =	vst v63  }
0xb2: {  	_ =	swait.ge [sflag:s7], $0x6400  }
0xb3: {  	s1 =	sadd.s32 $0x19, s1;
	[sflag:s7] =	ssyncset.done $0x0  }
0xb4: {  	s31 =	sadd.s32 $0x1900, s31;
	s5 =	sadd.s32 $0xC80, s5;
	[sflag:s7] =	ssyncadd.s32 $0xFFFF9C00  }
0xb5: {  	s30 =	sadd.s32 $0x1, s30;
	s0 =	rddreg [dreg:$0xd]  }
0xb6: {  	p0 =	sne.s32 s30, s0  }
.Ltmp1:
0xb7: {  	_ = 	snop;
	(pc) =	sbr.rel @p0 .LBB2_1-.Ltmp1, $1  }
0xb8: {  	_ =	sdelay $0x3  }
0xb9: {  	_ =	sfence.sel $0x180000  }
0xba: {  	[bflag:$0x0] =	sbarrier.arrive $0xFFFF  }
0xbb: {  	_ =	strace $0x9000004A  }
0xbc: {  	s0 =	stileid.u32;
	[bflag:$0x2] =	sbarrier.arrive $0xFFFF  }
0xbd: {  	p0 =	sne.s32 s0, $0x0;
	s0 =	rddreg [dreg:$0x2]  }
0xbe: {  	s0 =	sadd.s32 @!p0 $0x100000, s0  }
0xbf: {  	[sflag:s0] =	ssyncadd.tile.s32 @!p0 $0x1;
	_ =	shalt  }
.Lfunc_end2:
_tile_overlayer_lowered:
.L_overlay_start_2:
0xc0: {  	(tag) =	ssettag $0x2  }
0xc1: {  	s0 =	rddreg [dreg:$0x0];
	s2 =	stileid.u32  }
0xc2: {  	s1 =	rddreg [dreg:$0x1];
	p0 =	sne.s32 s2, $0x0  }
0xc3: {  	s3 =	rddreg [dreg:$0x2];
	[bflag:$0x3] =	sbarrier.arrive $0xFFFF;
	s2 =	simm.s32 @!p0 $0x1C03  }
0xc4: {  	[timem:s3], [sflag:s2] =	dma.local @!p0 [hbm:s0], s1  }
0xc5: {  	s0 =	simm.s32 @!p0 $0x3  }
0xc6: {  	_ =	swait.ge @!p0 [sflag:s0], s1  }
0xc7: {  	s1 =	ssub.s32 @!p0 $0x0, s1;
	[sflag:s0] =	ssyncset.done @!p0 $0x0  }
0xc8: {  	[sflag:s0] =	ssyncadd.s32 @!p0 s1  }
0xc9: {  	[bflag:$0x3] =	sbarrier.arrive $0xFFFF  }
0xca: {  	_ =	shalt  }

// kernel: kernel.28.cloned.1.call-start
scs
__scs_entry_jumppad:
0x0: {  	(pc) =	sbr.rel $0x88, $3  }
0x1: {  	(tag) =	ssettag $0x0;
	lr =	simm.s32 $0x1  }
0x2: {  	[smem:$0x3F92] =	sst lr;
	_ =	strace $0xD0000000  }
0x3: {  	_ = 	snop  }
0x4: {  	_ = 	snop  }
0x5: {  	_ = 	snop  }
0x6: {  	_ = 	snop  }
0x7: {  	_ = 	snop  }
__scs_overlays_trampoline_lowered:
0x8: {  	[smem:$0x3FA1] =	sst s0  }
0x9: {  	[smem:$0x3FA2] =	sst s1  }
0xa: {  	[smem:$0x3FA3] =	sst s2  }
0xb: {  	[smem:$0x3FA4] =	sst s3  }
0xc: {  	[smem:$0x3FA5] =	sst s4  }
0xd: {  	[smem:$0x3FA6] =	sst s5  }
0xe: {  	[smem:$0x3FA7] =	sst s6  }
0xf: {  	[smem:$0x3FA8] =	sst s7  }
0x10: {  	[smem:$0x3FA9] =	sst s8  }
0x11: {  	[smem:$0x3FAA] =	sst s9;
	s0 =	simm.s32 @!p0 $0x0  }
0x12: {  	s1 =	sld [smem:$0x3F90];
	s0 =	simm.s32 @p0 $0x1  }
0x13: {  	[smem:$0x3FAB] =	sst s0;
	s0 =	simm.s32 @!p1 $0x0  }
0x14: {  	s2 =	sld [smem:$0x3F8F];
	s0 =	simm.s32 @p1 $0x1  }
0x15: {  	[smem:$0x3FAC] =	sst s0;
	s0 =	simm.s32 @!p2 $0x0  }
0x16: {  	s3 =	sld [smem:$0x3FDB];
	s0 =	simm.s32 @p2 $0x1  }
0x17: {  	s4 =	simm.s32 $0x1BF5;
	[smem:$0x3FAE] =	sst s0  }
0x18: {  	s0 =	sld [smem:$0x3F91];
	_ =	swait.ge [sflag:s4], $0x0  }
0x19: {  	s7 =	sld [smem:$0x3F92]  }
0x1a: {  	s8 =	sadd.s32 $0xFFFFE003, lr  }
0x1b: {  	s9 =	sadd.s32 $0xFFFFFEF7, lr;
	s5 =	simm.s32 $0xFFFFFFFF;
	p2 =	slt.u32 s8, $0xFFFFF086  }
0x1c: {  	p1 =	slt.u32 s9, $0xF7A;
	s5 =	simm.s32 @!p2 $0x0  }
0x1d: {  	s5 =	simm.s32 @p1 $0x1;
	p0 =	seq.s32 s7, s2  }
0x1e: {  	s7 =	smul.u32 @!p0 $0xF7A, s2;
	p2 =	seq.s32 @!p0 s5, $0x0  }
0x1f: {  	s9 =	smul.u32 $0xF7A, s1;
	s8 =	simm.s32 @!p0 $0x1BF5;
	p2 =	por !p2, p0  }
0x20: {  	[sflag:s8] =	ssyncset.s32 @!p0 $0xFFFFF086;
	s6 =	sadd.s32 @!p0 s3, s7;
	s7 =	simm.s32 @!p0 $0x108  }
0x21: {  	s3 =	sadd.s32 s3, s9;
	s6 =	sadd.s32 @!p0 $0x88, s6;
	s7 =	simm.s32 @p2 $0x1082  }
0x22: {  	[simem:s7], [sflag:s8] =	dma.local @!p0 [hbm:s6], $0xF7A  }
0x23: {  	s9 =	sor.u32 $0xD0000000, s2;
	s6 =	simm.s32 $0x108;
	_ =	swait.ge @!p0 [sflag:s8], $0x0  }
0x24: {  	s3 =	sadd.s32 $0x88, s3;
	s6 =	simm.s32 @!p1 $0x1082;
	[sflag:s4] =	ssyncset.s32 $0xFFFFF086  }
0x25: {  	[simem:s6], [sflag:s4] =	dma.local [hbm:s3], $0xF7A  }
0x26: {  	[smem:$0x3F92] =	sst s1;
	(tag) =	ssettag s2;
	_ =	strace s9  }
0x27: {  	s1 =	sld [smem:$0x3FA2]  }
0x28: {  	s2 =	sld [smem:$0x3FA3]  }
0x29: {  	s4 =	sld [smem:$0x3FA5]  }
0x2a: {  	p0 =	seq.s32 s5, $0x0;
	s5 =	sld [smem:$0x3FA6]  }
0x2b: {  	s6 =	sld [smem:$0x3FA7]  }
0x2c: {  	s7 =	sld [smem:$0x3FA8]  }
0x2d: {  	s3 =	simm.s32 $0x108;
	s8 =	sld [smem:$0x3FA9]  }
0x2e: {  	s3 =	simm.s32 @!p0 $0x1082;
	s9 =	sld [smem:$0x3FAA]  }
0x2f: {  	lr =	sadd.s32 s0, s3;
	s0 =	sld [smem:$0x3FA1]  }
0x30: {  	s3 =	sld [smem:$0x3FA4]  }
0x31: {  	[smem:$0x3FAD] =	sst s10  }
0x32: {  	s10 =	sld [smem:$0x3FAB];
	_ =	sdelay $0x3  }
0x33: {  	p0 =	seq.s32 s10, $0x1;
	s10 =	sld [smem:$0x3FAD];
	_ =	sdelay $0x3  }
0x34: {  	[smem:$0x3FAD] =	sst s10  }
0x35: {  	s10 =	sld [smem:$0x3FAC];
	_ =	sdelay $0x3  }
0x36: {  	p1 =	seq.s32 s10, $0x1;
	s10 =	sld [smem:$0x3FAD];
	_ =	sdelay $0x3  }
0x37: {  	[smem:$0x3FAD] =	sst s10  }
0x38: {  	s10 =	sld [smem:$0x3FAE]  }
0x39: {  	_ = 	snop;
	(pc) =	sbr.ind lr, $3  }
0x3a: {  	_ = 	snop  }
0x3b: {  	_ = 	snop  }
0x3c: {  	p2 =	seq.s32 s10, $0x1;
	s10 =	sld [smem:$0x3FAD]  }
0x3d: {  	_ =	shalt  }
0x3e: {  	_ =	shalt  }
0x3f: {  	_ =	shalt  }
0x40: {  	_ =	shalt  }
0x41: {  	_ =	shalt  }
0x42: {  	_ =	shalt  }
0x43: {  	_ =	shalt  }
0x44: {  	_ =	shalt  }
0x45: {  	_ =	shalt  }
0x46: {  	_ =	shalt  }
0x47: {  	_ =	shalt  }
0x48: {  	_ =	shalt  }
0x49: {  	_ =	shalt  }
0x4a: {  	_ =	shalt  }
0x4b: {  	_ =	shalt  }
0x4c: {  	_ =	shalt  }
0x4d: {  	_ =	shalt  }
0x4e: {  	_ =	shalt  }
0x4f: {  	_ =	shalt  }
0x50: {  	_ =	shalt  }
0x51: {  	_ =	shalt  }
0x52: {  	_ =	shalt  }
0x53: {  	_ =	shalt  }
0x54: {  	_ =	shalt  }
0x55: {  	_ =	shalt  }
0x56: {  	_ =	shalt  }
0x57: {  	_ =	shalt  }
0x58: {  	_ =	shalt  }
0x59: {  	_ =	shalt  }
0x5a: {  	_ =	shalt  }
0x5b: {  	_ =	shalt  }
0x5c: {  	_ =	shalt  }
0x5d: {  	_ =	shalt  }
0x5e: {  	_ =	shalt  }
0x5f: {  	_ =	shalt  }
0x60: {  	_ =	shalt  }
0x61: {  	_ =	shalt  }
0x62: {  	_ =	shalt  }
0x63: {  	_ =	shalt  }
0x64: {  	_ =	shalt  }
0x65: {  	_ =	shalt  }
0x66: {  	_ =	shalt  }
0x67: {  	_ =	shalt  }
0x68: {  	_ =	shalt  }
0x69: {  	_ =	shalt  }
0x6a: {  	_ =	shalt  }
0x6b: {  	_ =	shalt  }
0x6c: {  	_ =	shalt  }
0x6d: {  	_ =	shalt  }
0x6e: {  	_ =	shalt  }
0x6f: {  	_ =	shalt  }
0x70: {  	_ =	shalt  }
0x71: {  	_ =	shalt  }
0x72: {  	_ =	shalt  }
0x73: {  	_ =	shalt  }
0x74: {  	_ =	shalt  }
0x75: {  	_ =	shalt  }
0x76: {  	_ =	shalt  }
0x77: {  	_ =	shalt  }
0x78: {  	_ =	shalt  }
0x79: {  	_ =	shalt  }
0x7a: {  	_ =	shalt  }
0x7b: {  	_ =	shalt  }
0x7c: {  	_ =	shalt  }
0x7d: {  	_ =	shalt  }
0x7e: {  	_ =	shalt  }
0x7f: {  	_ =	shalt  }
0x80: {  	_ =	shalt  }
0x81: {  	_ =	shalt  }
0x82: {  	_ =	shalt  }
0x83: {  	_ =	shalt  }
0x84: {  	_ =	shalt  }
0x85: {  	_ =	shalt  }
0x86: {  	_ =	shalt  }
0x87: {  	_ =	shalt  }
.Lfunc_end0:
.L_simem_size_0:
called_computation.4_lowered:
.L_overlay_start_0:
0x88: {  	s2 =	sld [smem:$0x3FD9]  }
0x89: {  	s3 =	sld [smem:$0x3FFE];
	_ =	sdelay $0x1  }
0x8a: {  	s1 =	srdreg.scid  }
0x8b: {  	s0 =	sand.u32 $0x1, s1  }
0x8c: {  	s15 =	sshll.u32 s0, $0xA;
	s2 =	sadd.s32 s3, s2  }
0x8d: {  	s2 =	sadd.s32 s2, s15  }
0x8e: {  	[smem:$0x3FB9] =	sst s2  }
0x8f: {  	_ = 	snop  }
0x90: {  	s16 =	sld [smem:$0x3FD0];
	_ =	sdelay $0x2  }
0x91: {  	s4 =	simm.s32 $0xF;
	s5 =	simm.s32 $0x10;
	s2 =	sld [smem:$0x3FC6]  }
0x92: {  	[smem:s5], [sflag:s4] =	dma.local [hbm:s16], $0x1  }
0x93: {  	_ =	swait.eq [sflag:s4], $0x1  }
0x94: {  	[sflag:s4] =	ssyncset.done $0x0  }
0x95: {  	[sflag:s4] =	ssyncadd.s32 $0xFFFFFFFF  }
0x96: {  	s17 =	sld [smem:$0x12];
	(tm) =	ssettm $0x1  }
0x97: {  	s18 =	sld [smem:$0x3FFB];
	_ =	sdelay $0x3  }
0x98: {  	_ =	strace s18  }
0x99: {  	s3 =	sld [smem:$0x3FFC];
	_ =	sdelay $0x3  }
0x9a: {  	_ =	strace s3  }
0x9b: {  	s3 =	sld [smem:$0x3FFD];
	_ =	sdelay $0x3  }
0x9c: {  	_ =	strace s3  }
0x9d: {  	_ =	strace $0x8FFFFFFF  }
0x9e: {  	s19 =	sld [smem:$0x3FDB];
	_ =	sdelay $0x1  }
0x9f: {  	s20 =	simm.s32 $_scs_section_size  }
0xa0: {  	s6 =	simm.s32 $_size__tile_overlayer_lowered;
	s7 =	simm.s32 $_tile_overlayer_lowered  }
0xa1: {  	s8 =	simm.s32 $0x1BFF;
	s21 =	sshll.u32 s7, $0x1;
	s5 =	sadd.s32 s20, s19  }
0xa2: {  	s22 =	simm.s32 $0x0;
	s6 =	sshll.u32 s6, $0x1;
	s7 =	sadd.s32 s21, s5  }
0xa3: {  	[timem:s22], [sflag:s8] =	dma.local [hbm:s7], s6  }
0xa4: {  	_ =	swait.ge [sflag:s8], s6  }
0xa5: {  	s6 =	ssub.s32 $0x0, s6;
	[sflag:s8] =	ssyncset.done $0x0  }
0xa6: {  	[sflag:s8] =	ssyncadd.s32 s6;
	_ =	sdelay $0x1  }
0xa7: {  	s23 =	simm.s32 $0x1B8B  }
0xa8: {  	_ =	swait.ge [sflag:s23], $0x1  }
0xa9: {  	[sflag:s23] =	ssyncset.done $0x0  }
0xaa: {  	[sflag:s23] =	ssyncadd.s32 $0xFFFFFFFF  }
0xab: {  	s6 =	sld [smem:$0x0]  }
0xac: {  	s7 =	sand.u32 $0xFFFFFFFE, s1  }
0xad: {  	p0 =	sne.s32 s1, s7  }
0xae: {  	s7 =	sshll.u32 @p0 s7, $0xE  }
0xaf: {  	s7 =	sadd.s32 @p0 $0x11B8D, s7;
	s8 =	sshll.u32 @p0 s6, $0x11  }
0xb0: {  	s7 =	sor.u32 @p0 s8, s7  }
0xb1: {  	[sflag:s7] =	ssyncadd.remote.s32 @p0 $0x1;
	_ =	sdelay $0x1  }
0xb2: {  	s7 =	simm.s32 @p0 $0x1B8D  }
0xb3: {  	_ =	swait.eq @p0 [sflag:s7], $0x1  }
0xb4: {  	[sflag:s7] =	ssyncadd.s32 @p0 $0xFFFFFFFF  }
0xb5: {  	s8 =	sshll.u32 @!p0 s1, $0xE  }
0xb6: {  	s8 =	sor.u32 @!p0 $0x4000, s8;
	s7 =	simm.s32 @!p0 $0x1B8D  }
0xb7: {  	s6 =	sshll.u32 @!p0 s6, $0x11;
	s8 =	sadd.s32 @!p0 $0x11B8D, s8;
	_ =	swait.eq @!p0 [sflag:s7], $0x1  }
0xb8: {  	s6 =	sor.u32 @!p0 s6, s8;
	[sflag:s7] =	ssyncadd.s32 @!p0 $0xFFFFFFFF  }
0xb9: {  	s25 =	simm.s32 $0x1B8E;
	s24 =	sld [smem:$0x3FFE];
	[sflag:s6] =	ssyncadd.remote.s32 @!p0 $0x1  }
0xba: {  	s26 =	simm.s32 $execute0_lowered;
	[smem:$0x3FD2] =	sst s25  }
0xbb: {  	s7 =	sshll.u32 s26, $0x1;
	_ =	strace $0x8000005E;
	[dreg:$0x1] =	wrdreg $0xFFFFFFFF  }
0xbc: {  	s28 =	simm.s32 $_size_execute0_lowered;
	s5 =	sadd.s32 s5, s7;
	[dreg:$0x0] =	wrdreg $0x0  }
0xbd: {  	s7 =	sshll.u32 s28, $0x1;
	[dreg:$0x2] =	wrdreg s5  }
0xbe: {  	[dreg:$0x3] =	wrdreg s7  }
0xbf: {  	[dreg:$0x4] =	wrdreg $0xC0  }
0xc0: {  	_ =	task [dreg:s22], $0x5FFFF  }
0xc1: {  	[dreg:$0x1] =	wrdreg $0xFFFFFFFF  }
0xc2: {  	[dreg:$0x0] =	wrdreg $0x60  }
0xc3: {  	[dreg:$0x2] =	wrdreg s24  }
0xc4: {  	[dreg:$0x3] =	wrdreg s2  }
0xc5: {  	[dreg:$0x4] =	wrdreg s17  }
0xc6: {  	[dreg:$0x5] =	wrdreg $0x65000  }
0xc7: {  	[dreg:$0x6] =	wrdreg $0xE  }
0xc8: {  	_ =	task.clear_ibuf [dreg:s22], $0x7FFFF;
	_ =	strace $0x9000005E  }
0xc9: {  	s29 =	simm.s32 $0xE;
	_ =	strace $0x80000060  }
0xca: {  	_ =	swait.ge [sflag:s29], $0x1  }
0xcb: {  	[sflag:s29] =	ssyncadd.s32 $0xFFFFFFFF  }
0xcc: {  	_ =	strace $0x90000060  }
0xcd: {  	_ =	sfence  }
0xce: {  	s30 =	sld [smem:$0x0];
	_ =	sdelay $0x2  }
0xcf: {  	s31 =	sshll.u32 s1, $0xD;
	s1 =	sshrl.u32 s1, $0x2  }
0xd0: {  	s4 =	sand.u32 $0x4000, s31;
	s1 =	sadd.s32 s1, s30  }
0xd1: {  	s0 =	sor.u32 s4, s0;
	s1 =	sshll.u32 s1, $0x11  }
0xd2: {  	s0 =	sor.u32 s1, s0  }
0xd3: {  	s0 =	sadd.s32 $0x8F2B, s0  }
0xd4: {  	[sflag:s0] =	ssyncadd.remote.s32 $0x1  }
0xd5: {  	_ =	sfence.sel $0xFFFF  }
0xd6: {  	[dreg:$0x0] =	wrdreg $0xFFFFFFFF;
	(pc) =	sbr.abs _section_cstart, $3  }
0xd7: {  	[dreg:$0x1] =	wrdreg $0xFFFFFFFF  }
0xd8: {  	_ =	task.clear_ibuf [dreg:s22], $0x2FFFF;
	_ =	strace $0x9FFFFFFF  }
0xd9: {  	(tm) =	ssettm $0x7FFFFFFF  }
tec
execute0_lowered:
.L_overlay_start_1:
0x0: {  	(tag) =	ssettag $0x1  }
0x1: {  	s3 =	rddreg [dreg:$0x0]  }
0x2: {  	s7 =	rddreg [dreg:$0x1]  }
0x3: {  	s4 =	rddreg [dreg:$0x2]  }
0x4: {  	s8 =	stileid.u32;
	s0 =	srdreg.scid  }
0x5: {  	s1 =	rddreg [dreg:$0x3];
	s2 =	simm.s32 $0x0;
	s5 =	smul.u32 $0xC800, s8  }
0x6: {  	s6 =	sand.u32 $0x1, s0;
	s0 =	rddreg [dreg:$0x4];
	s12 =	smul.u32 $0xC80, s8  }
0x7: {  	[smem:$0x7FF] =	sst s2;
	p0 =	sne.s32 s8, $0x0;
	s10 =	smul.u32 $0x27100, s6  }
0x8: {  	s9 =	ssub.s32 $0x2, s6;
	s29 =	smul.u32 $0x640, s6;
	_ =	strace $0x8000005F  }
0x9: {  	s6 =	smul.u32 $0x6400, s6;
	s8 =	sshrl.u32 @!p0 s1, $0x3;
	s11 =	sshrl.u32 s9, $0x1  }
0xa: {  	s13 =	sadd.s32 s5, s3;
	s3 =	sadd.s32 $0x7DE00, s3;
	s9 =	ssub.s32 s9, s11  }
0xb: {  	s4 =	sadd.s32 s4, s10;
	s30 =	sadd.s32 s29, s12;
	s6 =	sadd.s32 s6, s13  }
0xc: {  	s10 =	simm.s32 $0x100;
	s11 =	simm.s32 $0xC8;
	s31 =	sadd.s32 $0xC800, s30  }
0xd: {  	s12 =	simm.s32 $0x0;
	s5 =	smax.u32 s9, $0x1;
	s9 =	sshrl.u32 s31, $0x3  }
0xe: {  	s6 =	sadd.s32 $0x1BB200, s6;
	s7 =	sadd.s32 s9, s7;
	s9 =	simm.s32 $0x1  }
.LBB2_1:
0xf: {  	s13 =	simm.s32 @!p0 $0x1C01  }
0x10: {  	[spmem:s8], [sflag:s13] =	dma.local @!p0 [hbm:s3], $0x27100  }
0x11: {  	s13 =	simm.s32 @!p0 $0x1  }
0x12: {  	_ =	swait.ge @!p0 [sflag:s13], $0x27100  }
0x13: {  	[sflag:s13] =	ssyncset.done @!p0 $0x0  }
0x14: {  	[sflag:s13] =	ssyncadd.s32 @!p0 $0xFFFD8F00  }
0x15: {  	s31 =	sadd.s32 $0x0, s7;
	[bflag:$0x0] =	sbarrier.arrive $0xFFFF  }
0x16: {  	[tilespmem:s2], [sflag:$0x1] =	stream.linear.gather [hbm4b:s31+s2], $0xC8, $0x38;
	[tilespmem:$0x19D80] =	vst v63  }
0x17: {  	_ =	swait.ge [sflag:s9], $0xC8  }
0x18: {  	[sflag:s9] =	ssyncset.done $0x0  }
0x19: {  	[sflag:s9] =	ssyncadd.s32 $0xFFFFFF38  }
0x1a: {  	[tilespmem:s10], [sflag:$0x1] =	stream.linear.gather [hbm4b:s6+s2], $0x6400, $0x38;
	[tilespmem:$0x19D80] =	vst v63  }
0x1b: {  	_ =	swait.ge [sflag:s9], $0x6400  }
0x1c: {  	[sflag:s9] =	ssyncset.done $0x0  }
0x1d: {  	[sflag:s9] =	ssyncadd.s32 $0xFFFF9C00  }
0x1e: {  	[spmem:s1] =	stream.indirect.scatter.add.f32 [tilespmem:s10], [sflag:$0x1], $0x80, s2, s11, $0xb8;
	[tilespmem:$0x19D80] =	vst v63  }
0x1f: {  	s14 =	simm.s32 $0x19;
	_ =	swait.ge [sflag:s9], $0x6400  }
0x20: {  	s15 =	simm.s32 $0x32;
	s13 =	sadd.s32 $0xC80, s6;
	[sflag:s9] =	ssyncset.done $0x0  }
.LBB2_2:
0x21: {  	s16 =	sadd.s32 s14, s7  }
0x22: {  	[sflag:s9] =	ssyncadd.s32 $0xFFFF9C00;
	s14 =	smov.u32 s15;
	s17 =	sadd.s32 $0x19, s15  }
0x23: {  	[tilespmem:s2], [sflag:$0x1] =	stream.linear.gather [hbm4b:s16+s2], $0xC8, $0x38;
	[tilespmem:$0x19D80] =	vst v63  }
0x24: {  	p1 =	sne.s32 s15, $0xAF;
	_ =	swait.ge [sflag:s9], $0xC8  }
0x25: {  	[sflag:s9] =	ssyncset.done $0x0  }
0x26: {  	[sflag:s9] =	ssyncadd.s32 $0xFFFFFF38  }
0x27: {  	[tilespmem:s10], [sflag:$0x1] =	stream.linear.gather [hbm4b:s13+s2], $0x6400, $0x38;
	[tilespmem:$0x19D80] =	vst v63  }
0x28: {  	_ =	swait.ge [sflag:s9], $0x6400  }
.Ltmp0:
0x29: {  	[sflag:s9] =	ssyncset.done $0x0;
	(pc) =	sbr.rel @p1 .LBB2_2-.Ltmp0, $4  }
0x2a: {  	[sflag:s9] =	ssyncadd.s32 $0xFFFF9C00  }
0x2b: {  	[spmem:s1] =	stream.indirect.scatter.add.f32 [tilespmem:s10], [sflag:$0x1], $0x80, s2, s11, $0xb8;
	[tilespmem:$0x19D80] =	vst v63  }
0x2c: {  	_ =	swait.ge [sflag:s9], $0x6400  }
0x2d: {  	s15 =	smov.u32 s17;
	s13 =	sadd.s32 $0xC80, s13;
	[sflag:s9] =	ssyncset.done $0x0  }
0x2e: {  	s14 =	sadd.s32 s14, s7;
	[sflag:s9] =	ssyncadd.s32 $0xFFFF9C00  }
0x2f: {  	[tilespmem:s2], [sflag:$0x1] =	stream.linear.gather [hbm4b:s14+s2], $0xC8, $0x38;
	[tilespmem:$0x19D80] =	vst v63  }
0x30: {  	_ =	swait.ge [sflag:s9], $0xC8  }
0x31: {  	[sflag:s9] =	ssyncset.done $0x0  }
0x32: {  	[sflag:s9] =	ssyncadd.s32 $0xFFFFFF38  }
0x33: {  	[tilespmem:s10], [sflag:$0x1] =	stream.linear.gather [hbm4b:s13+s2], $0x6400, $0x38;
	[tilespmem:$0x19D80] =	vst v63  }
0x34: {  	_ =	swait.ge [sflag:s9], $0x6400  }
0x35: {  	[sflag:s9] =	ssyncset.done $0x0  }
0x36: {  	[sflag:s9] =	ssyncadd.s32 $0xFFFF9C00  }
0x37: {  	[spmem:s1] =	stream.indirect.scatter.add.f32 [tilespmem:s10], [sflag:$0x1], $0x80, s2, s11, $0xb8;
	[tilespmem:$0x19D80] =	vst v63  }
0x38: {  	_ =	swait.ge [sflag:s9], $0x6400  }
0x39: {  	[sflag:s9] =	ssyncset.done $0x0  }
0x3a: {  	s12 =	sadd.s32 $0x1, s12;
	[sflag:s9] =	ssyncadd.s32 $0xFFFF9C00  }
0x3b: {  	p1 =	sne.s32 s12, s5;
	s13 =	simm.s32 @!p0 $0x1C01;
	[bflag:$0x0] =	sbarrier.arrive $0xFFFF  }
0x3c: {  	[hbm:s4], [sflag:s13] =	dma.local @!p0 [spmem:s8], $0x27100  }
.Ltmp1:
0x3d: {  	_ = 	snop;
	(pc) =	sbr.rel @p1 .LBB2_1-.Ltmp1, $4  }
0x3e: {  	s13 =	simm.s32 @!p0 $0x1  }
0x3f: {  	_ =	swait.ge @!p0 [sflag:s13], $0x27100  }
0x40: {  	[sflag:s13] =	ssyncset.done @!p0 $0x0  }
0x41: {  	[sflag:s13] =	ssyncadd.s32 @!p0 $0xFFFD8F00  }
0x42: {  	_ =	sfence.sel $0x180000  }
0x43: {  	[bflag:$0x0] =	sbarrier.arrive $0xFFFF  }
0x44: {  	_ =	strace $0x9000005F  }
0x45: {  	s0 =	sadd.s32 @!p0 $0x100000, s0;
	[bflag:$0x2] =	sbarrier.arrive $0xFFFF  }
0x46: {  	[sflag:s0] =	ssyncadd.tile.s32 @!p0 $0x1;
	_ =	shalt  }
.Lfunc_end2:
_tile_overlayer_lowered:
.L_overlay_start_2:
0x47: {  	(tag) =	ssettag $0x2  }
0x48: {  	s0 =	rddreg [dreg:$0x0];
	s2 =	stileid.u32  }
0x49: {  	s1 =	rddreg [dreg:$0x1];
	p0 =	sne.s32 s2, $0x0  }
0x4a: {  	s3 =	rddreg [dreg:$0x2];
	[bflag:$0x3] =	sbarrier.arrive $0xFFFF;
	s2 =	simm.s32 @!p0 $0x1C01  }
0x4b: {  	[timem:s3], [sflag:s2] =	dma.local @!p0 [hbm:s0], s1  }
0x4c: {  	s0 =	simm.s32 @!p0 $0x1  }
0x4d: {  	_ =	swait.ge @!p0 [sflag:s0], s1  }
0x4e: {  	s1 =	ssub.s32 @!p0 $0x0, s1;
	[sflag:s0] =	ssyncset.done @!p0 $0x0  }
0x4f: {  	[sflag:s0] =	ssyncadd.s32 @!p0 s1  }
0x50: {  	[bflag:$0x3] =	sbarrier.arrive $0xFFFF  }
0x51: {  	_ =	shalt  }

// kernel: kernel.31.cloned.1.call-start
scs
__scs_entry_jumppad:
0x0: {  	(pc) =	sbr.rel $0x88, $3  }
0x1: {  	(tag) =	ssettag $0x0;
	lr =	simm.s32 $0x1  }
0x2: {  	[smem:$0x3F92] =	sst lr;
	_ =	strace $0xD0000000  }
0x3: {  	_ = 	snop  }
0x4: {  	_ = 	snop  }
0x5: {  	_ = 	snop  }
0x6: {  	_ = 	snop  }
0x7: {  	_ = 	snop  }
__scs_overlays_trampoline_lowered:
0x8: {  	[smem:$0x3FA1] =	sst s0  }
0x9: {  	[smem:$0x3FA2] =	sst s1  }
0xa: {  	[smem:$0x3FA3] =	sst s2  }
0xb: {  	[smem:$0x3FA4] =	sst s3  }
0xc: {  	[smem:$0x3FA5] =	sst s4  }
0xd: {  	[smem:$0x3FA6] =	sst s5  }
0xe: {  	[smem:$0x3FA7] =	sst s6  }
0xf: {  	[smem:$0x3FA8] =	sst s7  }
0x10: {  	[smem:$0x3FA9] =	sst s8  }
0x11: {  	[smem:$0x3FAA] =	sst s9;
	s0 =	simm.s32 @!p0 $0x0  }
0x12: {  	s1 =	sld [smem:$0x3F90];
	s0 =	simm.s32 @p0 $0x1  }
0x13: {  	[smem:$0x3FAB] =	sst s0;
	s0 =	simm.s32 @!p1 $0x0  }
0x14: {  	s2 =	sld [smem:$0x3F8F];
	s0 =	simm.s32 @p1 $0x1  }
0x15: {  	[smem:$0x3FAC] =	sst s0;
	s0 =	simm.s32 @!p2 $0x0  }
0x16: {  	s3 =	sld [smem:$0x3FDB];
	s0 =	simm.s32 @p2 $0x1  }
0x17: {  	s4 =	simm.s32 $0x1BF5;
	[smem:$0x3FAE] =	sst s0  }
0x18: {  	s0 =	sld [smem:$0x3F91];
	_ =	swait.ge [sflag:s4], $0x0  }
0x19: {  	s7 =	sld [smem:$0x3F92]  }
0x1a: {  	s8 =	sadd.s32 $0xFFFFE003, lr  }
0x1b: {  	s9 =	sadd.s32 $0xFFFFFEF7, lr;
	s5 =	simm.s32 $0xFFFFFFFF;
	p2 =	slt.u32 s8, $0xFFFFF086  }
0x1c: {  	p1 =	slt.u32 s9, $0xF7A;
	s5 =	simm.s32 @!p2 $0x0  }
0x1d: {  	s5 =	simm.s32 @p1 $0x1;
	p0 =	seq.s32 s7, s2  }
0x1e: {  	s7 =	smul.u32 @!p0 $0xF7A, s2;
	p2 =	seq.s32 @!p0 s5, $0x0  }
0x1f: {  	s9 =	smul.u32 $0xF7A, s1;
	s8 =	simm.s32 @!p0 $0x1BF5;
	p2 =	por !p2, p0  }
0x20: {  	[sflag:s8] =	ssyncset.s32 @!p0 $0xFFFFF086;
	s6 =	sadd.s32 @!p0 s3, s7;
	s7 =	simm.s32 @!p0 $0x108  }
0x21: {  	s3 =	sadd.s32 s3, s9;
	s6 =	sadd.s32 @!p0 $0x88, s6;
	s7 =	simm.s32 @p2 $0x1082  }
0x22: {  	[simem:s7], [sflag:s8] =	dma.local @!p0 [hbm:s6], $0xF7A  }
0x23: {  	s9 =	sor.u32 $0xD0000000, s2;
	s6 =	simm.s32 $0x108;
	_ =	swait.ge @!p0 [sflag:s8], $0x0  }
0x24: {  	s3 =	sadd.s32 $0x88, s3;
	s6 =	simm.s32 @!p1 $0x1082;
	[sflag:s4] =	ssyncset.s32 $0xFFFFF086  }
0x25: {  	[simem:s6], [sflag:s4] =	dma.local [hbm:s3], $0xF7A  }
0x26: {  	[smem:$0x3F92] =	sst s1;
	(tag) =	ssettag s2;
	_ =	strace s9  }
0x27: {  	s1 =	sld [smem:$0x3FA2]  }
0x28: {  	s2 =	sld [smem:$0x3FA3]  }
0x29: {  	s4 =	sld [smem:$0x3FA5]  }
0x2a: {  	p0 =	seq.s32 s5, $0x0;
	s5 =	sld [smem:$0x3FA6]  }
0x2b: {  	s6 =	sld [smem:$0x3FA7]  }
0x2c: {  	s7 =	sld [smem:$0x3FA8]  }
0x2d: {  	s3 =	simm.s32 $0x108;
	s8 =	sld [smem:$0x3FA9]  }
0x2e: {  	s3 =	simm.s32 @!p0 $0x1082;
	s9 =	sld [smem:$0x3FAA]  }
0x2f: {  	lr =	sadd.s32 s0, s3;
	s0 =	sld [smem:$0x3FA1]  }
0x30: {  	s3 =	sld [smem:$0x3FA4]  }
0x31: {  	[smem:$0x3FAD] =	sst s10  }
0x32: {  	s10 =	sld [smem:$0x3FAB];
	_ =	sdelay $0x3  }
0x33: {  	p0 =	seq.s32 s10, $0x1;
	s10 =	sld [smem:$0x3FAD];
	_ =	sdelay $0x3  }
0x34: {  	[smem:$0x3FAD] =	sst s10  }
0x35: {  	s10 =	sld [smem:$0x3FAC];
	_ =	sdelay $0x3  }
0x36: {  	p1 =	seq.s32 s10, $0x1;
	s10 =	sld [smem:$0x3FAD];
	_ =	sdelay $0x3  }
0x37: {  	[smem:$0x3FAD] =	sst s10  }
0x38: {  	s10 =	sld [smem:$0x3FAE]  }
0x39: {  	_ = 	snop;
	(pc) =	sbr.ind lr, $3  }
0x3a: {  	_ = 	snop  }
0x3b: {  	_ = 	snop  }
0x3c: {  	p2 =	seq.s32 s10, $0x1;
	s10 =	sld [smem:$0x3FAD]  }
0x3d: {  	_ =	shalt  }
0x3e: {  	_ =	shalt  }
0x3f: {  	_ =	shalt  }
0x40: {  	_ =	shalt  }
0x41: {  	_ =	shalt  }
0x42: {  	_ =	shalt  }
0x43: {  	_ =	shalt  }
0x44: {  	_ =	shalt  }
0x45: {  	_ =	shalt  }
0x46: {  	_ =	shalt  }
0x47: {  	_ =	shalt  }
0x48: {  	_ =	shalt  }
0x49: {  	_ =	shalt  }
0x4a: {  	_ =	shalt  }
0x4b: {  	_ =	shalt  }
0x4c: {  	_ =	shalt  }
0x4d: {  	_ =	shalt  }
0x4e: {  	_ =	shalt  }
0x4f: {  	_ =	shalt  }
0x50: {  	_ =	shalt  }
0x51: {  	_ =	shalt  }
0x52: {  	_ =	shalt  }
0x53: {  	_ =	shalt  }
0x54: {  	_ =	shalt  }
0x55: {  	_ =	shalt  }
0x56: {  	_ =	shalt  }
0x57: {  	_ =	shalt  }
0x58: {  	_ =	shalt  }
0x59: {  	_ =	shalt  }
0x5a: {  	_ =	shalt  }
0x5b: {  	_ =	shalt  }
0x5c: {  	_ =	shalt  }
0x5d: {  	_ =	shalt  }
0x5e: {  	_ =	shalt  }
0x5f: {  	_ =	shalt  }
0x60: {  	_ =	shalt  }
0x61: {  	_ =	shalt  }
0x62: {  	_ =	shalt  }
0x63: {  	_ =	shalt  }
0x64: {  	_ =	shalt  }
0x65: {  	_ =	shalt  }
0x66: {  	_ =	shalt  }
0x67: {  	_ =	shalt  }
0x68: {  	_ =	shalt  }
0x69: {  	_ =	shalt  }
0x6a: {  	_ =	shalt  }
0x6b: {  	_ =	shalt  }
0x6c: {  	_ =	shalt  }
0x6d: {  	_ =	shalt  }
0x6e: {  	_ =	shalt  }
0x6f: {  	_ =	shalt  }
0x70: {  	_ =	shalt  }
0x71: {  	_ =	shalt  }
0x72: {  	_ =	shalt  }
0x73: {  	_ =	shalt  }
0x74: {  	_ =	shalt  }
0x75: {  	_ =	shalt  }
0x76: {  	_ =	shalt  }
0x77: {  	_ =	shalt  }
0x78: {  	_ =	shalt  }
0x79: {  	_ =	shalt  }
0x7a: {  	_ =	shalt  }
0x7b: {  	_ =	shalt  }
0x7c: {  	_ =	shalt  }
0x7d: {  	_ =	shalt  }
0x7e: {  	_ =	shalt  }
0x7f: {  	_ =	shalt  }
0x80: {  	_ =	shalt  }
0x81: {  	_ =	shalt  }
0x82: {  	_ =	shalt  }
0x83: {  	_ =	shalt  }
0x84: {  	_ =	shalt  }
0x85: {  	_ =	shalt  }
0x86: {  	_ =	shalt  }
0x87: {  	_ =	shalt  }
.Lfunc_end0:
.L_simem_size_0:
called_computation.5_lowered:
.L_overlay_start_0:
0x88: {  	s2 =	sld [smem:$0x3FD9]  }
0x89: {  	s3 =	sld [smem:$0x3FFE];
	_ =	sdelay $0x1  }
0x8a: {  	s1 =	srdreg.scid  }
0x8b: {  	s0 =	sand.u32 $0x1, s1  }
0x8c: {  	s17 =	sshll.u32 s0, $0xA;
	s2 =	sadd.s32 s3, s2  }
0x8d: {  	s2 =	sadd.s32 s2, s17  }
0x8e: {  	[smem:$0x3FB9] =	sst s2  }
0x8f: {  	_ = 	snop  }
0x90: {  	s18 =	sld [smem:$0x3FC6];
	(tm) =	ssettm $0x1  }
0x91: {  	s19 =	sld [smem:$0x3FFB];
	_ =	sdelay $0x3  }
0x92: {  	_ =	strace s19  }
0x93: {  	s2 =	sld [smem:$0x3FFC];
	_ =	sdelay $0x3  }
0x94: {  	_ =	strace s2  }
0x95: {  	s2 =	sld [smem:$0x3FFD];
	_ =	sdelay $0x3  }
0x96: {  	_ =	strace s2  }
0x97: {  	_ =	strace $0x8FFFFFFF  }
0x98: {  	s20 =	sld [smem:$0x3FDB];
	_ =	sdelay $0x1  }
0x99: {  	s4 =	simm.s32 $_scs_section_size  }
0x9a: {  	s5 =	simm.s32 $_size__tile_overlayer_lowered;
	s6 =	simm.s32 $_tile_overlayer_lowered  }
0x9b: {  	s7 =	simm.s32 $0x1BFF;
	s21 =	sshll.u32 s6, $0x1;
	s4 =	sadd.s32 s4, s20  }
0x9c: {  	s22 =	simm.s32 $0x0;
	s5 =	sshll.u32 s5, $0x1;
	s6 =	sadd.s32 s21, s4  }
0x9d: {  	[timem:s22], [sflag:s7] =	dma.local [hbm:s6], s5  }
0x9e: {  	_ =	swait.ge [sflag:s7], s5  }
0x9f: {  	s5 =	ssub.s32 $0x0, s5;
	[sflag:s7] =	ssyncset.done $0x0  }
0xa0: {  	[sflag:s7] =	ssyncadd.s32 s5;
	_ =	sdelay $0x1  }
0xa1: {  	s23 =	simm.s32 $0x1B8B  }
0xa2: {  	_ =	swait.ge [sflag:s23], $0x1  }
0xa3: {  	[sflag:s23] =	ssyncset.done $0x0  }
0xa4: {  	[sflag:s23] =	ssyncadd.s32 $0xFFFFFFFF  }
0xa5: {  	s5 =	sld [smem:$0x0]  }
0xa6: {  	s6 =	sand.u32 $0xFFFFFFFE, s1  }
0xa7: {  	p0 =	sne.s32 s1, s6  }
0xa8: {  	s6 =	sshll.u32 @p0 s6, $0xE  }
0xa9: {  	s6 =	sadd.s32 @p0 $0x11B8D, s6;
	s7 =	sshll.u32 @p0 s5, $0x11  }
0xaa: {  	s6 =	sor.u32 @p0 s7, s6  }
0xab: {  	[sflag:s6] =	ssyncadd.remote.s32 @p0 $0x1;
	_ =	sdelay $0x1  }
0xac: {  	s6 =	simm.s32 @p0 $0x1B8D  }
0xad: {  	_ =	swait.eq @p0 [sflag:s6], $0x1  }
0xae: {  	[sflag:s6] =	ssyncadd.s32 @p0 $0xFFFFFFFF  }
0xaf: {  	s7 =	sshll.u32 @!p0 s1, $0xE  }
0xb0: {  	s7 =	sor.u32 @!p0 $0x4000, s7;
	s6 =	simm.s32 @!p0 $0x1B8D  }
0xb1: {  	s5 =	sshll.u32 @!p0 s5, $0x11;
	s7 =	sadd.s32 @!p0 $0x11B8D, s7;
	_ =	swait.eq @!p0 [sflag:s6], $0x1  }
0xb2: {  	s5 =	sor.u32 @!p0 s5, s7;
	[sflag:s6] =	ssyncadd.s32 @!p0 $0xFFFFFFFF  }
0xb3: {  	s25 =	simm.s32 $0x1B8E;
	s24 =	sld [smem:$0x3FFE];
	[sflag:s5] =	ssyncadd.remote.s32 @!p0 $0x1  }
0xb4: {  	s26 =	simm.s32 $execute0_lowered;
	[smem:$0x3FD2] =	sst s25  }
0xb5: {  	s6 =	sshll.u32 s26, $0x1;
	_ =	strace $0x80000052;
	[dreg:$0x1] =	wrdreg $0xFFFFFFFF  }
0xb6: {  	s28 =	simm.s32 $_size_execute0_lowered;
	s4 =	sadd.s32 s4, s6;
	[dreg:$0x0] =	wrdreg $0x0  }
0xb7: {  	s6 =	sshll.u32 s28, $0x1;
	[dreg:$0x2] =	wrdreg s4  }
0xb8: {  	[dreg:$0x3] =	wrdreg s6  }
0xb9: {  	[dreg:$0x4] =	wrdreg $0xC0  }
0xba: {  	_ =	task [dreg:s22], $0x5FFFF  }
0xbb: {  	[dreg:$0x1] =	wrdreg $0xFFFFFFFF  }
0xbc: {  	[dreg:$0x0] =	wrdreg $0x60  }
0xbd: {  	[dreg:$0x2] =	wrdreg s24  }
0xbe: {  	[dreg:$0x3] =	wrdreg s18  }
0xbf: {  	[dreg:$0x4] =	wrdreg $0x65000  }
0xc0: {  	[dreg:$0x5] =	wrdreg $0xA  }
0xc1: {  	_ =	task.clear_ibuf [dreg:s22], $0x6FFFF;
	_ =	strace $0x90000052  }
0xc2: {  	s29 =	simm.s32 $0xA;
	_ =	strace $0x80000054  }
0xc3: {  	_ =	swait.ge [sflag:s29], $0x1  }
0xc4: {  	[sflag:s29] =	ssyncadd.s32 $0xFFFFFFFF  }
0xc5: {  	_ =	strace $0x90000054  }
0xc6: {  	_ =	sfence  }
0xc7: {  	s30 =	sld [smem:$0x0];
	_ =	sdelay $0x2  }
0xc8: {  	s31 =	sshll.u32 s1, $0xD;
	s1 =	sshrl.u32 s1, $0x2  }
0xc9: {  	s4 =	sand.u32 $0x4000, s31;
	s1 =	sadd.s32 s1, s30  }
0xca: {  	s0 =	sor.u32 s4, s0;
	s1 =	sshll.u32 s1, $0x11  }
0xcb: {  	s0 =	sor.u32 s1, s0  }
0xcc: {  	s0 =	sadd.s32 $0x8F2B, s0  }
0xcd: {  	[sflag:s0] =	ssyncadd.remote.s32 $0x1  }
0xce: {  	_ =	sfence.sel $0xFFFF  }
0xcf: {  	[dreg:$0x0] =	wrdreg $0xFFFFFFFF;
	(pc) =	sbr.abs _section_cstart, $3  }
0xd0: {  	[dreg:$0x1] =	wrdreg $0xFFFFFFFF  }
0xd1: {  	_ =	task.clear_ibuf [dreg:s22], $0x2FFFF;
	_ =	strace $0x9FFFFFFF  }
0xd2: {  	(tm) =	ssettm $0x7FFFFFFF  }
0xd3: {  	_ =	shalt  }
tec
execute0_lowered:
.L_overlay_start_1:
0x0: {  	(tag) =	ssettag $0x1  }
0x1: {  	s4 =	rddreg [dreg:$0x0]  }
0x2: {  	s7 =	rddreg [dreg:$0x1]  }
0x3: {  	s1 =	rddreg [dreg:$0x2]  }
0x4: {  	s0 =	rddreg [dreg:$0x3];
	s8 =	stileid.u32  }
0x5: {  	s3 =	srdreg.scid;
	s2 =	simm.s32 $0x0;
	s5 =	smul.u32 $0xC800, s8  }
0x6: {  	s6 =	sand.u32 $0x1, s3;
	[smem:$0x7FF] =	sst s2;
	s28 =	smul.u32 $0xC80, s8  }
0x7: {  	s3 =	sadd.s32 $0x7DE00, s4;
	p0 =	sne.s32 s8, $0x0;
	s9 =	smul.u32 $0x27100, s6  }
0x8: {  	_ =	strace $0x80000053;
	s11 =	ssub.s32 $0x2, s6;
	s12 =	smul.u32 $0x640, s6  }
0x9: {  	s6 =	smul.u32 $0x6400, s6;
	s8 =	sshrl.u32 @!p0 s1, $0x3;
	s29 =	sshrl.u32 s11, $0x1  }
0xa: {  	s10 =	sadd.s32 s5, s4;
	s4 =	sadd.s32 s9, s4;
	s9 =	ssub.s32 s11, s29  }
0xb: {  	s30 =	sadd.s32 s12, s28;
	s6 =	sadd.s32 s6, s10;
	s10 =	simm.s32 $0x100  }
0xc: {  	s11 =	simm.s32 $0xC8;
	s12 =	simm.s32 $0x0;
	s31 =	sadd.s32 $0xC800, s30  }
0xd: {  	s4 =	sadd.s32 $0x283200, s4;
	s5 =	smax.u32 s9, $0x1;
	s9 =	sshrl.u32 s31, $0x3  }
0xe: {  	s6 =	sadd.s32 $0xF3200, s6;
	s7 =	sadd.s32 s9, s7;
	s9 =	simm.s32 $0x1  }
.LBB2_1:
0xf: {  	s13 =	simm.s32 @!p0 $0x1C01  }
0x10: {  	[spmem:s8], [sflag:s13] =	dma.local @!p0 [hbm:s3], $0x27100  }
0x11: {  	s13 =	simm.s32 @!p0 $0x1  }
0x12: {  	_ =	swait.ge @!p0 [sflag:s13], $0x27100  }
0x13: {  	[sflag:s13] =	ssyncset.done @!p0 $0x0  }
0x14: {  	[sflag:s13] =	ssyncadd.s32 @!p0 $0xFFFD8F00  }
0x15: {  	s31 =	sadd.s32 $0x0, s7;
	[bflag:$0x0] =	sbarrier.arrive $0xFFFF  }
0x16: {  	[tilespmem:s2], [sflag:$0x1] =	stream.linear.gather [hbm4b:s31+s2], $0xC8, $0x38;
	[tilespmem:$0x19D80] =	vst v63  }
0x17: {  	_ =	swait.ge [sflag:s9], $0xC8  }
0x18: {  	[sflag:s9] =	ssyncset.done $0x0  }
0x19: {  	[sflag:s9] =	ssyncadd.s32 $0xFFFFFF38  }
0x1a: {  	[tilespmem:s10], [sflag:$0x1] =	stream.linear.gather [hbm4b:s6+s2], $0x6400, $0x38;
	[tilespmem:$0x19D80] =	vst v63  }
0x1b: {  	_ =	swait.ge [sflag:s9], $0x6400  }
0x1c: {  	[sflag:s9] =	ssyncset.done $0x0  }
0x1d: {  	[sflag:s9] =	ssyncadd.s32 $0xFFFF9C00  }
0x1e: {  	[spmem:s1] =	stream.indirect.scatter.add.f32 [tilespmem:s10], [sflag:$0x1], $0x80, s2, s11, $0xb8;
	[tilespmem:$0x19D80] =	vst v63  }
0x1f: {  	s14 =	simm.s32 $0x19;
	_ =	swait.ge [sflag:s9], $0x6400  }
0x20: {  	s15 =	simm.s32 $0x32;
	s13 =	sadd.s32 $0xC80, s6;
	[sflag:s9] =	ssyncset.done $0x0  }
.LBB2_2:
0x21: {  	s16 =	sadd.s32 s14, s7  }
0x22: {  	[sflag:s9] =	ssyncadd.s32 $0xFFFF9C00;
	s14 =	smov.u32 s15;
	s17 =	sadd.s32 $0x19, s15  }
0x23: {  	[tilespmem:s2], [sflag:$0x1] =	stream.linear.gather [hbm4b:s16+s2], $0xC8, $0x38;
	[tilespmem:$0x19D80] =	vst v63  }
0x24: {  	p1 =	sne.s32 s15, $0xAF;
	_ =	swait.ge [sflag:s9], $0xC8  }
0x25: {  	[sflag:s9] =	ssyncset.done $0x0  }
0x26: {  	[sflag:s9] =	ssyncadd.s32 $0xFFFFFF38  }
0x27: {  	[tilespmem:s10], [sflag:$0x1] =	stream.linear.gather [hbm4b:s13+s2], $0x6400, $0x38;
	[tilespmem:$0x19D80] =	vst v63  }
0x28: {  	_ =	swait.ge [sflag:s9], $0x6400  }
.Ltmp0:
0x29: {  	[sflag:s9] =	ssyncset.done $0x0;
	(pc) =	sbr.rel @p1 .LBB2_2-.Ltmp0, $4  }
0x2a: {  	[sflag:s9] =	ssyncadd.s32 $0xFFFF9C00  }
0x2b: {  	[spmem:s1] =	stream.indirect.scatter.add.f32 [tilespmem:s10], [sflag:$0x1], $0x80, s2, s11, $0xb8;
	[tilespmem:$0x19D80] =	vst v63  }
0x2c: {  	_ =	swait.ge [sflag:s9], $0x6400  }
0x2d: {  	s15 =	smov.u32 s17;
	s13 =	sadd.s32 $0xC80, s13;
	[sflag:s9] =	ssyncset.done $0x0  }
0x2e: {  	s14 =	sadd.s32 s14, s7;
	[sflag:s9] =	ssyncadd.s32 $0xFFFF9C00  }
0x2f: {  	[tilespmem:s2], [sflag:$0x1] =	stream.linear.gather [hbm4b:s14+s2], $0xC8, $0x38;
	[tilespmem:$0x19D80] =	vst v63  }
0x30: {  	_ =	swait.ge [sflag:s9], $0xC8  }
0x31: {  	[sflag:s9] =	ssyncset.done $0x0  }
0x32: {  	[sflag:s9] =	ssyncadd.s32 $0xFFFFFF38  }
0x33: {  	[tilespmem:s10], [sflag:$0x1] =	stream.linear.gather [hbm4b:s13+s2], $0x6400, $0x38;
	[tilespmem:$0x19D80] =	vst v63  }
0x34: {  	_ =	swait.ge [sflag:s9], $0x6400  }
0x35: {  	[sflag:s9] =	ssyncset.done $0x0  }
0x36: {  	[sflag:s9] =	ssyncadd.s32 $0xFFFF9C00  }
0x37: {  	[spmem:s1] =	stream.indirect.scatter.add.f32 [tilespmem:s10], [sflag:$0x1], $0x80, s2, s11, $0xb8;
	[tilespmem:$0x19D80] =	vst v63  }
0x38: {  	_ =	swait.ge [sflag:s9], $0x6400  }
0x39: {  	[sflag:s9] =	ssyncset.done $0x0  }
0x3a: {  	s12 =	sadd.s32 $0x1, s12;
	[sflag:s9] =	ssyncadd.s32 $0xFFFF9C00  }
0x3b: {  	p1 =	sne.s32 s12, s5;
	s13 =	simm.s32 @!p0 $0x1C01;
	[bflag:$0x0] =	sbarrier.arrive $0xFFFF  }
0x3c: {  	[hbm:s4], [sflag:s13] =	dma.local @!p0 [spmem:s8], $0x27100  }
.Ltmp1:
0x3d: {  	_ = 	snop;
	(pc) =	sbr.rel @p1 .LBB2_1-.Ltmp1, $4  }
0x3e: {  	s13 =	simm.s32 @!p0 $0x1  }
0x3f: {  	_ =	swait.ge @!p0 [sflag:s13], $0x27100  }
0x40: {  	[sflag:s13] =	ssyncset.done @!p0 $0x0  }
0x41: {  	[sflag:s13] =	ssyncadd.s32 @!p0 $0xFFFD8F00  }
0x42: {  	_ =	sfence.sel $0x180000  }
0x43: {  	[bflag:$0x0] =	sbarrier.arrive $0xFFFF  }
0x44: {  	_ =	strace $0x90000053  }
0x45: {  	s0 =	sadd.s32 @!p0 $0x100000, s0;
	[bflag:$0x2] =	sbarrier.arrive $0xFFFF  }
0x46: {  	[sflag:s0] =	ssyncadd.tile.s32 @!p0 $0x1;
	_ =	shalt  }
.Lfunc_end2:
_tile_overlayer_lowered:
.L_overlay_start_2:
0x47: {  	(tag) =	ssettag $0x2  }
0x48: {  	s0 =	rddreg [dreg:$0x0];
	s2 =	stileid.u32  }
0x49: {  	s1 =	rddreg [dreg:$0x1];
	p0 =	sne.s32 s2, $0x0  }
0x4a: {  	s3 =	rddreg [dreg:$0x2];
	[bflag:$0x3] =	sbarrier.arrive $0xFFFF;
	s2 =	simm.s32 @!p0 $0x1C01  }
0x4b: {  	[timem:s3], [sflag:s2] =	dma.local @!p0 [hbm:s0], s1  }
0x4c: {  	s0 =	simm.s32 @!p0 $0x1  }
0x4d: {  	_ =	swait.ge @!p0 [sflag:s0], s1  }
0x4e: {  	s1 =	ssub.s32 @!p0 $0x0, s1;
	[sflag:s0] =	ssyncset.done @!p0 $0x0  }
0x4f: {  	[sflag:s0] =	ssyncadd.s32 @!p0 s1  }
0x50: {  	[bflag:$0x3] =	sbarrier.arrive $0xFFFF  }
0x51: {  	_ =	shalt  }

// kernel: kernel.34.cloned.1.call-start
scs
__scs_entry_jumppad:
0x0: {  	(pc) =	sbr.rel $0x88, $3  }
0x1: {  	(tag) =	ssettag $0x0;
	lr =	simm.s32 $0x1  }
0x2: {  	[smem:$0x3F92] =	sst lr;
	_ =	strace $0xD0000000  }
0x3: {  	_ = 	snop  }
0x4: {  	_ = 	snop  }
0x5: {  	_ = 	snop  }
0x6: {  	_ = 	snop  }
0x7: {  	_ = 	snop  }
__scs_overlays_trampoline_lowered:
0x8: {  	[smem:$0x3FA1] =	sst s0  }
0x9: {  	[smem:$0x3FA2] =	sst s1  }
0xa: {  	[smem:$0x3FA3] =	sst s2  }
0xb: {  	[smem:$0x3FA4] =	sst s3  }
0xc: {  	[smem:$0x3FA5] =	sst s4  }
0xd: {  	[smem:$0x3FA6] =	sst s5  }
0xe: {  	[smem:$0x3FA7] =	sst s6  }
0xf: {  	[smem:$0x3FA8] =	sst s7  }
0x10: {  	[smem:$0x3FA9] =	sst s8  }
0x11: {  	[smem:$0x3FAA] =	sst s9;
	s0 =	simm.s32 @!p0 $0x0  }
0x12: {  	s1 =	sld [smem:$0x3F90];
	s0 =	simm.s32 @p0 $0x1  }
0x13: {  	[smem:$0x3FAB] =	sst s0;
	s0 =	simm.s32 @!p1 $0x0  }
0x14: {  	s2 =	sld [smem:$0x3F8F];
	s0 =	simm.s32 @p1 $0x1  }
0x15: {  	[smem:$0x3FAC] =	sst s0;
	s0 =	simm.s32 @!p2 $0x0  }
0x16: {  	s3 =	sld [smem:$0x3FDB];
	s0 =	simm.s32 @p2 $0x1  }
0x17: {  	s4 =	simm.s32 $0x1BF5;
	[smem:$0x3FAE] =	sst s0  }
0x18: {  	s0 =	sld [smem:$0x3F91];
	_ =	swait.ge [sflag:s4], $0x0  }
0x19: {  	s7 =	sld [smem:$0x3F92]  }
0x1a: {  	s8 =	sadd.s32 $0xFFFFE003, lr  }
0x1b: {  	s9 =	sadd.s32 $0xFFFFFEF7, lr;
	s5 =	simm.s32 $0xFFFFFFFF;
	p2 =	slt.u32 s8, $0xFFFFF086  }
0x1c: {  	p1 =	slt.u32 s9, $0xF7A;
	s5 =	simm.s32 @!p2 $0x0  }
0x1d: {  	s5 =	simm.s32 @p1 $0x1;
	p0 =	seq.s32 s7, s2  }
0x1e: {  	s7 =	smul.u32 @!p0 $0xF7A, s2;
	p2 =	seq.s32 @!p0 s5, $0x0  }
0x1f: {  	s9 =	smul.u32 $0xF7A, s1;
	s8 =	simm.s32 @!p0 $0x1BF5;
	p2 =	por !p2, p0  }
0x20: {  	[sflag:s8] =	ssyncset.s32 @!p0 $0xFFFFF086;
	s6 =	sadd.s32 @!p0 s3, s7;
	s7 =	simm.s32 @!p0 $0x108  }
0x21: {  	s3 =	sadd.s32 s3, s9;
	s6 =	sadd.s32 @!p0 $0x88, s6;
	s7 =	simm.s32 @p2 $0x1082  }
0x22: {  	[simem:s7], [sflag:s8] =	dma.local @!p0 [hbm:s6], $0xF7A  }
0x23: {  	s9 =	sor.u32 $0xD0000000, s2;
	s6 =	simm.s32 $0x108;
	_ =	swait.ge @!p0 [sflag:s8], $0x0  }
0x24: {  	s3 =	sadd.s32 $0x88, s3;
	s6 =	simm.s32 @!p1 $0x1082;
	[sflag:s4] =	ssyncset.s32 $0xFFFFF086  }
0x25: {  	[simem:s6], [sflag:s4] =	dma.local [hbm:s3], $0xF7A  }
0x26: {  	[smem:$0x3F92] =	sst s1;
	(tag) =	ssettag s2;
	_ =	strace s9  }
0x27: {  	s1 =	sld [smem:$0x3FA2]  }
0x28: {  	s2 =	sld [smem:$0x3FA3]  }
0x29: {  	s4 =	sld [smem:$0x3FA5]  }
0x2a: {  	p0 =	seq.s32 s5, $0x0;
	s5 =	sld [smem:$0x3FA6]  }
0x2b: {  	s6 =	sld [smem:$0x3FA7]  }
0x2c: {  	s7 =	sld [smem:$0x3FA8]  }
0x2d: {  	s3 =	simm.s32 $0x108;
	s8 =	sld [smem:$0x3FA9]  }
0x2e: {  	s3 =	simm.s32 @!p0 $0x1082;
	s9 =	sld [smem:$0x3FAA]  }
0x2f: {  	lr =	sadd.s32 s0, s3;
	s0 =	sld [smem:$0x3FA1]  }
0x30: {  	s3 =	sld [smem:$0x3FA4]  }
0x31: {  	[smem:$0x3FAD] =	sst s10  }
0x32: {  	s10 =	sld [smem:$0x3FAB];
	_ =	sdelay $0x3  }
0x33: {  	p0 =	seq.s32 s10, $0x1;
	s10 =	sld [smem:$0x3FAD];
	_ =	sdelay $0x3  }
0x34: {  	[smem:$0x3FAD] =	sst s10  }
0x35: {  	s10 =	sld [smem:$0x3FAC];
	_ =	sdelay $0x3  }
0x36: {  	p1 =	seq.s32 s10, $0x1;
	s10 =	sld [smem:$0x3FAD];
	_ =	sdelay $0x3  }
0x37: {  	[smem:$0x3FAD] =	sst s10  }
0x38: {  	s10 =	sld [smem:$0x3FAE]  }
0x39: {  	_ = 	snop;
	(pc) =	sbr.ind lr, $3  }
0x3a: {  	_ = 	snop  }
0x3b: {  	_ = 	snop  }
0x3c: {  	p2 =	seq.s32 s10, $0x1;
	s10 =	sld [smem:$0x3FAD]  }
0x3d: {  	_ =	shalt  }
0x3e: {  	_ =	shalt  }
0x3f: {  	_ =	shalt  }
0x40: {  	_ =	shalt  }
0x41: {  	_ =	shalt  }
0x42: {  	_ =	shalt  }
0x43: {  	_ =	shalt  }
0x44: {  	_ =	shalt  }
0x45: {  	_ =	shalt  }
0x46: {  	_ =	shalt  }
0x47: {  	_ =	shalt  }
0x48: {  	_ =	shalt  }
0x49: {  	_ =	shalt  }
0x4a: {  	_ =	shalt  }
0x4b: {  	_ =	shalt  }
0x4c: {  	_ =	shalt  }
0x4d: {  	_ =	shalt  }
0x4e: {  	_ =	shalt  }
0x4f: {  	_ =	shalt  }
0x50: {  	_ =	shalt  }
0x51: {  	_ =	shalt  }
0x52: {  	_ =	shalt  }
0x53: {  	_ =	shalt  }
0x54: {  	_ =	shalt  }
0x55: {  	_ =	shalt  }
0x56: {  	_ =	shalt  }
0x57: {  	_ =	shalt  }
0x58: {  	_ =	shalt  }
0x59: {  	_ =	shalt  }
0x5a: {  	_ =	shalt  }
0x5b: {  	_ =	shalt  }
0x5c: {  	_ =	shalt  }
0x5d: {  	_ =	shalt  }
0x5e: {  	_ =	shalt  }
0x5f: {  	_ =	shalt  }
0x60: {  	_ =	shalt  }
0x61: {  	_ =	shalt  }
0x62: {  	_ =	shalt  }
0x63: {  	_ =	shalt  }
0x64: {  	_ =	shalt  }
0x65: {  	_ =	shalt  }
0x66: {  	_ =	shalt  }
0x67: {  	_ =	shalt  }
0x68: {  	_ =	shalt  }
0x69: {  	_ =	shalt  }
0x6a: {  	_ =	shalt  }
0x6b: {  	_ =	shalt  }
0x6c: {  	_ =	shalt  }
0x6d: {  	_ =	shalt  }
0x6e: {  	_ =	shalt  }
0x6f: {  	_ =	shalt  }
0x70: {  	_ =	shalt  }
0x71: {  	_ =	shalt  }
0x72: {  	_ =	shalt  }
0x73: {  	_ =	shalt  }
0x74: {  	_ =	shalt  }
0x75: {  	_ =	shalt  }
0x76: {  	_ =	shalt  }
0x77: {  	_ =	shalt  }
0x78: {  	_ =	shalt  }
0x79: {  	_ =	shalt  }
0x7a: {  	_ =	shalt  }
0x7b: {  	_ =	shalt  }
0x7c: {  	_ =	shalt  }
0x7d: {  	_ =	shalt  }
0x7e: {  	_ =	shalt  }
0x7f: {  	_ =	shalt  }
0x80: {  	_ =	shalt  }
0x81: {  	_ =	shalt  }
0x82: {  	_ =	shalt  }
0x83: {  	_ =	shalt  }
0x84: {  	_ =	shalt  }
0x85: {  	_ =	shalt  }
0x86: {  	_ =	shalt  }
0x87: {  	_ =	shalt  }
.Lfunc_end0:
.L_simem_size_0:
called_computation.6_lowered:
.L_overlay_start_0:
0x88: {  	s2 =	sld [smem:$0x3FD9]  }
0x89: {  	s3 =	sld [smem:$0x3FFE];
	_ =	sdelay $0x1  }
0x8a: {  	s1 =	srdreg.scid  }
0x8b: {  	s0 =	sand.u32 $0x1, s1  }
0x8c: {  	s17 =	sshll.u32 s0, $0xA;
	s2 =	sadd.s32 s3, s2  }
0x8d: {  	s2 =	sadd.s32 s2, s17  }
0x8e: {  	[smem:$0x3FB9] =	sst s2  }
0x8f: {  	_ = 	snop  }
0x90: {  	s2 =	sld [smem:$0x3FC5];
	(tm) =	ssettm $0x1  }
0x91: {  	s18 =	sld [smem:$0x3FFB];
	_ =	sdelay $0x3  }
0x92: {  	_ =	strace s18  }
0x93: {  	s3 =	sld [smem:$0x3FFC];
	_ =	sdelay $0x3  }
0x94: {  	_ =	strace s3  }
0x95: {  	s3 =	sld [smem:$0x3FFD];
	_ =	sdelay $0x3  }
0x96: {  	_ =	strace s3  }
0x97: {  	_ =	strace $0x8FFFFFFF  }
0x98: {  	s19 =	sld [smem:$0x3FDB];
	_ =	sdelay $0x1  }
0x99: {  	s4 =	simm.s32 $_scs_section_size  }
0x9a: {  	s5 =	simm.s32 $_size__tile_overlayer_lowered;
	s6 =	simm.s32 $_tile_overlayer_lowered  }
0x9b: {  	s22 =	simm.s32 $0x1BFF;
	s21 =	sshll.u32 s6, $0x1;
	s3 =	sadd.s32 s4, s19  }
0x9c: {  	s7 =	simm.s32 $0x0;
	s20 =	sshll.u32 s5, $0x1;
	s5 =	sadd.s32 s21, s3  }
0x9d: {  	[timem:s7], [sflag:s22] =	dma.local [hbm:s5], s20  }
0x9e: {  	_ =	swait.ge [sflag:s22], s20  }
0x9f: {  	s4 =	ssub.s32 $0x0, s20;
	[sflag:s22] =	ssyncset.done $0x0  }
0xa0: {  	[sflag:s22] =	ssyncadd.s32 s4;
	_ =	sdelay $0x1  }
0xa1: {  	s23 =	simm.s32 $0x1B8B  }
0xa2: {  	_ =	swait.ge [sflag:s23], $0x1  }
0xa3: {  	[sflag:s23] =	ssyncset.done $0x0  }
0xa4: {  	s25 =	simm.s32 $0x1B8E;
	s24 =	sld [smem:$0x3FFE];
	[sflag:s23] =	ssyncadd.s32 $0xFFFFFFFF  }
0xa5: {  	s26 =	simm.s32 $execute0_lowered;
	[smem:$0x3FD2] =	sst s25  }
0xa6: {  	s5 =	sshll.u32 s26, $0x1;
	_ =	strace $0x80000046;
	[dreg:$0x1] =	wrdreg $0xFFFFFFFF  }
0xa7: {  	s28 =	simm.s32 $_size_execute0_lowered;
	s3 =	sadd.s32 s3, s5;
	[dreg:$0x0] =	wrdreg $0x0  }
0xa8: {  	s5 =	sshll.u32 s28, $0x1;
	[dreg:$0x2] =	wrdreg s3  }
0xa9: {  	[dreg:$0x3] =	wrdreg s5  }
0xaa: {  	[dreg:$0x4] =	wrdreg $0xC0  }
0xab: {  	_ =	task [dreg:s7], $0x5FFFF  }
0xac: {  	[dreg:$0x1] =	wrdreg $0xFFFFFFFF  }
0xad: {  	[dreg:$0x0] =	wrdreg $0x60  }
0xae: {  	[dreg:$0x2] =	wrdreg s24  }
0xaf: {  	[dreg:$0x3] =	wrdreg s2  }
0xb0: {  	[dreg:$0x4] =	wrdreg $0x9  }
0xb1: {  	_ =	task.clear_ibuf [dreg:s7], $0x5FFFF;
	_ =	strace $0x90000046  }
0xb2: {  	s29 =	simm.s32 $0x9;
	_ =	strace $0x80000048  }
0xb3: {  	_ =	swait.ge [sflag:s29], $0x1  }
0xb4: {  	[sflag:s29] =	ssyncadd.s32 $0xFFFFFFFF  }
0xb5: {  	_ =	strace $0x90000048  }
0xb6: {  	_ =	sfence  }
0xb7: {  	s30 =	sld [smem:$0x0];
	_ =	sdelay $0x2  }
0xb8: {  	s31 =	sshll.u32 s1, $0xD;
	s1 =	sshrl.u32 s1, $0x2  }
0xb9: {  	s3 =	sand.u32 $0x4000, s31;
	s1 =	sadd.s32 s1, s30  }
0xba: {  	s0 =	sor.u32 s3, s0;
	s1 =	sshll.u32 s1, $0x11  }
0xbb: {  	s0 =	sor.u32 s1, s0  }
0xbc: {  	s0 =	sadd.s32 $0x8F2B, s0  }
0xbd: {  	[sflag:s0] =	ssyncadd.remote.s32 $0x1  }
0xbe: {  	_ =	sfence.sel $0xFFFF  }
0xbf: {  	[dreg:$0x0] =	wrdreg $0xFFFFFFFF;
	(pc) =	sbr.abs _section_cstart, $3  }
0xc0: {  	[dreg:$0x1] =	wrdreg $0xFFFFFFFF  }
0xc1: {  	_ =	task.clear_ibuf [dreg:s7], $0x2FFFF;
	_ =	strace $0x9FFFFFFF  }
0xc2: {  	(tm) =	ssettm $0x7FFFFFFF  }
0xc3: {  	_ =	shalt  }
tec
execute0_lowered:
.L_overlay_start_1:
0x0: {  	(tag) =	ssettag $0x1  }
0x1: {  	s0 =	rddreg [dreg:$0x0]  }
0x2: {  	s1 =	rddreg [dreg:$0x1]  }
0x3: {  	s9 =	stileid.u32;
	s3 =	srdreg.scid  }
0x4: {  	s2 =	simm.s32 $0x0;
	s19 =	simm.s32 $0x900;
	s21 =	simm.s32 $0x1100  }
0x5: {  	s22 =	simm.s32 $0x1900;
	s23 =	simm.s32 $0x2100;
	s24 =	simm.s32 $0x2900  }
0x6: {  	s25 =	simm.s32 $0x3100;
	s26 =	simm.s32 $0x3900;
	s31 =	simm.s32 $0x4100  }
0x7: {  	s10 =	simm.s32 $0x5100;
	[smem:$0x7FF] =	sst s2;
	s7 =	sadd.s32 $0x56C00, s0  }
0x8: {  	s11 =	simm.s32 $0x5900;
	_ =	strace $0x80000047;
	[dreg:$0x3] =	wrdreg s7  }
0x9: {  	s12 =	simm.s32 $0x6100;
	s13 =	simm.s32 $0x6900;
	[dreg:$0x5] =	wrdreg s19  }
0xa: {  	s28 =	simm.s32 $0x1;
	s29 =	simm.s32 $0x2;
	[dreg:$0x6] =	wrdreg s21  }
0xb: {  	s30 =	simm.s32 $0x0;
	s4 =	smul.u32 $0xE10, s9;
	[dreg:$0x7] =	wrdreg s22  }
0xc: {  	s5 =	sand.u32 $0x1, s3;
	s8 =	smul.u32 $0x1C200, s9;
	[dreg:$0x8] =	wrdreg s23  }
0xd: {  	s3 =	sadd.s32 $0x8A00, s0;
	s14 =	smul.u32 $0xE100, s9;
	[dreg:$0x9] =	wrdreg s24  }
0xe: {  	s9 =	simm.s32 $0x4900;
	s6 =	smul.u32 $0x708, s5;
	[dreg:$0xa] =	wrdreg s25  }
0xf: {  	s16 =	ssub.s32 $0x2, s5;
	s20 =	smul.u32 $0x7080, s5;
	[dreg:$0xb] =	wrdreg s26  }
0x10: {  	s5 =	smul.u32 $0xE100, s5;
	s7 =	simm.s32 $0x3;
	[dreg:$0xc] =	wrdreg s31  }
0x11: {  	s19 =	simm.s32 $0x9900;
	s21 =	simm.s32 $0xA900;
	s22 =	simm.s32 $0xB100  }
0x12: {  	s23 =	simm.s32 $0xB900;
	s24 =	simm.s32 $0xC100;
	s25 =	simm.s32 $0xC8  }
0x13: {  	s26 =	simm.s32 $0xC900;
	s15 =	sadd.s32 s8, s0;
	s0 =	sadd.s32 s14, s0  }
0x14: {  	s17 =	sshrl.u32 s16, $0x1;
	s8 =	simm.s32 $0x100;
	s14 =	simm.s32 $0x7100  }
0x15: {  	s4 =	sadd.s32 s6, s4;
	s18 =	ssub.s32 s16, s17;
	s0 =	sadd.s32 s20, s0  }
0x16: {  	s5 =	sadd.s32 s5, s15;
	s15 =	simm.s32 $0x7900;
	s4 =	sadd.s32 $0x19000, s4  }
0x17: {  	s16 =	simm.s32 $0x8100;
	s0 =	sadd.s32 $0x23FE00, s0;
	s4 =	sshrl.u32 s4, $0x3  }
0x18: {  	v2 =	vlaneseq.u32;
	s17 =	simm.s32 $0x8900;
	[dreg:$0xe] =	wrdreg s0;
	s1 =	sadd.s32 s4, s1  }
0x19: {  	vm0 =	vmmov $0xffff;
	v1 =	vshrl.u32 v2, $0x3;
	s20 =	simm.s32 $0xA100;
	s4 =	smax.u32 s18, $0x1;
	[dreg:$0x4] =	wrdreg s1  }
0x1a: {  	v0 =	vand.u32 $0x7, v2;
	v2 =	vor.u32 $0x8, v2;
	v1 =	vmul.u32 $0x8, v1;
	s6 =	sadd.s32 $0x7DE00, s5;
	s18 =	simm.s32 $0x9100;
	[dreg:$0xd] =	wrdreg s4  }
.LBB2_1:
0x1b: {  	s31 =	smov.u32 s6;
	s5 =	rddreg [dreg:$0xe];
	s1 =	simm.s32 $0x0  }
.LBB2_2:
0x1c: {  	s4 =	rddreg [dreg:$0x4]  }
0x1d: {  	s4 =	sadd.s32 s1, s4  }
0x1e: {  	[tilespmem:s2], [sflag:$0x3] =	stream.linear.gather [hbm4b:s4+s2], $0xC8, $0x38;
	[tilespmem:$0x12D00] =	vst v63  }
0x1f: {  	_ =	swait.ge [sflag:s7], $0xC8  }
0x20: {  	[sflag:s7] =	ssyncset.done $0x0  }
0x21: {  	[sflag:s7] =	ssyncadd.s32 $0xFFFFFF38  }
0x22: {  	v3 =	vld [tilespmem:$0x0];
	_ =	sdelay $0x4  }
0x23: {  	v4 =	vshll.u32 v3, $0x1  }
0x24: {  	v3 =	vand.u32 $0x7, v3;
	v4 =	vand.u32 $0xFFFFFFF0, v4  }
0x25: {  	v3 =	vor.u32 v3, v4  }
0x26: {  	v4 =	vperm.xlane v3, v0;
	_ =	sdelay $0x1  }
0x27: {  	v3 =	vperm.xlane v3, v2;
	v4 =	vadd.s32 v1, v4;
	_ =	sdelay $0x1  }
0x28: {  	v3 =	vadd.s32 v1, v3;
	_ =	sdelay $0x2  }
0x29: {  	[tilespmem:s8], [sflag:$0x1] =	stream.indirect_vreg.gather [hbm4b:s3+s2], $0x80, v4, vm0, $0xb8;
	[tilespmem:$0x12D00] =	vst v63  }
0x2a: {  	s0 =	rddreg [dreg:$0x5]  }
0x2b: {  	[tilespmem:s0], [sflag:$0x1] =	stream.indirect_vreg.gather [hbm4b:s3+s2], $0x80, v3, vm0, $0xb8;
	[tilespmem:$0x12D00] =	vst v63  }
0x2c: {  	v3 =	vld [tilespmem:$0x10];
	_ =	sdelay $0x4  }
0x2d: {  	v52 =	vshll.u32 v3, $0x1  }
0x2e: {  	v3 =	vand.u32 $0x7, v3;
	v4 =	vand.u32 $0xFFFFFFF0, v52  }
0x2f: {  	v3 =	vor.u32 v3, v4  }
0x30: {  	v4 =	vperm.xlane v3, v0;
	_ =	sdelay $0x1  }
0x31: {  	v3 =	vperm.xlane v3, v2;
	v4 =	vadd.s32 v1, v4;
	_ =	sdelay $0x1  }
0x32: {  	v3 =	vadd.s32 v1, v3;
	_ =	sdelay $0x1  }
0x33: {  	s4 =	rddreg [dreg:$0x6]  }
0x34: {  	[tilespmem:s4], [sflag:$0x1] =	stream.indirect_vreg.gather [hbm4b:s3+s2], $0x80, v4, vm0, $0xb8;
	[tilespmem:$0x12D00] =	vst v63  }
0x35: {  	s0 =	rddreg [dreg:$0x7]  }
0x36: {  	[tilespmem:s0], [sflag:$0x1] =	stream.indirect_vreg.gather [hbm4b:s3+s2], $0x80, v3, vm0, $0xb8;
	[tilespmem:$0x12D00] =	vst v63  }
0x37: {  	v3 =	vld [tilespmem:$0x20];
	_ =	sdelay $0x4  }
0x38: {  	v53 =	vshll.u32 v3, $0x1  }
0x39: {  	v3 =	vand.u32 $0x7, v3;
	v4 =	vand.u32 $0xFFFFFFF0, v53  }
0x3a: {  	v3 =	vor.u32 v3, v4  }
0x3b: {  	v4 =	vperm.xlane v3, v0;
	_ =	sdelay $0x1  }
0x3c: {  	v3 =	vperm.xlane v3, v2;
	v4 =	vadd.s32 v1, v4;
	_ =	sdelay $0x1  }
0x3d: {  	v3 =	vadd.s32 v1, v3;
	_ =	sdelay $0x1  }
0x3e: {  	s0 =	rddreg [dreg:$0x8]  }
0x3f: {  	[tilespmem:s0], [sflag:$0x1] =	stream.indirect_vreg.gather [hbm4b:s3+s2], $0x80, v4, vm0, $0xb8;
	[tilespmem:$0x12D00] =	vst v63  }
0x40: {  	s4 =	rddreg [dreg:$0x9]  }
0x41: {  	[tilespmem:s4], [sflag:$0x1] =	stream.indirect_vreg.gather [hbm4b:s3+s2], $0x80, v3, vm0, $0xb8;
	[tilespmem:$0x12D00] =	vst v63  }
0x42: {  	v3 =	vld [tilespmem:$0x30];
	_ =	sdelay $0x4  }
0x43: {  	v54 =	vshll.u32 v3, $0x1  }
0x44: {  	v3 =	vand.u32 $0x7, v3;
	v4 =	vand.u32 $0xFFFFFFF0, v54  }
0x45: {  	v3 =	vor.u32 v3, v4  }
0x46: {  	v4 =	vperm.xlane v3, v0;
	_ =	sdelay $0x1  }
0x47: {  	v3 =	vperm.xlane v3, v2;
	v4 =	vadd.s32 v1, v4;
	_ =	sdelay $0x1  }
0x48: {  	v3 =	vadd.s32 v1, v3;
	_ =	sdelay $0x1  }
0x49: {  	s0 =	rddreg [dreg:$0xa]  }
0x4a: {  	[tilespmem:s0], [sflag:$0x1] =	stream.indirect_vreg.gather [hbm4b:s3+s2], $0x80, v4, vm0, $0xb8;
	[tilespmem:$0x12D00] =	vst v63  }
0x4b: {  	s4 =	rddreg [dreg:$0xb]  }
0x4c: {  	[tilespmem:s4], [sflag:$0x1] =	stream.indirect_vreg.gather [hbm4b:s3+s2], $0x80, v3, vm0, $0xb8;
	[tilespmem:$0x12D00] =	vst v63  }
0x4d: {  	v3 =	vld [tilespmem:$0x40];
	_ =	sdelay $0x4  }
0x4e: {  	v55 =	vshll.u32 v3, $0x1  }
0x4f: {  	v3 =	vand.u32 $0x7, v3;
	v4 =	vand.u32 $0xFFFFFFF0, v55  }
0x50: {  	v3 =	vor.u32 v3, v4  }
0x51: {  	v4 =	vperm.xlane v3, v0;
	_ =	sdelay $0x1  }
0x52: {  	v3 =	vperm.xlane v3, v2;
	v4 =	vadd.s32 v1, v4;
	_ =	sdelay $0x1  }
0x53: {  	v3 =	vadd.s32 v1, v3;
	_ =	sdelay $0x1  }
0x54: {  	s4 =	rddreg [dreg:$0xc]  }
0x55: {  	[tilespmem:s4], [sflag:$0x1] =	stream.indirect_vreg.gather [hbm4b:s3+s2], $0x80, v4, vm0, $0xb8;
	[tilespmem:$0x12D00] =	vst v63  }
0x56: {  	_ = 	snop  }
0x57: {  	[tilespmem:s9], [sflag:$0x1] =	stream.indirect_vreg.gather [hbm4b:s3+s2], $0x80, v3, vm0, $0xb8;
	[tilespmem:$0x12D00] =	vst v63  }
0x58: {  	v3 =	vld [tilespmem:$0x50];
	_ =	sdelay $0x4  }
0x59: {  	v56 =	vshll.u32 v3, $0x1  }
0x5a: {  	v3 =	vand.u32 $0x7, v3;
	v4 =	vand.u32 $0xFFFFFFF0, v56  }
0x5b: {  	v3 =	vor.u32 v3, v4  }
0x5c: {  	v4 =	vperm.xlane v3, v0;
	_ =	sdelay $0x1  }
0x5d: {  	v3 =	vperm.xlane v3, v2;
	v4 =	vadd.s32 v1, v4;
	_ =	sdelay $0x1  }
0x5e: {  	v3 =	vadd.s32 v1, v3;
	_ =	sdelay $0x2  }
0x5f: {  	[tilespmem:s10], [sflag:$0x1] =	stream.indirect_vreg.gather [hbm4b:s3+s2], $0x80, v4, vm0, $0xb8;
	[tilespmem:$0x12D00] =	vst v63  }
0x60: {  	_ = 	snop  }
0x61: {  	[tilespmem:s11], [sflag:$0x1] =	stream.indirect_vreg.gather [hbm4b:s3+s2], $0x80, v3, vm0, $0xb8;
	[tilespmem:$0x12D00] =	vst v63  }
0x62: {  	v3 =	vld [tilespmem:$0x60];
	_ =	sdelay $0x4  }
0x63: {  	v57 =	vshll.u32 v3, $0x1  }
0x64: {  	v3 =	vand.u32 $0x7, v3;
	v4 =	vand.u32 $0xFFFFFFF0, v57  }
0x65: {  	v3 =	vor.u32 v3, v4  }
0x66: {  	v4 =	vperm.xlane v3, v0;
	_ =	sdelay $0x1  }
0x67: {  	v3 =	vperm.xlane v3, v2;
	v4 =	vadd.s32 v1, v4;
	_ =	sdelay $0x1  }
0x68: {  	v3 =	vadd.s32 v1, v3;
	_ =	sdelay $0x2  }
0x69: {  	[tilespmem:s12], [sflag:$0x1] =	stream.indirect_vreg.gather [hbm4b:s3+s2], $0x80, v4, vm0, $0xb8;
	[tilespmem:$0x12D00] =	vst v63  }
0x6a: {  	_ = 	snop  }
0x6b: {  	[tilespmem:s13], [sflag:$0x1] =	stream.indirect_vreg.gather [hbm4b:s3+s2], $0x80, v3, vm0, $0xb8;
	[tilespmem:$0x12D00] =	vst v63  }
0x6c: {  	v3 =	vld [tilespmem:$0x70];
	_ =	sdelay $0x4  }
0x6d: {  	v58 =	vshll.u32 v3, $0x1  }
0x6e: {  	v3 =	vand.u32 $0x7, v3;
	v4 =	vand.u32 $0xFFFFFFF0, v58  }
0x6f: {  	v3 =	vor.u32 v3, v4  }
0x70: {  	v4 =	vperm.xlane v3, v0;
	_ =	sdelay $0x1  }
0x71: {  	v3 =	vperm.xlane v3, v2;
	v4 =	vadd.s32 v1, v4;
	_ =	sdelay $0x1  }
0x72: {  	v3 =	vadd.s32 v1, v3;
	_ =	sdelay $0x2  }
0x73: {  	[tilespmem:s14], [sflag:$0x1] =	stream.indirect_vreg.gather [hbm4b:s3+s2], $0x80, v4, vm0, $0xb8;
	[tilespmem:$0x12D00] =	vst v63  }
0x74: {  	_ = 	snop  }
0x75: {  	[tilespmem:s15], [sflag:$0x1] =	stream.indirect_vreg.gather [hbm4b:s3+s2], $0x80, v3, vm0, $0xb8;
	[tilespmem:$0x12D00] =	vst v63  }
0x76: {  	v3 =	vld [tilespmem:$0x80];
	_ =	sdelay $0x4  }
0x77: {  	v59 =	vshll.u32 v3, $0x1  }
0x78: {  	v3 =	vand.u32 $0x7, v3;
	v4 =	vand.u32 $0xFFFFFFF0, v59  }
0x79: {  	v3 =	vor.u32 v3, v4  }
0x7a: {  	v4 =	vperm.xlane v3, v0;
	_ =	sdelay $0x1  }
0x7b: {  	v3 =	vperm.xlane v3, v2;
	v4 =	vadd.s32 v1, v4;
	_ =	sdelay $0x1  }
0x7c: {  	v3 =	vadd.s32 v1, v3;
	_ =	sdelay $0x2  }
0x7d: {  	[tilespmem:s16], [sflag:$0x1] =	stream.indirect_vreg.gather [hbm4b:s3+s2], $0x80, v4, vm0, $0xb8;
	[tilespmem:$0x12D00] =	vst v63  }
0x7e: {  	_ = 	snop  }
0x7f: {  	[tilespmem:s17], [sflag:$0x1] =	stream.indirect_vreg.gather [hbm4b:s3+s2], $0x80, v3, vm0, $0xb8;
	[tilespmem:$0x12D00] =	vst v63  }
0x80: {  	v3 =	vld [tilespmem:$0x90];
	_ =	sdelay $0x4  }
0x81: {  	v60 =	vshll.u32 v3, $0x1  }
0x82: {  	v3 =	vand.u32 $0x7, v3;
	v4 =	vand.u32 $0xFFFFFFF0, v60  }
0x83: {  	v3 =	vor.u32 v3, v4  }
0x84: {  	v4 =	vperm.xlane v3, v0;
	_ =	sdelay $0x1  }
0x85: {  	v3 =	vperm.xlane v3, v2;
	v4 =	vadd.s32 v1, v4;
	_ =	sdelay $0x1  }
0x86: {  	v3 =	vadd.s32 v1, v3;
	_ =	sdelay $0x2  }
0x87: {  	[tilespmem:s18], [sflag:$0x1] =	stream.indirect_vreg.gather [hbm4b:s3+s2], $0x80, v4, vm0, $0xb8;
	[tilespmem:$0x12D00] =	vst v63  }
0x88: {  	_ = 	snop  }
0x89: {  	[tilespmem:s19], [sflag:$0x1] =	stream.indirect_vreg.gather [hbm4b:s3+s2], $0x80, v3, vm0, $0xb8;
	[tilespmem:$0x12D00] =	vst v63  }
0x8a: {  	v3 =	vld [tilespmem:$0xA0];
	_ =	sdelay $0x4  }
0x8b: {  	v61 =	vshll.u32 v3, $0x1  }
0x8c: {  	v3 =	vand.u32 $0x7, v3;
	v4 =	vand.u32 $0xFFFFFFF0, v61  }
0x8d: {  	v3 =	vor.u32 v3, v4  }
0x8e: {  	v4 =	vperm.xlane v3, v0;
	_ =	sdelay $0x1  }
0x8f: {  	v3 =	vperm.xlane v3, v2;
	v4 =	vadd.s32 v1, v4;
	_ =	sdelay $0x1  }
0x90: {  	v3 =	vadd.s32 v1, v3;
	_ =	sdelay $0x2  }
0x91: {  	[tilespmem:s20], [sflag:$0x1] =	stream.indirect_vreg.gather [hbm4b:s3+s2], $0x80, v4, vm0, $0xb8;
	[tilespmem:$0x12D00] =	vst v63  }
0x92: {  	_ = 	snop  }
0x93: {  	[tilespmem:s21], [sflag:$0x1] =	stream.indirect_vreg.gather [hbm4b:s3+s2], $0x80, v3, vm0, $0xb8;
	[tilespmem:$0x12D00] =	vst v63  }
0x94: {  	v3 =	vld [tilespmem:$0xB0];
	_ =	sdelay $0x4  }
0x95: {  	v62 =	vshll.u32 v3, $0x1  }
0x96: {  	v3 =	vand.u32 $0x7, v3;
	v4 =	vand.u32 $0xFFFFFFF0, v62  }
0x97: {  	v3 =	vor.u32 v3, v4  }
0x98: {  	v4 =	vperm.xlane v3, v0;
	_ =	sdelay $0x1  }
0x99: {  	v3 =	vperm.xlane v3, v2;
	v4 =	vadd.s32 v1, v4;
	_ =	sdelay $0x1  }
0x9a: {  	v3 =	vadd.s32 v1, v3;
	_ =	sdelay $0x2  }
0x9b: {  	[tilespmem:s22], [sflag:$0x1] =	stream.indirect_vreg.gather [hbm4b:s3+s2], $0x80, v4, vm0, $0xb8;
	[tilespmem:$0x12D00] =	vst v63  }
0x9c: {  	_ = 	snop  }
0x9d: {  	[tilespmem:s23], [sflag:$0x1] =	stream.indirect_vreg.gather [hbm4b:s3+s2], $0x80, v3, vm0, $0xb8;
	[tilespmem:$0x12D00] =	vst v63  }
0x9e: {  	v3 =	vld.msk [tilespmem:$0xC0], $0xff;
	_ =	sdelay $0x4  }
0x9f: {  	v63 =	vshll.u32 v3, $0x1  }
0xa0: {  	v3 =	vand.u32 $0x7, v3;
	v4 =	vand.u32 $0xFFFFFFF0, v63  }
0xa1: {  	v3 =	vor.u32 v3, v4  }
0xa2: {  	v3 =	vperm.xlane v3, v0;
	_ =	sdelay $0x1  }
0xa3: {  	v3 =	vadd.s32 v1, v3;
	_ =	sdelay $0x4  }
0xa4: {  	[tilespmem:s24], [sflag:$0x1] =	stream.indirect_vreg.gather [hbm4b:s3+s2], $0x80, v3, vm0, $0xb8;
	[tilespmem:$0x12D00] =	vst v63  }
0xa5: {  	s4 =	rddreg [dreg:$0x3]  }
0xa6: {  	[tilespmem:s26], [sflag:$0x2] =	stream.indirect.gather [hbm4b:s4+s25], $0x80, s2, s25, $0xb8;
	[tilespmem:$0x12D00] =	vst v63  }
0xa7: {  	_ =	swait.ge [sflag:s28], $0xC800  }
0xa8: {  	[sflag:s28] =	ssyncset.done $0x0  }
0xa9: {  	[sflag:s28] =	ssyncadd.s32 $0xFFFF3800  }
0xaa: {  	_ =	swait.ge [sflag:s29], $0x6400  }
0xab: {  	[sflag:s29] =	ssyncset.done $0x0  }
0xac: {  	[sflag:s29] =	ssyncadd.s32 $0xFFFF9C00  }
0xad: {  	[hbm4b:s31+s2] =	stream.linear.scatter [tilespmem:s8], [sflag:$0x3], $0xC800, $0x38;
	[tilespmem:$0x12D00] =	vst v63  }
0xae: {  	_ =	swait.ge [sflag:s7], $0xC800  }
0xaf: {  	p0 =	sne.s32 s1, $0xC8;
	[sflag:s7] =	ssyncset.done $0x0  }
.Ltmp0:
0xb0: {  	[sflag:s7] =	ssyncadd.s32 $0xFFFF3800;
	(pc) =	sbr.rel @p0 .LBB2_2-.Ltmp0, $4  }
0xb1: {  	[hbm4b:s5+s2] =	stream.linear.scatter [tilespmem:s26], [sflag:$0x3], $0x6400, $0x38;
	[tilespmem:$0x12D00] =	vst v63  }
0xb2: {  	_ =	swait.ge [sflag:s7], $0x6400  }
0xb3: {  	s1 =	sadd.s32 $0x19, s1;
	[sflag:s7] =	ssyncset.done $0x0  }
0xb4: {  	s31 =	sadd.s32 $0x1900, s31;
	s5 =	sadd.s32 $0xC80, s5;
	[sflag:s7] =	ssyncadd.s32 $0xFFFF9C00  }
0xb5: {  	s30 =	sadd.s32 $0x1, s30;
	s0 =	rddreg [dreg:$0xd]  }
0xb6: {  	p0 =	sne.s32 s30, s0  }
.Ltmp1:
0xb7: {  	_ = 	snop;
	(pc) =	sbr.rel @p0 .LBB2_1-.Ltmp1, $1  }
0xb8: {  	_ =	sdelay $0x3  }
0xb9: {  	_ =	sfence.sel $0x180000  }
0xba: {  	[bflag:$0x0] =	sbarrier.arrive $0xFFFF  }
0xbb: {  	_ =	strace $0x90000047  }
0xbc: {  	s0 =	stileid.u32;
	[bflag:$0x2] =	sbarrier.arrive $0xFFFF  }
0xbd: {  	p0 =	sne.s32 s0, $0x0;
	s0 =	rddreg [dreg:$0x2]  }
0xbe: {  	s0 =	sadd.s32 @!p0 $0x100000, s0  }
0xbf: {  	[sflag:s0] =	ssyncadd.tile.s32 @!p0 $0x1;
	_ =	shalt  }
.Lfunc_end2:
_tile_overlayer_lowered:
.L_overlay_start_2:
0xc0: {  	(tag) =	ssettag $0x2  }
0xc1: {  	s0 =	rddreg [dreg:$0x0];
	s2 =	stileid.u32  }
0xc2: {  	s1 =	rddreg [dreg:$0x1];
	p0 =	sne.s32 s2, $0x0  }
0xc3: {  	s3 =	rddreg [dreg:$0x2];
	[bflag:$0x3] =	sbarrier.arrive $0xFFFF;
	s2 =	simm.s32 @!p0 $0x1C03  }
0xc4: {  	[timem:s3], [sflag:s2] =	dma.local @!p0 [hbm:s0], s1  }
0xc5: {  	s0 =	simm.s32 @!p0 $0x3  }
0xc6: {  	_ =	swait.ge @!p0 [sflag:s0], s1  }
0xc7: {  	s1 =	ssub.s32 @!p0 $0x0, s1;
	[sflag:s0] =	ssyncset.done @!p0 $0x0  }
0xc8: {  	[sflag:s0] =	ssyncadd.s32 @!p0 s1  }
0xc9: {  	[bflag:$0x3] =	sbarrier.arrive $0xFFFF  }
0xca: {  	_ =	shalt  }

// kernel: kernel.37.cloned.1.call-start
scs
__scs_entry_jumppad:
0x0: {  	(pc) =	sbr.rel $0x88, $3  }
0x1: {  	(tag) =	ssettag $0x0;
	lr =	simm.s32 $0x1  }
0x2: {  	[smem:$0x3F92] =	sst lr;
	_ =	strace $0xD0000000  }
0x3: {  	_ = 	snop  }
0x4: {  	_ = 	snop  }
0x5: {  	_ = 	snop  }
0x6: {  	_ = 	snop  }
0x7: {  	_ = 	snop  }
__scs_overlays_trampoline_lowered:
0x8: {  	[smem:$0x3FA1] =	sst s0  }
0x9: {  	[smem:$0x3FA2] =	sst s1  }
0xa: {  	[smem:$0x3FA3] =	sst s2  }
0xb: {  	[smem:$0x3FA4] =	sst s3  }
0xc: {  	[smem:$0x3FA5] =	sst s4  }
0xd: {  	[smem:$0x3FA6] =	sst s5  }
0xe: {  	[smem:$0x3FA7] =	sst s6  }
0xf: {  	[smem:$0x3FA8] =	sst s7  }
0x10: {  	[smem:$0x3FA9] =	sst s8  }
0x11: {  	[smem:$0x3FAA] =	sst s9;
	s0 =	simm.s32 @!p0 $0x0  }
0x12: {  	s1 =	sld [smem:$0x3F90];
	s0 =	simm.s32 @p0 $0x1  }
0x13: {  	[smem:$0x3FAB] =	sst s0;
	s0 =	simm.s32 @!p1 $0x0  }
0x14: {  	s2 =	sld [smem:$0x3F8F];
	s0 =	simm.s32 @p1 $0x1  }
0x15: {  	[smem:$0x3FAC] =	sst s0;
	s0 =	simm.s32 @!p2 $0x0  }
0x16: {  	s3 =	sld [smem:$0x3FDB];
	s0 =	simm.s32 @p2 $0x1  }
0x17: {  	s4 =	simm.s32 $0x1BF5;
	[smem:$0x3FAE] =	sst s0  }
0x18: {  	s0 =	sld [smem:$0x3F91];
	_ =	swait.ge [sflag:s4], $0x0  }
0x19: {  	s7 =	sld [smem:$0x3F92]  }
0x1a: {  	s8 =	sadd.s32 $0xFFFFE003, lr  }
0x1b: {  	s9 =	sadd.s32 $0xFFFFFEF7, lr;
	s5 =	simm.s32 $0xFFFFFFFF;
	p2 =	slt.u32 s8, $0xFFFFF086  }
0x1c: {  	p1 =	slt.u32 s9, $0xF7A;
	s5 =	simm.s32 @!p2 $0x0  }
0x1d: {  	s5 =	simm.s32 @p1 $0x1;
	p0 =	seq.s32 s7, s2  }
0x1e: {  	s7 =	smul.u32 @!p0 $0xF7A, s2;
	p2 =	seq.s32 @!p0 s5, $0x0  }
0x1f: {  	s9 =	smul.u32 $0xF7A, s1;
	s8 =	simm.s32 @!p0 $0x1BF5;
	p2 =	por !p2, p0  }
0x20: {  	[sflag:s8] =	ssyncset.s32 @!p0 $0xFFFFF086;
	s6 =	sadd.s32 @!p0 s3, s7;
	s7 =	simm.s32 @!p0 $0x108  }
0x21: {  	s3 =	sadd.s32 s3, s9;
	s6 =	sadd.s32 @!p0 $0x88, s6;
	s7 =	simm.s32 @p2 $0x1082  }
0x22: {  	[simem:s7], [sflag:s8] =	dma.local @!p0 [hbm:s6], $0xF7A  }
0x23: {  	s9 =	sor.u32 $0xD0000000, s2;
	s6 =	simm.s32 $0x108;
	_ =	swait.ge @!p0 [sflag:s8], $0x0  }
0x24: {  	s3 =	sadd.s32 $0x88, s3;
	s6 =	simm.s32 @!p1 $0x1082;
	[sflag:s4] =	ssyncset.s32 $0xFFFFF086  }
0x25: {  	[simem:s6], [sflag:s4] =	dma.local [hbm:s3], $0xF7A  }
0x26: {  	[smem:$0x3F92] =	sst s1;
	(tag) =	ssettag s2;
	_ =	strace s9  }
0x27: {  	s1 =	sld [smem:$0x3FA2]  }
0x28: {  	s2 =	sld [smem:$0x3FA3]  }
0x29: {  	s4 =	sld [smem:$0x3FA5]  }
0x2a: {  	p0 =	seq.s32 s5, $0x0;
	s5 =	sld [smem:$0x3FA6]  }
0x2b: {  	s6 =	sld [smem:$0x3FA7]  }
0x2c: {  	s7 =	sld [smem:$0x3FA8]  }
0x2d: {  	s3 =	simm.s32 $0x108;
	s8 =	sld [smem:$0x3FA9]  }
0x2e: {  	s3 =	simm.s32 @!p0 $0x1082;
	s9 =	sld [smem:$0x3FAA]  }
0x2f: {  	lr =	sadd.s32 s0, s3;
	s0 =	sld [smem:$0x3FA1]  }
0x30: {  	s3 =	sld [smem:$0x3FA4]  }
0x31: {  	[smem:$0x3FAD] =	sst s10  }
0x32: {  	s10 =	sld [smem:$0x3FAB];
	_ =	sdelay $0x3  }
0x33: {  	p0 =	seq.s32 s10, $0x1;
	s10 =	sld [smem:$0x3FAD];
	_ =	sdelay $0x3  }
0x34: {  	[smem:$0x3FAD] =	sst s10  }
0x35: {  	s10 =	sld [smem:$0x3FAC];
	_ =	sdelay $0x3  }
0x36: {  	p1 =	seq.s32 s10, $0x1;
	s10 =	sld [smem:$0x3FAD];
	_ =	sdelay $0x3  }
0x37: {  	[smem:$0x3FAD] =	sst s10  }
0x38: {  	s10 =	sld [smem:$0x3FAE]  }
0x39: {  	_ = 	snop;
	(pc) =	sbr.ind lr, $3  }
0x3a: {  	_ = 	snop  }
0x3b: {  	_ = 	snop  }
0x3c: {  	p2 =	seq.s32 s10, $0x1;
	s10 =	sld [smem:$0x3FAD]  }
0x3d: {  	_ =	shalt  }
0x3e: {  	_ =	shalt  }
0x3f: {  	_ =	shalt  }
0x40: {  	_ =	shalt  }
0x41: {  	_ =	shalt  }
0x42: {  	_ =	shalt  }
0x43: {  	_ =	shalt  }
0x44: {  	_ =	shalt  }
0x45: {  	_ =	shalt  }
0x46: {  	_ =	shalt  }
0x47: {  	_ =	shalt  }
0x48: {  	_ =	shalt  }
0x49: {  	_ =	shalt  }
0x4a: {  	_ =	shalt  }
0x4b: {  	_ =	shalt  }
0x4c: {  	_ =	shalt  }
0x4d: {  	_ =	shalt  }
0x4e: {  	_ =	shalt  }
0x4f: {  	_ =	shalt  }
0x50: {  	_ =	shalt  }
0x51: {  	_ =	shalt  }
0x52: {  	_ =	shalt  }
0x53: {  	_ =	shalt  }
0x54: {  	_ =	shalt  }
0x55: {  	_ =	shalt  }
0x56: {  	_ =	shalt  }
0x57: {  	_ =	shalt  }
0x58: {  	_ =	shalt  }
0x59: {  	_ =	shalt  }
0x5a: {  	_ =	shalt  }
0x5b: {  	_ =	shalt  }
0x5c: {  	_ =	shalt  }
0x5d: {  	_ =	shalt  }
0x5e: {  	_ =	shalt  }
0x5f: {  	_ =	shalt  }
0x60: {  	_ =	shalt  }
0x61: {  	_ =	shalt  }
0x62: {  	_ =	shalt  }
0x63: {  	_ =	shalt  }
0x64: {  	_ =	shalt  }
0x65: {  	_ =	shalt  }
0x66: {  	_ =	shalt  }
0x67: {  	_ =	shalt  }
0x68: {  	_ =	shalt  }
0x69: {  	_ =	shalt  }
0x6a: {  	_ =	shalt  }
0x6b: {  	_ =	shalt  }
0x6c: {  	_ =	shalt  }
0x6d: {  	_ =	shalt  }
0x6e: {  	_ =	shalt  }
0x6f: {  	_ =	shalt  }
0x70: {  	_ =	shalt  }
0x71: {  	_ =	shalt  }
0x72: {  	_ =	shalt  }
0x73: {  	_ =	shalt  }
0x74: {  	_ =	shalt  }
0x75: {  	_ =	shalt  }
0x76: {  	_ =	shalt  }
0x77: {  	_ =	shalt  }
0x78: {  	_ =	shalt  }
0x79: {  	_ =	shalt  }
0x7a: {  	_ =	shalt  }
0x7b: {  	_ =	shalt  }
0x7c: {  	_ =	shalt  }
0x7d: {  	_ =	shalt  }
0x7e: {  	_ =	shalt  }
0x7f: {  	_ =	shalt  }
0x80: {  	_ =	shalt  }
0x81: {  	_ =	shalt  }
0x82: {  	_ =	shalt  }
0x83: {  	_ =	shalt  }
0x84: {  	_ =	shalt  }
0x85: {  	_ =	shalt  }
0x86: {  	_ =	shalt  }
0x87: {  	_ =	shalt  }
.Lfunc_end0:
.L_simem_size_0:
called_computation.7_lowered:
.L_overlay_start_0:
0x88: {  	s2 =	sld [smem:$0x3FD9]  }
0x89: {  	s3 =	sld [smem:$0x3FFE];
	_ =	sdelay $0x1  }
0x8a: {  	s1 =	srdreg.scid  }
0x8b: {  	s0 =	sand.u32 $0x1, s1  }
0x8c: {  	s17 =	sshll.u32 s0, $0xA;
	s2 =	sadd.s32 s3, s2  }
0x8d: {  	s2 =	sadd.s32 s2, s17  }
0x8e: {  	[smem:$0x3FB9] =	sst s2  }
0x8f: {  	_ = 	snop  }
0x90: {  	s18 =	sld [smem:$0x3FC6];
	(tm) =	ssettm $0x1  }
0x91: {  	s19 =	sld [smem:$0x3FFB];
	_ =	sdelay $0x3  }
0x92: {  	_ =	strace s19  }
0x93: {  	s2 =	sld [smem:$0x3FFC];
	_ =	sdelay $0x3  }
0x94: {  	_ =	strace s2  }
0x95: {  	s2 =	sld [smem:$0x3FFD];
	_ =	sdelay $0x3  }
0x96: {  	_ =	strace s2  }
0x97: {  	_ =	strace $0x8FFFFFFF  }
0x98: {  	s20 =	sld [smem:$0x3FDB];
	_ =	sdelay $0x1  }
0x99: {  	s4 =	simm.s32 $_scs_section_size  }
0x9a: {  	s5 =	simm.s32 $_size__tile_overlayer_lowered;
	s6 =	simm.s32 $_tile_overlayer_lowered  }
0x9b: {  	s7 =	simm.s32 $0x1BFF;
	s21 =	sshll.u32 s6, $0x1;
	s4 =	sadd.s32 s4, s20  }
0x9c: {  	s22 =	simm.s32 $0x0;
	s5 =	sshll.u32 s5, $0x1;
	s6 =	sadd.s32 s21, s4  }
0x9d: {  	[timem:s22], [sflag:s7] =	dma.local [hbm:s6], s5  }
0x9e: {  	_ =	swait.ge [sflag:s7], s5  }
0x9f: {  	s5 =	ssub.s32 $0x0, s5;
	[sflag:s7] =	ssyncset.done $0x0  }
0xa0: {  	[sflag:s7] =	ssyncadd.s32 s5;
	_ =	sdelay $0x1  }
0xa1: {  	s23 =	simm.s32 $0x1B8B  }
0xa2: {  	_ =	swait.ge [sflag:s23], $0x1  }
0xa3: {  	[sflag:s23] =	ssyncset.done $0x0  }
0xa4: {  	[sflag:s23] =	ssyncadd.s32 $0xFFFFFFFF  }
0xa5: {  	s5 =	sld [smem:$0x0]  }
0xa6: {  	s6 =	sand.u32 $0xFFFFFFFE, s1  }
0xa7: {  	p0 =	sne.s32 s1, s6  }
0xa8: {  	s6 =	sshll.u32 @p0 s6, $0xE  }
0xa9: {  	s6 =	sadd.s32 @p0 $0x11B8D, s6;
	s7 =	sshll.u32 @p0 s5, $0x11  }
0xaa: {  	s6 =	sor.u32 @p0 s7, s6  }
0xab: {  	[sflag:s6] =	ssyncadd.remote.s32 @p0 $0x1;
	_ =	sdelay $0x1  }
0xac: {  	s6 =	simm.s32 @p0 $0x1B8D  }
0xad: {  	_ =	swait.eq @p0 [sflag:s6], $0x1  }
0xae: {  	[sflag:s6] =	ssyncadd.s32 @p0 $0xFFFFFFFF  }
0xaf: {  	s7 =	sshll.u32 @!p0 s1, $0xE  }
0xb0: {  	s7 =	sor.u32 @!p0 $0x4000, s7;
	s6 =	simm.s32 @!p0 $0x1B8D  }
0xb1: {  	s5 =	sshll.u32 @!p0 s5, $0x11;
	s7 =	sadd.s32 @!p0 $0x11B8D, s7;
	_ =	swait.eq @!p0 [sflag:s6], $0x1  }
0xb2: {  	s5 =	sor.u32 @!p0 s5, s7;
	[sflag:s6] =	ssyncadd.s32 @!p0 $0xFFFFFFFF  }
0xb3: {  	s25 =	simm.s32 $0x1B8E;
	s24 =	sld [smem:$0x3FFE];
	[sflag:s5] =	ssyncadd.remote.s32 @!p0 $0x1  }
0xb4: {  	s26 =	simm.s32 $execute0_lowered;
	[smem:$0x3FD2] =	sst s25  }
0xb5: {  	s6 =	sshll.u32 s26, $0x1;
	_ =	strace $0x80000055;
	[dreg:$0x1] =	wrdreg $0xFFFFFFFF  }
0xb6: {  	s28 =	simm.s32 $_size_execute0_lowered;
	s4 =	sadd.s32 s4, s6;
	[dreg:$0x0] =	wrdreg $0x0  }
0xb7: {  	s6 =	sshll.u32 s28, $0x1;
	[dreg:$0x2] =	wrdreg s4  }
0xb8: {  	[dreg:$0x3] =	wrdreg s6  }
0xb9: {  	[dreg:$0x4] =	wrdreg $0xC0  }
0xba: {  	_ =	task [dreg:s22], $0x5FFFF  }
0xbb: {  	[dreg:$0x1] =	wrdreg $0xFFFFFFFF  }
0xbc: {  	[dreg:$0x0] =	wrdreg $0x60  }
0xbd: {  	[dreg:$0x2] =	wrdreg s24  }
0xbe: {  	[dreg:$0x3] =	wrdreg s18  }
0xbf: {  	[dreg:$0x4] =	wrdreg $0x65000  }
0xc0: {  	[dreg:$0x5] =	wrdreg $0xB  }
0xc1: {  	_ =	task.clear_ibuf [dreg:s22], $0x6FFFF;
	_ =	strace $0x90000055  }
0xc2: {  	s29 =	simm.s32 $0xB;
	_ =	strace $0x80000057  }
0xc3: {  	_ =	swait.ge [sflag:s29], $0x1  }
0xc4: {  	[sflag:s29] =	ssyncadd.s32 $0xFFFFFFFF  }
0xc5: {  	_ =	strace $0x90000057  }
0xc6: {  	_ =	sfence  }
0xc7: {  	s30 =	sld [smem:$0x0];
	_ =	sdelay $0x2  }
0xc8: {  	s31 =	sshll.u32 s1, $0xD;
	s1 =	sshrl.u32 s1, $0x2  }
0xc9: {  	s4 =	sand.u32 $0x4000, s31;
	s1 =	sadd.s32 s1, s30  }
0xca: {  	s0 =	sor.u32 s4, s0;
	s1 =	sshll.u32 s1, $0x11  }
0xcb: {  	s0 =	sor.u32 s1, s0  }
0xcc: {  	s0 =	sadd.s32 $0x8F2B, s0  }
0xcd: {  	[sflag:s0] =	ssyncadd.remote.s32 $0x1  }
0xce: {  	_ =	sfence.sel $0xFFFF  }
0xcf: {  	[dreg:$0x0] =	wrdreg $0xFFFFFFFF;
	(pc) =	sbr.abs _section_cstart, $3  }
0xd0: {  	[dreg:$0x1] =	wrdreg $0xFFFFFFFF  }
0xd1: {  	_ =	task.clear_ibuf [dreg:s22], $0x2FFFF;
	_ =	strace $0x9FFFFFFF  }
0xd2: {  	(tm) =	ssettm $0x7FFFFFFF  }
0xd3: {  	_ =	shalt  }
tec
execute0_lowered:
.L_overlay_start_1:
0x0: {  	(tag) =	ssettag $0x1  }
0x1: {  	s4 =	rddreg [dreg:$0x0]  }
0x2: {  	s7 =	rddreg [dreg:$0x1]  }
0x3: {  	s1 =	rddreg [dreg:$0x2]  }
0x4: {  	s0 =	rddreg [dreg:$0x3];
	s8 =	stileid.u32  }
0x5: {  	s3 =	srdreg.scid;
	s2 =	simm.s32 $0x0;
	s5 =	smul.u32 $0xE100, s8  }
0x6: {  	s6 =	sand.u32 $0x1, s3;
	[smem:$0x7FF] =	sst s2;
	s28 =	smul.u32 $0xE10, s8  }
0x7: {  	s3 =	sadd.s32 $0x7DE00, s4;
	p0 =	sne.s32 s8, $0x0;
	s9 =	smul.u32 $0x27100, s6  }
0x8: {  	_ =	strace $0x80000056;
	s11 =	ssub.s32 $0x2, s6;
	s12 =	smul.u32 $0x708, s6  }
0x9: {  	s6 =	smul.u32 $0x7080, s6;
	s8 =	sshrl.u32 @!p0 s1, $0x3;
	s29 =	sshrl.u32 s11, $0x1  }
0xa: {  	s10 =	sadd.s32 s5, s4;
	s4 =	sadd.s32 s9, s4;
	s9 =	ssub.s32 s11, s29  }
0xb: {  	s30 =	sadd.s32 s12, s28;
	s6 =	sadd.s32 s6, s10;
	s10 =	simm.s32 $0x100  }
0xc: {  	s11 =	simm.s32 $0xC8;
	s12 =	simm.s32 $0x0;
	s31 =	sadd.s32 $0x19000, s30  }
0xd: {  	s4 =	sadd.s32 $0x2D1400, s4;
	s5 =	smax.u32 s9, $0x1;
	s9 =	sshrl.u32 s31, $0x3  }
0xe: {  	s6 =	sadd.s32 $0x8B1E00, s6;
	s7 =	sadd.s32 s9, s7;
	s9 =	simm.s32 $0x1  }
.LBB2_1:
0xf: {  	s13 =	simm.s32 @!p0 $0x1C01  }
0x10: {  	[spmem:s8], [sflag:s13] =	dma.local @!p0 [hbm:s3], $0x27100  }
0x11: {  	s13 =	simm.s32 @!p0 $0x1  }
0x12: {  	_ =	swait.ge @!p0 [sflag:s13], $0x27100  }
0x13: {  	[sflag:s13] =	ssyncset.done @!p0 $0x0  }
0x14: {  	[sflag:s13] =	ssyncadd.s32 @!p0 $0xFFFD8F00  }
0x15: {  	s31 =	sadd.s32 $0x0, s7;
	[bflag:$0x0] =	sbarrier.arrive $0xFFFF  }
0x16: {  	[tilespmem:s2], [sflag:$0x1] =	stream.linear.gather [hbm4b:s31+s2], $0xC8, $0x38;
	[tilespmem:$0x19D80] =	vst v63  }
0x17: {  	_ =	swait.ge [sflag:s9], $0xC8  }
0x18: {  	[sflag:s9] =	ssyncset.done $0x0  }
0x19: {  	[sflag:s9] =	ssyncadd.s32 $0xFFFFFF38  }
0x1a: {  	[tilespmem:s10], [sflag:$0x1] =	stream.linear.gather [hbm4b:s6+s2], $0x6400, $0x38;
	[tilespmem:$0x19D80] =	vst v63  }
0x1b: {  	_ =	swait.ge [sflag:s9], $0x6400  }
0x1c: {  	[sflag:s9] =	ssyncset.done $0x0  }
0x1d: {  	[sflag:s9] =	ssyncadd.s32 $0xFFFF9C00  }
0x1e: {  	[spmem:s1] =	stream.indirect.scatter.add.f32 [tilespmem:s10], [sflag:$0x1], $0x80, s2, s11, $0xb8;
	[tilespmem:$0x19D80] =	vst v63  }
0x1f: {  	s14 =	simm.s32 $0x19;
	_ =	swait.ge [sflag:s9], $0x6400  }
0x20: {  	s15 =	simm.s32 $0x32;
	s13 =	sadd.s32 $0xC80, s6;
	[sflag:s9] =	ssyncset.done $0x0  }
.LBB2_2:
0x21: {  	s16 =	sadd.s32 s14, s7  }
0x22: {  	[sflag:s9] =	ssyncadd.s32 $0xFFFF9C00;
	s14 =	smov.u32 s15;
	s17 =	sadd.s32 $0x19, s15  }
0x23: {  	[tilespmem:s2], [sflag:$0x1] =	stream.linear.gather [hbm4b:s16+s2], $0xC8, $0x38;
	[tilespmem:$0x19D80] =	vst v63  }
0x24: {  	p1 =	sne.s32 s15, $0xC8;
	_ =	swait.ge [sflag:s9], $0xC8  }
0x25: {  	[sflag:s9] =	ssyncset.done $0x0  }
0x26: {  	[sflag:s9] =	ssyncadd.s32 $0xFFFFFF38  }
0x27: {  	[tilespmem:s10], [sflag:$0x1] =	stream.linear.gather [hbm4b:s13+s2], $0x6400, $0x38;
	[tilespmem:$0x19D80] =	vst v63  }
0x28: {  	_ =	swait.ge [sflag:s9], $0x6400  }
.Ltmp0:
0x29: {  	[sflag:s9] =	ssyncset.done $0x0;
	(pc) =	sbr.rel @p1 .LBB2_2-.Ltmp0, $4  }
0x2a: {  	[sflag:s9] =	ssyncadd.s32 $0xFFFF9C00  }
0x2b: {  	[spmem:s1] =	stream.indirect.scatter.add.f32 [tilespmem:s10], [sflag:$0x1], $0x80, s2, s11, $0xb8;
	[tilespmem:$0x19D80] =	vst v63  }
0x2c: {  	_ =	swait.ge [sflag:s9], $0x6400  }
0x2d: {  	s15 =	smov.u32 s17;
	s13 =	sadd.s32 $0xC80, s13;
	[sflag:s9] =	ssyncset.done $0x0  }
0x2e: {  	s14 =	sadd.s32 s14, s7;
	[sflag:s9] =	ssyncadd.s32 $0xFFFF9C00  }
0x2f: {  	[tilespmem:s2], [sflag:$0x1] =	stream.linear.gather [hbm4b:s14+s2], $0xC8, $0x38;
	[tilespmem:$0x19D80] =	vst v63  }
0x30: {  	_ =	swait.ge [sflag:s9], $0xC8  }
0x31: {  	[sflag:s9] =	ssyncset.done $0x0  }
0x32: {  	[sflag:s9] =	ssyncadd.s32 $0xFFFFFF38  }
0x33: {  	[tilespmem:s10], [sflag:$0x1] =	stream.linear.gather [hbm4b:s13+s2], $0x6400, $0x38;
	[tilespmem:$0x19D80] =	vst v63  }
0x34: {  	_ =	swait.ge [sflag:s9], $0x6400  }
0x35: {  	[sflag:s9] =	ssyncset.done $0x0  }
0x36: {  	[sflag:s9] =	ssyncadd.s32 $0xFFFF9C00  }
0x37: {  	[spmem:s1] =	stream.indirect.scatter.add.f32 [tilespmem:s10], [sflag:$0x1], $0x80, s2, s11, $0xb8;
	[tilespmem:$0x19D80] =	vst v63  }
0x38: {  	_ =	swait.ge [sflag:s9], $0x6400  }
0x39: {  	[sflag:s9] =	ssyncset.done $0x0  }
0x3a: {  	s12 =	sadd.s32 $0x1, s12;
	[sflag:s9] =	ssyncadd.s32 $0xFFFF9C00  }
0x3b: {  	p1 =	sne.s32 s12, s5;
	s13 =	simm.s32 @!p0 $0x1C01;
	[bflag:$0x0] =	sbarrier.arrive $0xFFFF  }
0x3c: {  	[hbm:s4], [sflag:s13] =	dma.local @!p0 [spmem:s8], $0x27100  }
.Ltmp1:
0x3d: {  	_ = 	snop;
	(pc) =	sbr.rel @p1 .LBB2_1-.Ltmp1, $4  }
0x3e: {  	s13 =	simm.s32 @!p0 $0x1  }
0x3f: {  	_ =	swait.ge @!p0 [sflag:s13], $0x27100  }
0x40: {  	[sflag:s13] =	ssyncset.done @!p0 $0x0  }
0x41: {  	[sflag:s13] =	ssyncadd.s32 @!p0 $0xFFFD8F00  }
0x42: {  	_ =	sfence.sel $0x180000  }
0x43: {  	[bflag:$0x0] =	sbarrier.arrive $0xFFFF  }
0x44: {  	_ =	strace $0x90000056  }
0x45: {  	s0 =	sadd.s32 @!p0 $0x100000, s0;
	[bflag:$0x2] =	sbarrier.arrive $0xFFFF  }
0x46: {  	[sflag:s0] =	ssyncadd.tile.s32 @!p0 $0x1;
	_ =	shalt  }
.Lfunc_end2:
_tile_overlayer_lowered:
.L_overlay_start_2:
0x47: {  	(tag) =	ssettag $0x2  }
0x48: {  	s0 =	rddreg [dreg:$0x0];
	s2 =	stileid.u32  }
0x49: {  	s1 =	rddreg [dreg:$0x1];
	p0 =	sne.s32 s2, $0x0  }
0x4a: {  	s3 =	rddreg [dreg:$0x2];
	[bflag:$0x3] =	sbarrier.arrive $0xFFFF;
	s2 =	simm.s32 @!p0 $0x1C01  }
0x4b: {  	[timem:s3], [sflag:s2] =	dma.local @!p0 [hbm:s0], s1  }
0x4c: {  	s0 =	simm.s32 @!p0 $0x1  }
0x4d: {  	_ =	swait.ge @!p0 [sflag:s0], s1  }
0x4e: {  	s1 =	ssub.s32 @!p0 $0x0, s1;
	[sflag:s0] =	ssyncset.done @!p0 $0x0  }
0x4f: {  	[sflag:s0] =	ssyncadd.s32 @!p0 s1  }
0x50: {  	[bflag:$0x3] =	sbarrier.arrive $0xFFFF  }
0x51: {  	_ =	shalt  }

// kernel: kernel.40.cloned.1.call-start
scs
__scs_entry_jumppad:
0x0: {  	(pc) =	sbr.rel $0x88, $3  }
0x1: {  	(tag) =	ssettag $0x0;
	lr =	simm.s32 $0x1  }
0x2: {  	[smem:$0x3F92] =	sst lr;
	_ =	strace $0xD0000000  }
0x3: {  	_ = 	snop  }
0x4: {  	_ = 	snop  }
0x5: {  	_ = 	snop  }
0x6: {  	_ = 	snop  }
0x7: {  	_ = 	snop  }
__scs_overlays_trampoline_lowered:
0x8: {  	[smem:$0x3FA1] =	sst s0  }
0x9: {  	[smem:$0x3FA2] =	sst s1  }
0xa: {  	[smem:$0x3FA3] =	sst s2  }
0xb: {  	[smem:$0x3FA4] =	sst s3  }
0xc: {  	[smem:$0x3FA5] =	sst s4  }
0xd: {  	[smem:$0x3FA6] =	sst s5  }
0xe: {  	[smem:$0x3FA7] =	sst s6  }
0xf: {  	[smem:$0x3FA8] =	sst s7  }
0x10: {  	[smem:$0x3FA9] =	sst s8  }
0x11: {  	[smem:$0x3FAA] =	sst s9;
	s0 =	simm.s32 @!p0 $0x0  }
0x12: {  	s1 =	sld [smem:$0x3F90];
	s0 =	simm.s32 @p0 $0x1  }
0x13: {  	[smem:$0x3FAB] =	sst s0;
	s0 =	simm.s32 @!p1 $0x0  }
0x14: {  	s2 =	sld [smem:$0x3F8F];
	s0 =	simm.s32 @p1 $0x1  }
0x15: {  	[smem:$0x3FAC] =	sst s0;
	s0 =	simm.s32 @!p2 $0x0  }
0x16: {  	s3 =	sld [smem:$0x3FDB];
	s0 =	simm.s32 @p2 $0x1  }
0x17: {  	s4 =	simm.s32 $0x1BF5;
	[smem:$0x3FAE] =	sst s0  }
0x18: {  	s0 =	sld [smem:$0x3F91];
	_ =	swait.ge [sflag:s4], $0x0  }
0x19: {  	s7 =	sld [smem:$0x3F92]  }
0x1a: {  	s8 =	sadd.s32 $0xFFFFE003, lr  }
0x1b: {  	s9 =	sadd.s32 $0xFFFFFEF7, lr;
	s5 =	simm.s32 $0xFFFFFFFF;
	p2 =	slt.u32 s8, $0xFFFFF086  }
0x1c: {  	p1 =	slt.u32 s9, $0xF7A;
	s5 =	simm.s32 @!p2 $0x0  }
0x1d: {  	s5 =	simm.s32 @p1 $0x1;
	p0 =	seq.s32 s7, s2  }
0x1e: {  	s7 =	smul.u32 @!p0 $0xF7A, s2;
	p2 =	seq.s32 @!p0 s5, $0x0  }
0x1f: {  	s9 =	smul.u32 $0xF7A, s1;
	s8 =	simm.s32 @!p0 $0x1BF5;
	p2 =	por !p2, p0  }
0x20: {  	[sflag:s8] =	ssyncset.s32 @!p0 $0xFFFFF086;
	s6 =	sadd.s32 @!p0 s3, s7;
	s7 =	simm.s32 @!p0 $0x108  }
0x21: {  	s3 =	sadd.s32 s3, s9;
	s6 =	sadd.s32 @!p0 $0x88, s6;
	s7 =	simm.s32 @p2 $0x1082  }
0x22: {  	[simem:s7], [sflag:s8] =	dma.local @!p0 [hbm:s6], $0xF7A  }
0x23: {  	s9 =	sor.u32 $0xD0000000, s2;
	s6 =	simm.s32 $0x108;
	_ =	swait.ge @!p0 [sflag:s8], $0x0  }
0x24: {  	s3 =	sadd.s32 $0x88, s3;
	s6 =	simm.s32 @!p1 $0x1082;
	[sflag:s4] =	ssyncset.s32 $0xFFFFF086  }
0x25: {  	[simem:s6], [sflag:s4] =	dma.local [hbm:s3], $0xF7A  }
0x26: {  	[smem:$0x3F92] =	sst s1;
	(tag) =	ssettag s2;
	_ =	strace s9  }
0x27: {  	s1 =	sld [smem:$0x3FA2]  }
0x28: {  	s2 =	sld [smem:$0x3FA3]  }
0x29: {  	s4 =	sld [smem:$0x3FA5]  }
0x2a: {  	p0 =	seq.s32 s5, $0x0;
	s5 =	sld [smem:$0x3FA6]  }
0x2b: {  	s6 =	sld [smem:$0x3FA7]  }
0x2c: {  	s7 =	sld [smem:$0x3FA8]  }
0x2d: {  	s3 =	simm.s32 $0x108;
	s8 =	sld [smem:$0x3FA9]  }
0x2e: {  	s3 =	simm.s32 @!p0 $0x1082;
	s9 =	sld [smem:$0x3FAA]  }
0x2f: {  	lr =	sadd.s32 s0, s3;
	s0 =	sld [smem:$0x3FA1]  }
0x30: {  	s3 =	sld [smem:$0x3FA4]  }
0x31: {  	[smem:$0x3FAD] =	sst s10  }
0x32: {  	s10 =	sld [smem:$0x3FAB];
	_ =	sdelay $0x3  }
0x33: {  	p0 =	seq.s32 s10, $0x1;
	s10 =	sld [smem:$0x3FAD];
	_ =	sdelay $0x3  }
0x34: {  	[smem:$0x3FAD] =	sst s10  }
0x35: {  	s10 =	sld [smem:$0x3FAC];
	_ =	sdelay $0x3  }
0x36: {  	p1 =	seq.s32 s10, $0x1;
	s10 =	sld [smem:$0x3FAD];
	_ =	sdelay $0x3  }
0x37: {  	[smem:$0x3FAD] =	sst s10  }
0x38: {  	s10 =	sld [smem:$0x3FAE]  }
0x39: {  	_ = 	snop;
	(pc) =	sbr.ind lr, $3  }
0x3a: {  	_ = 	snop  }
0x3b: {  	_ = 	snop  }
0x3c: {  	p2 =	seq.s32 s10, $0x1;
	s10 =	sld [smem:$0x3FAD]  }
0x3d: {  	_ =	shalt  }
0x3e: {  	_ =	shalt  }
0x3f: {  	_ =	shalt  }
0x40: {  	_ =	shalt  }
0x41: {  	_ =	shalt  }
0x42: {  	_ =	shalt  }
0x43: {  	_ =	shalt  }
0x44: {  	_ =	shalt  }
0x45: {  	_ =	shalt  }
0x46: {  	_ =	shalt  }
0x47: {  	_ =	shalt  }
0x48: {  	_ =	shalt  }
0x49: {  	_ =	shalt  }
0x4a: {  	_ =	shalt  }
0x4b: {  	_ =	shalt  }
0x4c: {  	_ =	shalt  }
0x4d: {  	_ =	shalt  }
0x4e: {  	_ =	shalt  }
0x4f: {  	_ =	shalt  }
0x50: {  	_ =	shalt  }
0x51: {  	_ =	shalt  }
0x52: {  	_ =	shalt  }
0x53: {  	_ =	shalt  }
0x54: {  	_ =	shalt  }
0x55: {  	_ =	shalt  }
0x56: {  	_ =	shalt  }
0x57: {  	_ =	shalt  }
0x58: {  	_ =	shalt  }
0x59: {  	_ =	shalt  }
0x5a: {  	_ =	shalt  }
0x5b: {  	_ =	shalt  }
0x5c: {  	_ =	shalt  }
0x5d: {  	_ =	shalt  }
0x5e: {  	_ =	shalt  }
0x5f: {  	_ =	shalt  }
0x60: {  	_ =	shalt  }
0x61: {  	_ =	shalt  }
0x62: {  	_ =	shalt  }
0x63: {  	_ =	shalt  }
0x64: {  	_ =	shalt  }
0x65: {  	_ =	shalt  }
0x66: {  	_ =	shalt  }
0x67: {  	_ =	shalt  }
0x68: {  	_ =	shalt  }
0x69: {  	_ =	shalt  }
0x6a: {  	_ =	shalt  }
0x6b: {  	_ =	shalt  }
0x6c: {  	_ =	shalt  }
0x6d: {  	_ =	shalt  }
0x6e: {  	_ =	shalt  }
0x6f: {  	_ =	shalt  }
0x70: {  	_ =	shalt  }
0x71: {  	_ =	shalt  }
0x72: {  	_ =	shalt  }
0x73: {  	_ =	shalt  }
0x74: {  	_ =	shalt  }
0x75: {  	_ =	shalt  }
0x76: {  	_ =	shalt  }
0x77: {  	_ =	shalt  }
0x78: {  	_ =	shalt  }
0x79: {  	_ =	shalt  }
0x7a: {  	_ =	shalt  }
0x7b: {  	_ =	shalt  }
0x7c: {  	_ =	shalt  }
0x7d: {  	_ =	shalt  }
0x7e: {  	_ =	shalt  }
0x7f: {  	_ =	shalt  }
0x80: {  	_ =	shalt  }
0x81: {  	_ =	shalt  }
0x82: {  	_ =	shalt  }
0x83: {  	_ =	shalt  }
0x84: {  	_ =	shalt  }
0x85: {  	_ =	shalt  }
0x86: {  	_ =	shalt  }
0x87: {  	_ =	shalt  }
.Lfunc_end0:
.L_simem_size_0:
called_computation.8_lowered:
.L_overlay_start_0:
0x88: {  	s2 =	sld [smem:$0x3FD9]  }
0x89: {  	s3 =	sld [smem:$0x3FFE];
	_ =	sdelay $0x1  }
0x8a: {  	s1 =	srdreg.scid  }
0x8b: {  	s0 =	sand.u32 $0x1, s1  }
0x8c: {  	s17 =	sshll.u32 s0, $0xA;
	s2 =	sadd.s32 s3, s2  }
0x8d: {  	s2 =	sadd.s32 s2, s17  }
0x8e: {  	[smem:$0x3FB9] =	sst s2  }
0x8f: {  	_ = 	snop  }
0x90: {  	s18 =	sld [smem:$0x3FC6];
	(tm) =	ssettm $0x1  }
0x91: {  	s19 =	sld [smem:$0x3FFB];
	_ =	sdelay $0x3  }
0x92: {  	_ =	strace s19  }
0x93: {  	s2 =	sld [smem:$0x3FFC];
	_ =	sdelay $0x3  }
0x94: {  	_ =	strace s2  }
0x95: {  	s2 =	sld [smem:$0x3FFD];
	_ =	sdelay $0x3  }
0x96: {  	_ =	strace s2  }
0x97: {  	_ =	strace $0x8FFFFFFF  }
0x98: {  	s20 =	sld [smem:$0x3FDB];
	_ =	sdelay $0x1  }
0x99: {  	s4 =	simm.s32 $_scs_section_size  }
0x9a: {  	s5 =	simm.s32 $_size__tile_overlayer_lowered;
	s6 =	simm.s32 $_tile_overlayer_lowered  }
0x9b: {  	s7 =	simm.s32 $0x1BFF;
	s21 =	sshll.u32 s6, $0x1;
	s4 =	sadd.s32 s4, s20  }
0x9c: {  	s22 =	simm.s32 $0x0;
	s5 =	sshll.u32 s5, $0x1;
	s6 =	sadd.s32 s21, s4  }
0x9d: {  	[timem:s22], [sflag:s7] =	dma.local [hbm:s6], s5  }
0x9e: {  	_ =	swait.ge [sflag:s7], s5  }
0x9f: {  	s5 =	ssub.s32 $0x0, s5;
	[sflag:s7] =	ssyncset.done $0x0  }
0xa0: {  	[sflag:s7] =	ssyncadd.s32 s5;
	_ =	sdelay $0x1  }
0xa1: {  	s23 =	simm.s32 $0x1B8B  }
0xa2: {  	_ =	swait.ge [sflag:s23], $0x1  }
0xa3: {  	[sflag:s23] =	ssyncset.done $0x0  }
0xa4: {  	[sflag:s23] =	ssyncadd.s32 $0xFFFFFFFF  }
0xa5: {  	s5 =	sld [smem:$0x0]  }
0xa6: {  	s6 =	sand.u32 $0xFFFFFFFE, s1  }
0xa7: {  	p0 =	sne.s32 s1, s6  }
0xa8: {  	s6 =	sshll.u32 @p0 s6, $0xE  }
0xa9: {  	s6 =	sadd.s32 @p0 $0x11B8D, s6;
	s7 =	sshll.u32 @p0 s5, $0x11  }
0xaa: {  	s6 =	sor.u32 @p0 s7, s6  }
0xab: {  	[sflag:s6] =	ssyncadd.remote.s32 @p0 $0x1;
	_ =	sdelay $0x1  }
0xac: {  	s6 =	simm.s32 @p0 $0x1B8D  }
0xad: {  	_ =	swait.eq @p0 [sflag:s6], $0x1  }
0xae: {  	[sflag:s6] =	ssyncadd.s32 @p0 $0xFFFFFFFF  }
0xaf: {  	s7 =	sshll.u32 @!p0 s1, $0xE  }
0xb0: {  	s7 =	sor.u32 @!p0 $0x4000, s7;
	s6 =	simm.s32 @!p0 $0x1B8D  }
0xb1: {  	s5 =	sshll.u32 @!p0 s5, $0x11;
	s7 =	sadd.s32 @!p0 $0x11B8D, s7;
	_ =	swait.eq @!p0 [sflag:s6], $0x1  }
0xb2: {  	s5 =	sor.u32 @!p0 s5, s7;
	[sflag:s6] =	ssyncadd.s32 @!p0 $0xFFFFFFFF  }
0xb3: {  	s25 =	simm.s32 $0x1B8E;
	s24 =	sld [smem:$0x3FFE];
	[sflag:s5] =	ssyncadd.remote.s32 @!p0 $0x1  }
0xb4: {  	s26 =	simm.s32 $execute0_lowered;
	[smem:$0x3FD2] =	sst s25  }
0xb5: {  	s6 =	sshll.u32 s26, $0x1;
	_ =	strace $0x8000004F;
	[dreg:$0x1] =	wrdreg $0xFFFFFFFF  }
0xb6: {  	s28 =	simm.s32 $_size_execute0_lowered;
	s4 =	sadd.s32 s4, s6;
	[dreg:$0x0] =	wrdreg $0x0  }
0xb7: {  	s6 =	sshll.u32 s28, $0x1;
	[dreg:$0x2] =	wrdreg s4  }
0xb8: {  	[dreg:$0x3] =	wrdreg s6  }
0xb9: {  	[dreg:$0x4] =	wrdreg $0xC0  }
0xba: {  	_ =	task [dreg:s22], $0x5FFFF  }
0xbb: {  	[dreg:$0x1] =	wrdreg $0xFFFFFFFF  }
0xbc: {  	[dreg:$0x0] =	wrdreg $0x60  }
0xbd: {  	[dreg:$0x2] =	wrdreg s24  }
0xbe: {  	[dreg:$0x3] =	wrdreg s18  }
0xbf: {  	[dreg:$0x4] =	wrdreg $0x65000  }
0xc0: {  	[dreg:$0x5] =	wrdreg $0x9  }
0xc1: {  	_ =	task.clear_ibuf [dreg:s22], $0x6FFFF;
	_ =	strace $0x9000004F  }
0xc2: {  	s29 =	simm.s32 $0x9;
	_ =	strace $0x80000051  }
0xc3: {  	_ =	swait.ge [sflag:s29], $0x1  }
0xc4: {  	[sflag:s29] =	ssyncadd.s32 $0xFFFFFFFF  }
0xc5: {  	_ =	strace $0x90000051  }
0xc6: {  	_ =	sfence  }
0xc7: {  	s30 =	sld [smem:$0x0];
	_ =	sdelay $0x2  }
0xc8: {  	s31 =	sshll.u32 s1, $0xD;
	s1 =	sshrl.u32 s1, $0x2  }
0xc9: {  	s4 =	sand.u32 $0x4000, s31;
	s1 =	sadd.s32 s1, s30  }
0xca: {  	s0 =	sor.u32 s4, s0;
	s1 =	sshll.u32 s1, $0x11  }
0xcb: {  	s0 =	sor.u32 s1, s0  }
0xcc: {  	s0 =	sadd.s32 $0x8F2B, s0  }
0xcd: {  	[sflag:s0] =	ssyncadd.remote.s32 $0x1  }
0xce: {  	_ =	sfence.sel $0xFFFF  }
0xcf: {  	[dreg:$0x0] =	wrdreg $0xFFFFFFFF;
	(pc) =	sbr.abs _section_cstart, $3  }
0xd0: {  	[dreg:$0x1] =	wrdreg $0xFFFFFFFF  }
0xd1: {  	_ =	task.clear_ibuf [dreg:s22], $0x2FFFF;
	_ =	strace $0x9FFFFFFF  }
0xd2: {  	(tm) =	ssettm $0x7FFFFFFF  }
0xd3: {  	_ =	shalt  }
tec
execute0_lowered:
.L_overlay_start_1:
0x0: {  	(tag) =	ssettag $0x1  }
0x1: {  	s4 =	rddreg [dreg:$0x0]  }
0x2: {  	s7 =	rddreg [dreg:$0x1]  }
0x3: {  	s1 =	rddreg [dreg:$0x2]  }
0x4: {  	s0 =	rddreg [dreg:$0x3];
	s8 =	stileid.u32  }
0x5: {  	s3 =	srdreg.scid;
	s2 =	simm.s32 $0x0;
	s5 =	smul.u32 $0xE100, s8  }
0x6: {  	s6 =	sand.u32 $0x1, s3;
	[smem:$0x7FF] =	sst s2;
	s28 =	smul.u32 $0xE10, s8  }
0x7: {  	s3 =	sadd.s32 $0x7DE00, s4;
	p0 =	sne.s32 s8, $0x0;
	s9 =	smul.u32 $0x27100, s6  }
0x8: {  	_ =	strace $0x80000050;
	s11 =	ssub.s32 $0x2, s6;
	s12 =	smul.u32 $0x708, s6  }
0x9: {  	s6 =	smul.u32 $0x7080, s6;
	s8 =	sshrl.u32 @!p0 s1, $0x3;
	s29 =	sshrl.u32 s11, $0x1  }
0xa: {  	s10 =	sadd.s32 s5, s4;
	s4 =	sadd.s32 s9, s4;
	s9 =	ssub.s32 s11, s29  }
0xb: {  	s30 =	sadd.s32 s12, s28;
	s6 =	sadd.s32 s6, s10;
	s10 =	simm.s32 $0x100  }
0xc: {  	s11 =	simm.s32 $0xC8;
	s12 =	simm.s32 $0x0;
	s31 =	sadd.s32 $0x19000, s30  }
0xd: {  	s4 =	sadd.s32 $0xA5000, s4;
	s5 =	smax.u32 s9, $0x1;
	s9 =	sshrl.u32 s31, $0x3  }
0xe: {  	s6 =	sadd.s32 $0x7D0E00, s6;
	s7 =	sadd.s32 s9, s7;
	s9 =	simm.s32 $0x1  }
.LBB2_1:
0xf: {  	s13 =	simm.s32 @!p0 $0x1C01  }
0x10: {  	[spmem:s8], [sflag:s13] =	dma.local @!p0 [hbm:s3], $0x27100  }
0x11: {  	s13 =	simm.s32 @!p0 $0x1  }
0x12: {  	_ =	swait.ge @!p0 [sflag:s13], $0x27100  }
0x13: {  	[sflag:s13] =	ssyncset.done @!p0 $0x0  }
0x14: {  	[sflag:s13] =	ssyncadd.s32 @!p0 $0xFFFD8F00  }
0x15: {  	s31 =	sadd.s32 $0x0, s7;
	[bflag:$0x0] =	sbarrier.arrive $0xFFFF  }
0x16: {  	[tilespmem:s2], [sflag:$0x1] =	stream.linear.gather [hbm4b:s31+s2], $0xC8, $0x38;
	[tilespmem:$0x19D80] =	vst v63  }
0x17: {  	_ =	swait.ge [sflag:s9], $0xC8  }
0x18: {  	[sflag:s9] =	ssyncset.done $0x0  }
0x19: {  	[sflag:s9] =	ssyncadd.s32 $0xFFFFFF38  }
0x1a: {  	[tilespmem:s10], [sflag:$0x1] =	stream.linear.gather [hbm4b:s6+s2], $0x6400, $0x38;
	[tilespmem:$0x19D80] =	vst v63  }
0x1b: {  	_ =	swait.ge [sflag:s9], $0x6400  }
0x1c: {  	[sflag:s9] =	ssyncset.done $0x0  }
0x1d: {  	[sflag:s9] =	ssyncadd.s32 $0xFFFF9C00  }
0x1e: {  	[spmem:s1] =	stream.indirect.scatter.add.f32 [tilespmem:s10], [sflag:$0x1], $0x80, s2, s11, $0xb8;
	[tilespmem:$0x19D80] =	vst v63  }
0x1f: {  	s14 =	simm.s32 $0x19;
	_ =	swait.ge [sflag:s9], $0x6400  }
0x20: {  	s15 =	simm.s32 $0x32;
	s13 =	sadd.s32 $0xC80, s6;
	[sflag:s9] =	ssyncset.done $0x0  }
.LBB2_2:
0x21: {  	s16 =	sadd.s32 s14, s7  }
0x22: {  	[sflag:s9] =	ssyncadd.s32 $0xFFFF9C00;
	s14 =	smov.u32 s15;
	s17 =	sadd.s32 $0x19, s15  }
0x23: {  	[tilespmem:s2], [sflag:$0x1] =	stream.linear.gather [hbm4b:s16+s2], $0xC8, $0x38;
	[tilespmem:$0x19D80] =	vst v63  }
0x24: {  	p1 =	sne.s32 s15, $0xC8;
	_ =	swait.ge [sflag:s9], $0xC8  }
0x25: {  	[sflag:s9] =	ssyncset.done $0x0  }
0x26: {  	[sflag:s9] =	ssyncadd.s32 $0xFFFFFF38  }
0x27: {  	[tilespmem:s10], [sflag:$0x1] =	stream.linear.gather [hbm4b:s13+s2], $0x6400, $0x38;
	[tilespmem:$0x19D80] =	vst v63  }
0x28: {  	_ =	swait.ge [sflag:s9], $0x6400  }
.Ltmp0:
0x29: {  	[sflag:s9] =	ssyncset.done $0x0;
	(pc) =	sbr.rel @p1 .LBB2_2-.Ltmp0, $4  }
0x2a: {  	[sflag:s9] =	ssyncadd.s32 $0xFFFF9C00  }
0x2b: {  	[spmem:s1] =	stream.indirect.scatter.add.f32 [tilespmem:s10], [sflag:$0x1], $0x80, s2, s11, $0xb8;
	[tilespmem:$0x19D80] =	vst v63  }
0x2c: {  	_ =	swait.ge [sflag:s9], $0x6400  }
0x2d: {  	s15 =	smov.u32 s17;
	s13 =	sadd.s32 $0xC80, s13;
	[sflag:s9] =	ssyncset.done $0x0  }
0x2e: {  	s14 =	sadd.s32 s14, s7;
	[sflag:s9] =	ssyncadd.s32 $0xFFFF9C00  }
0x2f: {  	[tilespmem:s2], [sflag:$0x1] =	stream.linear.gather [hbm4b:s14+s2], $0xC8, $0x38;
	[tilespmem:$0x19D80] =	vst v63  }
0x30: {  	_ =	swait.ge [sflag:s9], $0xC8  }
0x31: {  	[sflag:s9] =	ssyncset.done $0x0  }
0x32: {  	[sflag:s9] =	ssyncadd.s32 $0xFFFFFF38  }
0x33: {  	[tilespmem:s10], [sflag:$0x1] =	stream.linear.gather [hbm4b:s13+s2], $0x6400, $0x38;
	[tilespmem:$0x19D80] =	vst v63  }
0x34: {  	_ =	swait.ge [sflag:s9], $0x6400  }
0x35: {  	[sflag:s9] =	ssyncset.done $0x0  }
0x36: {  	[sflag:s9] =	ssyncadd.s32 $0xFFFF9C00  }
0x37: {  	[spmem:s1] =	stream.indirect.scatter.add.f32 [tilespmem:s10], [sflag:$0x1], $0x80, s2, s11, $0xb8;
	[tilespmem:$0x19D80] =	vst v63  }
0x38: {  	_ =	swait.ge [sflag:s9], $0x6400  }
0x39: {  	[sflag:s9] =	ssyncset.done $0x0  }
0x3a: {  	s12 =	sadd.s32 $0x1, s12;
	[sflag:s9] =	ssyncadd.s32 $0xFFFF9C00  }
0x3b: {  	p1 =	sne.s32 s12, s5;
	s13 =	simm.s32 @!p0 $0x1C01;
	[bflag:$0x0] =	sbarrier.arrive $0xFFFF  }
0x3c: {  	[hbm:s4], [sflag:s13] =	dma.local @!p0 [spmem:s8], $0x27100  }
.Ltmp1:
0x3d: {  	_ = 	snop;
	(pc) =	sbr.rel @p1 .LBB2_1-.Ltmp1, $4  }
0x3e: {  	s13 =	simm.s32 @!p0 $0x1  }
0x3f: {  	_ =	swait.ge @!p0 [sflag:s13], $0x27100  }
0x40: {  	[sflag:s13] =	ssyncset.done @!p0 $0x0  }
0x41: {  	[sflag:s13] =	ssyncadd.s32 @!p0 $0xFFFD8F00  }
0x42: {  	_ =	sfence.sel $0x180000  }
0x43: {  	[bflag:$0x0] =	sbarrier.arrive $0xFFFF  }
0x44: {  	_ =	strace $0x90000050  }
0x45: {  	s0 =	sadd.s32 @!p0 $0x100000, s0;
	[bflag:$0x2] =	sbarrier.arrive $0xFFFF  }
0x46: {  	[sflag:s0] =	ssyncadd.tile.s32 @!p0 $0x1;
	_ =	shalt  }
.Lfunc_end2:
_tile_overlayer_lowered:
.L_overlay_start_2:
0x47: {  	(tag) =	ssettag $0x2  }
0x48: {  	s0 =	rddreg [dreg:$0x0];
	s2 =	stileid.u32  }
0x49: {  	s1 =	rddreg [dreg:$0x1];
	p0 =	sne.s32 s2, $0x0  }
0x4a: {  	s3 =	rddreg [dreg:$0x2];
	[bflag:$0x3] =	sbarrier.arrive $0xFFFF;
	s2 =	simm.s32 @!p0 $0x1C01  }
0x4b: {  	[timem:s3], [sflag:s2] =	dma.local @!p0 [hbm:s0], s1  }
0x4c: {  	s0 =	simm.s32 @!p0 $0x1  }
0x4d: {  	_ =	swait.ge @!p0 [sflag:s0], s1  }
0x4e: {  	s1 =	ssub.s32 @!p0 $0x0, s1;
	[sflag:s0] =	ssyncset.done @!p0 $0x0  }
0x4f: {  	[sflag:s0] =	ssyncadd.s32 @!p0 s1  }
0x50: {  	[bflag:$0x3] =	sbarrier.arrive $0xFFFF  }
0x51: {  	_ =	shalt  }

</sc_bundles>
